<compile_context>
chip_gen: v7x
topology: tpu7x:2x2x1
jax: 0.10.2.dev20260603
libtpu: 0.0.44.dev20260713+nightly
codegen_flags: <defaults>
</compile_context>

<pallas_src>
import functools

import jax
import jax.numpy as jnp
from jax import lax
from jax.experimental import pallas as pl
from jax.experimental.pallas import tpu as pltpu
from jax.experimental.pallas import tpu_sc as plsc

IOU_THRESHOLD = 0.5
CONFIDENCE_THRESHOLD = 0.5
MAX_DETECTIONS = 100
NEG_INF = float("-inf")

_SC_WORKERS = 32
_SC_ROWS = 1024
_SC_RPW = _SC_ROWS // _SC_WORKERS
_C = 80


def _nms_body(x1_ref, y1_ref, x2_ref, y2_ref, logits_ref,
              obx_ref, oby_ref, obw_ref, obh_ref, oconf_ref,
              oidx_ref, oval_ref):
    B, N = x1_ref.shape
    x1 = x1_ref[...]
    y1 = y1_ref[...]
    w = x2_ref[...] - x1
    h = y2_ref[...] - y1
    a_min = jnp.minimum(x1, w)
    a_max = jnp.maximum(x1, w)
    b_min = jnp.minimum(y1, h)
    b_max = jnp.maximum(y1, h)
    areas = (a_max - a_min) * (b_max - b_min)

    parts = []
    for b in range(B):
        red = jnp.max(logits_ref[b], axis=-1, keepdims=True)
        parts.append(jnp.transpose(red, (1, 0)))
    conf = jax.nn.sigmoid(jnp.concatenate(parts, axis=0))

    iota = lax.broadcasted_iota(jnp.int32, (B, N), 1)
    boff = lax.broadcasted_iota(jnp.int32, (B, 1), 0) * N
    masked0 = jnp.where(conf > CONFIDENCE_THRESHOLD, conf, NEG_INF)

    def step(t, masked):
        maxval = jnp.max(masked, axis=1, keepdims=True)
        elig = masked == maxval
        idx = jnp.min(jnp.where(elig, iota, N), axis=1, keepdims=True)
        onehot = iota == idx
        valid = maxval > CONFIDENCE_THRESHOLD
        v = valid.astype(jnp.float32)

        def sel(arr):
            return jnp.sum(jnp.where(onehot, arr, 0.0), axis=1, keepdims=True)

        sx1 = sel(x1)
        sy1 = sel(y1)
        sw = sel(w)
        sh = sel(h)
        samin = jnp.minimum(sx1, sw)
        samax = jnp.maximum(sx1, sw)
        sbmin = jnp.minimum(sy1, sh)
        sbmax = jnp.maximum(sy1, sh)
        sarea = (samax - samin) * (sbmax - sbmin)

        inter_a = jnp.maximum(0.0, jnp.minimum(samax, a_max) - jnp.maximum(samin, a_min))
        inter_b = jnp.maximum(0.0, jnp.minimum(sbmax, b_max) - jnp.maximum(sbmin, b_min))
        inter = inter_a * inter_b
        union = sarea + areas - inter
        denom = jnp.where(union > 0.0, union, 1.0)
        iou = jnp.where(union > 0.0, inter / denom, 0.0)
        suppress = iou > IOU_THRESHOLD

        new_masked = jnp.where(suppress | onehot | (~valid), NEG_INF, masked)

        obx_ref[pl.ds(t, 1), :] = (sx1 * v).reshape(1, B)
        oby_ref[pl.ds(t, 1), :] = (sy1 * v).reshape(1, B)
        obw_ref[pl.ds(t, 1), :] = (sw * v).reshape(1, B)
        obh_ref[pl.ds(t, 1), :] = (sh * v).reshape(1, B)
        oconf_ref[pl.ds(t, 1), :] = jnp.where(valid, maxval, 0.0).reshape(1, B)
        oidx_ref[pl.ds(t, 1), :] = (idx + boff).reshape(1, B)
        oval_ref[pl.ds(t, 1), :] = v.reshape(1, B)
        return new_masked

    lax.fori_loop(0, MAX_DETECTIONS, step, masked0)


@functools.partial(
    pl.kernel,
    out_type=jax.ShapeDtypeStruct((_SC_ROWS, _C), jnp.float32),
    mesh=plsc.VectorSubcoreMesh(core_axis_name="c", subcore_axis_name="s"),
    scratch_types=[
        pltpu.VMEM((_SC_RPW,), jnp.int32),
        pltpu.VMEM((_SC_RPW, _C), jnp.float32),
        pltpu.VMEM((_SC_RPW, _C), jnp.float32),
        pltpu.SemaphoreType.DMA,
    ],
    compiler_params=pltpu.CompilerParams(use_tc_tiling_on_sc=False),
)
def _sc_gather_softmax(table_hbm, idx_hbm, out_hbm, idx_v, rows_v, prob_v, sem):
    wid = lax.axis_index("s") * 2 + lax.axis_index("c")
    base = wid * _SC_RPW
    pltpu.sync_copy(idx_hbm.at[pl.ds(base, _SC_RPW)], idx_v)
    pltpu.async_copy(table_hbm.at[idx_v], rows_v, sem).wait()

    iota16 = lax.iota(jnp.int32, 16)
    gdn = lax.GatherDimensionNumbers(
        offset_dims=(), collapsed_slice_dims=(0,), start_index_map=(0,))

    def _shuf(x, idx):
        return lax.gather(x, idx[:, None], gdn, (1,),
                          mode=lax.GatherScatterMode.PROMISE_IN_BOUNDS)

    def _allreduce(x, op):
        for stp in (8, 4, 2, 1):
            x = op(x, _shuf(x, jnp.bitwise_xor(iota16, stp)))
        return x

    for r in range(_SC_RPW):
        vs = [rows_v[r, pl.ds(16 * j, 16)] for j in range(5)]
        m01 = jnp.maximum(vs[0], vs[1])
        m23 = jnp.maximum(vs[2], vs[3])
        m = jnp.maximum(jnp.maximum(m01, m23), vs[4])
        ms = _allreduce(m, jnp.maximum)
        es = [jnp.exp(vj - ms) for vj in vs]
        s = (es[0] + es[1]) + (es[2] + es[3]) + es[4]
        ss = _allreduce(s, jnp.add)
        for j in range(5):
            prob_v[r, pl.ds(16 * j, 16)] = es[j] / ss
    pltpu.sync_copy(prob_v, out_hbm.at[pl.ds(base, _SC_RPW)])


def kernel(box_prediction, class_prediction):
    B, N, C = class_prediction.shape
    x1 = box_prediction[..., 0]
    y1 = box_prediction[..., 1]
    x2 = box_prediction[..., 2]
    y2 = box_prediction[..., 3]

    out_shapes = (
        jax.ShapeDtypeStruct((MAX_DETECTIONS, B), jnp.float32),
        jax.ShapeDtypeStruct((MAX_DETECTIONS, B), jnp.float32),
        jax.ShapeDtypeStruct((MAX_DETECTIONS, B), jnp.float32),
        jax.ShapeDtypeStruct((MAX_DETECTIONS, B), jnp.float32),
        jax.ShapeDtypeStruct((MAX_DETECTIONS, B), jnp.float32),
        jax.ShapeDtypeStruct((MAX_DETECTIONS, B), jnp.int32),
        jax.ShapeDtypeStruct((MAX_DETECTIONS, B), jnp.float32),
    )
    bx, by, bw, bh, cf, fidx, val = pl.pallas_call(
        _nms_body,
        out_shape=out_shapes,
    )(x1, y1, x2, y2, class_prediction)

    table = class_prediction.reshape(B * N, C)
    idx_flat = fidx.T.reshape(B * MAX_DETECTIONS)
    idx_pad = jnp.concatenate(
        [idx_flat, jnp.zeros((_SC_ROWS - B * MAX_DETECTIONS,), jnp.int32)])
    probs = _sc_gather_softmax(table, idx_pad)
    cls = probs[:B * MAX_DETECTIONS].reshape(B, MAX_DETECTIONS, C)
    cls = cls * val.T.reshape(B, MAX_DETECTIONS, 1)

    nms_box = jnp.stack([bx.T, by.T, bw.T, bh.T], axis=-1)
    nms_conf = cf.T
    return nms_box, cls, nms_conf

# --- scband reference (transcript-rebuilt; emitter-appended) ---
"""Pipeline reference for scband-distribution-nms-12008728559697 (READ-ONLY COPY).

The authoritative reference and input builder live on the scoring server;
editing this copy changes nothing except your own understanding.
"""

import jax, jax.numpy as jnp
import numpy as np

IOU_THRESHOLD = 0.5
CONFIDENCE_THRESHOLD = 0.5
MAX_DETECTIONS = 100


def _nms_single(boxes, cls_prob, conf):
    # Replicates tf.image.non_max_suppression coordinate canonicalization:
    # corners are min/max over (c0,c2) and (c1,c3) of the (here xywh-format) box tensor.
    n = boxes.shape[0]
    a_min = jnp.minimum(boxes[:, 0], boxes[:, 2])
    a_max = jnp.maximum(boxes[:, 0], boxes[:, 2])
    b_min = jnp.minimum(boxes[:, 1], boxes[:, 3])
    b_max = jnp.maximum(boxes[:, 1], boxes[:, 3])
    areas = (a_max - a_min) * (b_max - b_min)
    idxs = jnp.arange(n)

    def step(active, _):
        masked = jnp.where(active, conf, -jnp.inf)
        i = jnp.argmax(masked)
        valid = masked[i] > CONFIDENCE_THRESHOLD
        inter_a = jnp.maximum(0.0, jnp.minimum(a_max[i], a_max) - jnp.maximum(a_min[i], a_min))
        inter_b = jnp.maximum(0.0, jnp.minimum(b_max[i], b_max) - jnp.maximum(b_min[i], b_min))
        inter = inter_a * inter_b
        union = areas[i] + areas - inter
        denom = jnp.where(union > 0.0, union, 1.0)
        iou = jnp.where(union > 0.0, inter / denom, 0.0)
        suppress = iou > IOU_THRESHOLD
        new_active = active & (~suppress) & (idxs != i) & valid
        v = valid.astype(boxes.dtype)
        return new_active, (boxes[i] * v, cls_prob[i] * v, conf[i] * v)

    active0 = conf > CONFIDENCE_THRESHOLD
    _, (nms_box, nms_cls, nms_conf) = jax.lax.scan(step, active0, None, length=MAX_DETECTIONS)
    return nms_box, nms_cls, nms_conf


def setup_inputs(seed: int = 0):
    key = jax.random.key(seed)
    k1, k2, k3 = jax.random.split(key, 3)
    B, N, C = 8, 5000, 80
    xy = jax.random.uniform(k1, (B, N, 2), minval=0.0, maxval=576.0, dtype=jnp.float32)
    wh = jax.random.uniform(k2, (B, N, 2), minval=8.0, maxval=64.0, dtype=jnp.float32)
    box_prediction = jnp.concatenate([xy, xy + wh], axis=-1)  # xyxy
    class_prediction = jax.random.normal(k3, (B, N, C), dtype=jnp.float32) * 2.0
    return {"box_prediction": box_prediction, "class_prediction": class_prediction}


def reference(box_prediction, class_prediction):
    # convert_format xyxy -> xywh (top-left + width/height), as in keras_cv
    x1 = box_prediction[..., 0]
    y1 = box_prediction[..., 1]
    x2 = box_prediction[..., 2]
    y2 = box_prediction[..., 3]
    box_xywh = jnp.stack([x1, y1, x2 - x1, y2 - y1], axis=-1)
    # from_logits=True path
    class_confidence = jnp.max(jax.nn.sigmoid(class_prediction), axis=-1)
    class_prob = jax.nn.softmax(class_prediction, axis=-1)
    nms_box, nms_cls, nms_conf = jax.vmap(_nms_single)(box_xywh, class_prob, class_confidence)
    # dict output {'boxes','cls_prob','confidence'} returned as tuple; zero-padded to MAX_DETECTIONS
    return nms_box, nms_cls, nms_conf

if __name__ == "__main__":
    import jax
    _d = setup_inputs()
    print(jax.jit(kernel)(*tuple(_d.values())))

</pallas_src>

<mosaic_0001>
#map = affine_map<(d0, d1) -> (0, 0)>
#map1 = affine_map<(d0, d1) -> (0)>
module attributes {stable_mosaic.version = 14 : i64} {
  func.func @_sc_gather_softmax(%arg0: i32, %arg1: i32, %arg2: memref<40000x80xf32, #tpu.memory_space<hbm>>, %arg3: memref<1024xi32, #tpu.memory_space<hbm>>, %arg4: memref<1024x80xf32, #tpu.memory_space<hbm>>, %arg5: memref<32xi32, #tpu.memory_space<vmem>>, %arg6: memref<32x80xf32, #tpu.memory_space<vmem>>, %arg7: memref<32x80xf32, #tpu.memory_space<vmem>>, %arg8: memref<!tpu.dma_semaphore, #tpu.memory_space<semaphore_mem>>) attributes {dimension_semantics = [#tpu.dimension_semantics<core_parallel>, #tpu.dimension_semantics<subcore_parallel>], iteration_bounds = array<i64: 2, 16>, scalar_prefetch = 0 : i64, scratch_operands = 4 : i64, tpu.core_type = #tpu.core_type<sc_vector_subcore>, window_params = [{transform_indices = #map}, {transform_indices = #map1}, {transform_indices = #map}]} {
    %mul3A = arith.constant 2 : i32
    %mul3A_0 = arith.muli %arg1, %mul3A : i32
    %add3A = arith.addi %mul3A_0, %arg0 : i32
    %mul3A_1 = arith.constant 32 : i32
    %mul3A_2 = arith.muli %add3A, %mul3A_1 : i32
    "tpu.region"() ({
      %run_scoped3A = tpu.sem_alloc : memref<!tpu.dma_semaphore, #tpu.memory_space<semaphore_mem>>
      %dma_start3A_4286 = tpu.memref_slice %arg3[%mul3A_2] : memref<1024xi32, #tpu.memory_space<hbm>> -> memref<32xi32, #tpu.memory_space<hbm>>
      %dma_start3A_4287 = tpu.memref_slice %arg3[%mul3A_2] : memref<1024xi32, #tpu.memory_space<hbm>> -> memref<32xi32, #tpu.memory_space<hbm>>
      tpu.enqueue_dma source(%dma_start3A_4287 : memref<32xi32, #tpu.memory_space<hbm>>) target(%arg5 : memref<32xi32, #tpu.memory_space<vmem>>) target_semaphore(%run_scoped3A : memref<!tpu.dma_semaphore, #tpu.memory_space<semaphore_mem>>)
      %dma_wait3A_4288 = tpu.memref_slice %arg3[%mul3A_2] : memref<1024xi32, #tpu.memory_space<hbm>> -> memref<32xi32, #tpu.memory_space<hbm>>
      %dma_wait3A_4289 = tpu.memref_slice %arg3[%mul3A_2] : memref<1024xi32, #tpu.memory_space<hbm>> -> memref<32xi32, #tpu.memory_space<hbm>>
      tpu.wait_dma2 semaphore(%run_scoped3A : memref<!tpu.dma_semaphore, #tpu.memory_space<semaphore_mem>>) src(%dma_wait3A_4289 : memref<32xi32, #tpu.memory_space<hbm>>) dst(%arg5 : memref<32xi32, #tpu.memory_space<vmem>>)
      tpu.yield
    }) : () -> ()
    %dma_start3A = arith.constant 0 : i32
    %dma_start3A_3 = arith.constant 0 : i32
    %dma_start3A_4 = tpu.memref_slice %arg2[%dma_start3A, %dma_start3A_3] : memref<40000x80xf32, #tpu.memory_space<hbm>> -> memref<40000x80xf32, #tpu.memory_space<hbm>>
    tpu.enqueue_indirect_dma source(%dma_start3A_4 : memref<40000x80xf32, #tpu.memory_space<hbm>>) target(%arg6 : memref<32x80xf32, #tpu.memory_space<vmem>>) offsets(%arg5 : memref<32xi32, #tpu.memory_space<vmem>>) semaphore(%arg8 : memref<!tpu.dma_semaphore, #tpu.memory_space<semaphore_mem>>)
    %dma_wait3A = arith.constant 0 : i32
    %dma_wait3A_5 = arith.constant 0 : i32
    %dma_wait3A_6 = tpu.memref_slice %arg2[%dma_wait3A, %dma_wait3A_5] : memref<40000x80xf32, #tpu.memory_space<hbm>> -> memref<40000x80xf32, #tpu.memory_space<hbm>>
    tpu.wait_indirect_dma semaphore(%arg8 : memref<!tpu.dma_semaphore, #tpu.memory_space<semaphore_mem>>) src(%dma_wait3A_6 : memref<40000x80xf32, #tpu.memory_space<hbm>>) dst(%arg6 : memref<32x80xf32, #tpu.memory_space<vmem>>)
    %iota3A = tpu.iota {dimensions = array<i32: 0>} : vector<16xi32>
    %get3A = arith.constant 0 : i32
    %get3A_7 = arith.index_cast %get3A : i32 to index
    %get3A_8 = arith.constant 0 : index
    %get3A_9 = tpu.vector_load %arg6[%get3A_7, %get3A_8] {strides = array<i32>} : memref<32x80xf32, #tpu.memory_space<vmem>>, vector<1x16xf32>,
    %get3A_10 = vector.shape_cast %get3A_9 : vector<1x16xf32> to vector<16xf32>
    %get3A_11 = arith.constant 0 : i32
    %get3A_12 = arith.index_cast %get3A_11 : i32 to index
    %get3A_13 = arith.constant 16 : index
    %get3A_14 = tpu.vector_load %arg6[%get3A_12, %get3A_13] {strides = array<i32>} : memref<32x80xf32, #tpu.memory_space<vmem>>, vector<1x16xf32>,
    %get3A_15 = vector.shape_cast %get3A_14 : vector<1x16xf32> to vector<16xf32>
    %get3A_16 = arith.constant 0 : i32
    %get3A_17 = arith.index_cast %get3A_16 : i32 to index
    %get3A_18 = arith.constant 32 : index
    %get3A_19 = tpu.vector_load %arg6[%get3A_17, %get3A_18] {strides = array<i32>} : memref<32x80xf32, #tpu.memory_space<vmem>>, vector<1x16xf32>,
    %get3A_20 = vector.shape_cast %get3A_19 : vector<1x16xf32> to vector<16xf32>
    %get3A_21 = arith.constant 0 : i32
    %get3A_22 = arith.index_cast %get3A_21 : i32 to index
    %get3A_23 = arith.constant 48 : index
    %get3A_24 = tpu.vector_load %arg6[%get3A_22, %get3A_23] {strides = array<i32>} : memref<32x80xf32, #tpu.memory_space<vmem>>, vector<1x16xf32>,
    %get3A_25 = vector.shape_cast %get3A_24 : vector<1x16xf32> to vector<16xf32>
    %get3A_26 = arith.constant 0 : i32
    %get3A_27 = arith.index_cast %get3A_26 : i32 to index
    %get3A_28 = arith.constant 64 : index
    %get3A_29 = tpu.vector_load %arg6[%get3A_27, %get3A_28] {strides = array<i32>} : memref<32x80xf32, #tpu.memory_space<vmem>>, vector<1x16xf32>,
    %get3A_30 = vector.shape_cast %get3A_29 : vector<1x16xf32> to vector<16xf32>
    %max3A = arith.maximumf %get3A_10, %get3A_15 : vector<16xf32>
    %max3A_31 = arith.maximumf %get3A_20, %get3A_25 : vector<16xf32>
    %max3A_32 = arith.maximumf %max3A, %max3A_31 : vector<16xf32>
    %max3A_33 = arith.maximumf %max3A_32, %get3A_30 : vector<16xf32>
    %xor3A = arith.constant 8 : i32
    %xor3A_34 = vector.broadcast %xor3A : i32 to vector<16xi32>
    %xor3A_35 = arith.xori %iota3A, %xor3A_34 : vector<16xi32>
    %broadcast_in_dim3A = vector.shape_cast %xor3A_35 : vector<16xi32> to vector<16x1xi32>
    %gather3A = vector.shape_cast %broadcast_in_dim3A : vector<16x1xi32> to vector<16xi32>
    %gather3A_36 = tpu.dynamic_gather %max3A_33[%gather3A] in [0] : vector<16xf32>, vector<16xi32> -> vector<16xf32>
    %max3A_37 = arith.maximumf %max3A_33, %gather3A_36 : vector<16xf32>
    %xor3A_38 = arith.constant 4 : i32
    %xor3A_39 = vector.broadcast %xor3A_38 : i32 to vector<16xi32>
    %xor3A_40 = arith.xori %iota3A, %xor3A_39 : vector<16xi32>
    %broadcast_in_dim3A_41 = vector.shape_cast %xor3A_40 : vector<16xi32> to vector<16x1xi32>
    %gather3A_42 = vector.shape_cast %broadcast_in_dim3A_41 : vector<16x1xi32> to vector<16xi32>
    %gather3A_43 = tpu.dynamic_gather %max3A_37[%gather3A_42] in [0] : vector<16xf32>, vector<16xi32> -> vector<16xf32>
    %max3A_44 = arith.maximumf %max3A_37, %gather3A_43 : vector<16xf32>
    %xor3A_45 = arith.constant 2 : i32
    %xor3A_46 = vector.broadcast %xor3A_45 : i32 to vector<16xi32>
    %xor3A_47 = arith.xori %iota3A, %xor3A_46 : vector<16xi32>
    %broadcast_in_dim3A_48 = vector.shape_cast %xor3A_47 : vector<16xi32> to vector<16x1xi32>
    %gather3A_49 = vector.shape_cast %broadcast_in_dim3A_48 : vector<16x1xi32> to vector<16xi32>
    %gather3A_50 = tpu.dynamic_gather %max3A_44[%gather3A_49] in [0] : vector<16xf32>, vector<16xi32> -> vector<16xf32>
    %max3A_51 = arith.maximumf %max3A_44, %gather3A_50 : vector<16xf32>
    %xor3A_52 = arith.constant 1 : i32
    %xor3A_53 = vector.broadcast %xor3A_52 : i32 to vector<16xi32>
    %xor3A_54 = arith.xori %iota3A, %xor3A_53 : vector<16xi32>
    %broadcast_in_dim3A_55 = vector.shape_cast %xor3A_54 : vector<16xi32> to vector<16x1xi32>
    %gather3A_56 = vector.shape_cast %broadcast_in_dim3A_55 : vector<16x1xi32> to vector<16xi32>
    %gather3A_57 = tpu.dynamic_gather %max3A_51[%gather3A_56] in [0] : vector<16xf32>, vector<16xi32> -> vector<16xf32>
    %max3A_58 = arith.maximumf %max3A_51, %gather3A_57 : vector<16xf32>
    %sub3A = arith.subf %get3A_10, %max3A_58 : vector<16xf32>
    %exp3A = math.exp %sub3A : vector<16xf32>
    %sub3A_59 = arith.subf %get3A_15, %max3A_58 : vector<16xf32>
    %exp3A_60 = math.exp %sub3A_59 : vector<16xf32>
    %sub3A_61 = arith.subf %get3A_20, %max3A_58 : vector<16xf32>
    %exp3A_62 = math.exp %sub3A_61 : vector<16xf32>
    %sub3A_63 = arith.subf %get3A_25, %max3A_58 : vector<16xf32>
    %exp3A_64 = math.exp %sub3A_63 : vector<16xf32>
    %sub3A_65 = arith.subf %get3A_30, %max3A_58 : vector<16xf32>
    %exp3A_66 = math.exp %sub3A_65 : vector<16xf32>
    %add3A_67 = arith.addf %exp3A, %exp3A_60 : vector<16xf32>
    %add3A_68 = arith.addf %exp3A_62, %exp3A_64 : vector<16xf32>
    %add3A_69 = arith.addf %add3A_67, %add3A_68 : vector<16xf32>
    %add3A_70 = arith.addf %add3A_69, %exp3A_66 : vector<16xf32>
    %xor3A_71 = arith.constant 8 : i32
    %xor3A_72 = vector.broadcast %xor3A_71 : i32 to vector<16xi32>
    %xor3A_73 = arith.xori %iota3A, %xor3A_72 : vector<16xi32>
    %broadcast_in_dim3A_74 = vector.shape_cast %xor3A_73 : vector<16xi32> to vector<16x1xi32>
    %gather3A_75 = vector.shape_cast %broadcast_in_dim3A_74 : vector<16x1xi32> to vector<16xi32>
    %gather3A_76 = tpu.dynamic_gather %add3A_70[%gather3A_75] in [0] : vector<16xf32>, vector<16xi32> -> vector<16xf32>
    %add3A_77 = arith.addf %add3A_70, %gather3A_76 : vector<16xf32>
    %xor3A_78 = arith.constant 4 : i32
    %xor3A_79 = vector.broadcast %xor3A_78 : i32 to vector<16xi32>
    %xor3A_80 = arith.xori %iota3A, %xor3A_79 : vector<16xi32>
    %broadcast_in_dim3A_81 = vector.shape_cast %xor3A_80 : vector<16xi32> to vector<16x1xi32>
    %gather3A_82 = vector.shape_cast %broadcast_in_dim3A_81 : vector<16x1xi32> to vector<16xi32>
    %gather3A_83 = tpu.dynamic_gather %add3A_77[%gather3A_82] in [0] : vector<16xf32>, vector<16xi32> -> vector<16xf32>
    %add3A_84 = arith.addf %add3A_77, %gather3A_83 : vector<16xf32>
    %xor3A_85 = arith.constant 2 : i32
    %xor3A_86 = vector.broadcast %xor3A_85 : i32 to vector<16xi32>
    %xor3A_87 = arith.xori %iota3A, %xor3A_86 : vector<16xi32>
    %broadcast_in_dim3A_88 = vector.shape_cast %xor3A_87 : vector<16xi32> to vector<16x1xi32>
    %gather3A_89 = vector.shape_cast %broadcast_in_dim3A_88 : vector<16x1xi32> to vector<16xi32>
    %gather3A_90 = tpu.dynamic_gather %add3A_84[%gather3A_89] in [0] : vector<16xf32>, vector<16xi32> -> vector<16xf32>
    %add3A_91 = arith.addf %add3A_84, %gather3A_90 : vector<16xf32>
    %xor3A_92 = arith.constant 1 : i32
    %xor3A_93 = vector.broadcast %xor3A_92 : i32 to vector<16xi32>
    %xor3A_94 = arith.xori %iota3A, %xor3A_93 : vector<16xi32>
    %broadcast_in_dim3A_95 = vector.shape_cast %xor3A_94 : vector<16xi32> to vector<16x1xi32>
    %gather3A_96 = vector.shape_cast %broadcast_in_dim3A_95 : vector<16x1xi32> to vector<16xi32>
    %gather3A_97 = tpu.dynamic_gather %add3A_91[%gather3A_96] in [0] : vector<16xf32>, vector<16xi32> -> vector<16xf32>
    %add3A_98 = arith.addf %add3A_91, %gather3A_97 : vector<16xf32>
    %div3A = arith.divf %exp3A, %add3A_98 : vector<16xf32>
    %swap3A = arith.constant 0 : i32
    %swap3A_99 = arith.index_cast %swap3A : i32 to index
    %swap3A_100 = arith.constant 0 : index
    %swap3A_101 = tpu.vector_load %arg7[%swap3A_99, %swap3A_100] {strides = array<i32>} : memref<32x80xf32, #tpu.memory_space<vmem>>, vector<1x16xf32>,
    %swap3A_102 = vector.shape_cast %swap3A_101 : vector<1x16xf32> to vector<16xf32>
    %swap3A_103 = vector.shape_cast %div3A : vector<16xf32> to vector<1x16xf32>
    tpu.vector_store %arg7[%swap3A_99, %swap3A_100], %swap3A_103 {strides = array<i32>} : memref<32x80xf32, #tpu.memory_space<vmem>>, vector<1x16xf32>,
    %div3A_104 = arith.divf %exp3A_60, %add3A_98 : vector<16xf32>
    %swap3A_105 = arith.constant 0 : i32
    %swap3A_106 = arith.index_cast %swap3A_105 : i32 to index
    %swap3A_107 = arith.constant 16 : index
    %swap3A_108 = tpu.vector_load %arg7[%swap3A_106, %swap3A_107] {strides = array<i32>} : memref<32x80xf32, #tpu.memory_space<vmem>>, vector<1x16xf32>,
    %swap3A_109 = vector.shape_cast %swap3A_108 : vector<1x16xf32> to vector<16xf32>
    %swap3A_110 = vector.shape_cast %div3A_104 : vector<16xf32> to vector<1x16xf32>
    tpu.vector_store %arg7[%swap3A_106, %swap3A_107], %swap3A_110 {strides = array<i32>} : memref<32x80xf32, #tpu.memory_space<vmem>>, vector<1x16xf32>,
    %div3A_111 = arith.divf %exp3A_62, %add3A_98 : vector<16xf32>
    %swap3A_112 = arith.constant 0 : i32
    %swap3A_113 = arith.index_cast %swap3A_112 : i32 to index
    %swap3A_114 = arith.constant 32 : index
    %swap3A_115 = tpu.vector_load %arg7[%swap3A_113, %swap3A_114] {strides = array<i32>} : memref<32x80xf32, #tpu.memory_space<vmem>>, vector<1x16xf32>,
    %swap3A_116 = vector.shape_cast %swap3A_115 : vector<1x16xf32> to vector<16xf32>
    %swap3A_117 = vector.shape_cast %div3A_111 : vector<16xf32> to vector<1x16xf32>
    tpu.vector_store %arg7[%swap3A_113, %swap3A_114], %swap3A_117 {strides = array<i32>} : memref<32x80xf32, #tpu.memory_space<vmem>>, vector<1x16xf32>,
    %div3A_118 = arith.divf %exp3A_64, %add3A_98 : vector<16xf32>
    %swap3A_119 = arith.constant 0 : i32
    %swap3A_120 = arith.index_cast %swap3A_119 : i32 to index
    %swap3A_121 = arith.constant 48 : index
    %swap3A_122 = tpu.vector_load %arg7[%swap3A_120, %swap3A_121] {strides = array<i32>} : memref<32x80xf32, #tpu.memory_space<vmem>>, vector<1x16xf32>,
    %swap3A_123 = vector.shape_cast %swap3A_122 : vector<1x16xf32> to vector<16xf32>
    %swap3A_124 = vector.shape_cast %div3A_118 : vector<16xf32> to vector<1x16xf32>
    tpu.vector_store %arg7[%swap3A_120, %swap3A_121], %swap3A_124 {strides = array<i32>} : memref<32x80xf32, #tpu.memory_space<vmem>>, vector<1x16xf32>,
    %div3A_125 = arith.divf %exp3A_66, %add3A_98 : vector<16xf32>
    %swap3A_126 = arith.constant 0 : i32
    %swap3A_127 = arith.index_cast %swap3A_126 : i32 to index
    %swap3A_128 = arith.constant 64 : index
    %swap3A_129 = tpu.vector_load %arg7[%swap3A_127, %swap3A_128] {strides = array<i32>} : memref<32x80xf32, #tpu.memory_space<vmem>>, vector<1x16xf32>,
    %swap3A_130 = vector.shape_cast %swap3A_129 : vector<1x16xf32> to vector<16xf32>
    %swap3A_131 = vector.shape_cast %div3A_125 : vector<16xf32> to vector<1x16xf32>
    tpu.vector_store %arg7[%swap3A_127, %swap3A_128], %swap3A_131 {strides = array<i32>} : memref<32x80xf32, #tpu.memory_space<vmem>>, vector<1x16xf32>,
    %get3A_132 = arith.constant 1 : i32
    %get3A_133 = arith.index_cast %get3A_132 : i32 to index
    %get3A_134 = arith.constant 0 : index
    %get3A_135 = tpu.vector_load %arg6[%get3A_133, %get3A_134] {strides = array<i32>} : memref<32x80xf32, #tpu.memory_space<vmem>>, vector<1x16xf32>,
    %get3A_136 = vector.shape_cast %get3A_135 : vector<1x16xf32> to vector<16xf32>
    %get3A_137 = arith.constant 1 : i32
    %get3A_138 = arith.index_cast %get3A_137 : i32 to index
    %get3A_139 = arith.constant 16 : index
    %get3A_140 = tpu.vector_load %arg6[%get3A_138, %get3A_139] {strides = array<i32>} : memref<32x80xf32, #tpu.memory_space<vmem>>, vector<1x16xf32>,
    %get3A_141 = vector.shape_cast %get3A_140 : vector<1x16xf32> to vector<16xf32>
    %get3A_142 = arith.constant 1 : i32
    %get3A_143 = arith.index_cast %get3A_142 : i32 to index
    %get3A_144 = arith.constant 32 : index
    %get3A_145 = tpu.vector_load %arg6[%get3A_143, %get3A_144] {strides = array<i32>} : memref<32x80xf32, #tpu.memory_space<vmem>>, vector<1x16xf32>,
    %get3A_146 = vector.shape_cast %get3A_145 : vector<1x16xf32> to vector<16xf32>
    %get3A_147 = arith.constant 1 : i32
    %get3A_148 = arith.index_cast %get3A_147 : i32 to index
    %get3A_149 = arith.constant 48 : index
    %get3A_150 = tpu.vector_load %arg6[%get3A_148, %get3A_149] {strides = array<i32>} : memref<32x80xf32, #tpu.memory_space<vmem>>, vector<1x16xf32>,
    %get3A_151 = vector.shape_cast %get3A_150 : vector<1x16xf32> to vector<16xf32>
    %get3A_152 = arith.constant 1 : i32
    %get3A_153 = arith.index_cast %get3A_152 : i32 to index
    %get3A_154 = arith.constant 64 : index
    %get3A_155 = tpu.vector_load %arg6[%get3A_153, %get3A_154] {strides = array<i32>} : memref<32x80xf32, #tpu.memory_space<vmem>>, vector<1x16xf32>,
    %get3A_156 = vector.shape_cast %get3A_155 : vector<1x16xf32> to vector<16xf32>
    %max3A_157 = arith.maximumf %get3A_136, %get3A_141 : vector<16xf32>
    %max3A_158 = arith.maximumf %get3A_146, %get3A_151 : vector<16xf32>
    %max3A_159 = arith.maximumf %max3A_157, %max3A_158 : vector<16xf32>
    %max3A_160 = arith.maximumf %max3A_159, %get3A_156 : vector<16xf32>
    %xor3A_161 = arith.constant 8 : i32
    %xor3A_162 = vector.broadcast %xor3A_161 : i32 to vector<16xi32>
    %xor3A_163 = arith.xori %iota3A, %xor3A_162 : vector<16xi32>
    %broadcast_in_dim3A_164 = vector.shape_cast %xor3A_163 : vector<16xi32> to vector<16x1xi32>
    %gather3A_165 = vector.shape_cast %broadcast_in_dim3A_164 : vector<16x1xi32> to vector<16xi32>
    %gather3A_166 = tpu.dynamic_gather %max3A_160[%gather3A_165] in [0] : vector<16xf32>, vector<16xi32> -> vector<16xf32>
    %max3A_167 = arith.maximumf %max3A_160, %gather3A_166 : vector<16xf32>
    %xor3A_168 = arith.constant 4 : i32
    %xor3A_169 = vector.broadcast %xor3A_168 : i32 to vector<16xi32>
    %xor3A_170 = arith.xori %iota3A, %xor3A_169 : vector<16xi32>
    %broadcast_in_dim3A_171 = vector.shape_cast %xor3A_170 : vector<16xi32> to vector<16x1xi32>
    %gather3A_172 = vector.shape_cast %broadcast_in_dim3A_171 : vector<16x1xi32> to vector<16xi32>
    %gather3A_173 = tpu.dynamic_gather %max3A_167[%gather3A_172] in [0] : vector<16xf32>, vector<16xi32> -> vector<16xf32>
    %max3A_174 = arith.maximumf %max3A_167, %gather3A_173 : vector<16xf32>
    %xor3A_175 = arith.constant 2 : i32
    %xor3A_176 = vector.broadcast %xor3A_175 : i32 to vector<16xi32>
    %xor3A_177 = arith.xori %iota3A, %xor3A_176 : vector<16xi32>
    %broadcast_in_dim3A_178 = vector.shape_cast %xor3A_177 : vector<16xi32> to vector<16x1xi32>
    %gather3A_179 = vector.shape_cast %broadcast_in_dim3A_178 : vector<16x1xi32> to vector<16xi32>
    %gather3A_180 = tpu.dynamic_gather %max3A_174[%gather3A_179] in [0] : vector<16xf32>, vector<16xi32> -> vector<16xf32>
    %max3A_181 = arith.maximumf %max3A_174, %gather3A_180 : vector<16xf32>
    %xor3A_182 = arith.constant 1 : i32
    %xor3A_183 = vector.broadcast %xor3A_182 : i32 to vector<16xi32>
    %xor3A_184 = arith.xori %iota3A, %xor3A_183 : vector<16xi32>
    %broadcast_in_dim3A_185 = vector.shape_cast %xor3A_184 : vector<16xi32> to vector<16x1xi32>
    %gather3A_186 = vector.shape_cast %broadcast_in_dim3A_185 : vector<16x1xi32> to vector<16xi32>
    %gather3A_187 = tpu.dynamic_gather %max3A_181[%gather3A_186] in [0] : vector<16xf32>, vector<16xi32> -> vector<16xf32>
    %max3A_188 = arith.maximumf %max3A_181, %gather3A_187 : vector<16xf32>
    %sub3A_189 = arith.subf %get3A_136, %max3A_188 : vector<16xf32>
    %exp3A_190 = math.exp %sub3A_189 : vector<16xf32>
    %sub3A_191 = arith.subf %get3A_141, %max3A_188 : vector<16xf32>
    %exp3A_192 = math.exp %sub3A_191 : vector<16xf32>
    %sub3A_193 = arith.subf %get3A_146, %max3A_188 : vector<16xf32>
    %exp3A_194 = math.exp %sub3A_193 : vector<16xf32>
    %sub3A_195 = arith.subf %get3A_151, %max3A_188 : vector<16xf32>
    %exp3A_196 = math.exp %sub3A_195 : vector<16xf32>
    %sub3A_197 = arith.subf %get3A_156, %max3A_188 : vector<16xf32>
    %exp3A_198 = math.exp %sub3A_197 : vector<16xf32>
    %add3A_199 = arith.addf %exp3A_190, %exp3A_192 : vector<16xf32>
    %add3A_200 = arith.addf %exp3A_194, %exp3A_196 : vector<16xf32>
    %add3A_201 = arith.addf %add3A_199, %add3A_200 : vector<16xf32>
    %add3A_202 = arith.addf %add3A_201, %exp3A_198 : vector<16xf32>
    %xor3A_203 = arith.constant 8 : i32
    %xor3A_204 = vector.broadcast %xor3A_203 : i32 to vector<16xi32>
    %xor3A_205 = arith.xori %iota3A, %xor3A_204 : vector<16xi32>
    %broadcast_in_dim3A_206 = vector.shape_cast %xor3A_205 : vector<16xi32> to vector<16x1xi32>
    %gather3A_207 = vector.shape_cast %broadcast_in_dim3A_206 : vector<16x1xi32> to vector<16xi32>
    %gather3A_208 = tpu.dynamic_gather %add3A_202[%gather3A_207] in [0] : vector<16xf32>, vector<16xi32> -> vector<16xf32>
    %add3A_209 = arith.addf %add3A_202, %gather3A_208 : vector<16xf32>
    %xor3A_210 = arith.constant 4 : i32
    %xor3A_211 = vector.broadcast %xor3A_210 : i32 to vector<16xi32>
    %xor3A_212 = arith.xori %iota3A, %xor3A_211 : vector<16xi32>
    %broadcast_in_dim3A_213 = vector.shape_cast %xor3A_212 : vector<16xi32> to vector<16x1xi32>
    %gather3A_214 = vector.shape_cast %broadcast_in_dim3A_213 : vector<16x1xi32> to vector<16xi32>
    %gather3A_215 = tpu.dynamic_gather %add3A_209[%gather3A_214] in [0] : vector<16xf32>, vector<16xi32> -> vector<16xf32>
    %add3A_216 = arith.addf %add3A_209, %gather3A_215 : vector<16xf32>
    %xor3A_217 = arith.constant 2 : i32
    %xor3A_218 = vector.broadcast %xor3A_217 : i32 to vector<16xi32>
    %xor3A_219 = arith.xori %iota3A, %xor3A_218 : vector<16xi32>
    %broadcast_in_dim3A_220 = vector.shape_cast %xor3A_219 : vector<16xi32> to vector<16x1xi32>
    %gather3A_221 = vector.shape_cast %broadcast_in_dim3A_220 : vector<16x1xi32> to vector<16xi32>
    %gather3A_222 = tpu.dynamic_gather %add3A_216[%gather3A_221] in [0] : vector<16xf32>, vector<16xi32> -> vector<16xf32>
    %add3A_223 = arith.addf %add3A_216, %gather3A_222 : vector<16xf32>
    %xor3A_224 = arith.constant 1 : i32
    %xor3A_225 = vector.broadcast %xor3A_224 : i32 to vector<16xi32>
    %xor3A_226 = arith.xori %iota3A, %xor3A_225 : vector<16xi32>
    %broadcast_in_dim3A_227 = vector.shape_cast %xor3A_226 : vector<16xi32> to vector<16x1xi32>
    %gather3A_228 = vector.shape_cast %broadcast_in_dim3A_227 : vector<16x1xi32> to vector<16xi32>
    %gather3A_229 = tpu.dynamic_gather %add3A_223[%gather3A_228] in [0] : vector<16xf32>, vector<16xi32> -> vector<16xf32>
    %add3A_230 = arith.addf %add3A_223, %gather3A_229 : vector<16xf32>
    %div3A_231 = arith.divf %exp3A_190, %add3A_230 : vector<16xf32>
    %swap3A_232 = arith.constant 1 : i32
    %swap3A_233 = arith.index_cast %swap3A_232 : i32 to index
    %swap3A_234 = arith.constant 0 : index
    %swap3A_235 = tpu.vector_load %arg7[%swap3A_233, %swap3A_234] {strides = array<i32>} : memref<32x80xf32, #tpu.memory_space<vmem>>, vector<1x16xf32>,
    %swap3A_236 = vector.shape_cast %swap3A_235 : vector<1x16xf32> to vector<16xf32>
    %swap3A_237 = vector.shape_cast %div3A_231 : vector<16xf32> to vector<1x16xf32>
    tpu.vector_store %arg7[%swap3A_233, %swap3A_234], %swap3A_237 {strides = array<i32>} : memref<32x80xf32, #tpu.memory_space<vmem>>, vector<1x16xf32>,
    %div3A_238 = arith.divf %exp3A_192, %add3A_230 : vector<16xf32>
    %swap3A_239 = arith.constant 1 : i32
    %swap3A_240 = arith.index_cast %swap3A_239 : i32 to index
    %swap3A_241 = arith.constant 16 : index
    %swap3A_242 = tpu.vector_load %arg7[%swap3A_240, %swap3A_241] {strides = array<i32>} : memref<32x80xf32, #tpu.memory_space<vmem>>, vector<1x16xf32>,
    %swap3A_243 = vector.shape_cast %swap3A_242 : vector<1x16xf32> to vector<16xf32>
    %swap3A_244 = vector.shape_cast %div3A_238 : vector<16xf32> to vector<1x16xf32>
    tpu.vector_store %arg7[%swap3A_240, %swap3A_241], %swap3A_244 {strides = array<i32>} : memref<32x80xf32, #tpu.memory_space<vmem>>, vector<1x16xf32>,
    %div3A_245 = arith.divf %exp3A_194, %add3A_230 : vector<16xf32>
    %swap3A_246 = arith.constant 1 : i32
    %swap3A_247 = arith.index_cast %swap3A_246 : i32 to index
    %swap3A_248 = arith.constant 32 : index
    %swap3A_249 = tpu.vector_load %arg7[%swap3A_247, %swap3A_248] {strides = array<i32>} : memref<32x80xf32, #tpu.memory_space<vmem>>, vector<1x16xf32>,
    %swap3A_250 = vector.shape_cast %swap3A_249 : vector<1x16xf32> to vector<16xf32>
    %swap3A_251 = vector.shape_cast %div3A_245 : vector<16xf32> to vector<1x16xf32>
    tpu.vector_store %arg7[%swap3A_247, %swap3A_248], %swap3A_251 {strides = array<i32>} : memref<32x80xf32, #tpu.memory_space<vmem>>, vector<1x16xf32>,
    %div3A_252 = arith.divf %exp3A_196, %add3A_230 : vector<16xf32>
    %swap3A_253 = arith.constant 1 : i32
    %swap3A_254 = arith.index_cast %swap3A_253 : i32 to index
    %swap3A_255 = arith.constant 48 : index
    %swap3A_256 = tpu.vector_load %arg7[%swap3A_254, %swap3A_255] {strides = array<i32>} : memref<32x80xf32, #tpu.memory_space<vmem>>, vector<1x16xf32>,
    %swap3A_257 = vector.shape_cast %swap3A_256 : vector<1x16xf32> to vector<16xf32>
    %swap3A_258 = vector.shape_cast %div3A_252 : vector<16xf32> to vector<1x16xf32>
    tpu.vector_store %arg7[%swap3A_254, %swap3A_255], %swap3A_258 {strides = array<i32>} : memref<32x80xf32, #tpu.memory_space<vmem>>, vector<1x16xf32>,
    %div3A_259 = arith.divf %exp3A_198, %add3A_230 : vector<16xf32>
    %swap3A_260 = arith.constant 1 : i32
    %swap3A_261 = arith.index_cast %swap3A_260 : i32 to index
    %swap3A_262 = arith.constant 64 : index
    %swap3A_263 = tpu.vector_load %arg7[%swap3A_261, %swap3A_262] {strides = array<i32>} : memref<32x80xf32, #tpu.memory_space<vmem>>, vector<1x16xf32>,
    %swap3A_264 = vector.shape_cast %swap3A_263 : vector<1x16xf32> to vector<16xf32>
    %swap3A_265 = vector.shape_cast %div3A_259 : vector<16xf32> to vector<1x16xf32>
    tpu.vector_store %arg7[%swap3A_261, %swap3A_262], %swap3A_265 {strides = array<i32>} : memref<32x80xf32, #tpu.memory_space<vmem>>, vector<1x16xf32>,
    %get3A_266 = arith.constant 2 : i32
    %get3A_267 = arith.index_cast %get3A_266 : i32 to index
    %get3A_268 = arith.constant 0 : index
    %get3A_269 = tpu.vector_load %arg6[%get3A_267, %get3A_268] {strides = array<i32>} : memref<32x80xf32, #tpu.memory_space<vmem>>, vector<1x16xf32>,
    %get3A_270 = vector.shape_cast %get3A_269 : vector<1x16xf32> to vector<16xf32>
    %get3A_271 = arith.constant 2 : i32
    %get3A_272 = arith.index_cast %get3A_271 : i32 to index
    %get3A_273 = arith.constant 16 : index
    %get3A_274 = tpu.vector_load %arg6[%get3A_272, %get3A_273] {strides = array<i32>} : memref<32x80xf32, #tpu.memory_space<vmem>>, vector<1x16xf32>,
    %get3A_275 = vector.shape_cast %get3A_274 : vector<1x16xf32> to vector<16xf32>
    %get3A_276 = arith.constant 2 : i32
    %get3A_277 = arith.index_cast %get3A_276 : i32 to index
    %get3A_278 = arith.constant 32 : index
    %get3A_279 = tpu.vector_load %arg6[%get3A_277, %get3A_278] {strides = array<i32>} : memref<32x80xf32, #tpu.memory_space<vmem>>, vector<1x16xf32>,
    %get3A_280 = vector.shape_cast %get3A_279 : vector<1x16xf32> to vector<16xf32>
    %get3A_281 = arith.constant 2 : i32
    %get3A_282 = arith.index_cast %get3A_281 : i32 to index
    %get3A_283 = arith.constant 48 : index
    %get3A_284 = tpu.vector_load %arg6[%get3A_282, %get3A_283] {strides = array<i32>} : memref<32x80xf32, #tpu.memory_space<vmem>>, vector<1x16xf32>,
    %get3A_285 = vector.shape_cast %get3A_284 : vector<1x16xf32> to vector<16xf32>
    %get3A_286 = arith.constant 2 : i32
    %get3A_287 = arith.index_cast %get3A_286 : i32 to index
    %get3A_288 = arith.constant 64 : index
    %get3A_289 = tpu.vector_load %arg6[%get3A_287, %get3A_288] {strides = array<i32>} : memref<32x80xf32, #tpu.memory_space<vmem>>, vector<1x16xf32>,
    %get3A_290 = vector.shape_cast %get3A_289 : vector<1x16xf32> to vector<16xf32>
    %max3A_291 = arith.maximumf %get3A_270, %get3A_275 : vector<16xf32>
    %max3A_292 = arith.maximumf %get3A_280, %get3A_285 : vector<16xf32>
    %max3A_293 = arith.maximumf %max3A_291, %max3A_292 : vector<16xf32>
    %max3A_294 = arith.maximumf %max3A_293, %get3A_290 : vector<16xf32>
    %xor3A_295 = arith.constant 8 : i32
    %xor3A_296 = vector.broadcast %xor3A_295 : i32 to vector<16xi32>
    %xor3A_297 = arith.xori %iota3A, %xor3A_296 : vector<16xi32>
    %broadcast_in_dim3A_298 = vector.shape_cast %xor3A_297 : vector<16xi32> to vector<16x1xi32>
    %gather3A_299 = vector.shape_cast %broadcast_in_dim3A_298 : vector<16x1xi32> to vector<16xi32>
    %gather3A_300 = tpu.dynamic_gather %max3A_294[%gather3A_299] in [0] : vector<16xf32>, vector<16xi32> -> vector<16xf32>
    %max3A_301 = arith.maximumf %max3A_294, %gather3A_300 : vector<16xf32>
    %xor3A_302 = arith.constant 4 : i32
    %xor3A_303 = vector.broadcast %xor3A_302 : i32 to vector<16xi32>
    %xor3A_304 = arith.xori %iota3A, %xor3A_303 : vector<16xi32>
    %broadcast_in_dim3A_305 = vector.shape_cast %xor3A_304 : vector<16xi32> to vector<16x1xi32>
    %gather3A_306 = vector.shape_cast %broadcast_in_dim3A_305 : vector<16x1xi32> to vector<16xi32>
    %gather3A_307 = tpu.dynamic_gather %max3A_301[%gather3A_306] in [0] : vector<16xf32>, vector<16xi32> -> vector<16xf32>
    %max3A_308 = arith.maximumf %max3A_301, %gather3A_307 : vector<16xf32>
    %xor3A_309 = arith.constant 2 : i32
    %xor3A_310 = vector.broadcast %xor3A_309 : i32 to vector<16xi32>
    %xor3A_311 = arith.xori %iota3A, %xor3A_310 : vector<16xi32>
    %broadcast_in_dim3A_312 = vector.shape_cast %xor3A_311 : vector<16xi32> to vector<16x1xi32>
    %gather3A_313 = vector.shape_cast %broadcast_in_dim3A_312 : vector<16x1xi32> to vector<16xi32>
    %gather3A_314 = tpu.dynamic_gather %max3A_308[%gather3A_313] in [0] : vector<16xf32>, vector<16xi32> -> vector<16xf32>
    %max3A_315 = arith.maximumf %max3A_308, %gather3A_314 : vector<16xf32>
    %xor3A_316 = arith.constant 1 : i32
    %xor3A_317 = vector.broadcast %xor3A_316 : i32 to vector<16xi32>
    %xor3A_318 = arith.xori %iota3A, %xor3A_317 : vector<16xi32>
    %broadcast_in_dim3A_319 = vector.shape_cast %xor3A_318 : vector<16xi32> to vector<16x1xi32>
    %gather3A_320 = vector.shape_cast %broadcast_in_dim3A_319 : vector<16x1xi32> to vector<16xi32>
    %gather3A_321 = tpu.dynamic_gather %max3A_315[%gather3A_320] in [0] : vector<16xf32>, vector<16xi32> -> vector<16xf32>
    %max3A_322 = arith.maximumf %max3A_315, %gather3A_321 : vector<16xf32>
    %sub3A_323 = arith.subf %get3A_270, %max3A_322 : vector<16xf32>
    %exp3A_324 = math.exp %sub3A_323 : vector<16xf32>
    %sub3A_325 = arith.subf %get3A_275, %max3A_322 : vector<16xf32>
    %exp3A_326 = math.exp %sub3A_325 : vector<16xf32>
    %sub3A_327 = arith.subf %get3A_280, %max3A_322 : vector<16xf32>
    %exp3A_328 = math.exp %sub3A_327 : vector<16xf32>
    %sub3A_329 = arith.subf %get3A_285, %max3A_322 : vector<16xf32>
    %exp3A_330 = math.exp %sub3A_329 : vector<16xf32>
    %sub3A_331 = arith.subf %get3A_290, %max3A_322 : vector<16xf32>
    %exp3A_332 = math.exp %sub3A_331 : vector<16xf32>
    %add3A_333 = arith.addf %exp3A_324, %exp3A_326 : vector<16xf32>
    %add3A_334 = arith.addf %exp3A_328, %exp3A_330 : vector<16xf32>
    %add3A_335 = arith.addf %add3A_333, %add3A_334 : vector<16xf32>
    %add3A_336 = arith.addf %add3A_335, %exp3A_332 : vector<16xf32>
    %xor3A_337 = arith.constant 8 : i32
    %xor3A_338 = vector.broadcast %xor3A_337 : i32 to vector<16xi32>
    %xor3A_339 = arith.xori %iota3A, %xor3A_338 : vector<16xi32>
    %broadcast_in_dim3A_340 = vector.shape_cast %xor3A_339 : vector<16xi32> to vector<16x1xi32>
    %gather3A_341 = vector.shape_cast %broadcast_in_dim3A_340 : vector<16x1xi32> to vector<16xi32>
    %gather3A_342 = tpu.dynamic_gather %add3A_336[%gather3A_341] in [0] : vector<16xf32>, vector<16xi32> -> vector<16xf32>
    %add3A_343 = arith.addf %add3A_336, %gather3A_342 : vector<16xf32>
    %xor3A_344 = arith.constant 4 : i32
    %xor3A_345 = vector.broadcast %xor3A_344 : i32 to vector<16xi32>
    %xor3A_346 = arith.xori %iota3A, %xor3A_345 : vector<16xi32>
    %broadcast_in_dim3A_347 = vector.shape_cast %xor3A_346 : vector<16xi32> to vector<16x1xi32>
    %gather3A_348 = vector.shape_cast %broadcast_in_dim3A_347 : vector<16x1xi32> to vector<16xi32>
    %gather3A_349 = tpu.dynamic_gather %add3A_343[%gather3A_348] in [0] : vector<16xf32>, vector<16xi32> -> vector<16xf32>
    %add3A_350 = arith.addf %add3A_343, %gather3A_349 : vector<16xf32>
    %xor3A_351 = arith.constant 2 : i32
    %xor3A_352 = vector.broadcast %xor3A_351 : i32 to vector<16xi32>
    %xor3A_353 = arith.xori %iota3A, %xor3A_352 : vector<16xi32>
    %broadcast_in_dim3A_354 = vector.shape_cast %xor3A_353 : vector<16xi32> to vector<16x1xi32>
    %gather3A_355 = vector.shape_cast %broadcast_in_dim3A_354 : vector<16x1xi32> to vector<16xi32>
    %gather3A_356 = tpu.dynamic_gather %add3A_350[%gather3A_355] in [0] : vector<16xf32>, vector<16xi32> -> vector<16xf32>
    %add3A_357 = arith.addf %add3A_350, %gather3A_356 : vector<16xf32>
    %xor3A_358 = arith.constant 1 : i32
    %xor3A_359 = vector.broadcast %xor3A_358 : i32 to vector<16xi32>
    %xor3A_360 = arith.xori %iota3A, %xor3A_359 : vector<16xi32>
    %broadcast_in_dim3A_361 = vector.shape_cast %xor3A_360 : vector<16xi32> to vector<16x1xi32>
    %gather3A_362 = vector.shape_cast %broadcast_in_dim3A_361 : vector<16x1xi32> to vector<16xi32>
    %gather3A_363 = tpu.dynamic_gather %add3A_357[%gather3A_362] in [0] : vector<16xf32>, vector<16xi32> -> vector<16xf32>
    %add3A_364 = arith.addf %add3A_357, %gather3A_363 : vector<16xf32>
    %div3A_365 = arith.divf %exp3A_324, %add3A_364 : vector<16xf32>
    %swap3A_366 = arith.constant 2 : i32
    %swap3A_367 = arith.index_cast %swap3A_366 : i32 to index
    %swap3A_368 = arith.constant 0 : index
    %swap3A_369 = tpu.vector_load %arg7[%swap3A_367, %swap3A_368] {strides = array<i32>} : memref<32x80xf32, #tpu.memory_space<vmem>>, vector<1x16xf32>,
    %swap3A_370 = vector.shape_cast %swap3A_369 : vector<1x16xf32> to vector<16xf32>
    %swap3A_371 = vector.shape_cast %div3A_365 : vector<16xf32> to vector<1x16xf32>
    tpu.vector_store %arg7[%swap3A_367, %swap3A_368], %swap3A_371 {strides = array<i32>} : memref<32x80xf32, #tpu.memory_space<vmem>>, vector<1x16xf32>,
    %div3A_372 = arith.divf %exp3A_326, %add3A_364 : vector<16xf32>
    %swap3A_373 = arith.constant 2 : i32
    %swap3A_374 = arith.index_cast %swap3A_373 : i32 to index
    %swap3A_375 = arith.constant 16 : index
    %swap3A_376 = tpu.vector_load %arg7[%swap3A_374, %swap3A_375] {strides = array<i32>} : memref<32x80xf32, #tpu.memory_space<vmem>>, vector<1x16xf32>,
    %swap3A_377 = vector.shape_cast %swap3A_376 : vector<1x16xf32> to vector<16xf32>
    %swap3A_378 = vector.shape_cast %div3A_372 : vector<16xf32> to vector<1x16xf32>
    tpu.vector_store %arg7[%swap3A_374, %swap3A_375], %swap3A_378 {strides = array<i32>} : memref<32x80xf32, #tpu.memory_space<vmem>>, vector<1x16xf32>,
    %div3A_379 = arith.divf %exp3A_328, %add3A_364 : vector<16xf32>
    %swap3A_380 = arith.constant 2 : i32
    %swap3A_381 = arith.index_cast %swap3A_380 : i32 to index
    %swap3A_382 = arith.constant 32 : index
    %swap3A_383 = tpu.vector_load %arg7[%swap3A_381, %swap3A_382] {strides = array<i32>} : memref<32x80xf32, #tpu.memory_space<vmem>>, vector<1x16xf32>,
    %swap3A_384 = vector.shape_cast %swap3A_383 : vector<1x16xf32> to vector<16xf32>
    %swap3A_385 = vector.shape_cast %div3A_379 : vector<16xf32> to vector<1x16xf32>
    tpu.vector_store %arg7[%swap3A_381, %swap3A_382], %swap3A_385 {strides = array<i32>} : memref<32x80xf32, #tpu.memory_space<vmem>>, vector<1x16xf32>,
    %div3A_386 = arith.divf %exp3A_330, %add3A_364 : vector<16xf32>
    %swap3A_387 = arith.constant 2 : i32
    %swap3A_388 = arith.index_cast %swap3A_387 : i32 to index
    %swap3A_389 = arith.constant 48 : index
    %swap3A_390 = tpu.vector_load %arg7[%swap3A_388, %swap3A_389] {strides = array<i32>} : memref<32x80xf32, #tpu.memory_space<vmem>>, vector<1x16xf32>,
    %swap3A_391 = vector.shape_cast %swap3A_390 : vector<1x16xf32> to vector<16xf32>
    %swap3A_392 = vector.shape_cast %div3A_386 : vector<16xf32> to vector<1x16xf32>
    tpu.vector_store %arg7[%swap3A_388, %swap3A_389], %swap3A_392 {strides = array<i32>} : memref<32x80xf32, #tpu.memory_space<vmem>>, vector<1x16xf32>,
    %div3A_393 = arith.divf %exp3A_332, %add3A_364 : vector<16xf32>
    %swap3A_394 = arith.constant 2 : i32
    %swap3A_395 = arith.index_cast %swap3A_394 : i32 to index
    %swap3A_396 = arith.constant 64 : index
    %swap3A_397 = tpu.vector_load %arg7[%swap3A_395, %swap3A_396] {strides = array<i32>} : memref<32x80xf32, #tpu.memory_space<vmem>>, vector<1x16xf32>,
    %swap3A_398 = vector.shape_cast %swap3A_397 : vector<1x16xf32> to vector<16xf32>
    %swap3A_399 = vector.shape_cast %div3A_393 : vector<16xf32> to vector<1x16xf32>
    tpu.vector_store %arg7[%swap3A_395, %swap3A_396], %swap3A_399 {strides = array<i32>} : memref<32x80xf32, #tpu.memory_space<vmem>>, vector<1x16xf32>,
    %get3A_400 = arith.constant 3 : i32
    %get3A_401 = arith.index_cast %get3A_400 : i32 to index
    %get3A_402 = arith.constant 0 : index
    %get3A_403 = tpu.vector_load %arg6[%get3A_401, %get3A_402] {strides = array<i32>} : memref<32x80xf32, #tpu.memory_space<vmem>>, vector<1x16xf32>,
    %get3A_404 = vector.shape_cast %get3A_403 : vector<1x16xf32> to vector<16xf32>
    %get3A_405 = arith.constant 3 : i32
    %get3A_406 = arith.index_cast %get3A_405 : i32 to index
    %get3A_407 = arith.constant 16 : index
    %get3A_408 = tpu.vector_load %arg6[%get3A_406, %get3A_407] {strides = array<i32>} : memref<32x80xf32, #tpu.memory_space<vmem>>, vector<1x16xf32>,
    %get3A_409 = vector.shape_cast %get3A_408 : vector<1x16xf32> to vector<16xf32>
    %get3A_410 = arith.constant 3 : i32
    %get3A_411 = arith.index_cast %get3A_410 : i32 to index
    %get3A_412 = arith.constant 32 : index
    %get3A_413 = tpu.vector_load %arg6[%get3A_411, %get3A_412] {strides = array<i32>} : memref<32x80xf32, #tpu.memory_space<vmem>>, vector<1x16xf32>,
    %get3A_414 = vector.shape_cast %get3A_413 : vector<1x16xf32> to vector<16xf32>
    %get3A_415 = arith.constant 3 : i32
    %get3A_416 = arith.index_cast %get3A_415 : i32 to index
    %get3A_417 = arith.constant 48 : index
    %get3A_418 = tpu.vector_load %arg6[%get3A_416, %get3A_417] {strides = array<i32>} : memref<32x80xf32, #tpu.memory_space<vmem>>, vector<1x16xf32>,
    %get3A_419 = vector.shape_cast %get3A_418 : vector<1x16xf32> to vector<16xf32>
    %get3A_420 = arith.constant 3 : i32
    %get3A_421 = arith.index_cast %get3A_420 : i32 to index
    %get3A_422 = arith.constant 64 : index
    %get3A_423 = tpu.vector_load %arg6[%get3A_421, %get3A_422] {strides = array<i32>} : memref<32x80xf32, #tpu.memory_space<vmem>>, vector<1x16xf32>,
    %get3A_424 = vector.shape_cast %get3A_423 : vector<1x16xf32> to vector<16xf32>
    %max3A_425 = arith.maximumf %get3A_404, %get3A_409 : vector<16xf32>
    %max3A_426 = arith.maximumf %get3A_414, %get3A_419 : vector<16xf32>
    %max3A_427 = arith.maximumf %max3A_425, %max3A_426 : vector<16xf32>
    %max3A_428 = arith.maximumf %max3A_427, %get3A_424 : vector<16xf32>
    %xor3A_429 = arith.constant 8 : i32
    %xor3A_430 = vector.broadcast %xor3A_429 : i32 to vector<16xi32>
    %xor3A_431 = arith.xori %iota3A, %xor3A_430 : vector<16xi32>
    %broadcast_in_dim3A_432 = vector.shape_cast %xor3A_431 : vector<16xi32> to vector<16x1xi32>
    %gather3A_433 = vector.shape_cast %broadcast_in_dim3A_432 : vector<16x1xi32> to vector<16xi32>
    %gather3A_434 = tpu.dynamic_gather %max3A_428[%gather3A_433] in [0] : vector<16xf32>, vector<16xi32> -> vector<16xf32>
    %max3A_435 = arith.maximumf %max3A_428, %gather3A_434 : vector<16xf32>
    %xor3A_436 = arith.constant 4 : i32
    %xor3A_437 = vector.broadcast %xor3A_436 : i32 to vector<16xi32>
    %xor3A_438 = arith.xori %iota3A, %xor3A_437 : vector<16xi32>
    %broadcast_in_dim3A_439 = vector.shape_cast %xor3A_438 : vector<16xi32> to vector<16x1xi32>
    %gather3A_440 = vector.shape_cast %broadcast_in_dim3A_439 : vector<16x1xi32> to vector<16xi32>
    %gather3A_441 = tpu.dynamic_gather %max3A_435[%gather3A_440] in [0] : vector<16xf32>, vector<16xi32> -> vector<16xf32>
    %max3A_442 = arith.maximumf %max3A_435, %gather3A_441 : vector<16xf32>
    %xor3A_443 = arith.constant 2 : i32
    %xor3A_444 = vector.broadcast %xor3A_443 : i32 to vector<16xi32>
    %xor3A_445 = arith.xori %iota3A, %xor3A_444 : vector<16xi32>
    %broadcast_in_dim3A_446 = vector.shape_cast %xor3A_445 : vector<16xi32> to vector<16x1xi32>
    %gather3A_447 = vector.shape_cast %broadcast_in_dim3A_446 : vector<16x1xi32> to vector<16xi32>
    %gather3A_448 = tpu.dynamic_gather %max3A_442[%gather3A_447] in [0] : vector<16xf32>, vector<16xi32> -> vector<16xf32>
    %max3A_449 = arith.maximumf %max3A_442, %gather3A_448 : vector<16xf32>
    %xor3A_450 = arith.constant 1 : i32
    %xor3A_451 = vector.broadcast %xor3A_450 : i32 to vector<16xi32>
    %xor3A_452 = arith.xori %iota3A, %xor3A_451 : vector<16xi32>
    %broadcast_in_dim3A_453 = vector.shape_cast %xor3A_452 : vector<16xi32> to vector<16x1xi32>
    %gather3A_454 = vector.shape_cast %broadcast_in_dim3A_453 : vector<16x1xi32> to vector<16xi32>
    %gather3A_455 = tpu.dynamic_gather %max3A_449[%gather3A_454] in [0] : vector<16xf32>, vector<16xi32> -> vector<16xf32>
    %max3A_456 = arith.maximumf %max3A_449, %gather3A_455 : vector<16xf32>
    %sub3A_457 = arith.subf %get3A_404, %max3A_456 : vector<16xf32>
    %exp3A_458 = math.exp %sub3A_457 : vector<16xf32>
    %sub3A_459 = arith.subf %get3A_409, %max3A_456 : vector<16xf32>
    %exp3A_460 = math.exp %sub3A_459 : vector<16xf32>
    %sub3A_461 = arith.subf %get3A_414, %max3A_456 : vector<16xf32>
    %exp3A_462 = math.exp %sub3A_461 : vector<16xf32>
    %sub3A_463 = arith.subf %get3A_419, %max3A_456 : vector<16xf32>
    %exp3A_464 = math.exp %sub3A_463 : vector<16xf32>
    %sub3A_465 = arith.subf %get3A_424, %max3A_456 : vector<16xf32>
    %exp3A_466 = math.exp %sub3A_465 : vector<16xf32>
    %add3A_467 = arith.addf %exp3A_458, %exp3A_460 : vector<16xf32>
    %add3A_468 = arith.addf %exp3A_462, %exp3A_464 : vector<16xf32>
    %add3A_469 = arith.addf %add3A_467, %add3A_468 : vector<16xf32>
    %add3A_470 = arith.addf %add3A_469, %exp3A_466 : vector<16xf32>
    %xor3A_471 = arith.constant 8 : i32
    %xor3A_472 = vector.broadcast %xor3A_471 : i32 to vector<16xi32>
    %xor3A_473 = arith.xori %iota3A, %xor3A_472 : vector<16xi32>
    %broadcast_in_dim3A_474 = vector.shape_cast %xor3A_473 : vector<16xi32> to vector<16x1xi32>
    %gather3A_475 = vector.shape_cast %broadcast_in_dim3A_474 : vector<16x1xi32> to vector<16xi32>
    %gather3A_476 = tpu.dynamic_gather %add3A_470[%gather3A_475] in [0] : vector<16xf32>, vector<16xi32> -> vector<16xf32>
    %add3A_477 = arith.addf %add3A_470, %gather3A_476 : vector<16xf32>
    %xor3A_478 = arith.constant 4 : i32
    %xor3A_479 = vector.broadcast %xor3A_478 : i32 to vector<16xi32>
    %xor3A_480 = arith.xori %iota3A, %xor3A_479 : vector<16xi32>
    %broadcast_in_dim3A_481 = vector.shape_cast %xor3A_480 : vector<16xi32> to vector<16x1xi32>
    %gather3A_482 = vector.shape_cast %broadcast_in_dim3A_481 : vector<16x1xi32> to vector<16xi32>
    %gather3A_483 = tpu.dynamic_gather %add3A_477[%gather3A_482] in [0] : vector<16xf32>, vector<16xi32> -> vector<16xf32>
    %add3A_484 = arith.addf %add3A_477, %gather3A_483 : vector<16xf32>
    %xor3A_485 = arith.constant 2 : i32
    %xor3A_486 = vector.broadcast %xor3A_485 : i32 to vector<16xi32>
    %xor3A_487 = arith.xori %iota3A, %xor3A_486 : vector<16xi32>
    %broadcast_in_dim3A_488 = vector.shape_cast %xor3A_487 : vector<16xi32> to vector<16x1xi32>
    %gather3A_489 = vector.shape_cast %broadcast_in_dim3A_488 : vector<16x1xi32> to vector<16xi32>
    %gather3A_490 = tpu.dynamic_gather %add3A_484[%gather3A_489] in [0] : vector<16xf32>, vector<16xi32> -> vector<16xf32>
    %add3A_491 = arith.addf %add3A_484, %gather3A_490 : vector<16xf32>
    %xor3A_492 = arith.constant 1 : i32
    %xor3A_493 = vector.broadcast %xor3A_492 : i32 to vector<16xi32>
    %xor3A_494 = arith.xori %iota3A, %xor3A_493 : vector<16xi32>
    %broadcast_in_dim3A_495 = vector.shape_cast %xor3A_494 : vector<16xi32> to vector<16x1xi32>
    %gather3A_496 = vector.shape_cast %broadcast_in_dim3A_495 : vector<16x1xi32> to vector<16xi32>
    %gather3A_497 = tpu.dynamic_gather %add3A_491[%gather3A_496] in [0] : vector<16xf32>, vector<16xi32> -> vector<16xf32>
    %add3A_498 = arith.addf %add3A_491, %gather3A_497 : vector<16xf32>
    %div3A_499 = arith.divf %exp3A_458, %add3A_498 : vector<16xf32>
    %swap3A_500 = arith.constant 3 : i32
    %swap3A_501 = arith.index_cast %swap3A_500 : i32 to index
    %swap3A_502 = arith.constant 0 : index
    %swap3A_503 = tpu.vector_load %arg7[%swap3A_501, %swap3A_502] {strides = array<i32>} : memref<32x80xf32, #tpu.memory_space<vmem>>, vector<1x16xf32>,
    %swap3A_504 = vector.shape_cast %swap3A_503 : vector<1x16xf32> to vector<16xf32>
    %swap3A_505 = vector.shape_cast %div3A_499 : vector<16xf32> to vector<1x16xf32>
    tpu.vector_store %arg7[%swap3A_501, %swap3A_502], %swap3A_505 {strides = array<i32>} : memref<32x80xf32, #tpu.memory_space<vmem>>, vector<1x16xf32>,
    %div3A_506 = arith.divf %exp3A_460, %add3A_498 : vector<16xf32>
    %swap3A_507 = arith.constant 3 : i32
    %swap3A_508 = arith.index_cast %swap3A_507 : i32 to index
    %swap3A_509 = arith.constant 16 : index
    %swap3A_510 = tpu.vector_load %arg7[%swap3A_508, %swap3A_509] {strides = array<i32>} : memref<32x80xf32, #tpu.memory_space<vmem>>, vector<1x16xf32>,
    %swap3A_511 = vector.shape_cast %swap3A_510 : vector<1x16xf32> to vector<16xf32>
    %swap3A_512 = vector.shape_cast %div3A_506 : vector<16xf32> to vector<1x16xf32>
    tpu.vector_store %arg7[%swap3A_508, %swap3A_509], %swap3A_512 {strides = array<i32>} : memref<32x80xf32, #tpu.memory_space<vmem>>, vector<1x16xf32>,
    %div3A_513 = arith.divf %exp3A_462, %add3A_498 : vector<16xf32>
    %swap3A_514 = arith.constant 3 : i32
    %swap3A_515 = arith.index_cast %swap3A_514 : i32 to index
    %swap3A_516 = arith.constant 32 : index
    %swap3A_517 = tpu.vector_load %arg7[%swap3A_515, %swap3A_516] {strides = array<i32>} : memref<32x80xf32, #tpu.memory_space<vmem>>, vector<1x16xf32>,
    %swap3A_518 = vector.shape_cast %swap3A_517 : vector<1x16xf32> to vector<16xf32>
    %swap3A_519 = vector.shape_cast %div3A_513 : vector<16xf32> to vector<1x16xf32>
    tpu.vector_store %arg7[%swap3A_515, %swap3A_516], %swap3A_519 {strides = array<i32>} : memref<32x80xf32, #tpu.memory_space<vmem>>, vector<1x16xf32>,
    %div3A_520 = arith.divf %exp3A_464, %add3A_498 : vector<16xf32>
    %swap3A_521 = arith.constant 3 : i32
    %swap3A_522 = arith.index_cast %swap3A_521 : i32 to index
    %swap3A_523 = arith.constant 48 : index
    %swap3A_524 = tpu.vector_load %arg7[%swap3A_522, %swap3A_523] {strides = array<i32>} : memref<32x80xf32, #tpu.memory_space<vmem>>, vector<1x16xf32>,
    %swap3A_525 = vector.shape_cast %swap3A_524 : vector<1x16xf32> to vector<16xf32>
    %swap3A_526 = vector.shape_cast %div3A_520 : vector<16xf32> to vector<1x16xf32>
    tpu.vector_store %arg7[%swap3A_522, %swap3A_523], %swap3A_526 {strides = array<i32>} : memref<32x80xf32, #tpu.memory_space<vmem>>, vector<1x16xf32>,
    %div3A_527 = arith.divf %exp3A_466, %add3A_498 : vector<16xf32>
    %swap3A_528 = arith.constant 3 : i32
    %swap3A_529 = arith.index_cast %swap3A_528 : i32 to index
    %swap3A_530 = arith.constant 64 : index
    %swap3A_531 = tpu.vector_load %arg7[%swap3A_529, %swap3A_530] {strides = array<i32>} : memref<32x80xf32, #tpu.memory_space<vmem>>, vector<1x16xf32>,
    %swap3A_532 = vector.shape_cast %swap3A_531 : vector<1x16xf32> to vector<16xf32>
    %swap3A_533 = vector.shape_cast %div3A_527 : vector<16xf32> to vector<1x16xf32>
    tpu.vector_store %arg7[%swap3A_529, %swap3A_530], %swap3A_533 {strides = array<i32>} : memref<32x80xf32, #tpu.memory_space<vmem>>, vector<1x16xf32>,
    %get3A_534 = arith.constant 4 : i32
    %get3A_535 = arith.index_cast %get3A_534 : i32 to index
    %get3A_536 = arith.constant 0 : index
    %get3A_537 = tpu.vector_load %arg6[%get3A_535, %get3A_536] {strides = array<i32>} : memref<32x80xf32, #tpu.memory_space<vmem>>, vector<1x16xf32>,
    %get3A_538 = vector.shape_cast %get3A_537 : vector<1x16xf32> to vector<16xf32>
    %get3A_539 = arith.constant 4 : i32
    %get3A_540 = arith.index_cast %get3A_539 : i32 to index
    %get3A_541 = arith.constant 16 : index
    %get3A_542 = tpu.vector_load %arg6[%get3A_540, %get3A_541] {strides = array<i32>} : memref<32x80xf32, #tpu.memory_space<vmem>>, vector<1x16xf32>,
    %get3A_543 = vector.shape_cast %get3A_542 : vector<1x16xf32> to vector<16xf32>
    %get3A_544 = arith.constant 4 : i32
    %get3A_545 = arith.index_cast %get3A_544 : i32 to index
    %get3A_546 = arith.constant 32 : index
    %get3A_547 = tpu.vector_load %arg6[%get3A_545, %get3A_546] {strides = array<i32>} : memref<32x80xf32, #tpu.memory_space<vmem>>, vector<1x16xf32>,
    %get3A_548 = vector.shape_cast %get3A_547 : vector<1x16xf32> to vector<16xf32>
    %get3A_549 = arith.constant 4 : i32
    %get3A_550 = arith.index_cast %get3A_549 : i32 to index
    %get3A_551 = arith.constant 48 : index
    %get3A_552 = tpu.vector_load %arg6[%get3A_550, %get3A_551] {strides = array<i32>} : memref<32x80xf32, #tpu.memory_space<vmem>>, vector<1x16xf32>,
    %get3A_553 = vector.shape_cast %get3A_552 : vector<1x16xf32> to vector<16xf32>
    %get3A_554 = arith.constant 4 : i32
    %get3A_555 = arith.index_cast %get3A_554 : i32 to index
    %get3A_556 = arith.constant 64 : index
    %get3A_557 = tpu.vector_load %arg6[%get3A_555, %get3A_556] {strides = array<i32>} : memref<32x80xf32, #tpu.memory_space<vmem>>, vector<1x16xf32>,
    %get3A_558 = vector.shape_cast %get3A_557 : vector<1x16xf32> to vector<16xf32>
    %max3A_559 = arith.maximumf %get3A_538, %get3A_543 : vector<16xf32>
    %max3A_560 = arith.maximumf %get3A_548, %get3A_553 : vector<16xf32>
    %max3A_561 = arith.maximumf %max3A_559, %max3A_560 : vector<16xf32>
    %max3A_562 = arith.maximumf %max3A_561, %get3A_558 : vector<16xf32>
    %xor3A_563 = arith.constant 8 : i32
    %xor3A_564 = vector.broadcast %xor3A_563 : i32 to vector<16xi32>
    %xor3A_565 = arith.xori %iota3A, %xor3A_564 : vector<16xi32>
    %broadcast_in_dim3A_566 = vector.shape_cast %xor3A_565 : vector<16xi32> to vector<16x1xi32>
    %gather3A_567 = vector.shape_cast %broadcast_in_dim3A_566 : vector<16x1xi32> to vector<16xi32>
    %gather3A_568 = tpu.dynamic_gather %max3A_562[%gather3A_567] in [0] : vector<16xf32>, vector<16xi32> -> vector<16xf32>
    %max3A_569 = arith.maximumf %max3A_562, %gather3A_568 : vector<16xf32>
    %xor3A_570 = arith.constant 4 : i32
    %xor3A_571 = vector.broadcast %xor3A_570 : i32 to vector<16xi32>
    %xor3A_572 = arith.xori %iota3A, %xor3A_571 : vector<16xi32>
    %broadcast_in_dim3A_573 = vector.shape_cast %xor3A_572 : vector<16xi32> to vector<16x1xi32>
    %gather3A_574 = vector.shape_cast %broadcast_in_dim3A_573 : vector<16x1xi32> to vector<16xi32>
    %gather3A_575 = tpu.dynamic_gather %max3A_569[%gather3A_574] in [0] : vector<16xf32>, vector<16xi32> -> vector<16xf32>
    %max3A_576 = arith.maximumf %max3A_569, %gather3A_575 : vector<16xf32>
    %xor3A_577 = arith.constant 2 : i32
    %xor3A_578 = vector.broadcast %xor3A_577 : i32 to vector<16xi32>
    %xor3A_579 = arith.xori %iota3A, %xor3A_578 : vector<16xi32>
    %broadcast_in_dim3A_580 = vector.shape_cast %xor3A_579 : vector<16xi32> to vector<16x1xi32>
    %gather3A_581 = vector.shape_cast %broadcast_in_dim3A_580 : vector<16x1xi32> to vector<16xi32>
    %gather3A_582 = tpu.dynamic_gather %max3A_576[%gather3A_581] in [0] : vector<16xf32>, vector<16xi32> -> vector<16xf32>
    %max3A_583 = arith.maximumf %max3A_576, %gather3A_582 : vector<16xf32>
    %xor3A_584 = arith.constant 1 : i32
    %xor3A_585 = vector.broadcast %xor3A_584 : i32 to vector<16xi32>
    %xor3A_586 = arith.xori %iota3A, %xor3A_585 : vector<16xi32>
    %broadcast_in_dim3A_587 = vector.shape_cast %xor3A_586 : vector<16xi32> to vector<16x1xi32>
    %gather3A_588 = vector.shape_cast %broadcast_in_dim3A_587 : vector<16x1xi32> to vector<16xi32>
    %gather3A_589 = tpu.dynamic_gather %max3A_583[%gather3A_588] in [0] : vector<16xf32>, vector<16xi32> -> vector<16xf32>
    %max3A_590 = arith.maximumf %max3A_583, %gather3A_589 : vector<16xf32>
    %sub3A_591 = arith.subf %get3A_538, %max3A_590 : vector<16xf32>
    %exp3A_592 = math.exp %sub3A_591 : vector<16xf32>
    %sub3A_593 = arith.subf %get3A_543, %max3A_590 : vector<16xf32>
    %exp3A_594 = math.exp %sub3A_593 : vector<16xf32>
    %sub3A_595 = arith.subf %get3A_548, %max3A_590 : vector<16xf32>
    %exp3A_596 = math.exp %sub3A_595 : vector<16xf32>
    %sub3A_597 = arith.subf %get3A_553, %max3A_590 : vector<16xf32>
    %exp3A_598 = math.exp %sub3A_597 : vector<16xf32>
    %sub3A_599 = arith.subf %get3A_558, %max3A_590 : vector<16xf32>
    %exp3A_600 = math.exp %sub3A_599 : vector<16xf32>
    %add3A_601 = arith.addf %exp3A_592, %exp3A_594 : vector<16xf32>
    %add3A_602 = arith.addf %exp3A_596, %exp3A_598 : vector<16xf32>
    %add3A_603 = arith.addf %add3A_601, %add3A_602 : vector<16xf32>
    %add3A_604 = arith.addf %add3A_603, %exp3A_600 : vector<16xf32>
    %xor3A_605 = arith.constant 8 : i32
    %xor3A_606 = vector.broadcast %xor3A_605 : i32 to vector<16xi32>
    %xor3A_607 = arith.xori %iota3A, %xor3A_606 : vector<16xi32>
    %broadcast_in_dim3A_608 = vector.shape_cast %xor3A_607 : vector<16xi32> to vector<16x1xi32>
    %gather3A_609 = vector.shape_cast %broadcast_in_dim3A_608 : vector<16x1xi32> to vector<16xi32>
    %gather3A_610 = tpu.dynamic_gather %add3A_604[%gather3A_609] in [0] : vector<16xf32>, vector<16xi32> -> vector<16xf32>
    %add3A_611 = arith.addf %add3A_604, %gather3A_610 : vector<16xf32>
    %xor3A_612 = arith.constant 4 : i32
    %xor3A_613 = vector.broadcast %xor3A_612 : i32 to vector<16xi32>
    %xor3A_614 = arith.xori %iota3A, %xor3A_613 : vector<16xi32>
    %broadcast_in_dim3A_615 = vector.shape_cast %xor3A_614 : vector<16xi32> to vector<16x1xi32>
    %gather3A_616 = vector.shape_cast %broadcast_in_dim3A_615 : vector<16x1xi32> to vector<16xi32>
    %gather3A_617 = tpu.dynamic_gather %add3A_611[%gather3A_616] in [0] : vector<16xf32>, vector<16xi32> -> vector<16xf32>
    %add3A_618 = arith.addf %add3A_611, %gather3A_617 : vector<16xf32>
    %xor3A_619 = arith.constant 2 : i32
    %xor3A_620 = vector.broadcast %xor3A_619 : i32 to vector<16xi32>
    %xor3A_621 = arith.xori %iota3A, %xor3A_620 : vector<16xi32>
    %broadcast_in_dim3A_622 = vector.shape_cast %xor3A_621 : vector<16xi32> to vector<16x1xi32>
    %gather3A_623 = vector.shape_cast %broadcast_in_dim3A_622 : vector<16x1xi32> to vector<16xi32>
    %gather3A_624 = tpu.dynamic_gather %add3A_618[%gather3A_623] in [0] : vector<16xf32>, vector<16xi32> -> vector<16xf32>
    %add3A_625 = arith.addf %add3A_618, %gather3A_624 : vector<16xf32>
    %xor3A_626 = arith.constant 1 : i32
    %xor3A_627 = vector.broadcast %xor3A_626 : i32 to vector<16xi32>
    %xor3A_628 = arith.xori %iota3A, %xor3A_627 : vector<16xi32>
    %broadcast_in_dim3A_629 = vector.shape_cast %xor3A_628 : vector<16xi32> to vector<16x1xi32>
    %gather3A_630 = vector.shape_cast %broadcast_in_dim3A_629 : vector<16x1xi32> to vector<16xi32>
    %gather3A_631 = tpu.dynamic_gather %add3A_625[%gather3A_630] in [0] : vector<16xf32>, vector<16xi32> -> vector<16xf32>
    %add3A_632 = arith.addf %add3A_625, %gather3A_631 : vector<16xf32>
    %div3A_633 = arith.divf %exp3A_592, %add3A_632 : vector<16xf32>
    %swap3A_634 = arith.constant 4 : i32
    %swap3A_635 = arith.index_cast %swap3A_634 : i32 to index
    %swap3A_636 = arith.constant 0 : index
    %swap3A_637 = tpu.vector_load %arg7[%swap3A_635, %swap3A_636] {strides = array<i32>} : memref<32x80xf32, #tpu.memory_space<vmem>>, vector<1x16xf32>,
    %swap3A_638 = vector.shape_cast %swap3A_637 : vector<1x16xf32> to vector<16xf32>
    %swap3A_639 = vector.shape_cast %div3A_633 : vector<16xf32> to vector<1x16xf32>
    tpu.vector_store %arg7[%swap3A_635, %swap3A_636], %swap3A_639 {strides = array<i32>} : memref<32x80xf32, #tpu.memory_space<vmem>>, vector<1x16xf32>,
    %div3A_640 = arith.divf %exp3A_594, %add3A_632 : vector<16xf32>
    %swap3A_641 = arith.constant 4 : i32
    %swap3A_642 = arith.index_cast %swap3A_641 : i32 to index
    %swap3A_643 = arith.constant 16 : index
    %swap3A_644 = tpu.vector_load %arg7[%swap3A_642, %swap3A_643] {strides = array<i32>} : memref<32x80xf32, #tpu.memory_space<vmem>>, vector<1x16xf32>,
    %swap3A_645 = vector.shape_cast %swap3A_644 : vector<1x16xf32> to vector<16xf32>
    %swap3A_646 = vector.shape_cast %div3A_640 : vector<16xf32> to vector<1x16xf32>
    tpu.vector_store %arg7[%swap3A_642, %swap3A_643], %swap3A_646 {strides = array<i32>} : memref<32x80xf32, #tpu.memory_space<vmem>>, vector<1x16xf32>,
    %div3A_647 = arith.divf %exp3A_596, %add3A_632 : vector<16xf32>
    %swap3A_648 = arith.constant 4 : i32
    %swap3A_649 = arith.index_cast %swap3A_648 : i32 to index
    %swap3A_650 = arith.constant 32 : index
    %swap3A_651 = tpu.vector_load %arg7[%swap3A_649, %swap3A_650] {strides = array<i32>} : memref<32x80xf32, #tpu.memory_space<vmem>>, vector<1x16xf32>,
    %swap3A_652 = vector.shape_cast %swap3A_651 : vector<1x16xf32> to vector<16xf32>
    %swap3A_653 = vector.shape_cast %div3A_647 : vector<16xf32> to vector<1x16xf32>
    tpu.vector_store %arg7[%swap3A_649, %swap3A_650], %swap3A_653 {strides = array<i32>} : memref<32x80xf32, #tpu.memory_space<vmem>>, vector<1x16xf32>,
    %div3A_654 = arith.divf %exp3A_598, %add3A_632 : vector<16xf32>
    %swap3A_655 = arith.constant 4 : i32
    %swap3A_656 = arith.index_cast %swap3A_655 : i32 to index
    %swap3A_657 = arith.constant 48 : index
    %swap3A_658 = tpu.vector_load %arg7[%swap3A_656, %swap3A_657] {strides = array<i32>} : memref<32x80xf32, #tpu.memory_space<vmem>>, vector<1x16xf32>,
    %swap3A_659 = vector.shape_cast %swap3A_658 : vector<1x16xf32> to vector<16xf32>
    %swap3A_660 = vector.shape_cast %div3A_654 : vector<16xf32> to vector<1x16xf32>
    tpu.vector_store %arg7[%swap3A_656, %swap3A_657], %swap3A_660 {strides = array<i32>} : memref<32x80xf32, #tpu.memory_space<vmem>>, vector<1x16xf32>,
    %div3A_661 = arith.divf %exp3A_600, %add3A_632 : vector<16xf32>
    %swap3A_662 = arith.constant 4 : i32
    %swap3A_663 = arith.index_cast %swap3A_662 : i32 to index
    %swap3A_664 = arith.constant 64 : index
    %swap3A_665 = tpu.vector_load %arg7[%swap3A_663, %swap3A_664] {strides = array<i32>} : memref<32x80xf32, #tpu.memory_space<vmem>>, vector<1x16xf32>,
    %swap3A_666 = vector.shape_cast %swap3A_665 : vector<1x16xf32> to vector<16xf32>
    %swap3A_667 = vector.shape_cast %div3A_661 : vector<16xf32> to vector<1x16xf32>
    tpu.vector_store %arg7[%swap3A_663, %swap3A_664], %swap3A_667 {strides = array<i32>} : memref<32x80xf32, #tpu.memory_space<vmem>>, vector<1x16xf32>,
    %get3A_668 = arith.constant 5 : i32
    %get3A_669 = arith.index_cast %get3A_668 : i32 to index
    %get3A_670 = arith.constant 0 : index
    %get3A_671 = tpu.vector_load %arg6[%get3A_669, %get3A_670] {strides = array<i32>} : memref<32x80xf32, #tpu.memory_space<vmem>>, vector<1x16xf32>,
    %get3A_672 = vector.shape_cast %get3A_671 : vector<1x16xf32> to vector<16xf32>
    %get3A_673 = arith.constant 5 : i32
    %get3A_674 = arith.index_cast %get3A_673 : i32 to index
    %get3A_675 = arith.constant 16 : index
    %get3A_676 = tpu.vector_load %arg6[%get3A_674, %get3A_675] {strides = array<i32>} : memref<32x80xf32, #tpu.memory_space<vmem>>, vector<1x16xf32>,
    %get3A_677 = vector.shape_cast %get3A_676 : vector<1x16xf32> to vector<16xf32>
    %get3A_678 = arith.constant 5 : i32
    %get3A_679 = arith.index_cast %get3A_678 : i32 to index
    %get3A_680 = arith.constant 32 : index
    %get3A_681 = tpu.vector_load %arg6[%get3A_679, %get3A_680] {strides = array<i32>} : memref<32x80xf32, #tpu.memory_space<vmem>>, vector<1x16xf32>,
    %get3A_682 = vector.shape_cast %get3A_681 : vector<1x16xf32> to vector<16xf32>
    %get3A_683 = arith.constant 5 : i32
    %get3A_684 = arith.index_cast %get3A_683 : i32 to index
    %get3A_685 = arith.constant 48 : index
    %get3A_686 = tpu.vector_load %arg6[%get3A_684, %get3A_685] {strides = array<i32>} : memref<32x80xf32, #tpu.memory_space<vmem>>, vector<1x16xf32>,
    %get3A_687 = vector.shape_cast %get3A_686 : vector<1x16xf32> to vector<16xf32>
    %get3A_688 = arith.constant 5 : i32
    %get3A_689 = arith.index_cast %get3A_688 : i32 to index
    %get3A_690 = arith.constant 64 : index
    %get3A_691 = tpu.vector_load %arg6[%get3A_689, %get3A_690] {strides = array<i32>} : memref<32x80xf32, #tpu.memory_space<vmem>>, vector<1x16xf32>,
    %get3A_692 = vector.shape_cast %get3A_691 : vector<1x16xf32> to vector<16xf32>
    %max3A_693 = arith.maximumf %get3A_672, %get3A_677 : vector<16xf32>
    %max3A_694 = arith.maximumf %get3A_682, %get3A_687 : vector<16xf32>
    %max3A_695 = arith.maximumf %max3A_693, %max3A_694 : vector<16xf32>
    %max3A_696 = arith.maximumf %max3A_695, %get3A_692 : vector<16xf32>
    %xor3A_697 = arith.constant 8 : i32
    %xor3A_698 = vector.broadcast %xor3A_697 : i32 to vector<16xi32>
    %xor3A_699 = arith.xori %iota3A, %xor3A_698 : vector<16xi32>
    %broadcast_in_dim3A_700 = vector.shape_cast %xor3A_699 : vector<16xi32> to vector<16x1xi32>
    %gather3A_701 = vector.shape_cast %broadcast_in_dim3A_700 : vector<16x1xi32> to vector<16xi32>
    %gather3A_702 = tpu.dynamic_gather %max3A_696[%gather3A_701] in [0] : vector<16xf32>, vector<16xi32> -> vector<16xf32>
    %max3A_703 = arith.maximumf %max3A_696, %gather3A_702 : vector<16xf32>
    %xor3A_704 = arith.constant 4 : i32
    %xor3A_705 = vector.broadcast %xor3A_704 : i32 to vector<16xi32>
    %xor3A_706 = arith.xori %iota3A, %xor3A_705 : vector<16xi32>
    %broadcast_in_dim3A_707 = vector.shape_cast %xor3A_706 : vector<16xi32> to vector<16x1xi32>
    %gather3A_708 = vector.shape_cast %broadcast_in_dim3A_707 : vector<16x1xi32> to vector<16xi32>
    %gather3A_709 = tpu.dynamic_gather %max3A_703[%gather3A_708] in [0] : vector<16xf32>, vector<16xi32> -> vector<16xf32>
    %max3A_710 = arith.maximumf %max3A_703, %gather3A_709 : vector<16xf32>
    %xor3A_711 = arith.constant 2 : i32
    %xor3A_712 = vector.broadcast %xor3A_711 : i32 to vector<16xi32>
    %xor3A_713 = arith.xori %iota3A, %xor3A_712 : vector<16xi32>
    %broadcast_in_dim3A_714 = vector.shape_cast %xor3A_713 : vector<16xi32> to vector<16x1xi32>
    %gather3A_715 = vector.shape_cast %broadcast_in_dim3A_714 : vector<16x1xi32> to vector<16xi32>
    %gather3A_716 = tpu.dynamic_gather %max3A_710[%gather3A_715] in [0] : vector<16xf32>, vector<16xi32> -> vector<16xf32>
    %max3A_717 = arith.maximumf %max3A_710, %gather3A_716 : vector<16xf32>
    %xor3A_718 = arith.constant 1 : i32
    %xor3A_719 = vector.broadcast %xor3A_718 : i32 to vector<16xi32>
    %xor3A_720 = arith.xori %iota3A, %xor3A_719 : vector<16xi32>
    %broadcast_in_dim3A_721 = vector.shape_cast %xor3A_720 : vector<16xi32> to vector<16x1xi32>
    %gather3A_722 = vector.shape_cast %broadcast_in_dim3A_721 : vector<16x1xi32> to vector<16xi32>
    %gather3A_723 = tpu.dynamic_gather %max3A_717[%gather3A_722] in [0] : vector<16xf32>, vector<16xi32> -> vector<16xf32>
    %max3A_724 = arith.maximumf %max3A_717, %gather3A_723 : vector<16xf32>
    %sub3A_725 = arith.subf %get3A_672, %max3A_724 : vector<16xf32>
    %exp3A_726 = math.exp %sub3A_725 : vector<16xf32>
    %sub3A_727 = arith.subf %get3A_677, %max3A_724 : vector<16xf32>
    %exp3A_728 = math.exp %sub3A_727 : vector<16xf32>
    %sub3A_729 = arith.subf %get3A_682, %max3A_724 : vector<16xf32>
    %exp3A_730 = math.exp %sub3A_729 : vector<16xf32>
    %sub3A_731 = arith.subf %get3A_687, %max3A_724 : vector<16xf32>
    %exp3A_732 = math.exp %sub3A_731 : vector<16xf32>
    %sub3A_733 = arith.subf %get3A_692, %max3A_724 : vector<16xf32>
    %exp3A_734 = math.exp %sub3A_733 : vector<16xf32>
    %add3A_735 = arith.addf %exp3A_726, %exp3A_728 : vector<16xf32>
    %add3A_736 = arith.addf %exp3A_730, %exp3A_732 : vector<16xf32>
    %add3A_737 = arith.addf %add3A_735, %add3A_736 : vector<16xf32>
    %add3A_738 = arith.addf %add3A_737, %exp3A_734 : vector<16xf32>
    %xor3A_739 = arith.constant 8 : i32
    %xor3A_740 = vector.broadcast %xor3A_739 : i32 to vector<16xi32>
    %xor3A_741 = arith.xori %iota3A, %xor3A_740 : vector<16xi32>
    %broadcast_in_dim3A_742 = vector.shape_cast %xor3A_741 : vector<16xi32> to vector<16x1xi32>
    %gather3A_743 = vector.shape_cast %broadcast_in_dim3A_742 : vector<16x1xi32> to vector<16xi32>
    %gather3A_744 = tpu.dynamic_gather %add3A_738[%gather3A_743] in [0] : vector<16xf32>, vector<16xi32> -> vector<16xf32>
    %add3A_745 = arith.addf %add3A_738, %gather3A_744 : vector<16xf32>
    %xor3A_746 = arith.constant 4 : i32
    %xor3A_747 = vector.broadcast %xor3A_746 : i32 to vector<16xi32>
    %xor3A_748 = arith.xori %iota3A, %xor3A_747 : vector<16xi32>
    %broadcast_in_dim3A_749 = vector.shape_cast %xor3A_748 : vector<16xi32> to vector<16x1xi32>
    %gather3A_750 = vector.shape_cast %broadcast_in_dim3A_749 : vector<16x1xi32> to vector<16xi32>
    %gather3A_751 = tpu.dynamic_gather %add3A_745[%gather3A_750] in [0] : vector<16xf32>, vector<16xi32> -> vector<16xf32>
    %add3A_752 = arith.addf %add3A_745, %gather3A_751 : vector<16xf32>
    %xor3A_753 = arith.constant 2 : i32
    %xor3A_754 = vector.broadcast %xor3A_753 : i32 to vector<16xi32>
    %xor3A_755 = arith.xori %iota3A, %xor3A_754 : vector<16xi32>
    %broadcast_in_dim3A_756 = vector.shape_cast %xor3A_755 : vector<16xi32> to vector<16x1xi32>
    %gather3A_757 = vector.shape_cast %broadcast_in_dim3A_756 : vector<16x1xi32> to vector<16xi32>
    %gather3A_758 = tpu.dynamic_gather %add3A_752[%gather3A_757] in [0] : vector<16xf32>, vector<16xi32> -> vector<16xf32>
    %add3A_759 = arith.addf %add3A_752, %gather3A_758 : vector<16xf32>
    %xor3A_760 = arith.constant 1 : i32
    %xor3A_761 = vector.broadcast %xor3A_760 : i32 to vector<16xi32>
    %xor3A_762 = arith.xori %iota3A, %xor3A_761 : vector<16xi32>
    %broadcast_in_dim3A_763 = vector.shape_cast %xor3A_762 : vector<16xi32> to vector<16x1xi32>
    %gather3A_764 = vector.shape_cast %broadcast_in_dim3A_763 : vector<16x1xi32> to vector<16xi32>
    %gather3A_765 = tpu.dynamic_gather %add3A_759[%gather3A_764] in [0] : vector<16xf32>, vector<16xi32> -> vector<16xf32>
    %add3A_766 = arith.addf %add3A_759, %gather3A_765 : vector<16xf32>
    %div3A_767 = arith.divf %exp3A_726, %add3A_766 : vector<16xf32>
    %swap3A_768 = arith.constant 5 : i32
    %swap3A_769 = arith.index_cast %swap3A_768 : i32 to index
    %swap3A_770 = arith.constant 0 : index
    %swap3A_771 = tpu.vector_load %arg7[%swap3A_769, %swap3A_770] {strides = array<i32>} : memref<32x80xf32, #tpu.memory_space<vmem>>, vector<1x16xf32>,
    %swap3A_772 = vector.shape_cast %swap3A_771 : vector<1x16xf32> to vector<16xf32>
    %swap3A_773 = vector.shape_cast %div3A_767 : vector<16xf32> to vector<1x16xf32>
    tpu.vector_store %arg7[%swap3A_769, %swap3A_770], %swap3A_773 {strides = array<i32>} : memref<32x80xf32, #tpu.memory_space<vmem>>, vector<1x16xf32>,
    %div3A_774 = arith.divf %exp3A_728, %add3A_766 : vector<16xf32>
    %swap3A_775 = arith.constant 5 : i32
    %swap3A_776 = arith.index_cast %swap3A_775 : i32 to index
    %swap3A_777 = arith.constant 16 : index
    %swap3A_778 = tpu.vector_load %arg7[%swap3A_776, %swap3A_777] {strides = array<i32>} : memref<32x80xf32, #tpu.memory_space<vmem>>, vector<1x16xf32>,
    %swap3A_779 = vector.shape_cast %swap3A_778 : vector<1x16xf32> to vector<16xf32>
    %swap3A_780 = vector.shape_cast %div3A_774 : vector<16xf32> to vector<1x16xf32>
    tpu.vector_store %arg7[%swap3A_776, %swap3A_777], %swap3A_780 {strides = array<i32>} : memref<32x80xf32, #tpu.memory_space<vmem>>, vector<1x16xf32>,
    %div3A_781 = arith.divf %exp3A_730, %add3A_766 : vector<16xf32>
    %swap3A_782 = arith.constant 5 : i32
    %swap3A_783 = arith.index_cast %swap3A_782 : i32 to index
    %swap3A_784 = arith.constant 32 : index
    %swap3A_785 = tpu.vector_load %arg7[%swap3A_783, %swap3A_784] {strides = array<i32>} : memref<32x80xf32, #tpu.memory_space<vmem>>, vector<1x16xf32>,
    %swap3A_786 = vector.shape_cast %swap3A_785 : vector<1x16xf32> to vector<16xf32>
    %swap3A_787 = vector.shape_cast %div3A_781 : vector<16xf32> to vector<1x16xf32>
    tpu.vector_store %arg7[%swap3A_783, %swap3A_784], %swap3A_787 {strides = array<i32>} : memref<32x80xf32, #tpu.memory_space<vmem>>, vector<1x16xf32>,
    %div3A_788 = arith.divf %exp3A_732, %add3A_766 : vector<16xf32>
    %swap3A_789 = arith.constant 5 : i32
    %swap3A_790 = arith.index_cast %swap3A_789 : i32 to index
    %swap3A_791 = arith.constant 48 : index
    %swap3A_792 = tpu.vector_load %arg7[%swap3A_790, %swap3A_791] {strides = array<i32>} : memref<32x80xf32, #tpu.memory_space<vmem>>, vector<1x16xf32>,
    %swap3A_793 = vector.shape_cast %swap3A_792 : vector<1x16xf32> to vector<16xf32>
    %swap3A_794 = vector.shape_cast %div3A_788 : vector<16xf32> to vector<1x16xf32>
    tpu.vector_store %arg7[%swap3A_790, %swap3A_791], %swap3A_794 {strides = array<i32>} : memref<32x80xf32, #tpu.memory_space<vmem>>, vector<1x16xf32>,
    %div3A_795 = arith.divf %exp3A_734, %add3A_766 : vector<16xf32>
    %swap3A_796 = arith.constant 5 : i32
    %swap3A_797 = arith.index_cast %swap3A_796 : i32 to index
    %swap3A_798 = arith.constant 64 : index
    %swap3A_799 = tpu.vector_load %arg7[%swap3A_797, %swap3A_798] {strides = array<i32>} : memref<32x80xf32, #tpu.memory_space<vmem>>, vector<1x16xf32>,
    %swap3A_800 = vector.shape_cast %swap3A_799 : vector<1x16xf32> to vector<16xf32>
    %swap3A_801 = vector.shape_cast %div3A_795 : vector<16xf32> to vector<1x16xf32>
    tpu.vector_store %arg7[%swap3A_797, %swap3A_798], %swap3A_801 {strides = array<i32>} : memref<32x80xf32, #tpu.memory_space<vmem>>, vector<1x16xf32>,
    %get3A_802 = arith.constant 6 : i32
    %get3A_803 = arith.index_cast %get3A_802 : i32 to index
    %get3A_804 = arith.constant 0 : index
    %get3A_805 = tpu.vector_load %arg6[%get3A_803, %get3A_804] {strides = array<i32>} : memref<32x80xf32, #tpu.memory_space<vmem>>, vector<1x16xf32>,
    %get3A_806 = vector.shape_cast %get3A_805 : vector<1x16xf32> to vector<16xf32>
    %get3A_807 = arith.constant 6 : i32
    %get3A_808 = arith.index_cast %get3A_807 : i32 to index
    %get3A_809 = arith.constant 16 : index
    %get3A_810 = tpu.vector_load %arg6[%get3A_808, %get3A_809] {strides = array<i32>} : memref<32x80xf32, #tpu.memory_space<vmem>>, vector<1x16xf32>,
    %get3A_811 = vector.shape_cast %get3A_810 : vector<1x16xf32> to vector<16xf32>
    %get3A_812 = arith.constant 6 : i32
    %get3A_813 = arith.index_cast %get3A_812 : i32 to index
    %get3A_814 = arith.constant 32 : index
    %get3A_815 = tpu.vector_load %arg6[%get3A_813, %get3A_814] {strides = array<i32>} : memref<32x80xf32, #tpu.memory_space<vmem>>, vector<1x16xf32>,
    %get3A_816 = vector.shape_cast %get3A_815 : vector<1x16xf32> to vector<16xf32>
    %get3A_817 = arith.constant 6 : i32
    %get3A_818 = arith.index_cast %get3A_817 : i32 to index
    %get3A_819 = arith.constant 48 : index
    %get3A_820 = tpu.vector_load %arg6[%get3A_818, %get3A_819] {strides = array<i32>} : memref<32x80xf32, #tpu.memory_space<vmem>>, vector<1x16xf32>,
    %get3A_821 = vector.shape_cast %get3A_820 : vector<1x16xf32> to vector<16xf32>
    %get3A_822 = arith.constant 6 : i32
    %get3A_823 = arith.index_cast %get3A_822 : i32 to index
    %get3A_824 = arith.constant 64 : index
    %get3A_825 = tpu.vector_load %arg6[%get3A_823, %get3A_824] {strides = array<i32>} : memref<32x80xf32, #tpu.memory_space<vmem>>, vector<1x16xf32>,
    %get3A_826 = vector.shape_cast %get3A_825 : vector<1x16xf32> to vector<16xf32>
    %max3A_827 = arith.maximumf %get3A_806, %get3A_811 : vector<16xf32>
    %max3A_828 = arith.maximumf %get3A_816, %get3A_821 : vector<16xf32>
    %max3A_829 = arith.maximumf %max3A_827, %max3A_828 : vector<16xf32>
    %max3A_830 = arith.maximumf %max3A_829, %get3A_826 : vector<16xf32>
    %xor3A_831 = arith.constant 8 : i32
    %xor3A_832 = vector.broadcast %xor3A_831 : i32 to vector<16xi32>
    %xor3A_833 = arith.xori %iota3A, %xor3A_832 : vector<16xi32>
    %broadcast_in_dim3A_834 = vector.shape_cast %xor3A_833 : vector<16xi32> to vector<16x1xi32>
    %gather3A_835 = vector.shape_cast %broadcast_in_dim3A_834 : vector<16x1xi32> to vector<16xi32>
    %gather3A_836 = tpu.dynamic_gather %max3A_830[%gather3A_835] in [0] : vector<16xf32>, vector<16xi32> -> vector<16xf32>
    %max3A_837 = arith.maximumf %max3A_830, %gather3A_836 : vector<16xf32>
    %xor3A_838 = arith.constant 4 : i32
    %xor3A_839 = vector.broadcast %xor3A_838 : i32 to vector<16xi32>
    %xor3A_840 = arith.xori %iota3A, %xor3A_839 : vector<16xi32>
    %broadcast_in_dim3A_841 = vector.shape_cast %xor3A_840 : vector<16xi32> to vector<16x1xi32>
    %gather3A_842 = vector.shape_cast %broadcast_in_dim3A_841 : vector<16x1xi32> to vector<16xi32>
    %gather3A_843 = tpu.dynamic_gather %max3A_837[%gather3A_842] in [0] : vector<16xf32>, vector<16xi32> -> vector<16xf32>
    %max3A_844 = arith.maximumf %max3A_837, %gather3A_843 : vector<16xf32>
    %xor3A_845 = arith.constant 2 : i32
    %xor3A_846 = vector.broadcast %xor3A_845 : i32 to vector<16xi32>
    %xor3A_847 = arith.xori %iota3A, %xor3A_846 : vector<16xi32>
    %broadcast_in_dim3A_848 = vector.shape_cast %xor3A_847 : vector<16xi32> to vector<16x1xi32>
    %gather3A_849 = vector.shape_cast %broadcast_in_dim3A_848 : vector<16x1xi32> to vector<16xi32>
    %gather3A_850 = tpu.dynamic_gather %max3A_844[%gather3A_849] in [0] : vector<16xf32>, vector<16xi32> -> vector<16xf32>
    %max3A_851 = arith.maximumf %max3A_844, %gather3A_850 : vector<16xf32>
    %xor3A_852 = arith.constant 1 : i32
    %xor3A_853 = vector.broadcast %xor3A_852 : i32 to vector<16xi32>
    %xor3A_854 = arith.xori %iota3A, %xor3A_853 : vector<16xi32>
    %broadcast_in_dim3A_855 = vector.shape_cast %xor3A_854 : vector<16xi32> to vector<16x1xi32>
    %gather3A_856 = vector.shape_cast %broadcast_in_dim3A_855 : vector<16x1xi32> to vector<16xi32>
    %gather3A_857 = tpu.dynamic_gather %max3A_851[%gather3A_856] in [0] : vector<16xf32>, vector<16xi32> -> vector<16xf32>
    %max3A_858 = arith.maximumf %max3A_851, %gather3A_857 : vector<16xf32>
    %sub3A_859 = arith.subf %get3A_806, %max3A_858 : vector<16xf32>
    %exp3A_860 = math.exp %sub3A_859 : vector<16xf32>
    %sub3A_861 = arith.subf %get3A_811, %max3A_858 : vector<16xf32>
    %exp3A_862 = math.exp %sub3A_861 : vector<16xf32>
    %sub3A_863 = arith.subf %get3A_816, %max3A_858 : vector<16xf32>
    %exp3A_864 = math.exp %sub3A_863 : vector<16xf32>
    %sub3A_865 = arith.subf %get3A_821, %max3A_858 : vector<16xf32>
    %exp3A_866 = math.exp %sub3A_865 : vector<16xf32>
    %sub3A_867 = arith.subf %get3A_826, %max3A_858 : vector<16xf32>
    %exp3A_868 = math.exp %sub3A_867 : vector<16xf32>
    %add3A_869 = arith.addf %exp3A_860, %exp3A_862 : vector<16xf32>
    %add3A_870 = arith.addf %exp3A_864, %exp3A_866 : vector<16xf32>
    %add3A_871 = arith.addf %add3A_869, %add3A_870 : vector<16xf32>
    %add3A_872 = arith.addf %add3A_871, %exp3A_868 : vector<16xf32>
    %xor3A_873 = arith.constant 8 : i32
    %xor3A_874 = vector.broadcast %xor3A_873 : i32 to vector<16xi32>
    %xor3A_875 = arith.xori %iota3A, %xor3A_874 : vector<16xi32>
    %broadcast_in_dim3A_876 = vector.shape_cast %xor3A_875 : vector<16xi32> to vector<16x1xi32>
    %gather3A_877 = vector.shape_cast %broadcast_in_dim3A_876 : vector<16x1xi32> to vector<16xi32>
    %gather3A_878 = tpu.dynamic_gather %add3A_872[%gather3A_877] in [0] : vector<16xf32>, vector<16xi32> -> vector<16xf32>
    %add3A_879 = arith.addf %add3A_872, %gather3A_878 : vector<16xf32>
    %xor3A_880 = arith.constant 4 : i32
    %xor3A_881 = vector.broadcast %xor3A_880 : i32 to vector<16xi32>
    %xor3A_882 = arith.xori %iota3A, %xor3A_881 : vector<16xi32>
    %broadcast_in_dim3A_883 = vector.shape_cast %xor3A_882 : vector<16xi32> to vector<16x1xi32>
    %gather3A_884 = vector.shape_cast %broadcast_in_dim3A_883 : vector<16x1xi32> to vector<16xi32>
    %gather3A_885 = tpu.dynamic_gather %add3A_879[%gather3A_884] in [0] : vector<16xf32>, vector<16xi32> -> vector<16xf32>
    %add3A_886 = arith.addf %add3A_879, %gather3A_885 : vector<16xf32>
    %xor3A_887 = arith.constant 2 : i32
    %xor3A_888 = vector.broadcast %xor3A_887 : i32 to vector<16xi32>
    %xor3A_889 = arith.xori %iota3A, %xor3A_888 : vector<16xi32>
    %broadcast_in_dim3A_890 = vector.shape_cast %xor3A_889 : vector<16xi32> to vector<16x1xi32>
    %gather3A_891 = vector.shape_cast %broadcast_in_dim3A_890 : vector<16x1xi32> to vector<16xi32>
    %gather3A_892 = tpu.dynamic_gather %add3A_886[%gather3A_891] in [0] : vector<16xf32>, vector<16xi32> -> vector<16xf32>
    %add3A_893 = arith.addf %add3A_886, %gather3A_892 : vector<16xf32>
    %xor3A_894 = arith.constant 1 : i32
    %xor3A_895 = vector.broadcast %xor3A_894 : i32 to vector<16xi32>
    %xor3A_896 = arith.xori %iota3A, %xor3A_895 : vector<16xi32>
    %broadcast_in_dim3A_897 = vector.shape_cast %xor3A_896 : vector<16xi32> to vector<16x1xi32>
    %gather3A_898 = vector.shape_cast %broadcast_in_dim3A_897 : vector<16x1xi32> to vector<16xi32>
    %gather3A_899 = tpu.dynamic_gather %add3A_893[%gather3A_898] in [0] : vector<16xf32>, vector<16xi32> -> vector<16xf32>
    %add3A_900 = arith.addf %add3A_893, %gather3A_899 : vector<16xf32>
    %div3A_901 = arith.divf %exp3A_860, %add3A_900 : vector<16xf32>
    %swap3A_902 = arith.constant 6 : i32
    %swap3A_903 = arith.index_cast %swap3A_902 : i32 to index
    %swap3A_904 = arith.constant 0 : index
    %swap3A_905 = tpu.vector_load %arg7[%swap3A_903, %swap3A_904] {strides = array<i32>} : memref<32x80xf32, #tpu.memory_space<vmem>>, vector<1x16xf32>,
    %swap3A_906 = vector.shape_cast %swap3A_905 : vector<1x16xf32> to vector<16xf32>
    %swap3A_907 = vector.shape_cast %div3A_901 : vector<16xf32> to vector<1x16xf32>
    tpu.vector_store %arg7[%swap3A_903, %swap3A_904], %swap3A_907 {strides = array<i32>} : memref<32x80xf32, #tpu.memory_space<vmem>>, vector<1x16xf32>,
    %div3A_908 = arith.divf %exp3A_862, %add3A_900 : vector<16xf32>
    %swap3A_909 = arith.constant 6 : i32
    %swap3A_910 = arith.index_cast %swap3A_909 : i32 to index
    %swap3A_911 = arith.constant 16 : index
    %swap3A_912 = tpu.vector_load %arg7[%swap3A_910, %swap3A_911] {strides = array<i32>} : memref<32x80xf32, #tpu.memory_space<vmem>>, vector<1x16xf32>,
    %swap3A_913 = vector.shape_cast %swap3A_912 : vector<1x16xf32> to vector<16xf32>
    %swap3A_914 = vector.shape_cast %div3A_908 : vector<16xf32> to vector<1x16xf32>
    tpu.vector_store %arg7[%swap3A_910, %swap3A_911], %swap3A_914 {strides = array<i32>} : memref<32x80xf32, #tpu.memory_space<vmem>>, vector<1x16xf32>,
    %div3A_915 = arith.divf %exp3A_864, %add3A_900 : vector<16xf32>
    %swap3A_916 = arith.constant 6 : i32
    %swap3A_917 = arith.index_cast %swap3A_916 : i32 to index
    %swap3A_918 = arith.constant 32 : index
    %swap3A_919 = tpu.vector_load %arg7[%swap3A_917, %swap3A_918] {strides = array<i32>} : memref<32x80xf32, #tpu.memory_space<vmem>>, vector<1x16xf32>,
    %swap3A_920 = vector.shape_cast %swap3A_919 : vector<1x16xf32> to vector<16xf32>
    %swap3A_921 = vector.shape_cast %div3A_915 : vector<16xf32> to vector<1x16xf32>
    tpu.vector_store %arg7[%swap3A_917, %swap3A_918], %swap3A_921 {strides = array<i32>} : memref<32x80xf32, #tpu.memory_space<vmem>>, vector<1x16xf32>,
    %div3A_922 = arith.divf %exp3A_866, %add3A_900 : vector<16xf32>
    %swap3A_923 = arith.constant 6 : i32
    %swap3A_924 = arith.index_cast %swap3A_923 : i32 to index
    %swap3A_925 = arith.constant 48 : index
    %swap3A_926 = tpu.vector_load %arg7[%swap3A_924, %swap3A_925] {strides = array<i32>} : memref<32x80xf32, #tpu.memory_space<vmem>>, vector<1x16xf32>,
    %swap3A_927 = vector.shape_cast %swap3A_926 : vector<1x16xf32> to vector<16xf32>
    %swap3A_928 = vector.shape_cast %div3A_922 : vector<16xf32> to vector<1x16xf32>
    tpu.vector_store %arg7[%swap3A_924, %swap3A_925], %swap3A_928 {strides = array<i32>} : memref<32x80xf32, #tpu.memory_space<vmem>>, vector<1x16xf32>,
    %div3A_929 = arith.divf %exp3A_868, %add3A_900 : vector<16xf32>
    %swap3A_930 = arith.constant 6 : i32
    %swap3A_931 = arith.index_cast %swap3A_930 : i32 to index
    %swap3A_932 = arith.constant 64 : index
    %swap3A_933 = tpu.vector_load %arg7[%swap3A_931, %swap3A_932] {strides = array<i32>} : memref<32x80xf32, #tpu.memory_space<vmem>>, vector<1x16xf32>,
    %swap3A_934 = vector.shape_cast %swap3A_933 : vector<1x16xf32> to vector<16xf32>
    %swap3A_935 = vector.shape_cast %div3A_929 : vector<16xf32> to vector<1x16xf32>
    tpu.vector_store %arg7[%swap3A_931, %swap3A_932], %swap3A_935 {strides = array<i32>} : memref<32x80xf32, #tpu.memory_space<vmem>>, vector<1x16xf32>,
    %get3A_936 = arith.constant 7 : i32
    %get3A_937 = arith.index_cast %get3A_936 : i32 to index
    %get3A_938 = arith.constant 0 : index
    %get3A_939 = tpu.vector_load %arg6[%get3A_937, %get3A_938] {strides = array<i32>} : memref<32x80xf32, #tpu.memory_space<vmem>>, vector<1x16xf32>,
    %get3A_940 = vector.shape_cast %get3A_939 : vector<1x16xf32> to vector<16xf32>
    %get3A_941 = arith.constant 7 : i32
    %get3A_942 = arith.index_cast %get3A_941 : i32 to index
    %get3A_943 = arith.constant 16 : index
    %get3A_944 = tpu.vector_load %arg6[%get3A_942, %get3A_943] {strides = array<i32>} : memref<32x80xf32, #tpu.memory_space<vmem>>, vector<1x16xf32>,
    %get3A_945 = vector.shape_cast %get3A_944 : vector<1x16xf32> to vector<16xf32>
    %get3A_946 = arith.constant 7 : i32
    %get3A_947 = arith.index_cast %get3A_946 : i32 to index
    %get3A_948 = arith.constant 32 : index
    %get3A_949 = tpu.vector_load %arg6[%get3A_947, %get3A_948] {strides = array<i32>} : memref<32x80xf32, #tpu.memory_space<vmem>>, vector<1x16xf32>,
    %get3A_950 = vector.shape_cast %get3A_949 : vector<1x16xf32> to vector<16xf32>
    %get3A_951 = arith.constant 7 : i32
    %get3A_952 = arith.index_cast %get3A_951 : i32 to index
    %get3A_953 = arith.constant 48 : index
    %get3A_954 = tpu.vector_load %arg6[%get3A_952, %get3A_953] {strides = array<i32>} : memref<32x80xf32, #tpu.memory_space<vmem>>, vector<1x16xf32>,
    %get3A_955 = vector.shape_cast %get3A_954 : vector<1x16xf32> to vector<16xf32>
    %get3A_956 = arith.constant 7 : i32
    %get3A_957 = arith.index_cast %get3A_956 : i32 to index
    %get3A_958 = arith.constant 64 : index
    %get3A_959 = tpu.vector_load %arg6[%get3A_957, %get3A_958] {strides = array<i32>} : memref<32x80xf32, #tpu.memory_space<vmem>>, vector<1x16xf32>,
    %get3A_960 = vector.shape_cast %get3A_959 : vector<1x16xf32> to vector<16xf32>
    %max3A_961 = arith.maximumf %get3A_940, %get3A_945 : vector<16xf32>
    %max3A_962 = arith.maximumf %get3A_950, %get3A_955 : vector<16xf32>
    %max3A_963 = arith.maximumf %max3A_961, %max3A_962 : vector<16xf32>
    %max3A_964 = arith.maximumf %max3A_963, %get3A_960 : vector<16xf32>
    %xor3A_965 = arith.constant 8 : i32
    %xor3A_966 = vector.broadcast %xor3A_965 : i32 to vector<16xi32>
    %xor3A_967 = arith.xori %iota3A, %xor3A_966 : vector<16xi32>
    %broadcast_in_dim3A_968 = vector.shape_cast %xor3A_967 : vector<16xi32> to vector<16x1xi32>
    %gather3A_969 = vector.shape_cast %broadcast_in_dim3A_968 : vector<16x1xi32> to vector<16xi32>
    %gather3A_970 = tpu.dynamic_gather %max3A_964[%gather3A_969] in [0] : vector<16xf32>, vector<16xi32> -> vector<16xf32>
    %max3A_971 = arith.maximumf %max3A_964, %gather3A_970 : vector<16xf32>
    %xor3A_972 = arith.constant 4 : i32
    %xor3A_973 = vector.broadcast %xor3A_972 : i32 to vector<16xi32>
    %xor3A_974 = arith.xori %iota3A, %xor3A_973 : vector<16xi32>
    %broadcast_in_dim3A_975 = vector.shape_cast %xor3A_974 : vector<16xi32> to vector<16x1xi32>
    %gather3A_976 = vector.shape_cast %broadcast_in_dim3A_975 : vector<16x1xi32> to vector<16xi32>
    %gather3A_977 = tpu.dynamic_gather %max3A_971[%gather3A_976] in [0] : vector<16xf32>, vector<16xi32> -> vector<16xf32>
    %max3A_978 = arith.maximumf %max3A_971, %gather3A_977 : vector<16xf32>
    %xor3A_979 = arith.constant 2 : i32
    %xor3A_980 = vector.broadcast %xor3A_979 : i32 to vector<16xi32>
    %xor3A_981 = arith.xori %iota3A, %xor3A_980 : vector<16xi32>
    %broadcast_in_dim3A_982 = vector.shape_cast %xor3A_981 : vector<16xi32> to vector<16x1xi32>
    %gather3A_983 = vector.shape_cast %broadcast_in_dim3A_982 : vector<16x1xi32> to vector<16xi32>
    %gather3A_984 = tpu.dynamic_gather %max3A_978[%gather3A_983] in [0] : vector<16xf32>, vector<16xi32> -> vector<16xf32>
    %max3A_985 = arith.maximumf %max3A_978, %gather3A_984 : vector<16xf32>
    %xor3A_986 = arith.constant 1 : i32
    %xor3A_987 = vector.broadcast %xor3A_986 : i32 to vector<16xi32>
    %xor3A_988 = arith.xori %iota3A, %xor3A_987 : vector<16xi32>
    %broadcast_in_dim3A_989 = vector.shape_cast %xor3A_988 : vector<16xi32> to vector<16x1xi32>
    %gather3A_990 = vector.shape_cast %broadcast_in_dim3A_989 : vector<16x1xi32> to vector<16xi32>
    %gather3A_991 = tpu.dynamic_gather %max3A_985[%gather3A_990] in [0] : vector<16xf32>, vector<16xi32> -> vector<16xf32>
    %max3A_992 = arith.maximumf %max3A_985, %gather3A_991 : vector<16xf32>
    %sub3A_993 = arith.subf %get3A_940, %max3A_992 : vector<16xf32>
    %exp3A_994 = math.exp %sub3A_993 : vector<16xf32>
    %sub3A_995 = arith.subf %get3A_945, %max3A_992 : vector<16xf32>
    %exp3A_996 = math.exp %sub3A_995 : vector<16xf32>
    %sub3A_997 = arith.subf %get3A_950, %max3A_992 : vector<16xf32>
    %exp3A_998 = math.exp %sub3A_997 : vector<16xf32>
    %sub3A_999 = arith.subf %get3A_955, %max3A_992 : vector<16xf32>
    %exp3A_1000 = math.exp %sub3A_999 : vector<16xf32>
    %sub3A_1001 = arith.subf %get3A_960, %max3A_992 : vector<16xf32>
    %exp3A_1002 = math.exp %sub3A_1001 : vector<16xf32>
    %add3A_1003 = arith.addf %exp3A_994, %exp3A_996 : vector<16xf32>
    %add3A_1004 = arith.addf %exp3A_998, %exp3A_1000 : vector<16xf32>
    %add3A_1005 = arith.addf %add3A_1003, %add3A_1004 : vector<16xf32>
    %add3A_1006 = arith.addf %add3A_1005, %exp3A_1002 : vector<16xf32>
    %xor3A_1007 = arith.constant 8 : i32
    %xor3A_1008 = vector.broadcast %xor3A_1007 : i32 to vector<16xi32>
    %xor3A_1009 = arith.xori %iota3A, %xor3A_1008 : vector<16xi32>
    %broadcast_in_dim3A_1010 = vector.shape_cast %xor3A_1009 : vector<16xi32> to vector<16x1xi32>
    %gather3A_1011 = vector.shape_cast %broadcast_in_dim3A_1010 : vector<16x1xi32> to vector<16xi32>
    %gather3A_1012 = tpu.dynamic_gather %add3A_1006[%gather3A_1011] in [0] : vector<16xf32>, vector<16xi32> -> vector<16xf32>
    %add3A_1013 = arith.addf %add3A_1006, %gather3A_1012 : vector<16xf32>
    %xor3A_1014 = arith.constant 4 : i32
    %xor3A_1015 = vector.broadcast %xor3A_1014 : i32 to vector<16xi32>
    %xor3A_1016 = arith.xori %iota3A, %xor3A_1015 : vector<16xi32>
    %broadcast_in_dim3A_1017 = vector.shape_cast %xor3A_1016 : vector<16xi32> to vector<16x1xi32>
    %gather3A_1018 = vector.shape_cast %broadcast_in_dim3A_1017 : vector<16x1xi32> to vector<16xi32>
    %gather3A_1019 = tpu.dynamic_gather %add3A_1013[%gather3A_1018] in [0] : vector<16xf32>, vector<16xi32> -> vector<16xf32>
    %add3A_1020 = arith.addf %add3A_1013, %gather3A_1019 : vector<16xf32>
    %xor3A_1021 = arith.constant 2 : i32
    %xor3A_1022 = vector.broadcast %xor3A_1021 : i32 to vector<16xi32>
    %xor3A_1023 = arith.xori %iota3A, %xor3A_1022 : vector<16xi32>
    %broadcast_in_dim3A_1024 = vector.shape_cast %xor3A_1023 : vector<16xi32> to vector<16x1xi32>
    %gather3A_1025 = vector.shape_cast %broadcast_in_dim3A_1024 : vector<16x1xi32> to vector<16xi32>
    %gather3A_1026 = tpu.dynamic_gather %add3A_1020[%gather3A_1025] in [0] : vector<16xf32>, vector<16xi32> -> vector<16xf32>
    %add3A_1027 = arith.addf %add3A_1020, %gather3A_1026 : vector<16xf32>
    %xor3A_1028 = arith.constant 1 : i32
    %xor3A_1029 = vector.broadcast %xor3A_1028 : i32 to vector<16xi32>
    %xor3A_1030 = arith.xori %iota3A, %xor3A_1029 : vector<16xi32>
    %broadcast_in_dim3A_1031 = vector.shape_cast %xor3A_1030 : vector<16xi32> to vector<16x1xi32>
    %gather3A_1032 = vector.shape_cast %broadcast_in_dim3A_1031 : vector<16x1xi32> to vector<16xi32>
    %gather3A_1033 = tpu.dynamic_gather %add3A_1027[%gather3A_1032] in [0] : vector<16xf32>, vector<16xi32> -> vector<16xf32>
    %add3A_1034 = arith.addf %add3A_1027, %gather3A_1033 : vector<16xf32>
    %div3A_1035 = arith.divf %exp3A_994, %add3A_1034 : vector<16xf32>
    %swap3A_1036 = arith.constant 7 : i32
    %swap3A_1037 = arith.index_cast %swap3A_1036 : i32 to index
    %swap3A_1038 = arith.constant 0 : index
    %swap3A_1039 = tpu.vector_load %arg7[%swap3A_1037, %swap3A_1038] {strides = array<i32>} : memref<32x80xf32, #tpu.memory_space<vmem>>, vector<1x16xf32>,
    %swap3A_1040 = vector.shape_cast %swap3A_1039 : vector<1x16xf32> to vector<16xf32>
    %swap3A_1041 = vector.shape_cast %div3A_1035 : vector<16xf32> to vector<1x16xf32>
    tpu.vector_store %arg7[%swap3A_1037, %swap3A_1038], %swap3A_1041 {strides = array<i32>} : memref<32x80xf32, #tpu.memory_space<vmem>>, vector<1x16xf32>,
    %div3A_1042 = arith.divf %exp3A_996, %add3A_1034 : vector<16xf32>
    %swap3A_1043 = arith.constant 7 : i32
    %swap3A_1044 = arith.index_cast %swap3A_1043 : i32 to index
    %swap3A_1045 = arith.constant 16 : index
    %swap3A_1046 = tpu.vector_load %arg7[%swap3A_1044, %swap3A_1045] {strides = array<i32>} : memref<32x80xf32, #tpu.memory_space<vmem>>, vector<1x16xf32>,
    %swap3A_1047 = vector.shape_cast %swap3A_1046 : vector<1x16xf32> to vector<16xf32>
    %swap3A_1048 = vector.shape_cast %div3A_1042 : vector<16xf32> to vector<1x16xf32>
    tpu.vector_store %arg7[%swap3A_1044, %swap3A_1045], %swap3A_1048 {strides = array<i32>} : memref<32x80xf32, #tpu.memory_space<vmem>>, vector<1x16xf32>,
    %div3A_1049 = arith.divf %exp3A_998, %add3A_1034 : vector<16xf32>
    %swap3A_1050 = arith.constant 7 : i32
    %swap3A_1051 = arith.index_cast %swap3A_1050 : i32 to index
    %swap3A_1052 = arith.constant 32 : index
    %swap3A_1053 = tpu.vector_load %arg7[%swap3A_1051, %swap3A_1052] {strides = array<i32>} : memref<32x80xf32, #tpu.memory_space<vmem>>, vector<1x16xf32>,
    %swap3A_1054 = vector.shape_cast %swap3A_1053 : vector<1x16xf32> to vector<16xf32>
    %swap3A_1055 = vector.shape_cast %div3A_1049 : vector<16xf32> to vector<1x16xf32>
    tpu.vector_store %arg7[%swap3A_1051, %swap3A_1052], %swap3A_1055 {strides = array<i32>} : memref<32x80xf32, #tpu.memory_space<vmem>>, vector<1x16xf32>,
    %div3A_1056 = arith.divf %exp3A_1000, %add3A_1034 : vector<16xf32>
    %swap3A_1057 = arith.constant 7 : i32
    %swap3A_1058 = arith.index_cast %swap3A_1057 : i32 to index
    %swap3A_1059 = arith.constant 48 : index
    %swap3A_1060 = tpu.vector_load %arg7[%swap3A_1058, %swap3A_1059] {strides = array<i32>} : memref<32x80xf32, #tpu.memory_space<vmem>>, vector<1x16xf32>,
    %swap3A_1061 = vector.shape_cast %swap3A_1060 : vector<1x16xf32> to vector<16xf32>
    %swap3A_1062 = vector.shape_cast %div3A_1056 : vector<16xf32> to vector<1x16xf32>
    tpu.vector_store %arg7[%swap3A_1058, %swap3A_1059], %swap3A_1062 {strides = array<i32>} : memref<32x80xf32, #tpu.memory_space<vmem>>, vector<1x16xf32>,
    %div3A_1063 = arith.divf %exp3A_1002, %add3A_1034 : vector<16xf32>
    %swap3A_1064 = arith.constant 7 : i32
    %swap3A_1065 = arith.index_cast %swap3A_1064 : i32 to index
    %swap3A_1066 = arith.constant 64 : index
    %swap3A_1067 = tpu.vector_load %arg7[%swap3A_1065, %swap3A_1066] {strides = array<i32>} : memref<32x80xf32, #tpu.memory_space<vmem>>, vector<1x16xf32>,
    %swap3A_1068 = vector.shape_cast %swap3A_1067 : vector<1x16xf32> to vector<16xf32>
    %swap3A_1069 = vector.shape_cast %div3A_1063 : vector<16xf32> to vector<1x16xf32>
    tpu.vector_store %arg7[%swap3A_1065, %swap3A_1066], %swap3A_1069 {strides = array<i32>} : memref<32x80xf32, #tpu.memory_space<vmem>>, vector<1x16xf32>,
    %get3A_1070 = arith.constant 8 : i32
    %get3A_1071 = arith.index_cast %get3A_1070 : i32 to index
    %get3A_1072 = arith.constant 0 : index
    %get3A_1073 = tpu.vector_load %arg6[%get3A_1071, %get3A_1072] {strides = array<i32>} : memref<32x80xf32, #tpu.memory_space<vmem>>, vector<1x16xf32>,
    %get3A_1074 = vector.shape_cast %get3A_1073 : vector<1x16xf32> to vector<16xf32>
    %get3A_1075 = arith.constant 8 : i32
    %get3A_1076 = arith.index_cast %get3A_1075 : i32 to index
    %get3A_1077 = arith.constant 16 : index
    %get3A_1078 = tpu.vector_load %arg6[%get3A_1076, %get3A_1077] {strides = array<i32>} : memref<32x80xf32, #tpu.memory_space<vmem>>, vector<1x16xf32>,
    %get3A_1079 = vector.shape_cast %get3A_1078 : vector<1x16xf32> to vector<16xf32>
    %get3A_1080 = arith.constant 8 : i32
    %get3A_1081 = arith.index_cast %get3A_1080 : i32 to index
    %get3A_1082 = arith.constant 32 : index
    %get3A_1083 = tpu.vector_load %arg6[%get3A_1081, %get3A_1082] {strides = array<i32>} : memref<32x80xf32, #tpu.memory_space<vmem>>, vector<1x16xf32>,
    %get3A_1084 = vector.shape_cast %get3A_1083 : vector<1x16xf32> to vector<16xf32>
    %get3A_1085 = arith.constant 8 : i32
    %get3A_1086 = arith.index_cast %get3A_1085 : i32 to index
    %get3A_1087 = arith.constant 48 : index
    %get3A_1088 = tpu.vector_load %arg6[%get3A_1086, %get3A_1087] {strides = array<i32>} : memref<32x80xf32, #tpu.memory_space<vmem>>, vector<1x16xf32>,
    %get3A_1089 = vector.shape_cast %get3A_1088 : vector<1x16xf32> to vector<16xf32>
    %get3A_1090 = arith.constant 8 : i32
    %get3A_1091 = arith.index_cast %get3A_1090 : i32 to index
    %get3A_1092 = arith.constant 64 : index
    %get3A_1093 = tpu.vector_load %arg6[%get3A_1091, %get3A_1092] {strides = array<i32>} : memref<32x80xf32, #tpu.memory_space<vmem>>, vector<1x16xf32>,
    %get3A_1094 = vector.shape_cast %get3A_1093 : vector<1x16xf32> to vector<16xf32>
    %max3A_1095 = arith.maximumf %get3A_1074, %get3A_1079 : vector<16xf32>
    %max3A_1096 = arith.maximumf %get3A_1084, %get3A_1089 : vector<16xf32>
    %max3A_1097 = arith.maximumf %max3A_1095, %max3A_1096 : vector<16xf32>
    %max3A_1098 = arith.maximumf %max3A_1097, %get3A_1094 : vector<16xf32>
    %xor3A_1099 = arith.constant 8 : i32
    %xor3A_1100 = vector.broadcast %xor3A_1099 : i32 to vector<16xi32>
    %xor3A_1101 = arith.xori %iota3A, %xor3A_1100 : vector<16xi32>
    %broadcast_in_dim3A_1102 = vector.shape_cast %xor3A_1101 : vector<16xi32> to vector<16x1xi32>
    %gather3A_1103 = vector.shape_cast %broadcast_in_dim3A_1102 : vector<16x1xi32> to vector<16xi32>
    %gather3A_1104 = tpu.dynamic_gather %max3A_1098[%gather3A_1103] in [0] : vector<16xf32>, vector<16xi32> -> vector<16xf32>
    %max3A_1105 = arith.maximumf %max3A_1098, %gather3A_1104 : vector<16xf32>
    %xor3A_1106 = arith.constant 4 : i32
    %xor3A_1107 = vector.broadcast %xor3A_1106 : i32 to vector<16xi32>
    %xor3A_1108 = arith.xori %iota3A, %xor3A_1107 : vector<16xi32>
    %broadcast_in_dim3A_1109 = vector.shape_cast %xor3A_1108 : vector<16xi32> to vector<16x1xi32>
    %gather3A_1110 = vector.shape_cast %broadcast_in_dim3A_1109 : vector<16x1xi32> to vector<16xi32>
    %gather3A_1111 = tpu.dynamic_gather %max3A_1105[%gather3A_1110] in [0] : vector<16xf32>, vector<16xi32> -> vector<16xf32>
    %max3A_1112 = arith.maximumf %max3A_1105, %gather3A_1111 : vector<16xf32>
    %xor3A_1113 = arith.constant 2 : i32
    %xor3A_1114 = vector.broadcast %xor3A_1113 : i32 to vector<16xi32>
    %xor3A_1115 = arith.xori %iota3A, %xor3A_1114 : vector<16xi32>
    %broadcast_in_dim3A_1116 = vector.shape_cast %xor3A_1115 : vector<16xi32> to vector<16x1xi32>
    %gather3A_1117 = vector.shape_cast %broadcast_in_dim3A_1116 : vector<16x1xi32> to vector<16xi32>
    %gather3A_1118 = tpu.dynamic_gather %max3A_1112[%gather3A_1117] in [0] : vector<16xf32>, vector<16xi32> -> vector<16xf32>
    %max3A_1119 = arith.maximumf %max3A_1112, %gather3A_1118 : vector<16xf32>
    %xor3A_1120 = arith.constant 1 : i32
    %xor3A_1121 = vector.broadcast %xor3A_1120 : i32 to vector<16xi32>
    %xor3A_1122 = arith.xori %iota3A, %xor3A_1121 : vector<16xi32>
    %broadcast_in_dim3A_1123 = vector.shape_cast %xor3A_1122 : vector<16xi32> to vector<16x1xi32>
    %gather3A_1124 = vector.shape_cast %broadcast_in_dim3A_1123 : vector<16x1xi32> to vector<16xi32>
    %gather3A_1125 = tpu.dynamic_gather %max3A_1119[%gather3A_1124] in [0] : vector<16xf32>, vector<16xi32> -> vector<16xf32>
    %max3A_1126 = arith.maximumf %max3A_1119, %gather3A_1125 : vector<16xf32>
    %sub3A_1127 = arith.subf %get3A_1074, %max3A_1126 : vector<16xf32>
    %exp3A_1128 = math.exp %sub3A_1127 : vector<16xf32>
    %sub3A_1129 = arith.subf %get3A_1079, %max3A_1126 : vector<16xf32>
    %exp3A_1130 = math.exp %sub3A_1129 : vector<16xf32>
    %sub3A_1131 = arith.subf %get3A_1084, %max3A_1126 : vector<16xf32>
    %exp3A_1132 = math.exp %sub3A_1131 : vector<16xf32>
    %sub3A_1133 = arith.subf %get3A_1089, %max3A_1126 : vector<16xf32>
    %exp3A_1134 = math.exp %sub3A_1133 : vector<16xf32>
    %sub3A_1135 = arith.subf %get3A_1094, %max3A_1126 : vector<16xf32>
    %exp3A_1136 = math.exp %sub3A_1135 : vector<16xf32>
    %add3A_1137 = arith.addf %exp3A_1128, %exp3A_1130 : vector<16xf32>
    %add3A_1138 = arith.addf %exp3A_1132, %exp3A_1134 : vector<16xf32>
    %add3A_1139 = arith.addf %add3A_1137, %add3A_1138 : vector<16xf32>
    %add3A_1140 = arith.addf %add3A_1139, %exp3A_1136 : vector<16xf32>
    %xor3A_1141 = arith.constant 8 : i32
    %xor3A_1142 = vector.broadcast %xor3A_1141 : i32 to vector<16xi32>
    %xor3A_1143 = arith.xori %iota3A, %xor3A_1142 : vector<16xi32>
    %broadcast_in_dim3A_1144 = vector.shape_cast %xor3A_1143 : vector<16xi32> to vector<16x1xi32>
    %gather3A_1145 = vector.shape_cast %broadcast_in_dim3A_1144 : vector<16x1xi32> to vector<16xi32>
    %gather3A_1146 = tpu.dynamic_gather %add3A_1140[%gather3A_1145] in [0] : vector<16xf32>, vector<16xi32> -> vector<16xf32>
    %add3A_1147 = arith.addf %add3A_1140, %gather3A_1146 : vector<16xf32>
    %xor3A_1148 = arith.constant 4 : i32
    %xor3A_1149 = vector.broadcast %xor3A_1148 : i32 to vector<16xi32>
    %xor3A_1150 = arith.xori %iota3A, %xor3A_1149 : vector<16xi32>
    %broadcast_in_dim3A_1151 = vector.shape_cast %xor3A_1150 : vector<16xi32> to vector<16x1xi32>
    %gather3A_1152 = vector.shape_cast %broadcast_in_dim3A_1151 : vector<16x1xi32> to vector<16xi32>
    %gather3A_1153 = tpu.dynamic_gather %add3A_1147[%gather3A_1152] in [0] : vector<16xf32>, vector<16xi32> -> vector<16xf32>
    %add3A_1154 = arith.addf %add3A_1147, %gather3A_1153 : vector<16xf32>
    %xor3A_1155 = arith.constant 2 : i32
    %xor3A_1156 = vector.broadcast %xor3A_1155 : i32 to vector<16xi32>
    %xor3A_1157 = arith.xori %iota3A, %xor3A_1156 : vector<16xi32>
    %broadcast_in_dim3A_1158 = vector.shape_cast %xor3A_1157 : vector<16xi32> to vector<16x1xi32>
    %gather3A_1159 = vector.shape_cast %broadcast_in_dim3A_1158 : vector<16x1xi32> to vector<16xi32>
    %gather3A_1160 = tpu.dynamic_gather %add3A_1154[%gather3A_1159] in [0] : vector<16xf32>, vector<16xi32> -> vector<16xf32>
    %add3A_1161 = arith.addf %add3A_1154, %gather3A_1160 : vector<16xf32>
    %xor3A_1162 = arith.constant 1 : i32
    %xor3A_1163 = vector.broadcast %xor3A_1162 : i32 to vector<16xi32>
    %xor3A_1164 = arith.xori %iota3A, %xor3A_1163 : vector<16xi32>
    %broadcast_in_dim3A_1165 = vector.shape_cast %xor3A_1164 : vector<16xi32> to vector<16x1xi32>
    %gather3A_1166 = vector.shape_cast %broadcast_in_dim3A_1165 : vector<16x1xi32> to vector<16xi32>
    %gather3A_1167 = tpu.dynamic_gather %add3A_1161[%gather3A_1166] in [0] : vector<16xf32>, vector<16xi32> -> vector<16xf32>
    %add3A_1168 = arith.addf %add3A_1161, %gather3A_1167 : vector<16xf32>
    %div3A_1169 = arith.divf %exp3A_1128, %add3A_1168 : vector<16xf32>
    %swap3A_1170 = arith.constant 8 : i32
    %swap3A_1171 = arith.index_cast %swap3A_1170 : i32 to index
    %swap3A_1172 = arith.constant 0 : index
    %swap3A_1173 = tpu.vector_load %arg7[%swap3A_1171, %swap3A_1172] {strides = array<i32>} : memref<32x80xf32, #tpu.memory_space<vmem>>, vector<1x16xf32>,
    %swap3A_1174 = vector.shape_cast %swap3A_1173 : vector<1x16xf32> to vector<16xf32>
    %swap3A_1175 = vector.shape_cast %div3A_1169 : vector<16xf32> to vector<1x16xf32>
    tpu.vector_store %arg7[%swap3A_1171, %swap3A_1172], %swap3A_1175 {strides = array<i32>} : memref<32x80xf32, #tpu.memory_space<vmem>>, vector<1x16xf32>,
    %div3A_1176 = arith.divf %exp3A_1130, %add3A_1168 : vector<16xf32>
    %swap3A_1177 = arith.constant 8 : i32
    %swap3A_1178 = arith.index_cast %swap3A_1177 : i32 to index
    %swap3A_1179 = arith.constant 16 : index
    %swap3A_1180 = tpu.vector_load %arg7[%swap3A_1178, %swap3A_1179] {strides = array<i32>} : memref<32x80xf32, #tpu.memory_space<vmem>>, vector<1x16xf32>,
    %swap3A_1181 = vector.shape_cast %swap3A_1180 : vector<1x16xf32> to vector<16xf32>
    %swap3A_1182 = vector.shape_cast %div3A_1176 : vector<16xf32> to vector<1x16xf32>
    tpu.vector_store %arg7[%swap3A_1178, %swap3A_1179], %swap3A_1182 {strides = array<i32>} : memref<32x80xf32, #tpu.memory_space<vmem>>, vector<1x16xf32>,
    %div3A_1183 = arith.divf %exp3A_1132, %add3A_1168 : vector<16xf32>
    %swap3A_1184 = arith.constant 8 : i32
    %swap3A_1185 = arith.index_cast %swap3A_1184 : i32 to index
    %swap3A_1186 = arith.constant 32 : index
    %swap3A_1187 = tpu.vector_load %arg7[%swap3A_1185, %swap3A_1186] {strides = array<i32>} : memref<32x80xf32, #tpu.memory_space<vmem>>, vector<1x16xf32>,
    %swap3A_1188 = vector.shape_cast %swap3A_1187 : vector<1x16xf32> to vector<16xf32>
    %swap3A_1189 = vector.shape_cast %div3A_1183 : vector<16xf32> to vector<1x16xf32>
    tpu.vector_store %arg7[%swap3A_1185, %swap3A_1186], %swap3A_1189 {strides = array<i32>} : memref<32x80xf32, #tpu.memory_space<vmem>>, vector<1x16xf32>,
    %div3A_1190 = arith.divf %exp3A_1134, %add3A_1168 : vector<16xf32>
    %swap3A_1191 = arith.constant 8 : i32
    %swap3A_1192 = arith.index_cast %swap3A_1191 : i32 to index
    %swap3A_1193 = arith.constant 48 : index
    %swap3A_1194 = tpu.vector_load %arg7[%swap3A_1192, %swap3A_1193] {strides = array<i32>} : memref<32x80xf32, #tpu.memory_space<vmem>>, vector<1x16xf32>,
    %swap3A_1195 = vector.shape_cast %swap3A_1194 : vector<1x16xf32> to vector<16xf32>
    %swap3A_1196 = vector.shape_cast %div3A_1190 : vector<16xf32> to vector<1x16xf32>
    tpu.vector_store %arg7[%swap3A_1192, %swap3A_1193], %swap3A_1196 {strides = array<i32>} : memref<32x80xf32, #tpu.memory_space<vmem>>, vector<1x16xf32>,
    %div3A_1197 = arith.divf %exp3A_1136, %add3A_1168 : vector<16xf32>
    %swap3A_1198 = arith.constant 8 : i32
    %swap3A_1199 = arith.index_cast %swap3A_1198 : i32 to index
    %swap3A_1200 = arith.constant 64 : index
    %swap3A_1201 = tpu.vector_load %arg7[%swap3A_1199, %swap3A_1200] {strides = array<i32>} : memref<32x80xf32, #tpu.memory_space<vmem>>, vector<1x16xf32>,
    %swap3A_1202 = vector.shape_cast %swap3A_1201 : vector<1x16xf32> to vector<16xf32>
    %swap3A_1203 = vector.shape_cast %div3A_1197 : vector<16xf32> to vector<1x16xf32>
    tpu.vector_store %arg7[%swap3A_1199, %swap3A_1200], %swap3A_1203 {strides = array<i32>} : memref<32x80xf32, #tpu.memory_space<vmem>>, vector<1x16xf32>,
    %get3A_1204 = arith.constant 9 : i32
    %get3A_1205 = arith.index_cast %get3A_1204 : i32 to index
    %get3A_1206 = arith.constant 0 : index
    %get3A_1207 = tpu.vector_load %arg6[%get3A_1205, %get3A_1206] {strides = array<i32>} : memref<32x80xf32, #tpu.memory_space<vmem>>, vector<1x16xf32>,
    %get3A_1208 = vector.shape_cast %get3A_1207 : vector<1x16xf32> to vector<16xf32>
    %get3A_1209 = arith.constant 9 : i32
    %get3A_1210 = arith.index_cast %get3A_1209 : i32 to index
    %get3A_1211 = arith.constant 16 : index
    %get3A_1212 = tpu.vector_load %arg6[%get3A_1210, %get3A_1211] {strides = array<i32>} : memref<32x80xf32, #tpu.memory_space<vmem>>, vector<1x16xf32>,
    %get3A_1213 = vector.shape_cast %get3A_1212 : vector<1x16xf32> to vector<16xf32>
    %get3A_1214 = arith.constant 9 : i32
    %get3A_1215 = arith.index_cast %get3A_1214 : i32 to index
    %get3A_1216 = arith.constant 32 : index
    %get3A_1217 = tpu.vector_load %arg6[%get3A_1215, %get3A_1216] {strides = array<i32>} : memref<32x80xf32, #tpu.memory_space<vmem>>, vector<1x16xf32>,
    %get3A_1218 = vector.shape_cast %get3A_1217 : vector<1x16xf32> to vector<16xf32>
    %get3A_1219 = arith.constant 9 : i32
    %get3A_1220 = arith.index_cast %get3A_1219 : i32 to index
    %get3A_1221 = arith.constant 48 : index
    %get3A_1222 = tpu.vector_load %arg6[%get3A_1220, %get3A_1221] {strides = array<i32>} : memref<32x80xf32, #tpu.memory_space<vmem>>, vector<1x16xf32>,
    %get3A_1223 = vector.shape_cast %get3A_1222 : vector<1x16xf32> to vector<16xf32>
    %get3A_1224 = arith.constant 9 : i32
    %get3A_1225 = arith.index_cast %get3A_1224 : i32 to index
    %get3A_1226 = arith.constant 64 : index
    %get3A_1227 = tpu.vector_load %arg6[%get3A_1225, %get3A_1226] {strides = array<i32>} : memref<32x80xf32, #tpu.memory_space<vmem>>, vector<1x16xf32>,
    %get3A_1228 = vector.shape_cast %get3A_1227 : vector<1x16xf32> to vector<16xf32>
    %max3A_1229 = arith.maximumf %get3A_1208, %get3A_1213 : vector<16xf32>
    %max3A_1230 = arith.maximumf %get3A_1218, %get3A_1223 : vector<16xf32>
    %max3A_1231 = arith.maximumf %max3A_1229, %max3A_1230 : vector<16xf32>
    %max3A_1232 = arith.maximumf %max3A_1231, %get3A_1228 : vector<16xf32>
    %xor3A_1233 = arith.constant 8 : i32
    %xor3A_1234 = vector.broadcast %xor3A_1233 : i32 to vector<16xi32>
    %xor3A_1235 = arith.xori %iota3A, %xor3A_1234 : vector<16xi32>
    %broadcast_in_dim3A_1236 = vector.shape_cast %xor3A_1235 : vector<16xi32> to vector<16x1xi32>
    %gather3A_1237 = vector.shape_cast %broadcast_in_dim3A_1236 : vector<16x1xi32> to vector<16xi32>
    %gather3A_1238 = tpu.dynamic_gather %max3A_1232[%gather3A_1237] in [0] : vector<16xf32>, vector<16xi32> -> vector<16xf32>
    %max3A_1239 = arith.maximumf %max3A_1232, %gather3A_1238 : vector<16xf32>
    %xor3A_1240 = arith.constant 4 : i32
    %xor3A_1241 = vector.broadcast %xor3A_1240 : i32 to vector<16xi32>
    %xor3A_1242 = arith.xori %iota3A, %xor3A_1241 : vector<16xi32>
    %broadcast_in_dim3A_1243 = vector.shape_cast %xor3A_1242 : vector<16xi32> to vector<16x1xi32>
    %gather3A_1244 = vector.shape_cast %broadcast_in_dim3A_1243 : vector<16x1xi32> to vector<16xi32>
    %gather3A_1245 = tpu.dynamic_gather %max3A_1239[%gather3A_1244] in [0] : vector<16xf32>, vector<16xi32> -> vector<16xf32>
    %max3A_1246 = arith.maximumf %max3A_1239, %gather3A_1245 : vector<16xf32>
    %xor3A_1247 = arith.constant 2 : i32
    %xor3A_1248 = vector.broadcast %xor3A_1247 : i32 to vector<16xi32>
    %xor3A_1249 = arith.xori %iota3A, %xor3A_1248 : vector<16xi32>
    %broadcast_in_dim3A_1250 = vector.shape_cast %xor3A_1249 : vector<16xi32> to vector<16x1xi32>
    %gather3A_1251 = vector.shape_cast %broadcast_in_dim3A_1250 : vector<16x1xi32> to vector<16xi32>
    %gather3A_1252 = tpu.dynamic_gather %max3A_1246[%gather3A_1251] in [0] : vector<16xf32>, vector<16xi32> -> vector<16xf32>
    %max3A_1253 = arith.maximumf %max3A_1246, %gather3A_1252 : vector<16xf32>
    %xor3A_1254 = arith.constant 1 : i32
    %xor3A_1255 = vector.broadcast %xor3A_1254 : i32 to vector<16xi32>
    %xor3A_1256 = arith.xori %iota3A, %xor3A_1255 : vector<16xi32>
    %broadcast_in_dim3A_1257 = vector.shape_cast %xor3A_1256 : vector<16xi32> to vector<16x1xi32>
    %gather3A_1258 = vector.shape_cast %broadcast_in_dim3A_1257 : vector<16x1xi32> to vector<16xi32>
    %gather3A_1259 = tpu.dynamic_gather %max3A_1253[%gather3A_1258] in [0] : vector<16xf32>, vector<16xi32> -> vector<16xf32>
    %max3A_1260 = arith.maximumf %max3A_1253, %gather3A_1259 : vector<16xf32>
    %sub3A_1261 = arith.subf %get3A_1208, %max3A_1260 : vector<16xf32>
    %exp3A_1262 = math.exp %sub3A_1261 : vector<16xf32>
    %sub3A_1263 = arith.subf %get3A_1213, %max3A_1260 : vector<16xf32>
    %exp3A_1264 = math.exp %sub3A_1263 : vector<16xf32>
    %sub3A_1265 = arith.subf %get3A_1218, %max3A_1260 : vector<16xf32>
    %exp3A_1266 = math.exp %sub3A_1265 : vector<16xf32>
    %sub3A_1267 = arith.subf %get3A_1223, %max3A_1260 : vector<16xf32>
    %exp3A_1268 = math.exp %sub3A_1267 : vector<16xf32>
    %sub3A_1269 = arith.subf %get3A_1228, %max3A_1260 : vector<16xf32>
    %exp3A_1270 = math.exp %sub3A_1269 : vector<16xf32>
    %add3A_1271 = arith.addf %exp3A_1262, %exp3A_1264 : vector<16xf32>
    %add3A_1272 = arith.addf %exp3A_1266, %exp3A_1268 : vector<16xf32>
    %add3A_1273 = arith.addf %add3A_1271, %add3A_1272 : vector<16xf32>
    %add3A_1274 = arith.addf %add3A_1273, %exp3A_1270 : vector<16xf32>
    %xor3A_1275 = arith.constant 8 : i32
    %xor3A_1276 = vector.broadcast %xor3A_1275 : i32 to vector<16xi32>
    %xor3A_1277 = arith.xori %iota3A, %xor3A_1276 : vector<16xi32>
    %broadcast_in_dim3A_1278 = vector.shape_cast %xor3A_1277 : vector<16xi32> to vector<16x1xi32>
    %gather3A_1279 = vector.shape_cast %broadcast_in_dim3A_1278 : vector<16x1xi32> to vector<16xi32>
    %gather3A_1280 = tpu.dynamic_gather %add3A_1274[%gather3A_1279] in [0] : vector<16xf32>, vector<16xi32> -> vector<16xf32>
    %add3A_1281 = arith.addf %add3A_1274, %gather3A_1280 : vector<16xf32>
    %xor3A_1282 = arith.constant 4 : i32
    %xor3A_1283 = vector.broadcast %xor3A_1282 : i32 to vector<16xi32>
    %xor3A_1284 = arith.xori %iota3A, %xor3A_1283 : vector<16xi32>
    %broadcast_in_dim3A_1285 = vector.shape_cast %xor3A_1284 : vector<16xi32> to vector<16x1xi32>
    %gather3A_1286 = vector.shape_cast %broadcast_in_dim3A_1285 : vector<16x1xi32> to vector<16xi32>
    %gather3A_1287 = tpu.dynamic_gather %add3A_1281[%gather3A_1286] in [0] : vector<16xf32>, vector<16xi32> -> vector<16xf32>
    %add3A_1288 = arith.addf %add3A_1281, %gather3A_1287 : vector<16xf32>
    %xor3A_1289 = arith.constant 2 : i32
    %xor3A_1290 = vector.broadcast %xor3A_1289 : i32 to vector<16xi32>
    %xor3A_1291 = arith.xori %iota3A, %xor3A_1290 : vector<16xi32>
    %broadcast_in_dim3A_1292 = vector.shape_cast %xor3A_1291 : vector<16xi32> to vector<16x1xi32>
    %gather3A_1293 = vector.shape_cast %broadcast_in_dim3A_1292 : vector<16x1xi32> to vector<16xi32>
    %gather3A_1294 = tpu.dynamic_gather %add3A_1288[%gather3A_1293] in [0] : vector<16xf32>, vector<16xi32> -> vector<16xf32>
    %add3A_1295 = arith.addf %add3A_1288, %gather3A_1294 : vector<16xf32>
    %xor3A_1296 = arith.constant 1 : i32
    %xor3A_1297 = vector.broadcast %xor3A_1296 : i32 to vector<16xi32>
    %xor3A_1298 = arith.xori %iota3A, %xor3A_1297 : vector<16xi32>
    %broadcast_in_dim3A_1299 = vector.shape_cast %xor3A_1298 : vector<16xi32> to vector<16x1xi32>
    %gather3A_1300 = vector.shape_cast %broadcast_in_dim3A_1299 : vector<16x1xi32> to vector<16xi32>
    %gather3A_1301 = tpu.dynamic_gather %add3A_1295[%gather3A_1300] in [0] : vector<16xf32>, vector<16xi32> -> vector<16xf32>
    %add3A_1302 = arith.addf %add3A_1295, %gather3A_1301 : vector<16xf32>
    %div3A_1303 = arith.divf %exp3A_1262, %add3A_1302 : vector<16xf32>
    %swap3A_1304 = arith.constant 9 : i32
    %swap3A_1305 = arith.index_cast %swap3A_1304 : i32 to index
    %swap3A_1306 = arith.constant 0 : index
    %swap3A_1307 = tpu.vector_load %arg7[%swap3A_1305, %swap3A_1306] {strides = array<i32>} : memref<32x80xf32, #tpu.memory_space<vmem>>, vector<1x16xf32>,
    %swap3A_1308 = vector.shape_cast %swap3A_1307 : vector<1x16xf32> to vector<16xf32>
    %swap3A_1309 = vector.shape_cast %div3A_1303 : vector<16xf32> to vector<1x16xf32>
    tpu.vector_store %arg7[%swap3A_1305, %swap3A_1306], %swap3A_1309 {strides = array<i32>} : memref<32x80xf32, #tpu.memory_space<vmem>>, vector<1x16xf32>,
    %div3A_1310 = arith.divf %exp3A_1264, %add3A_1302 : vector<16xf32>
    %swap3A_1311 = arith.constant 9 : i32
    %swap3A_1312 = arith.index_cast %swap3A_1311 : i32 to index
    %swap3A_1313 = arith.constant 16 : index
    %swap3A_1314 = tpu.vector_load %arg7[%swap3A_1312, %swap3A_1313] {strides = array<i32>} : memref<32x80xf32, #tpu.memory_space<vmem>>, vector<1x16xf32>,
    %swap3A_1315 = vector.shape_cast %swap3A_1314 : vector<1x16xf32> to vector<16xf32>
    %swap3A_1316 = vector.shape_cast %div3A_1310 : vector<16xf32> to vector<1x16xf32>
    tpu.vector_store %arg7[%swap3A_1312, %swap3A_1313], %swap3A_1316 {strides = array<i32>} : memref<32x80xf32, #tpu.memory_space<vmem>>, vector<1x16xf32>,
    %div3A_1317 = arith.divf %exp3A_1266, %add3A_1302 : vector<16xf32>
    %swap3A_1318 = arith.constant 9 : i32
    %swap3A_1319 = arith.index_cast %swap3A_1318 : i32 to index
    %swap3A_1320 = arith.constant 32 : index
    %swap3A_1321 = tpu.vector_load %arg7[%swap3A_1319, %swap3A_1320] {strides = array<i32>} : memref<32x80xf32, #tpu.memory_space<vmem>>, vector<1x16xf32>,
    %swap3A_1322 = vector.shape_cast %swap3A_1321 : vector<1x16xf32> to vector<16xf32>
    %swap3A_1323 = vector.shape_cast %div3A_1317 : vector<16xf32> to vector<1x16xf32>
    tpu.vector_store %arg7[%swap3A_1319, %swap3A_1320], %swap3A_1323 {strides = array<i32>} : memref<32x80xf32, #tpu.memory_space<vmem>>, vector<1x16xf32>,
    %div3A_1324 = arith.divf %exp3A_1268, %add3A_1302 : vector<16xf32>
    %swap3A_1325 = arith.constant 9 : i32
    %swap3A_1326 = arith.index_cast %swap3A_1325 : i32 to index
    %swap3A_1327 = arith.constant 48 : index
    %swap3A_1328 = tpu.vector_load %arg7[%swap3A_1326, %swap3A_1327] {strides = array<i32>} : memref<32x80xf32, #tpu.memory_space<vmem>>, vector<1x16xf32>,
    %swap3A_1329 = vector.shape_cast %swap3A_1328 : vector<1x16xf32> to vector<16xf32>
    %swap3A_1330 = vector.shape_cast %div3A_1324 : vector<16xf32> to vector<1x16xf32>
    tpu.vector_store %arg7[%swap3A_1326, %swap3A_1327], %swap3A_1330 {strides = array<i32>} : memref<32x80xf32, #tpu.memory_space<vmem>>, vector<1x16xf32>,
    %div3A_1331 = arith.divf %exp3A_1270, %add3A_1302 : vector<16xf32>
    %swap3A_1332 = arith.constant 9 : i32
    %swap3A_1333 = arith.index_cast %swap3A_1332 : i32 to index
    %swap3A_1334 = arith.constant 64 : index
    %swap3A_1335 = tpu.vector_load %arg7[%swap3A_1333, %swap3A_1334] {strides = array<i32>} : memref<32x80xf32, #tpu.memory_space<vmem>>, vector<1x16xf32>,
    %swap3A_1336 = vector.shape_cast %swap3A_1335 : vector<1x16xf32> to vector<16xf32>
    %swap3A_1337 = vector.shape_cast %div3A_1331 : vector<16xf32> to vector<1x16xf32>
    tpu.vector_store %arg7[%swap3A_1333, %swap3A_1334], %swap3A_1337 {strides = array<i32>} : memref<32x80xf32, #tpu.memory_space<vmem>>, vector<1x16xf32>,
    %get3A_1338 = arith.constant 10 : i32
    %get3A_1339 = arith.index_cast %get3A_1338 : i32 to index
    %get3A_1340 = arith.constant 0 : index
    %get3A_1341 = tpu.vector_load %arg6[%get3A_1339, %get3A_1340] {strides = array<i32>} : memref<32x80xf32, #tpu.memory_space<vmem>>, vector<1x16xf32>,
    %get3A_1342 = vector.shape_cast %get3A_1341 : vector<1x16xf32> to vector<16xf32>
    %get3A_1343 = arith.constant 10 : i32
    %get3A_1344 = arith.index_cast %get3A_1343 : i32 to index
    %get3A_1345 = arith.constant 16 : index
    %get3A_1346 = tpu.vector_load %arg6[%get3A_1344, %get3A_1345] {strides = array<i32>} : memref<32x80xf32, #tpu.memory_space<vmem>>, vector<1x16xf32>,
    %get3A_1347 = vector.shape_cast %get3A_1346 : vector<1x16xf32> to vector<16xf32>
    %get3A_1348 = arith.constant 10 : i32
    %get3A_1349 = arith.index_cast %get3A_1348 : i32 to index
    %get3A_1350 = arith.constant 32 : index
    %get3A_1351 = tpu.vector_load %arg6[%get3A_1349, %get3A_1350] {strides = array<i32>} : memref<32x80xf32, #tpu.memory_space<vmem>>, vector<1x16xf32>,
    %get3A_1352 = vector.shape_cast %get3A_1351 : vector<1x16xf32> to vector<16xf32>
    %get3A_1353 = arith.constant 10 : i32
    %get3A_1354 = arith.index_cast %get3A_1353 : i32 to index
    %get3A_1355 = arith.constant 48 : index
    %get3A_1356 = tpu.vector_load %arg6[%get3A_1354, %get3A_1355] {strides = array<i32>} : memref<32x80xf32, #tpu.memory_space<vmem>>, vector<1x16xf32>,
    %get3A_1357 = vector.shape_cast %get3A_1356 : vector<1x16xf32> to vector<16xf32>
    %get3A_1358 = arith.constant 10 : i32
    %get3A_1359 = arith.index_cast %get3A_1358 : i32 to index
    %get3A_1360 = arith.constant 64 : index
    %get3A_1361 = tpu.vector_load %arg6[%get3A_1359, %get3A_1360] {strides = array<i32>} : memref<32x80xf32, #tpu.memory_space<vmem>>, vector<1x16xf32>,
    %get3A_1362 = vector.shape_cast %get3A_1361 : vector<1x16xf32> to vector<16xf32>
    %max3A_1363 = arith.maximumf %get3A_1342, %get3A_1347 : vector<16xf32>
    %max3A_1364 = arith.maximumf %get3A_1352, %get3A_1357 : vector<16xf32>
    %max3A_1365 = arith.maximumf %max3A_1363, %max3A_1364 : vector<16xf32>
    %max3A_1366 = arith.maximumf %max3A_1365, %get3A_1362 : vector<16xf32>
    %xor3A_1367 = arith.constant 8 : i32
    %xor3A_1368 = vector.broadcast %xor3A_1367 : i32 to vector<16xi32>
    %xor3A_1369 = arith.xori %iota3A, %xor3A_1368 : vector<16xi32>
    %broadcast_in_dim3A_1370 = vector.shape_cast %xor3A_1369 : vector<16xi32> to vector<16x1xi32>
    %gather3A_1371 = vector.shape_cast %broadcast_in_dim3A_1370 : vector<16x1xi32> to vector<16xi32>
    %gather3A_1372 = tpu.dynamic_gather %max3A_1366[%gather3A_1371] in [0] : vector<16xf32>, vector<16xi32> -> vector<16xf32>
    %max3A_1373 = arith.maximumf %max3A_1366, %gather3A_1372 : vector<16xf32>
    %xor3A_1374 = arith.constant 4 : i32
    %xor3A_1375 = vector.broadcast %xor3A_1374 : i32 to vector<16xi32>
    %xor3A_1376 = arith.xori %iota3A, %xor3A_1375 : vector<16xi32>
    %broadcast_in_dim3A_1377 = vector.shape_cast %xor3A_1376 : vector<16xi32> to vector<16x1xi32>
    %gather3A_1378 = vector.shape_cast %broadcast_in_dim3A_1377 : vector<16x1xi32> to vector<16xi32>
    %gather3A_1379 = tpu.dynamic_gather %max3A_1373[%gather3A_1378] in [0] : vector<16xf32>, vector<16xi32> -> vector<16xf32>
    %max3A_1380 = arith.maximumf %max3A_1373, %gather3A_1379 : vector<16xf32>
    %xor3A_1381 = arith.constant 2 : i32
    %xor3A_1382 = vector.broadcast %xor3A_1381 : i32 to vector<16xi32>
    %xor3A_1383 = arith.xori %iota3A, %xor3A_1382 : vector<16xi32>
    %broadcast_in_dim3A_1384 = vector.shape_cast %xor3A_1383 : vector<16xi32> to vector<16x1xi32>
    %gather3A_1385 = vector.shape_cast %broadcast_in_dim3A_1384 : vector<16x1xi32> to vector<16xi32>
    %gather3A_1386 = tpu.dynamic_gather %max3A_1380[%gather3A_1385] in [0] : vector<16xf32>, vector<16xi32> -> vector<16xf32>
    %max3A_1387 = arith.maximumf %max3A_1380, %gather3A_1386 : vector<16xf32>
    %xor3A_1388 = arith.constant 1 : i32
    %xor3A_1389 = vector.broadcast %xor3A_1388 : i32 to vector<16xi32>
    %xor3A_1390 = arith.xori %iota3A, %xor3A_1389 : vector<16xi32>
    %broadcast_in_dim3A_1391 = vector.shape_cast %xor3A_1390 : vector<16xi32> to vector<16x1xi32>
    %gather3A_1392 = vector.shape_cast %broadcast_in_dim3A_1391 : vector<16x1xi32> to vector<16xi32>
    %gather3A_1393 = tpu.dynamic_gather %max3A_1387[%gather3A_1392] in [0] : vector<16xf32>, vector<16xi32> -> vector<16xf32>
    %max3A_1394 = arith.maximumf %max3A_1387, %gather3A_1393 : vector<16xf32>
    %sub3A_1395 = arith.subf %get3A_1342, %max3A_1394 : vector<16xf32>
    %exp3A_1396 = math.exp %sub3A_1395 : vector<16xf32>
    %sub3A_1397 = arith.subf %get3A_1347, %max3A_1394 : vector<16xf32>
    %exp3A_1398 = math.exp %sub3A_1397 : vector<16xf32>
    %sub3A_1399 = arith.subf %get3A_1352, %max3A_1394 : vector<16xf32>
    %exp3A_1400 = math.exp %sub3A_1399 : vector<16xf32>
    %sub3A_1401 = arith.subf %get3A_1357, %max3A_1394 : vector<16xf32>
    %exp3A_1402 = math.exp %sub3A_1401 : vector<16xf32>
    %sub3A_1403 = arith.subf %get3A_1362, %max3A_1394 : vector<16xf32>
    %exp3A_1404 = math.exp %sub3A_1403 : vector<16xf32>
    %add3A_1405 = arith.addf %exp3A_1396, %exp3A_1398 : vector<16xf32>
    %add3A_1406 = arith.addf %exp3A_1400, %exp3A_1402 : vector<16xf32>
    %add3A_1407 = arith.addf %add3A_1405, %add3A_1406 : vector<16xf32>
    %add3A_1408 = arith.addf %add3A_1407, %exp3A_1404 : vector<16xf32>
    %xor3A_1409 = arith.constant 8 : i32
    %xor3A_1410 = vector.broadcast %xor3A_1409 : i32 to vector<16xi32>
    %xor3A_1411 = arith.xori %iota3A, %xor3A_1410 : vector<16xi32>
    %broadcast_in_dim3A_1412 = vector.shape_cast %xor3A_1411 : vector<16xi32> to vector<16x1xi32>
    %gather3A_1413 = vector.shape_cast %broadcast_in_dim3A_1412 : vector<16x1xi32> to vector<16xi32>
    %gather3A_1414 = tpu.dynamic_gather %add3A_1408[%gather3A_1413] in [0] : vector<16xf32>, vector<16xi32> -> vector<16xf32>
    %add3A_1415 = arith.addf %add3A_1408, %gather3A_1414 : vector<16xf32>
    %xor3A_1416 = arith.constant 4 : i32
    %xor3A_1417 = vector.broadcast %xor3A_1416 : i32 to vector<16xi32>
    %xor3A_1418 = arith.xori %iota3A, %xor3A_1417 : vector<16xi32>
    %broadcast_in_dim3A_1419 = vector.shape_cast %xor3A_1418 : vector<16xi32> to vector<16x1xi32>
    %gather3A_1420 = vector.shape_cast %broadcast_in_dim3A_1419 : vector<16x1xi32> to vector<16xi32>
    %gather3A_1421 = tpu.dynamic_gather %add3A_1415[%gather3A_1420] in [0] : vector<16xf32>, vector<16xi32> -> vector<16xf32>
    %add3A_1422 = arith.addf %add3A_1415, %gather3A_1421 : vector<16xf32>
    %xor3A_1423 = arith.constant 2 : i32
    %xor3A_1424 = vector.broadcast %xor3A_1423 : i32 to vector<16xi32>
    %xor3A_1425 = arith.xori %iota3A, %xor3A_1424 : vector<16xi32>
    %broadcast_in_dim3A_1426 = vector.shape_cast %xor3A_1425 : vector<16xi32> to vector<16x1xi32>
    %gather3A_1427 = vector.shape_cast %broadcast_in_dim3A_1426 : vector<16x1xi32> to vector<16xi32>
    %gather3A_1428 = tpu.dynamic_gather %add3A_1422[%gather3A_1427] in [0] : vector<16xf32>, vector<16xi32> -> vector<16xf32>
    %add3A_1429 = arith.addf %add3A_1422, %gather3A_1428 : vector<16xf32>
    %xor3A_1430 = arith.constant 1 : i32
    %xor3A_1431 = vector.broadcast %xor3A_1430 : i32 to vector<16xi32>
    %xor3A_1432 = arith.xori %iota3A, %xor3A_1431 : vector<16xi32>
    %broadcast_in_dim3A_1433 = vector.shape_cast %xor3A_1432 : vector<16xi32> to vector<16x1xi32>
    %gather3A_1434 = vector.shape_cast %broadcast_in_dim3A_1433 : vector<16x1xi32> to vector<16xi32>
    %gather3A_1435 = tpu.dynamic_gather %add3A_1429[%gather3A_1434] in [0] : vector<16xf32>, vector<16xi32> -> vector<16xf32>
    %add3A_1436 = arith.addf %add3A_1429, %gather3A_1435 : vector<16xf32>
    %div3A_1437 = arith.divf %exp3A_1396, %add3A_1436 : vector<16xf32>
    %swap3A_1438 = arith.constant 10 : i32
    %swap3A_1439 = arith.index_cast %swap3A_1438 : i32 to index
    %swap3A_1440 = arith.constant 0 : index
    %swap3A_1441 = tpu.vector_load %arg7[%swap3A_1439, %swap3A_1440] {strides = array<i32>} : memref<32x80xf32, #tpu.memory_space<vmem>>, vector<1x16xf32>,
    %swap3A_1442 = vector.shape_cast %swap3A_1441 : vector<1x16xf32> to vector<16xf32>
    %swap3A_1443 = vector.shape_cast %div3A_1437 : vector<16xf32> to vector<1x16xf32>
    tpu.vector_store %arg7[%swap3A_1439, %swap3A_1440], %swap3A_1443 {strides = array<i32>} : memref<32x80xf32, #tpu.memory_space<vmem>>, vector<1x16xf32>,
    %div3A_1444 = arith.divf %exp3A_1398, %add3A_1436 : vector<16xf32>
    %swap3A_1445 = arith.constant 10 : i32
    %swap3A_1446 = arith.index_cast %swap3A_1445 : i32 to index
    %swap3A_1447 = arith.constant 16 : index
    %swap3A_1448 = tpu.vector_load %arg7[%swap3A_1446, %swap3A_1447] {strides = array<i32>} : memref<32x80xf32, #tpu.memory_space<vmem>>, vector<1x16xf32>,
    %swap3A_1449 = vector.shape_cast %swap3A_1448 : vector<1x16xf32> to vector<16xf32>
    %swap3A_1450 = vector.shape_cast %div3A_1444 : vector<16xf32> to vector<1x16xf32>
    tpu.vector_store %arg7[%swap3A_1446, %swap3A_1447], %swap3A_1450 {strides = array<i32>} : memref<32x80xf32, #tpu.memory_space<vmem>>, vector<1x16xf32>,
    %div3A_1451 = arith.divf %exp3A_1400, %add3A_1436 : vector<16xf32>
    %swap3A_1452 = arith.constant 10 : i32
    %swap3A_1453 = arith.index_cast %swap3A_1452 : i32 to index
    %swap3A_1454 = arith.constant 32 : index
    %swap3A_1455 = tpu.vector_load %arg7[%swap3A_1453, %swap3A_1454] {strides = array<i32>} : memref<32x80xf32, #tpu.memory_space<vmem>>, vector<1x16xf32>,
    %swap3A_1456 = vector.shape_cast %swap3A_1455 : vector<1x16xf32> to vector<16xf32>
    %swap3A_1457 = vector.shape_cast %div3A_1451 : vector<16xf32> to vector<1x16xf32>
    tpu.vector_store %arg7[%swap3A_1453, %swap3A_1454], %swap3A_1457 {strides = array<i32>} : memref<32x80xf32, #tpu.memory_space<vmem>>, vector<1x16xf32>,
    %div3A_1458 = arith.divf %exp3A_1402, %add3A_1436 : vector<16xf32>
    %swap3A_1459 = arith.constant 10 : i32
    %swap3A_1460 = arith.index_cast %swap3A_1459 : i32 to index
    %swap3A_1461 = arith.constant 48 : index
    %swap3A_1462 = tpu.vector_load %arg7[%swap3A_1460, %swap3A_1461] {strides = array<i32>} : memref<32x80xf32, #tpu.memory_space<vmem>>, vector<1x16xf32>,
    %swap3A_1463 = vector.shape_cast %swap3A_1462 : vector<1x16xf32> to vector<16xf32>
    %swap3A_1464 = vector.shape_cast %div3A_1458 : vector<16xf32> to vector<1x16xf32>
    tpu.vector_store %arg7[%swap3A_1460, %swap3A_1461], %swap3A_1464 {strides = array<i32>} : memref<32x80xf32, #tpu.memory_space<vmem>>, vector<1x16xf32>,
    %div3A_1465 = arith.divf %exp3A_1404, %add3A_1436 : vector<16xf32>
    %swap3A_1466 = arith.constant 10 : i32
    %swap3A_1467 = arith.index_cast %swap3A_1466 : i32 to index
    %swap3A_1468 = arith.constant 64 : index
    %swap3A_1469 = tpu.vector_load %arg7[%swap3A_1467, %swap3A_1468] {strides = array<i32>} : memref<32x80xf32, #tpu.memory_space<vmem>>, vector<1x16xf32>,
    %swap3A_1470 = vector.shape_cast %swap3A_1469 : vector<1x16xf32> to vector<16xf32>
    %swap3A_1471 = vector.shape_cast %div3A_1465 : vector<16xf32> to vector<1x16xf32>
    tpu.vector_store %arg7[%swap3A_1467, %swap3A_1468], %swap3A_1471 {strides = array<i32>} : memref<32x80xf32, #tpu.memory_space<vmem>>, vector<1x16xf32>,
    %get3A_1472 = arith.constant 11 : i32
    %get3A_1473 = arith.index_cast %get3A_1472 : i32 to index
    %get3A_1474 = arith.constant 0 : index
    %get3A_1475 = tpu.vector_load %arg6[%get3A_1473, %get3A_1474] {strides = array<i32>} : memref<32x80xf32, #tpu.memory_space<vmem>>, vector<1x16xf32>,
    %get3A_1476 = vector.shape_cast %get3A_1475 : vector<1x16xf32> to vector<16xf32>
    %get3A_1477 = arith.constant 11 : i32
    %get3A_1478 = arith.index_cast %get3A_1477 : i32 to index
    %get3A_1479 = arith.constant 16 : index
    %get3A_1480 = tpu.vector_load %arg6[%get3A_1478, %get3A_1479] {strides = array<i32>} : memref<32x80xf32, #tpu.memory_space<vmem>>, vector<1x16xf32>,
    %get3A_1481 = vector.shape_cast %get3A_1480 : vector<1x16xf32> to vector<16xf32>
    %get3A_1482 = arith.constant 11 : i32
    %get3A_1483 = arith.index_cast %get3A_1482 : i32 to index
    %get3A_1484 = arith.constant 32 : index
    %get3A_1485 = tpu.vector_load %arg6[%get3A_1483, %get3A_1484] {strides = array<i32>} : memref<32x80xf32, #tpu.memory_space<vmem>>, vector<1x16xf32>,
    %get3A_1486 = vector.shape_cast %get3A_1485 : vector<1x16xf32> to vector<16xf32>
    %get3A_1487 = arith.constant 11 : i32
    %get3A_1488 = arith.index_cast %get3A_1487 : i32 to index
    %get3A_1489 = arith.constant 48 : index
    %get3A_1490 = tpu.vector_load %arg6[%get3A_1488, %get3A_1489] {strides = array<i32>} : memref<32x80xf32, #tpu.memory_space<vmem>>, vector<1x16xf32>,
    %get3A_1491 = vector.shape_cast %get3A_1490 : vector<1x16xf32> to vector<16xf32>
    %get3A_1492 = arith.constant 11 : i32
    %get3A_1493 = arith.index_cast %get3A_1492 : i32 to index
    %get3A_1494 = arith.constant 64 : index
    %get3A_1495 = tpu.vector_load %arg6[%get3A_1493, %get3A_1494] {strides = array<i32>} : memref<32x80xf32, #tpu.memory_space<vmem>>, vector<1x16xf32>,
    %get3A_1496 = vector.shape_cast %get3A_1495 : vector<1x16xf32> to vector<16xf32>
    %max3A_1497 = arith.maximumf %get3A_1476, %get3A_1481 : vector<16xf32>
    %max3A_1498 = arith.maximumf %get3A_1486, %get3A_1491 : vector<16xf32>
    %max3A_1499 = arith.maximumf %max3A_1497, %max3A_1498 : vector<16xf32>
    %max3A_1500 = arith.maximumf %max3A_1499, %get3A_1496 : vector<16xf32>
    %xor3A_1501 = arith.constant 8 : i32
    %xor3A_1502 = vector.broadcast %xor3A_1501 : i32 to vector<16xi32>
    %xor3A_1503 = arith.xori %iota3A, %xor3A_1502 : vector<16xi32>
    %broadcast_in_dim3A_1504 = vector.shape_cast %xor3A_1503 : vector<16xi32> to vector<16x1xi32>
    %gather3A_1505 = vector.shape_cast %broadcast_in_dim3A_1504 : vector<16x1xi32> to vector<16xi32>
    %gather3A_1506 = tpu.dynamic_gather %max3A_1500[%gather3A_1505] in [0] : vector<16xf32>, vector<16xi32> -> vector<16xf32>
    %max3A_1507 = arith.maximumf %max3A_1500, %gather3A_1506 : vector<16xf32>
    %xor3A_1508 = arith.constant 4 : i32
    %xor3A_1509 = vector.broadcast %xor3A_1508 : i32 to vector<16xi32>
    %xor3A_1510 = arith.xori %iota3A, %xor3A_1509 : vector<16xi32>
    %broadcast_in_dim3A_1511 = vector.shape_cast %xor3A_1510 : vector<16xi32> to vector<16x1xi32>
    %gather3A_1512 = vector.shape_cast %broadcast_in_dim3A_1511 : vector<16x1xi32> to vector<16xi32>
    %gather3A_1513 = tpu.dynamic_gather %max3A_1507[%gather3A_1512] in [0] : vector<16xf32>, vector<16xi32> -> vector<16xf32>
    %max3A_1514 = arith.maximumf %max3A_1507, %gather3A_1513 : vector<16xf32>
    %xor3A_1515 = arith.constant 2 : i32
    %xor3A_1516 = vector.broadcast %xor3A_1515 : i32 to vector<16xi32>
    %xor3A_1517 = arith.xori %iota3A, %xor3A_1516 : vector<16xi32>
    %broadcast_in_dim3A_1518 = vector.shape_cast %xor3A_1517 : vector<16xi32> to vector<16x1xi32>
    %gather3A_1519 = vector.shape_cast %broadcast_in_dim3A_1518 : vector<16x1xi32> to vector<16xi32>
    %gather3A_1520 = tpu.dynamic_gather %max3A_1514[%gather3A_1519] in [0] : vector<16xf32>, vector<16xi32> -> vector<16xf32>
    %max3A_1521 = arith.maximumf %max3A_1514, %gather3A_1520 : vector<16xf32>
    %xor3A_1522 = arith.constant 1 : i32
    %xor3A_1523 = vector.broadcast %xor3A_1522 : i32 to vector<16xi32>
    %xor3A_1524 = arith.xori %iota3A, %xor3A_1523 : vector<16xi32>
    %broadcast_in_dim3A_1525 = vector.shape_cast %xor3A_1524 : vector<16xi32> to vector<16x1xi32>
    %gather3A_1526 = vector.shape_cast %broadcast_in_dim3A_1525 : vector<16x1xi32> to vector<16xi32>
    %gather3A_1527 = tpu.dynamic_gather %max3A_1521[%gather3A_1526] in [0] : vector<16xf32>, vector<16xi32> -> vector<16xf32>
    %max3A_1528 = arith.maximumf %max3A_1521, %gather3A_1527 : vector<16xf32>
    %sub3A_1529 = arith.subf %get3A_1476, %max3A_1528 : vector<16xf32>
    %exp3A_1530 = math.exp %sub3A_1529 : vector<16xf32>
    %sub3A_1531 = arith.subf %get3A_1481, %max3A_1528 : vector<16xf32>
    %exp3A_1532 = math.exp %sub3A_1531 : vector<16xf32>
    %sub3A_1533 = arith.subf %get3A_1486, %max3A_1528 : vector<16xf32>
    %exp3A_1534 = math.exp %sub3A_1533 : vector<16xf32>
    %sub3A_1535 = arith.subf %get3A_1491, %max3A_1528 : vector<16xf32>
    %exp3A_1536 = math.exp %sub3A_1535 : vector<16xf32>
    %sub3A_1537 = arith.subf %get3A_1496, %max3A_1528 : vector<16xf32>
    %exp3A_1538 = math.exp %sub3A_1537 : vector<16xf32>
    %add3A_1539 = arith.addf %exp3A_1530, %exp3A_1532 : vector<16xf32>
    %add3A_1540 = arith.addf %exp3A_1534, %exp3A_1536 : vector<16xf32>
    %add3A_1541 = arith.addf %add3A_1539, %add3A_1540 : vector<16xf32>
    %add3A_1542 = arith.addf %add3A_1541, %exp3A_1538 : vector<16xf32>
    %xor3A_1543 = arith.constant 8 : i32
    %xor3A_1544 = vector.broadcast %xor3A_1543 : i32 to vector<16xi32>
    %xor3A_1545 = arith.xori %iota3A, %xor3A_1544 : vector<16xi32>
    %broadcast_in_dim3A_1546 = vector.shape_cast %xor3A_1545 : vector<16xi32> to vector<16x1xi32>
    %gather3A_1547 = vector.shape_cast %broadcast_in_dim3A_1546 : vector<16x1xi32> to vector<16xi32>
    %gather3A_1548 = tpu.dynamic_gather %add3A_1542[%gather3A_1547] in [0] : vector<16xf32>, vector<16xi32> -> vector<16xf32>
    %add3A_1549 = arith.addf %add3A_1542, %gather3A_1548 : vector<16xf32>
    %xor3A_1550 = arith.constant 4 : i32
    %xor3A_1551 = vector.broadcast %xor3A_1550 : i32 to vector<16xi32>
    %xor3A_1552 = arith.xori %iota3A, %xor3A_1551 : vector<16xi32>
    %broadcast_in_dim3A_1553 = vector.shape_cast %xor3A_1552 : vector<16xi32> to vector<16x1xi32>
    %gather3A_1554 = vector.shape_cast %broadcast_in_dim3A_1553 : vector<16x1xi32> to vector<16xi32>
    %gather3A_1555 = tpu.dynamic_gather %add3A_1549[%gather3A_1554] in [0] : vector<16xf32>, vector<16xi32> -> vector<16xf32>
    %add3A_1556 = arith.addf %add3A_1549, %gather3A_1555 : vector<16xf32>
    %xor3A_1557 = arith.constant 2 : i32
    %xor3A_1558 = vector.broadcast %xor3A_1557 : i32 to vector<16xi32>
    %xor3A_1559 = arith.xori %iota3A, %xor3A_1558 : vector<16xi32>
    %broadcast_in_dim3A_1560 = vector.shape_cast %xor3A_1559 : vector<16xi32> to vector<16x1xi32>
    %gather3A_1561 = vector.shape_cast %broadcast_in_dim3A_1560 : vector<16x1xi32> to vector<16xi32>
    %gather3A_1562 = tpu.dynamic_gather %add3A_1556[%gather3A_1561] in [0] : vector<16xf32>, vector<16xi32> -> vector<16xf32>
    %add3A_1563 = arith.addf %add3A_1556, %gather3A_1562 : vector<16xf32>
    %xor3A_1564 = arith.constant 1 : i32
    %xor3A_1565 = vector.broadcast %xor3A_1564 : i32 to vector<16xi32>
    %xor3A_1566 = arith.xori %iota3A, %xor3A_1565 : vector<16xi32>
    %broadcast_in_dim3A_1567 = vector.shape_cast %xor3A_1566 : vector<16xi32> to vector<16x1xi32>
    %gather3A_1568 = vector.shape_cast %broadcast_in_dim3A_1567 : vector<16x1xi32> to vector<16xi32>
    %gather3A_1569 = tpu.dynamic_gather %add3A_1563[%gather3A_1568] in [0] : vector<16xf32>, vector<16xi32> -> vector<16xf32>
    %add3A_1570 = arith.addf %add3A_1563, %gather3A_1569 : vector<16xf32>
    %div3A_1571 = arith.divf %exp3A_1530, %add3A_1570 : vector<16xf32>
    %swap3A_1572 = arith.constant 11 : i32
    %swap3A_1573 = arith.index_cast %swap3A_1572 : i32 to index
    %swap3A_1574 = arith.constant 0 : index
    %swap3A_1575 = tpu.vector_load %arg7[%swap3A_1573, %swap3A_1574] {strides = array<i32>} : memref<32x80xf32, #tpu.memory_space<vmem>>, vector<1x16xf32>,
    %swap3A_1576 = vector.shape_cast %swap3A_1575 : vector<1x16xf32> to vector<16xf32>
    %swap3A_1577 = vector.shape_cast %div3A_1571 : vector<16xf32> to vector<1x16xf32>
    tpu.vector_store %arg7[%swap3A_1573, %swap3A_1574], %swap3A_1577 {strides = array<i32>} : memref<32x80xf32, #tpu.memory_space<vmem>>, vector<1x16xf32>,
    %div3A_1578 = arith.divf %exp3A_1532, %add3A_1570 : vector<16xf32>
    %swap3A_1579 = arith.constant 11 : i32
    %swap3A_1580 = arith.index_cast %swap3A_1579 : i32 to index
    %swap3A_1581 = arith.constant 16 : index
    %swap3A_1582 = tpu.vector_load %arg7[%swap3A_1580, %swap3A_1581] {strides = array<i32>} : memref<32x80xf32, #tpu.memory_space<vmem>>, vector<1x16xf32>,
    %swap3A_1583 = vector.shape_cast %swap3A_1582 : vector<1x16xf32> to vector<16xf32>
    %swap3A_1584 = vector.shape_cast %div3A_1578 : vector<16xf32> to vector<1x16xf32>
    tpu.vector_store %arg7[%swap3A_1580, %swap3A_1581], %swap3A_1584 {strides = array<i32>} : memref<32x80xf32, #tpu.memory_space<vmem>>, vector<1x16xf32>,
    %div3A_1585 = arith.divf %exp3A_1534, %add3A_1570 : vector<16xf32>
    %swap3A_1586 = arith.constant 11 : i32
    %swap3A_1587 = arith.index_cast %swap3A_1586 : i32 to index
    %swap3A_1588 = arith.constant 32 : index
    %swap3A_1589 = tpu.vector_load %arg7[%swap3A_1587, %swap3A_1588] {strides = array<i32>} : memref<32x80xf32, #tpu.memory_space<vmem>>, vector<1x16xf32>,
    %swap3A_1590 = vector.shape_cast %swap3A_1589 : vector<1x16xf32> to vector<16xf32>
    %swap3A_1591 = vector.shape_cast %div3A_1585 : vector<16xf32> to vector<1x16xf32>
    tpu.vector_store %arg7[%swap3A_1587, %swap3A_1588], %swap3A_1591 {strides = array<i32>} : memref<32x80xf32, #tpu.memory_space<vmem>>, vector<1x16xf32>,
    %div3A_1592 = arith.divf %exp3A_1536, %add3A_1570 : vector<16xf32>
    %swap3A_1593 = arith.constant 11 : i32
    %swap3A_1594 = arith.index_cast %swap3A_1593 : i32 to index
    %swap3A_1595 = arith.constant 48 : index
    %swap3A_1596 = tpu.vector_load %arg7[%swap3A_1594, %swap3A_1595] {strides = array<i32>} : memref<32x80xf32, #tpu.memory_space<vmem>>, vector<1x16xf32>,
    %swap3A_1597 = vector.shape_cast %swap3A_1596 : vector<1x16xf32> to vector<16xf32>
    %swap3A_1598 = vector.shape_cast %div3A_1592 : vector<16xf32> to vector<1x16xf32>
    tpu.vector_store %arg7[%swap3A_1594, %swap3A_1595], %swap3A_1598 {strides = array<i32>} : memref<32x80xf32, #tpu.memory_space<vmem>>, vector<1x16xf32>,
    %div3A_1599 = arith.divf %exp3A_1538, %add3A_1570 : vector<16xf32>
    %swap3A_1600 = arith.constant 11 : i32
    %swap3A_1601 = arith.index_cast %swap3A_1600 : i32 to index
    %swap3A_1602 = arith.constant 64 : index
    %swap3A_1603 = tpu.vector_load %arg7[%swap3A_1601, %swap3A_1602] {strides = array<i32>} : memref<32x80xf32, #tpu.memory_space<vmem>>, vector<1x16xf32>,
    %swap3A_1604 = vector.shape_cast %swap3A_1603 : vector<1x16xf32> to vector<16xf32>
    %swap3A_1605 = vector.shape_cast %div3A_1599 : vector<16xf32> to vector<1x16xf32>
    tpu.vector_store %arg7[%swap3A_1601, %swap3A_1602], %swap3A_1605 {strides = array<i32>} : memref<32x80xf32, #tpu.memory_space<vmem>>, vector<1x16xf32>,
    %get3A_1606 = arith.constant 12 : i32
    %get3A_1607 = arith.index_cast %get3A_1606 : i32 to index
    %get3A_1608 = arith.constant 0 : index
    %get3A_1609 = tpu.vector_load %arg6[%get3A_1607, %get3A_1608] {strides = array<i32>} : memref<32x80xf32, #tpu.memory_space<vmem>>, vector<1x16xf32>,
    %get3A_1610 = vector.shape_cast %get3A_1609 : vector<1x16xf32> to vector<16xf32>
    %get3A_1611 = arith.constant 12 : i32
    %get3A_1612 = arith.index_cast %get3A_1611 : i32 to index
    %get3A_1613 = arith.constant 16 : index
    %get3A_1614 = tpu.vector_load %arg6[%get3A_1612, %get3A_1613] {strides = array<i32>} : memref<32x80xf32, #tpu.memory_space<vmem>>, vector<1x16xf32>,
    %get3A_1615 = vector.shape_cast %get3A_1614 : vector<1x16xf32> to vector<16xf32>
    %get3A_1616 = arith.constant 12 : i32
    %get3A_1617 = arith.index_cast %get3A_1616 : i32 to index
    %get3A_1618 = arith.constant 32 : index
    %get3A_1619 = tpu.vector_load %arg6[%get3A_1617, %get3A_1618] {strides = array<i32>} : memref<32x80xf32, #tpu.memory_space<vmem>>, vector<1x16xf32>,
    %get3A_1620 = vector.shape_cast %get3A_1619 : vector<1x16xf32> to vector<16xf32>
    %get3A_1621 = arith.constant 12 : i32
    %get3A_1622 = arith.index_cast %get3A_1621 : i32 to index
    %get3A_1623 = arith.constant 48 : index
    %get3A_1624 = tpu.vector_load %arg6[%get3A_1622, %get3A_1623] {strides = array<i32>} : memref<32x80xf32, #tpu.memory_space<vmem>>, vector<1x16xf32>,
    %get3A_1625 = vector.shape_cast %get3A_1624 : vector<1x16xf32> to vector<16xf32>
    %get3A_1626 = arith.constant 12 : i32
    %get3A_1627 = arith.index_cast %get3A_1626 : i32 to index
    %get3A_1628 = arith.constant 64 : index
    %get3A_1629 = tpu.vector_load %arg6[%get3A_1627, %get3A_1628] {strides = array<i32>} : memref<32x80xf32, #tpu.memory_space<vmem>>, vector<1x16xf32>,
    %get3A_1630 = vector.shape_cast %get3A_1629 : vector<1x16xf32> to vector<16xf32>
    %max3A_1631 = arith.maximumf %get3A_1610, %get3A_1615 : vector<16xf32>
    %max3A_1632 = arith.maximumf %get3A_1620, %get3A_1625 : vector<16xf32>
    %max3A_1633 = arith.maximumf %max3A_1631, %max3A_1632 : vector<16xf32>
    %max3A_1634 = arith.maximumf %max3A_1633, %get3A_1630 : vector<16xf32>
    %xor3A_1635 = arith.constant 8 : i32
    %xor3A_1636 = vector.broadcast %xor3A_1635 : i32 to vector<16xi32>
    %xor3A_1637 = arith.xori %iota3A, %xor3A_1636 : vector<16xi32>
    %broadcast_in_dim3A_1638 = vector.shape_cast %xor3A_1637 : vector<16xi32> to vector<16x1xi32>
    %gather3A_1639 = vector.shape_cast %broadcast_in_dim3A_1638 : vector<16x1xi32> to vector<16xi32>
    %gather3A_1640 = tpu.dynamic_gather %max3A_1634[%gather3A_1639] in [0] : vector<16xf32>, vector<16xi32> -> vector<16xf32>
    %max3A_1641 = arith.maximumf %max3A_1634, %gather3A_1640 : vector<16xf32>
    %xor3A_1642 = arith.constant 4 : i32
    %xor3A_1643 = vector.broadcast %xor3A_1642 : i32 to vector<16xi32>
    %xor3A_1644 = arith.xori %iota3A, %xor3A_1643 : vector<16xi32>
    %broadcast_in_dim3A_1645 = vector.shape_cast %xor3A_1644 : vector<16xi32> to vector<16x1xi32>
    %gather3A_1646 = vector.shape_cast %broadcast_in_dim3A_1645 : vector<16x1xi32> to vector<16xi32>
    %gather3A_1647 = tpu.dynamic_gather %max3A_1641[%gather3A_1646] in [0] : vector<16xf32>, vector<16xi32> -> vector<16xf32>
    %max3A_1648 = arith.maximumf %max3A_1641, %gather3A_1647 : vector<16xf32>
    %xor3A_1649 = arith.constant 2 : i32
    %xor3A_1650 = vector.broadcast %xor3A_1649 : i32 to vector<16xi32>
    %xor3A_1651 = arith.xori %iota3A, %xor3A_1650 : vector<16xi32>
    %broadcast_in_dim3A_1652 = vector.shape_cast %xor3A_1651 : vector<16xi32> to vector<16x1xi32>
    %gather3A_1653 = vector.shape_cast %broadcast_in_dim3A_1652 : vector<16x1xi32> to vector<16xi32>
    %gather3A_1654 = tpu.dynamic_gather %max3A_1648[%gather3A_1653] in [0] : vector<16xf32>, vector<16xi32> -> vector<16xf32>
    %max3A_1655 = arith.maximumf %max3A_1648, %gather3A_1654 : vector<16xf32>
    %xor3A_1656 = arith.constant 1 : i32
    %xor3A_1657 = vector.broadcast %xor3A_1656 : i32 to vector<16xi32>
    %xor3A_1658 = arith.xori %iota3A, %xor3A_1657 : vector<16xi32>
    %broadcast_in_dim3A_1659 = vector.shape_cast %xor3A_1658 : vector<16xi32> to vector<16x1xi32>
    %gather3A_1660 = vector.shape_cast %broadcast_in_dim3A_1659 : vector<16x1xi32> to vector<16xi32>
    %gather3A_1661 = tpu.dynamic_gather %max3A_1655[%gather3A_1660] in [0] : vector<16xf32>, vector<16xi32> -> vector<16xf32>
    %max3A_1662 = arith.maximumf %max3A_1655, %gather3A_1661 : vector<16xf32>
    %sub3A_1663 = arith.subf %get3A_1610, %max3A_1662 : vector<16xf32>
    %exp3A_1664 = math.exp %sub3A_1663 : vector<16xf32>
    %sub3A_1665 = arith.subf %get3A_1615, %max3A_1662 : vector<16xf32>
    %exp3A_1666 = math.exp %sub3A_1665 : vector<16xf32>
    %sub3A_1667 = arith.subf %get3A_1620, %max3A_1662 : vector<16xf32>
    %exp3A_1668 = math.exp %sub3A_1667 : vector<16xf32>
    %sub3A_1669 = arith.subf %get3A_1625, %max3A_1662 : vector<16xf32>
    %exp3A_1670 = math.exp %sub3A_1669 : vector<16xf32>
    %sub3A_1671 = arith.subf %get3A_1630, %max3A_1662 : vector<16xf32>
    %exp3A_1672 = math.exp %sub3A_1671 : vector<16xf32>
    %add3A_1673 = arith.addf %exp3A_1664, %exp3A_1666 : vector<16xf32>
    %add3A_1674 = arith.addf %exp3A_1668, %exp3A_1670 : vector<16xf32>
    %add3A_1675 = arith.addf %add3A_1673, %add3A_1674 : vector<16xf32>
    %add3A_1676 = arith.addf %add3A_1675, %exp3A_1672 : vector<16xf32>
    %xor3A_1677 = arith.constant 8 : i32
    %xor3A_1678 = vector.broadcast %xor3A_1677 : i32 to vector<16xi32>
    %xor3A_1679 = arith.xori %iota3A, %xor3A_1678 : vector<16xi32>
    %broadcast_in_dim3A_1680 = vector.shape_cast %xor3A_1679 : vector<16xi32> to vector<16x1xi32>
    %gather3A_1681 = vector.shape_cast %broadcast_in_dim3A_1680 : vector<16x1xi32> to vector<16xi32>
    %gather3A_1682 = tpu.dynamic_gather %add3A_1676[%gather3A_1681] in [0] : vector<16xf32>, vector<16xi32> -> vector<16xf32>
    %add3A_1683 = arith.addf %add3A_1676, %gather3A_1682 : vector<16xf32>
    %xor3A_1684 = arith.constant 4 : i32
    %xor3A_1685 = vector.broadcast %xor3A_1684 : i32 to vector<16xi32>
    %xor3A_1686 = arith.xori %iota3A, %xor3A_1685 : vector<16xi32>
    %broadcast_in_dim3A_1687 = vector.shape_cast %xor3A_1686 : vector<16xi32> to vector<16x1xi32>
    %gather3A_1688 = vector.shape_cast %broadcast_in_dim3A_1687 : vector<16x1xi32> to vector<16xi32>
    %gather3A_1689 = tpu.dynamic_gather %add3A_1683[%gather3A_1688] in [0] : vector<16xf32>, vector<16xi32> -> vector<16xf32>
    %add3A_1690 = arith.addf %add3A_1683, %gather3A_1689 : vector<16xf32>
    %xor3A_1691 = arith.constant 2 : i32
    %xor3A_1692 = vector.broadcast %xor3A_1691 : i32 to vector<16xi32>
    %xor3A_1693 = arith.xori %iota3A, %xor3A_1692 : vector<16xi32>
    %broadcast_in_dim3A_1694 = vector.shape_cast %xor3A_1693 : vector<16xi32> to vector<16x1xi32>
    %gather3A_1695 = vector.shape_cast %broadcast_in_dim3A_1694 : vector<16x1xi32> to vector<16xi32>
    %gather3A_1696 = tpu.dynamic_gather %add3A_1690[%gather3A_1695] in [0] : vector<16xf32>, vector<16xi32> -> vector<16xf32>
    %add3A_1697 = arith.addf %add3A_1690, %gather3A_1696 : vector<16xf32>
    %xor3A_1698 = arith.constant 1 : i32
    %xor3A_1699 = vector.broadcast %xor3A_1698 : i32 to vector<16xi32>
    %xor3A_1700 = arith.xori %iota3A, %xor3A_1699 : vector<16xi32>
    %broadcast_in_dim3A_1701 = vector.shape_cast %xor3A_1700 : vector<16xi32> to vector<16x1xi32>
    %gather3A_1702 = vector.shape_cast %broadcast_in_dim3A_1701 : vector<16x1xi32> to vector<16xi32>
    %gather3A_1703 = tpu.dynamic_gather %add3A_1697[%gather3A_1702] in [0] : vector<16xf32>, vector<16xi32> -> vector<16xf32>
    %add3A_1704 = arith.addf %add3A_1697, %gather3A_1703 : vector<16xf32>
    %div3A_1705 = arith.divf %exp3A_1664, %add3A_1704 : vector<16xf32>
    %swap3A_1706 = arith.constant 12 : i32
    %swap3A_1707 = arith.index_cast %swap3A_1706 : i32 to index
    %swap3A_1708 = arith.constant 0 : index
    %swap3A_1709 = tpu.vector_load %arg7[%swap3A_1707, %swap3A_1708] {strides = array<i32>} : memref<32x80xf32, #tpu.memory_space<vmem>>, vector<1x16xf32>,
    %swap3A_1710 = vector.shape_cast %swap3A_1709 : vector<1x16xf32> to vector<16xf32>
    %swap3A_1711 = vector.shape_cast %div3A_1705 : vector<16xf32> to vector<1x16xf32>
    tpu.vector_store %arg7[%swap3A_1707, %swap3A_1708], %swap3A_1711 {strides = array<i32>} : memref<32x80xf32, #tpu.memory_space<vmem>>, vector<1x16xf32>,
    %div3A_1712 = arith.divf %exp3A_1666, %add3A_1704 : vector<16xf32>
    %swap3A_1713 = arith.constant 12 : i32
    %swap3A_1714 = arith.index_cast %swap3A_1713 : i32 to index
    %swap3A_1715 = arith.constant 16 : index
    %swap3A_1716 = tpu.vector_load %arg7[%swap3A_1714, %swap3A_1715] {strides = array<i32>} : memref<32x80xf32, #tpu.memory_space<vmem>>, vector<1x16xf32>,
    %swap3A_1717 = vector.shape_cast %swap3A_1716 : vector<1x16xf32> to vector<16xf32>
    %swap3A_1718 = vector.shape_cast %div3A_1712 : vector<16xf32> to vector<1x16xf32>
    tpu.vector_store %arg7[%swap3A_1714, %swap3A_1715], %swap3A_1718 {strides = array<i32>} : memref<32x80xf32, #tpu.memory_space<vmem>>, vector<1x16xf32>,
    %div3A_1719 = arith.divf %exp3A_1668, %add3A_1704 : vector<16xf32>
    %swap3A_1720 = arith.constant 12 : i32
    %swap3A_1721 = arith.index_cast %swap3A_1720 : i32 to index
    %swap3A_1722 = arith.constant 32 : index
    %swap3A_1723 = tpu.vector_load %arg7[%swap3A_1721, %swap3A_1722] {strides = array<i32>} : memref<32x80xf32, #tpu.memory_space<vmem>>, vector<1x16xf32>,
    %swap3A_1724 = vector.shape_cast %swap3A_1723 : vector<1x16xf32> to vector<16xf32>
    %swap3A_1725 = vector.shape_cast %div3A_1719 : vector<16xf32> to vector<1x16xf32>
    tpu.vector_store %arg7[%swap3A_1721, %swap3A_1722], %swap3A_1725 {strides = array<i32>} : memref<32x80xf32, #tpu.memory_space<vmem>>, vector<1x16xf32>,
    %div3A_1726 = arith.divf %exp3A_1670, %add3A_1704 : vector<16xf32>
    %swap3A_1727 = arith.constant 12 : i32
    %swap3A_1728 = arith.index_cast %swap3A_1727 : i32 to index
    %swap3A_1729 = arith.constant 48 : index
    %swap3A_1730 = tpu.vector_load %arg7[%swap3A_1728, %swap3A_1729] {strides = array<i32>} : memref<32x80xf32, #tpu.memory_space<vmem>>, vector<1x16xf32>,
    %swap3A_1731 = vector.shape_cast %swap3A_1730 : vector<1x16xf32> to vector<16xf32>
    %swap3A_1732 = vector.shape_cast %div3A_1726 : vector<16xf32> to vector<1x16xf32>
    tpu.vector_store %arg7[%swap3A_1728, %swap3A_1729], %swap3A_1732 {strides = array<i32>} : memref<32x80xf32, #tpu.memory_space<vmem>>, vector<1x16xf32>,
    %div3A_1733 = arith.divf %exp3A_1672, %add3A_1704 : vector<16xf32>
    %swap3A_1734 = arith.constant 12 : i32
    %swap3A_1735 = arith.index_cast %swap3A_1734 : i32 to index
    %swap3A_1736 = arith.constant 64 : index
    %swap3A_1737 = tpu.vector_load %arg7[%swap3A_1735, %swap3A_1736] {strides = array<i32>} : memref<32x80xf32, #tpu.memory_space<vmem>>, vector<1x16xf32>,
    %swap3A_1738 = vector.shape_cast %swap3A_1737 : vector<1x16xf32> to vector<16xf32>
    %swap3A_1739 = vector.shape_cast %div3A_1733 : vector<16xf32> to vector<1x16xf32>
    tpu.vector_store %arg7[%swap3A_1735, %swap3A_1736], %swap3A_1739 {strides = array<i32>} : memref<32x80xf32, #tpu.memory_space<vmem>>, vector<1x16xf32>,
    %get3A_1740 = arith.constant 13 : i32
    %get3A_1741 = arith.index_cast %get3A_1740 : i32 to index
    %get3A_1742 = arith.constant 0 : index
    %get3A_1743 = tpu.vector_load %arg6[%get3A_1741, %get3A_1742] {strides = array<i32>} : memref<32x80xf32, #tpu.memory_space<vmem>>, vector<1x16xf32>,
    %get3A_1744 = vector.shape_cast %get3A_1743 : vector<1x16xf32> to vector<16xf32>
    %get3A_1745 = arith.constant 13 : i32
    %get3A_1746 = arith.index_cast %get3A_1745 : i32 to index
    %get3A_1747 = arith.constant 16 : index
    %get3A_1748 = tpu.vector_load %arg6[%get3A_1746, %get3A_1747] {strides = array<i32>} : memref<32x80xf32, #tpu.memory_space<vmem>>, vector<1x16xf32>,
    %get3A_1749 = vector.shape_cast %get3A_1748 : vector<1x16xf32> to vector<16xf32>
    %get3A_1750 = arith.constant 13 : i32
    %get3A_1751 = arith.index_cast %get3A_1750 : i32 to index
    %get3A_1752 = arith.constant 32 : index
    %get3A_1753 = tpu.vector_load %arg6[%get3A_1751, %get3A_1752] {strides = array<i32>} : memref<32x80xf32, #tpu.memory_space<vmem>>, vector<1x16xf32>,
    %get3A_1754 = vector.shape_cast %get3A_1753 : vector<1x16xf32> to vector<16xf32>
    %get3A_1755 = arith.constant 13 : i32
    %get3A_1756 = arith.index_cast %get3A_1755 : i32 to index
    %get3A_1757 = arith.constant 48 : index
    %get3A_1758 = tpu.vector_load %arg6[%get3A_1756, %get3A_1757] {strides = array<i32>} : memref<32x80xf32, #tpu.memory_space<vmem>>, vector<1x16xf32>,
    %get3A_1759 = vector.shape_cast %get3A_1758 : vector<1x16xf32> to vector<16xf32>
    %get3A_1760 = arith.constant 13 : i32
    %get3A_1761 = arith.index_cast %get3A_1760 : i32 to index
    %get3A_1762 = arith.constant 64 : index
    %get3A_1763 = tpu.vector_load %arg6[%get3A_1761, %get3A_1762] {strides = array<i32>} : memref<32x80xf32, #tpu.memory_space<vmem>>, vector<1x16xf32>,
    %get3A_1764 = vector.shape_cast %get3A_1763 : vector<1x16xf32> to vector<16xf32>
    %max3A_1765 = arith.maximumf %get3A_1744, %get3A_1749 : vector<16xf32>
    %max3A_1766 = arith.maximumf %get3A_1754, %get3A_1759 : vector<16xf32>
    %max3A_1767 = arith.maximumf %max3A_1765, %max3A_1766 : vector<16xf32>
    %max3A_1768 = arith.maximumf %max3A_1767, %get3A_1764 : vector<16xf32>
    %xor3A_1769 = arith.constant 8 : i32
    %xor3A_1770 = vector.broadcast %xor3A_1769 : i32 to vector<16xi32>
    %xor3A_1771 = arith.xori %iota3A, %xor3A_1770 : vector<16xi32>
    %broadcast_in_dim3A_1772 = vector.shape_cast %xor3A_1771 : vector<16xi32> to vector<16x1xi32>
    %gather3A_1773 = vector.shape_cast %broadcast_in_dim3A_1772 : vector<16x1xi32> to vector<16xi32>
    %gather3A_1774 = tpu.dynamic_gather %max3A_1768[%gather3A_1773] in [0] : vector<16xf32>, vector<16xi32> -> vector<16xf32>
    %max3A_1775 = arith.maximumf %max3A_1768, %gather3A_1774 : vector<16xf32>
    %xor3A_1776 = arith.constant 4 : i32
    %xor3A_1777 = vector.broadcast %xor3A_1776 : i32 to vector<16xi32>
    %xor3A_1778 = arith.xori %iota3A, %xor3A_1777 : vector<16xi32>
    %broadcast_in_dim3A_1779 = vector.shape_cast %xor3A_1778 : vector<16xi32> to vector<16x1xi32>
    %gather3A_1780 = vector.shape_cast %broadcast_in_dim3A_1779 : vector<16x1xi32> to vector<16xi32>
    %gather3A_1781 = tpu.dynamic_gather %max3A_1775[%gather3A_1780] in [0] : vector<16xf32>, vector<16xi32> -> vector<16xf32>
    %max3A_1782 = arith.maximumf %max3A_1775, %gather3A_1781 : vector<16xf32>
    %xor3A_1783 = arith.constant 2 : i32
    %xor3A_1784 = vector.broadcast %xor3A_1783 : i32 to vector<16xi32>
    %xor3A_1785 = arith.xori %iota3A, %xor3A_1784 : vector<16xi32>
    %broadcast_in_dim3A_1786 = vector.shape_cast %xor3A_1785 : vector<16xi32> to vector<16x1xi32>
    %gather3A_1787 = vector.shape_cast %broadcast_in_dim3A_1786 : vector<16x1xi32> to vector<16xi32>
    %gather3A_1788 = tpu.dynamic_gather %max3A_1782[%gather3A_1787] in [0] : vector<16xf32>, vector<16xi32> -> vector<16xf32>
    %max3A_1789 = arith.maximumf %max3A_1782, %gather3A_1788 : vector<16xf32>
    %xor3A_1790 = arith.constant 1 : i32
    %xor3A_1791 = vector.broadcast %xor3A_1790 : i32 to vector<16xi32>
    %xor3A_1792 = arith.xori %iota3A, %xor3A_1791 : vector<16xi32>
    %broadcast_in_dim3A_1793 = vector.shape_cast %xor3A_1792 : vector<16xi32> to vector<16x1xi32>
    %gather3A_1794 = vector.shape_cast %broadcast_in_dim3A_1793 : vector<16x1xi32> to vector<16xi32>
    %gather3A_1795 = tpu.dynamic_gather %max3A_1789[%gather3A_1794] in [0] : vector<16xf32>, vector<16xi32> -> vector<16xf32>
    %max3A_1796 = arith.maximumf %max3A_1789, %gather3A_1795 : vector<16xf32>
    %sub3A_1797 = arith.subf %get3A_1744, %max3A_1796 : vector<16xf32>
    %exp3A_1798 = math.exp %sub3A_1797 : vector<16xf32>
    %sub3A_1799 = arith.subf %get3A_1749, %max3A_1796 : vector<16xf32>
    %exp3A_1800 = math.exp %sub3A_1799 : vector<16xf32>
    %sub3A_1801 = arith.subf %get3A_1754, %max3A_1796 : vector<16xf32>
    %exp3A_1802 = math.exp %sub3A_1801 : vector<16xf32>
    %sub3A_1803 = arith.subf %get3A_1759, %max3A_1796 : vector<16xf32>
    %exp3A_1804 = math.exp %sub3A_1803 : vector<16xf32>
    %sub3A_1805 = arith.subf %get3A_1764, %max3A_1796 : vector<16xf32>
    %exp3A_1806 = math.exp %sub3A_1805 : vector<16xf32>
    %add3A_1807 = arith.addf %exp3A_1798, %exp3A_1800 : vector<16xf32>
    %add3A_1808 = arith.addf %exp3A_1802, %exp3A_1804 : vector<16xf32>
    %add3A_1809 = arith.addf %add3A_1807, %add3A_1808 : vector<16xf32>
    %add3A_1810 = arith.addf %add3A_1809, %exp3A_1806 : vector<16xf32>
    %xor3A_1811 = arith.constant 8 : i32
    %xor3A_1812 = vector.broadcast %xor3A_1811 : i32 to vector<16xi32>
    %xor3A_1813 = arith.xori %iota3A, %xor3A_1812 : vector<16xi32>
    %broadcast_in_dim3A_1814 = vector.shape_cast %xor3A_1813 : vector<16xi32> to vector<16x1xi32>
    %gather3A_1815 = vector.shape_cast %broadcast_in_dim3A_1814 : vector<16x1xi32> to vector<16xi32>
    %gather3A_1816 = tpu.dynamic_gather %add3A_1810[%gather3A_1815] in [0] : vector<16xf32>, vector<16xi32> -> vector<16xf32>
    %add3A_1817 = arith.addf %add3A_1810, %gather3A_1816 : vector<16xf32>
    %xor3A_1818 = arith.constant 4 : i32
    %xor3A_1819 = vector.broadcast %xor3A_1818 : i32 to vector<16xi32>
    %xor3A_1820 = arith.xori %iota3A, %xor3A_1819 : vector<16xi32>
    %broadcast_in_dim3A_1821 = vector.shape_cast %xor3A_1820 : vector<16xi32> to vector<16x1xi32>
    %gather3A_1822 = vector.shape_cast %broadcast_in_dim3A_1821 : vector<16x1xi32> to vector<16xi32>
    %gather3A_1823 = tpu.dynamic_gather %add3A_1817[%gather3A_1822] in [0] : vector<16xf32>, vector<16xi32> -> vector<16xf32>
    %add3A_1824 = arith.addf %add3A_1817, %gather3A_1823 : vector<16xf32>
    %xor3A_1825 = arith.constant 2 : i32
    %xor3A_1826 = vector.broadcast %xor3A_1825 : i32 to vector<16xi32>
    %xor3A_1827 = arith.xori %iota3A, %xor3A_1826 : vector<16xi32>
    %broadcast_in_dim3A_1828 = vector.shape_cast %xor3A_1827 : vector<16xi32> to vector<16x1xi32>
    %gather3A_1829 = vector.shape_cast %broadcast_in_dim3A_1828 : vector<16x1xi32> to vector<16xi32>
    %gather3A_1830 = tpu.dynamic_gather %add3A_1824[%gather3A_1829] in [0] : vector<16xf32>, vector<16xi32> -> vector<16xf32>
    %add3A_1831 = arith.addf %add3A_1824, %gather3A_1830 : vector<16xf32>
    %xor3A_1832 = arith.constant 1 : i32
    %xor3A_1833 = vector.broadcast %xor3A_1832 : i32 to vector<16xi32>
    %xor3A_1834 = arith.xori %iota3A, %xor3A_1833 : vector<16xi32>
    %broadcast_in_dim3A_1835 = vector.shape_cast %xor3A_1834 : vector<16xi32> to vector<16x1xi32>
    %gather3A_1836 = vector.shape_cast %broadcast_in_dim3A_1835 : vector<16x1xi32> to vector<16xi32>
    %gather3A_1837 = tpu.dynamic_gather %add3A_1831[%gather3A_1836] in [0] : vector<16xf32>, vector<16xi32> -> vector<16xf32>
    %add3A_1838 = arith.addf %add3A_1831, %gather3A_1837 : vector<16xf32>
    %div3A_1839 = arith.divf %exp3A_1798, %add3A_1838 : vector<16xf32>
    %swap3A_1840 = arith.constant 13 : i32
    %swap3A_1841 = arith.index_cast %swap3A_1840 : i32 to index
    %swap3A_1842 = arith.constant 0 : index
    %swap3A_1843 = tpu.vector_load %arg7[%swap3A_1841, %swap3A_1842] {strides = array<i32>} : memref<32x80xf32, #tpu.memory_space<vmem>>, vector<1x16xf32>,
    %swap3A_1844 = vector.shape_cast %swap3A_1843 : vector<1x16xf32> to vector<16xf32>
    %swap3A_1845 = vector.shape_cast %div3A_1839 : vector<16xf32> to vector<1x16xf32>
    tpu.vector_store %arg7[%swap3A_1841, %swap3A_1842], %swap3A_1845 {strides = array<i32>} : memref<32x80xf32, #tpu.memory_space<vmem>>, vector<1x16xf32>,
    %div3A_1846 = arith.divf %exp3A_1800, %add3A_1838 : vector<16xf32>
    %swap3A_1847 = arith.constant 13 : i32
    %swap3A_1848 = arith.index_cast %swap3A_1847 : i32 to index
    %swap3A_1849 = arith.constant 16 : index
    %swap3A_1850 = tpu.vector_load %arg7[%swap3A_1848, %swap3A_1849] {strides = array<i32>} : memref<32x80xf32, #tpu.memory_space<vmem>>, vector<1x16xf32>,
    %swap3A_1851 = vector.shape_cast %swap3A_1850 : vector<1x16xf32> to vector<16xf32>
    %swap3A_1852 = vector.shape_cast %div3A_1846 : vector<16xf32> to vector<1x16xf32>
    tpu.vector_store %arg7[%swap3A_1848, %swap3A_1849], %swap3A_1852 {strides = array<i32>} : memref<32x80xf32, #tpu.memory_space<vmem>>, vector<1x16xf32>,
    %div3A_1853 = arith.divf %exp3A_1802, %add3A_1838 : vector<16xf32>
    %swap3A_1854 = arith.constant 13 : i32
    %swap3A_1855 = arith.index_cast %swap3A_1854 : i32 to index
    %swap3A_1856 = arith.constant 32 : index
    %swap3A_1857 = tpu.vector_load %arg7[%swap3A_1855, %swap3A_1856] {strides = array<i32>} : memref<32x80xf32, #tpu.memory_space<vmem>>, vector<1x16xf32>,
    %swap3A_1858 = vector.shape_cast %swap3A_1857 : vector<1x16xf32> to vector<16xf32>
    %swap3A_1859 = vector.shape_cast %div3A_1853 : vector<16xf32> to vector<1x16xf32>
    tpu.vector_store %arg7[%swap3A_1855, %swap3A_1856], %swap3A_1859 {strides = array<i32>} : memref<32x80xf32, #tpu.memory_space<vmem>>, vector<1x16xf32>,
    %div3A_1860 = arith.divf %exp3A_1804, %add3A_1838 : vector<16xf32>
    %swap3A_1861 = arith.constant 13 : i32
    %swap3A_1862 = arith.index_cast %swap3A_1861 : i32 to index
    %swap3A_1863 = arith.constant 48 : index
    %swap3A_1864 = tpu.vector_load %arg7[%swap3A_1862, %swap3A_1863] {strides = array<i32>} : memref<32x80xf32, #tpu.memory_space<vmem>>, vector<1x16xf32>,
    %swap3A_1865 = vector.shape_cast %swap3A_1864 : vector<1x16xf32> to vector<16xf32>
    %swap3A_1866 = vector.shape_cast %div3A_1860 : vector<16xf32> to vector<1x16xf32>
    tpu.vector_store %arg7[%swap3A_1862, %swap3A_1863], %swap3A_1866 {strides = array<i32>} : memref<32x80xf32, #tpu.memory_space<vmem>>, vector<1x16xf32>,
    %div3A_1867 = arith.divf %exp3A_1806, %add3A_1838 : vector<16xf32>
    %swap3A_1868 = arith.constant 13 : i32
    %swap3A_1869 = arith.index_cast %swap3A_1868 : i32 to index
    %swap3A_1870 = arith.constant 64 : index
    %swap3A_1871 = tpu.vector_load %arg7[%swap3A_1869, %swap3A_1870] {strides = array<i32>} : memref<32x80xf32, #tpu.memory_space<vmem>>, vector<1x16xf32>,
    %swap3A_1872 = vector.shape_cast %swap3A_1871 : vector<1x16xf32> to vector<16xf32>
    %swap3A_1873 = vector.shape_cast %div3A_1867 : vector<16xf32> to vector<1x16xf32>
    tpu.vector_store %arg7[%swap3A_1869, %swap3A_1870], %swap3A_1873 {strides = array<i32>} : memref<32x80xf32, #tpu.memory_space<vmem>>, vector<1x16xf32>,
    %get3A_1874 = arith.constant 14 : i32
    %get3A_1875 = arith.index_cast %get3A_1874 : i32 to index
    %get3A_1876 = arith.constant 0 : index
    %get3A_1877 = tpu.vector_load %arg6[%get3A_1875, %get3A_1876] {strides = array<i32>} : memref<32x80xf32, #tpu.memory_space<vmem>>, vector<1x16xf32>,
    %get3A_1878 = vector.shape_cast %get3A_1877 : vector<1x16xf32> to vector<16xf32>
    %get3A_1879 = arith.constant 14 : i32
    %get3A_1880 = arith.index_cast %get3A_1879 : i32 to index
    %get3A_1881 = arith.constant 16 : index
    %get3A_1882 = tpu.vector_load %arg6[%get3A_1880, %get3A_1881] {strides = array<i32>} : memref<32x80xf32, #tpu.memory_space<vmem>>, vector<1x16xf32>,
    %get3A_1883 = vector.shape_cast %get3A_1882 : vector<1x16xf32> to vector<16xf32>
    %get3A_1884 = arith.constant 14 : i32
    %get3A_1885 = arith.index_cast %get3A_1884 : i32 to index
    %get3A_1886 = arith.constant 32 : index
    %get3A_1887 = tpu.vector_load %arg6[%get3A_1885, %get3A_1886] {strides = array<i32>} : memref<32x80xf32, #tpu.memory_space<vmem>>, vector<1x16xf32>,
    %get3A_1888 = vector.shape_cast %get3A_1887 : vector<1x16xf32> to vector<16xf32>
    %get3A_1889 = arith.constant 14 : i32
    %get3A_1890 = arith.index_cast %get3A_1889 : i32 to index
    %get3A_1891 = arith.constant 48 : index
    %get3A_1892 = tpu.vector_load %arg6[%get3A_1890, %get3A_1891] {strides = array<i32>} : memref<32x80xf32, #tpu.memory_space<vmem>>, vector<1x16xf32>,
    %get3A_1893 = vector.shape_cast %get3A_1892 : vector<1x16xf32> to vector<16xf32>
    %get3A_1894 = arith.constant 14 : i32
    %get3A_1895 = arith.index_cast %get3A_1894 : i32 to index
    %get3A_1896 = arith.constant 64 : index
    %get3A_1897 = tpu.vector_load %arg6[%get3A_1895, %get3A_1896] {strides = array<i32>} : memref<32x80xf32, #tpu.memory_space<vmem>>, vector<1x16xf32>,
    %get3A_1898 = vector.shape_cast %get3A_1897 : vector<1x16xf32> to vector<16xf32>
    %max3A_1899 = arith.maximumf %get3A_1878, %get3A_1883 : vector<16xf32>
    %max3A_1900 = arith.maximumf %get3A_1888, %get3A_1893 : vector<16xf32>
    %max3A_1901 = arith.maximumf %max3A_1899, %max3A_1900 : vector<16xf32>
    %max3A_1902 = arith.maximumf %max3A_1901, %get3A_1898 : vector<16xf32>
    %xor3A_1903 = arith.constant 8 : i32
    %xor3A_1904 = vector.broadcast %xor3A_1903 : i32 to vector<16xi32>
    %xor3A_1905 = arith.xori %iota3A, %xor3A_1904 : vector<16xi32>
    %broadcast_in_dim3A_1906 = vector.shape_cast %xor3A_1905 : vector<16xi32> to vector<16x1xi32>
    %gather3A_1907 = vector.shape_cast %broadcast_in_dim3A_1906 : vector<16x1xi32> to vector<16xi32>
    %gather3A_1908 = tpu.dynamic_gather %max3A_1902[%gather3A_1907] in [0] : vector<16xf32>, vector<16xi32> -> vector<16xf32>
    %max3A_1909 = arith.maximumf %max3A_1902, %gather3A_1908 : vector<16xf32>
    %xor3A_1910 = arith.constant 4 : i32
    %xor3A_1911 = vector.broadcast %xor3A_1910 : i32 to vector<16xi32>
    %xor3A_1912 = arith.xori %iota3A, %xor3A_1911 : vector<16xi32>
    %broadcast_in_dim3A_1913 = vector.shape_cast %xor3A_1912 : vector<16xi32> to vector<16x1xi32>
    %gather3A_1914 = vector.shape_cast %broadcast_in_dim3A_1913 : vector<16x1xi32> to vector<16xi32>
    %gather3A_1915 = tpu.dynamic_gather %max3A_1909[%gather3A_1914] in [0] : vector<16xf32>, vector<16xi32> -> vector<16xf32>
    %max3A_1916 = arith.maximumf %max3A_1909, %gather3A_1915 : vector<16xf32>
    %xor3A_1917 = arith.constant 2 : i32
    %xor3A_1918 = vector.broadcast %xor3A_1917 : i32 to vector<16xi32>
    %xor3A_1919 = arith.xori %iota3A, %xor3A_1918 : vector<16xi32>
    %broadcast_in_dim3A_1920 = vector.shape_cast %xor3A_1919 : vector<16xi32> to vector<16x1xi32>
    %gather3A_1921 = vector.shape_cast %broadcast_in_dim3A_1920 : vector<16x1xi32> to vector<16xi32>
    %gather3A_1922 = tpu.dynamic_gather %max3A_1916[%gather3A_1921] in [0] : vector<16xf32>, vector<16xi32> -> vector<16xf32>
    %max3A_1923 = arith.maximumf %max3A_1916, %gather3A_1922 : vector<16xf32>
    %xor3A_1924 = arith.constant 1 : i32
    %xor3A_1925 = vector.broadcast %xor3A_1924 : i32 to vector<16xi32>
    %xor3A_1926 = arith.xori %iota3A, %xor3A_1925 : vector<16xi32>
    %broadcast_in_dim3A_1927 = vector.shape_cast %xor3A_1926 : vector<16xi32> to vector<16x1xi32>
    %gather3A_1928 = vector.shape_cast %broadcast_in_dim3A_1927 : vector<16x1xi32> to vector<16xi32>
    %gather3A_1929 = tpu.dynamic_gather %max3A_1923[%gather3A_1928] in [0] : vector<16xf32>, vector<16xi32> -> vector<16xf32>
    %max3A_1930 = arith.maximumf %max3A_1923, %gather3A_1929 : vector<16xf32>
    %sub3A_1931 = arith.subf %get3A_1878, %max3A_1930 : vector<16xf32>
    %exp3A_1932 = math.exp %sub3A_1931 : vector<16xf32>
    %sub3A_1933 = arith.subf %get3A_1883, %max3A_1930 : vector<16xf32>
    %exp3A_1934 = math.exp %sub3A_1933 : vector<16xf32>
    %sub3A_1935 = arith.subf %get3A_1888, %max3A_1930 : vector<16xf32>
    %exp3A_1936 = math.exp %sub3A_1935 : vector<16xf32>
    %sub3A_1937 = arith.subf %get3A_1893, %max3A_1930 : vector<16xf32>
    %exp3A_1938 = math.exp %sub3A_1937 : vector<16xf32>
    %sub3A_1939 = arith.subf %get3A_1898, %max3A_1930 : vector<16xf32>
    %exp3A_1940 = math.exp %sub3A_1939 : vector<16xf32>
    %add3A_1941 = arith.addf %exp3A_1932, %exp3A_1934 : vector<16xf32>
    %add3A_1942 = arith.addf %exp3A_1936, %exp3A_1938 : vector<16xf32>
    %add3A_1943 = arith.addf %add3A_1941, %add3A_1942 : vector<16xf32>
    %add3A_1944 = arith.addf %add3A_1943, %exp3A_1940 : vector<16xf32>
    %xor3A_1945 = arith.constant 8 : i32
    %xor3A_1946 = vector.broadcast %xor3A_1945 : i32 to vector<16xi32>
    %xor3A_1947 = arith.xori %iota3A, %xor3A_1946 : vector<16xi32>
    %broadcast_in_dim3A_1948 = vector.shape_cast %xor3A_1947 : vector<16xi32> to vector<16x1xi32>
    %gather3A_1949 = vector.shape_cast %broadcast_in_dim3A_1948 : vector<16x1xi32> to vector<16xi32>
    %gather3A_1950 = tpu.dynamic_gather %add3A_1944[%gather3A_1949] in [0] : vector<16xf32>, vector<16xi32> -> vector<16xf32>
    %add3A_1951 = arith.addf %add3A_1944, %gather3A_1950 : vector<16xf32>
    %xor3A_1952 = arith.constant 4 : i32
    %xor3A_1953 = vector.broadcast %xor3A_1952 : i32 to vector<16xi32>
    %xor3A_1954 = arith.xori %iota3A, %xor3A_1953 : vector<16xi32>
    %broadcast_in_dim3A_1955 = vector.shape_cast %xor3A_1954 : vector<16xi32> to vector<16x1xi32>
    %gather3A_1956 = vector.shape_cast %broadcast_in_dim3A_1955 : vector<16x1xi32> to vector<16xi32>
    %gather3A_1957 = tpu.dynamic_gather %add3A_1951[%gather3A_1956] in [0] : vector<16xf32>, vector<16xi32> -> vector<16xf32>
    %add3A_1958 = arith.addf %add3A_1951, %gather3A_1957 : vector<16xf32>
    %xor3A_1959 = arith.constant 2 : i32
    %xor3A_1960 = vector.broadcast %xor3A_1959 : i32 to vector<16xi32>
    %xor3A_1961 = arith.xori %iota3A, %xor3A_1960 : vector<16xi32>
    %broadcast_in_dim3A_1962 = vector.shape_cast %xor3A_1961 : vector<16xi32> to vector<16x1xi32>
    %gather3A_1963 = vector.shape_cast %broadcast_in_dim3A_1962 : vector<16x1xi32> to vector<16xi32>
    %gather3A_1964 = tpu.dynamic_gather %add3A_1958[%gather3A_1963] in [0] : vector<16xf32>, vector<16xi32> -> vector<16xf32>
    %add3A_1965 = arith.addf %add3A_1958, %gather3A_1964 : vector<16xf32>
    %xor3A_1966 = arith.constant 1 : i32
    %xor3A_1967 = vector.broadcast %xor3A_1966 : i32 to vector<16xi32>
    %xor3A_1968 = arith.xori %iota3A, %xor3A_1967 : vector<16xi32>
    %broadcast_in_dim3A_1969 = vector.shape_cast %xor3A_1968 : vector<16xi32> to vector<16x1xi32>
    %gather3A_1970 = vector.shape_cast %broadcast_in_dim3A_1969 : vector<16x1xi32> to vector<16xi32>
    %gather3A_1971 = tpu.dynamic_gather %add3A_1965[%gather3A_1970] in [0] : vector<16xf32>, vector<16xi32> -> vector<16xf32>
    %add3A_1972 = arith.addf %add3A_1965, %gather3A_1971 : vector<16xf32>
    %div3A_1973 = arith.divf %exp3A_1932, %add3A_1972 : vector<16xf32>
    %swap3A_1974 = arith.constant 14 : i32
    %swap3A_1975 = arith.index_cast %swap3A_1974 : i32 to index
    %swap3A_1976 = arith.constant 0 : index
    %swap3A_1977 = tpu.vector_load %arg7[%swap3A_1975, %swap3A_1976] {strides = array<i32>} : memref<32x80xf32, #tpu.memory_space<vmem>>, vector<1x16xf32>,
    %swap3A_1978 = vector.shape_cast %swap3A_1977 : vector<1x16xf32> to vector<16xf32>
    %swap3A_1979 = vector.shape_cast %div3A_1973 : vector<16xf32> to vector<1x16xf32>
    tpu.vector_store %arg7[%swap3A_1975, %swap3A_1976], %swap3A_1979 {strides = array<i32>} : memref<32x80xf32, #tpu.memory_space<vmem>>, vector<1x16xf32>,
    %div3A_1980 = arith.divf %exp3A_1934, %add3A_1972 : vector<16xf32>
    %swap3A_1981 = arith.constant 14 : i32
    %swap3A_1982 = arith.index_cast %swap3A_1981 : i32 to index
    %swap3A_1983 = arith.constant 16 : index
    %swap3A_1984 = tpu.vector_load %arg7[%swap3A_1982, %swap3A_1983] {strides = array<i32>} : memref<32x80xf32, #tpu.memory_space<vmem>>, vector<1x16xf32>,
    %swap3A_1985 = vector.shape_cast %swap3A_1984 : vector<1x16xf32> to vector<16xf32>
    %swap3A_1986 = vector.shape_cast %div3A_1980 : vector<16xf32> to vector<1x16xf32>
    tpu.vector_store %arg7[%swap3A_1982, %swap3A_1983], %swap3A_1986 {strides = array<i32>} : memref<32x80xf32, #tpu.memory_space<vmem>>, vector<1x16xf32>,
    %div3A_1987 = arith.divf %exp3A_1936, %add3A_1972 : vector<16xf32>
    %swap3A_1988 = arith.constant 14 : i32
    %swap3A_1989 = arith.index_cast %swap3A_1988 : i32 to index
    %swap3A_1990 = arith.constant 32 : index
    %swap3A_1991 = tpu.vector_load %arg7[%swap3A_1989, %swap3A_1990] {strides = array<i32>} : memref<32x80xf32, #tpu.memory_space<vmem>>, vector<1x16xf32>,
    %swap3A_1992 = vector.shape_cast %swap3A_1991 : vector<1x16xf32> to vector<16xf32>
    %swap3A_1993 = vector.shape_cast %div3A_1987 : vector<16xf32> to vector<1x16xf32>
    tpu.vector_store %arg7[%swap3A_1989, %swap3A_1990], %swap3A_1993 {strides = array<i32>} : memref<32x80xf32, #tpu.memory_space<vmem>>, vector<1x16xf32>,
    %div3A_1994 = arith.divf %exp3A_1938, %add3A_1972 : vector<16xf32>
    %swap3A_1995 = arith.constant 14 : i32
    %swap3A_1996 = arith.index_cast %swap3A_1995 : i32 to index
    %swap3A_1997 = arith.constant 48 : index
    %swap3A_1998 = tpu.vector_load %arg7[%swap3A_1996, %swap3A_1997] {strides = array<i32>} : memref<32x80xf32, #tpu.memory_space<vmem>>, vector<1x16xf32>,
    %swap3A_1999 = vector.shape_cast %swap3A_1998 : vector<1x16xf32> to vector<16xf32>
    %swap3A_2000 = vector.shape_cast %div3A_1994 : vector<16xf32> to vector<1x16xf32>
    tpu.vector_store %arg7[%swap3A_1996, %swap3A_1997], %swap3A_2000 {strides = array<i32>} : memref<32x80xf32, #tpu.memory_space<vmem>>, vector<1x16xf32>,
    %div3A_2001 = arith.divf %exp3A_1940, %add3A_1972 : vector<16xf32>
    %swap3A_2002 = arith.constant 14 : i32
    %swap3A_2003 = arith.index_cast %swap3A_2002 : i32 to index
    %swap3A_2004 = arith.constant 64 : index
    %swap3A_2005 = tpu.vector_load %arg7[%swap3A_2003, %swap3A_2004] {strides = array<i32>} : memref<32x80xf32, #tpu.memory_space<vmem>>, vector<1x16xf32>,
    %swap3A_2006 = vector.shape_cast %swap3A_2005 : vector<1x16xf32> to vector<16xf32>
    %swap3A_2007 = vector.shape_cast %div3A_2001 : vector<16xf32> to vector<1x16xf32>
    tpu.vector_store %arg7[%swap3A_2003, %swap3A_2004], %swap3A_2007 {strides = array<i32>} : memref<32x80xf32, #tpu.memory_space<vmem>>, vector<1x16xf32>,
    %get3A_2008 = arith.constant 15 : i32
    %get3A_2009 = arith.index_cast %get3A_2008 : i32 to index
    %get3A_2010 = arith.constant 0 : index
    %get3A_2011 = tpu.vector_load %arg6[%get3A_2009, %get3A_2010] {strides = array<i32>} : memref<32x80xf32, #tpu.memory_space<vmem>>, vector<1x16xf32>,
    %get3A_2012 = vector.shape_cast %get3A_2011 : vector<1x16xf32> to vector<16xf32>
    %get3A_2013 = arith.constant 15 : i32
    %get3A_2014 = arith.index_cast %get3A_2013 : i32 to index
    %get3A_2015 = arith.constant 16 : index
    %get3A_2016 = tpu.vector_load %arg6[%get3A_2014, %get3A_2015] {strides = array<i32>} : memref<32x80xf32, #tpu.memory_space<vmem>>, vector<1x16xf32>,
    %get3A_2017 = vector.shape_cast %get3A_2016 : vector<1x16xf32> to vector<16xf32>
    %get3A_2018 = arith.constant 15 : i32
    %get3A_2019 = arith.index_cast %get3A_2018 : i32 to index
    %get3A_2020 = arith.constant 32 : index
    %get3A_2021 = tpu.vector_load %arg6[%get3A_2019, %get3A_2020] {strides = array<i32>} : memref<32x80xf32, #tpu.memory_space<vmem>>, vector<1x16xf32>,
    %get3A_2022 = vector.shape_cast %get3A_2021 : vector<1x16xf32> to vector<16xf32>
    %get3A_2023 = arith.constant 15 : i32
    %get3A_2024 = arith.index_cast %get3A_2023 : i32 to index
    %get3A_2025 = arith.constant 48 : index
    %get3A_2026 = tpu.vector_load %arg6[%get3A_2024, %get3A_2025] {strides = array<i32>} : memref<32x80xf32, #tpu.memory_space<vmem>>, vector<1x16xf32>,
    %get3A_2027 = vector.shape_cast %get3A_2026 : vector<1x16xf32> to vector<16xf32>
    %get3A_2028 = arith.constant 15 : i32
    %get3A_2029 = arith.index_cast %get3A_2028 : i32 to index
    %get3A_2030 = arith.constant 64 : index
    %get3A_2031 = tpu.vector_load %arg6[%get3A_2029, %get3A_2030] {strides = array<i32>} : memref<32x80xf32, #tpu.memory_space<vmem>>, vector<1x16xf32>,
    %get3A_2032 = vector.shape_cast %get3A_2031 : vector<1x16xf32> to vector<16xf32>
    %max3A_2033 = arith.maximumf %get3A_2012, %get3A_2017 : vector<16xf32>
    %max3A_2034 = arith.maximumf %get3A_2022, %get3A_2027 : vector<16xf32>
    %max3A_2035 = arith.maximumf %max3A_2033, %max3A_2034 : vector<16xf32>
    %max3A_2036 = arith.maximumf %max3A_2035, %get3A_2032 : vector<16xf32>
    %xor3A_2037 = arith.constant 8 : i32
    %xor3A_2038 = vector.broadcast %xor3A_2037 : i32 to vector<16xi32>
    %xor3A_2039 = arith.xori %iota3A, %xor3A_2038 : vector<16xi32>
    %broadcast_in_dim3A_2040 = vector.shape_cast %xor3A_2039 : vector<16xi32> to vector<16x1xi32>
    %gather3A_2041 = vector.shape_cast %broadcast_in_dim3A_2040 : vector<16x1xi32> to vector<16xi32>
    %gather3A_2042 = tpu.dynamic_gather %max3A_2036[%gather3A_2041] in [0] : vector<16xf32>, vector<16xi32> -> vector<16xf32>
    %max3A_2043 = arith.maximumf %max3A_2036, %gather3A_2042 : vector<16xf32>
    %xor3A_2044 = arith.constant 4 : i32
    %xor3A_2045 = vector.broadcast %xor3A_2044 : i32 to vector<16xi32>
    %xor3A_2046 = arith.xori %iota3A, %xor3A_2045 : vector<16xi32>
    %broadcast_in_dim3A_2047 = vector.shape_cast %xor3A_2046 : vector<16xi32> to vector<16x1xi32>
    %gather3A_2048 = vector.shape_cast %broadcast_in_dim3A_2047 : vector<16x1xi32> to vector<16xi32>
    %gather3A_2049 = tpu.dynamic_gather %max3A_2043[%gather3A_2048] in [0] : vector<16xf32>, vector<16xi32> -> vector<16xf32>
    %max3A_2050 = arith.maximumf %max3A_2043, %gather3A_2049 : vector<16xf32>
    %xor3A_2051 = arith.constant 2 : i32
    %xor3A_2052 = vector.broadcast %xor3A_2051 : i32 to vector<16xi32>
    %xor3A_2053 = arith.xori %iota3A, %xor3A_2052 : vector<16xi32>
    %broadcast_in_dim3A_2054 = vector.shape_cast %xor3A_2053 : vector<16xi32> to vector<16x1xi32>
    %gather3A_2055 = vector.shape_cast %broadcast_in_dim3A_2054 : vector<16x1xi32> to vector<16xi32>
    %gather3A_2056 = tpu.dynamic_gather %max3A_2050[%gather3A_2055] in [0] : vector<16xf32>, vector<16xi32> -> vector<16xf32>
    %max3A_2057 = arith.maximumf %max3A_2050, %gather3A_2056 : vector<16xf32>
    %xor3A_2058 = arith.constant 1 : i32
    %xor3A_2059 = vector.broadcast %xor3A_2058 : i32 to vector<16xi32>
    %xor3A_2060 = arith.xori %iota3A, %xor3A_2059 : vector<16xi32>
    %broadcast_in_dim3A_2061 = vector.shape_cast %xor3A_2060 : vector<16xi32> to vector<16x1xi32>
    %gather3A_2062 = vector.shape_cast %broadcast_in_dim3A_2061 : vector<16x1xi32> to vector<16xi32>
    %gather3A_2063 = tpu.dynamic_gather %max3A_2057[%gather3A_2062] in [0] : vector<16xf32>, vector<16xi32> -> vector<16xf32>
    %max3A_2064 = arith.maximumf %max3A_2057, %gather3A_2063 : vector<16xf32>
    %sub3A_2065 = arith.subf %get3A_2012, %max3A_2064 : vector<16xf32>
    %exp3A_2066 = math.exp %sub3A_2065 : vector<16xf32>
    %sub3A_2067 = arith.subf %get3A_2017, %max3A_2064 : vector<16xf32>
    %exp3A_2068 = math.exp %sub3A_2067 : vector<16xf32>
    %sub3A_2069 = arith.subf %get3A_2022, %max3A_2064 : vector<16xf32>
    %exp3A_2070 = math.exp %sub3A_2069 : vector<16xf32>
    %sub3A_2071 = arith.subf %get3A_2027, %max3A_2064 : vector<16xf32>
    %exp3A_2072 = math.exp %sub3A_2071 : vector<16xf32>
    %sub3A_2073 = arith.subf %get3A_2032, %max3A_2064 : vector<16xf32>
    %exp3A_2074 = math.exp %sub3A_2073 : vector<16xf32>
    %add3A_2075 = arith.addf %exp3A_2066, %exp3A_2068 : vector<16xf32>
    %add3A_2076 = arith.addf %exp3A_2070, %exp3A_2072 : vector<16xf32>
    %add3A_2077 = arith.addf %add3A_2075, %add3A_2076 : vector<16xf32>
    %add3A_2078 = arith.addf %add3A_2077, %exp3A_2074 : vector<16xf32>
    %xor3A_2079 = arith.constant 8 : i32
    %xor3A_2080 = vector.broadcast %xor3A_2079 : i32 to vector<16xi32>
    %xor3A_2081 = arith.xori %iota3A, %xor3A_2080 : vector<16xi32>
    %broadcast_in_dim3A_2082 = vector.shape_cast %xor3A_2081 : vector<16xi32> to vector<16x1xi32>
    %gather3A_2083 = vector.shape_cast %broadcast_in_dim3A_2082 : vector<16x1xi32> to vector<16xi32>
    %gather3A_2084 = tpu.dynamic_gather %add3A_2078[%gather3A_2083] in [0] : vector<16xf32>, vector<16xi32> -> vector<16xf32>
    %add3A_2085 = arith.addf %add3A_2078, %gather3A_2084 : vector<16xf32>
    %xor3A_2086 = arith.constant 4 : i32
    %xor3A_2087 = vector.broadcast %xor3A_2086 : i32 to vector<16xi32>
    %xor3A_2088 = arith.xori %iota3A, %xor3A_2087 : vector<16xi32>
    %broadcast_in_dim3A_2089 = vector.shape_cast %xor3A_2088 : vector<16xi32> to vector<16x1xi32>
    %gather3A_2090 = vector.shape_cast %broadcast_in_dim3A_2089 : vector<16x1xi32> to vector<16xi32>
    %gather3A_2091 = tpu.dynamic_gather %add3A_2085[%gather3A_2090] in [0] : vector<16xf32>, vector<16xi32> -> vector<16xf32>
    %add3A_2092 = arith.addf %add3A_2085, %gather3A_2091 : vector<16xf32>
    %xor3A_2093 = arith.constant 2 : i32
    %xor3A_2094 = vector.broadcast %xor3A_2093 : i32 to vector<16xi32>
    %xor3A_2095 = arith.xori %iota3A, %xor3A_2094 : vector<16xi32>
    %broadcast_in_dim3A_2096 = vector.shape_cast %xor3A_2095 : vector<16xi32> to vector<16x1xi32>
    %gather3A_2097 = vector.shape_cast %broadcast_in_dim3A_2096 : vector<16x1xi32> to vector<16xi32>
    %gather3A_2098 = tpu.dynamic_gather %add3A_2092[%gather3A_2097] in [0] : vector<16xf32>, vector<16xi32> -> vector<16xf32>
    %add3A_2099 = arith.addf %add3A_2092, %gather3A_2098 : vector<16xf32>
    %xor3A_2100 = arith.constant 1 : i32
    %xor3A_2101 = vector.broadcast %xor3A_2100 : i32 to vector<16xi32>
    %xor3A_2102 = arith.xori %iota3A, %xor3A_2101 : vector<16xi32>
    %broadcast_in_dim3A_2103 = vector.shape_cast %xor3A_2102 : vector<16xi32> to vector<16x1xi32>
    %gather3A_2104 = vector.shape_cast %broadcast_in_dim3A_2103 : vector<16x1xi32> to vector<16xi32>
    %gather3A_2105 = tpu.dynamic_gather %add3A_2099[%gather3A_2104] in [0] : vector<16xf32>, vector<16xi32> -> vector<16xf32>
    %add3A_2106 = arith.addf %add3A_2099, %gather3A_2105 : vector<16xf32>
    %div3A_2107 = arith.divf %exp3A_2066, %add3A_2106 : vector<16xf32>
    %swap3A_2108 = arith.constant 15 : i32
    %swap3A_2109 = arith.index_cast %swap3A_2108 : i32 to index
    %swap3A_2110 = arith.constant 0 : index
    %swap3A_2111 = tpu.vector_load %arg7[%swap3A_2109, %swap3A_2110] {strides = array<i32>} : memref<32x80xf32, #tpu.memory_space<vmem>>, vector<1x16xf32>,
    %swap3A_2112 = vector.shape_cast %swap3A_2111 : vector<1x16xf32> to vector<16xf32>
    %swap3A_2113 = vector.shape_cast %div3A_2107 : vector<16xf32> to vector<1x16xf32>
    tpu.vector_store %arg7[%swap3A_2109, %swap3A_2110], %swap3A_2113 {strides = array<i32>} : memref<32x80xf32, #tpu.memory_space<vmem>>, vector<1x16xf32>,
    %div3A_2114 = arith.divf %exp3A_2068, %add3A_2106 : vector<16xf32>
    %swap3A_2115 = arith.constant 15 : i32
    %swap3A_2116 = arith.index_cast %swap3A_2115 : i32 to index
    %swap3A_2117 = arith.constant 16 : index
    %swap3A_2118 = tpu.vector_load %arg7[%swap3A_2116, %swap3A_2117] {strides = array<i32>} : memref<32x80xf32, #tpu.memory_space<vmem>>, vector<1x16xf32>,
    %swap3A_2119 = vector.shape_cast %swap3A_2118 : vector<1x16xf32> to vector<16xf32>
    %swap3A_2120 = vector.shape_cast %div3A_2114 : vector<16xf32> to vector<1x16xf32>
    tpu.vector_store %arg7[%swap3A_2116, %swap3A_2117], %swap3A_2120 {strides = array<i32>} : memref<32x80xf32, #tpu.memory_space<vmem>>, vector<1x16xf32>,
    %div3A_2121 = arith.divf %exp3A_2070, %add3A_2106 : vector<16xf32>
    %swap3A_2122 = arith.constant 15 : i32
    %swap3A_2123 = arith.index_cast %swap3A_2122 : i32 to index
    %swap3A_2124 = arith.constant 32 : index
    %swap3A_2125 = tpu.vector_load %arg7[%swap3A_2123, %swap3A_2124] {strides = array<i32>} : memref<32x80xf32, #tpu.memory_space<vmem>>, vector<1x16xf32>,
    %swap3A_2126 = vector.shape_cast %swap3A_2125 : vector<1x16xf32> to vector<16xf32>
    %swap3A_2127 = vector.shape_cast %div3A_2121 : vector<16xf32> to vector<1x16xf32>
    tpu.vector_store %arg7[%swap3A_2123, %swap3A_2124], %swap3A_2127 {strides = array<i32>} : memref<32x80xf32, #tpu.memory_space<vmem>>, vector<1x16xf32>,
    %div3A_2128 = arith.divf %exp3A_2072, %add3A_2106 : vector<16xf32>
    %swap3A_2129 = arith.constant 15 : i32
    %swap3A_2130 = arith.index_cast %swap3A_2129 : i32 to index
    %swap3A_2131 = arith.constant 48 : index
    %swap3A_2132 = tpu.vector_load %arg7[%swap3A_2130, %swap3A_2131] {strides = array<i32>} : memref<32x80xf32, #tpu.memory_space<vmem>>, vector<1x16xf32>,
    %swap3A_2133 = vector.shape_cast %swap3A_2132 : vector<1x16xf32> to vector<16xf32>
    %swap3A_2134 = vector.shape_cast %div3A_2128 : vector<16xf32> to vector<1x16xf32>
    tpu.vector_store %arg7[%swap3A_2130, %swap3A_2131], %swap3A_2134 {strides = array<i32>} : memref<32x80xf32, #tpu.memory_space<vmem>>, vector<1x16xf32>,
    %div3A_2135 = arith.divf %exp3A_2074, %add3A_2106 : vector<16xf32>
    %swap3A_2136 = arith.constant 15 : i32
    %swap3A_2137 = arith.index_cast %swap3A_2136 : i32 to index
    %swap3A_2138 = arith.constant 64 : index
    %swap3A_2139 = tpu.vector_load %arg7[%swap3A_2137, %swap3A_2138] {strides = array<i32>} : memref<32x80xf32, #tpu.memory_space<vmem>>, vector<1x16xf32>,
    %swap3A_2140 = vector.shape_cast %swap3A_2139 : vector<1x16xf32> to vector<16xf32>
    %swap3A_2141 = vector.shape_cast %div3A_2135 : vector<16xf32> to vector<1x16xf32>
    tpu.vector_store %arg7[%swap3A_2137, %swap3A_2138], %swap3A_2141 {strides = array<i32>} : memref<32x80xf32, #tpu.memory_space<vmem>>, vector<1x16xf32>,
    %get3A_2142 = arith.constant 16 : i32
    %get3A_2143 = arith.index_cast %get3A_2142 : i32 to index
    %get3A_2144 = arith.constant 0 : index
    %get3A_2145 = tpu.vector_load %arg6[%get3A_2143, %get3A_2144] {strides = array<i32>} : memref<32x80xf32, #tpu.memory_space<vmem>>, vector<1x16xf32>,
    %get3A_2146 = vector.shape_cast %get3A_2145 : vector<1x16xf32> to vector<16xf32>
    %get3A_2147 = arith.constant 16 : i32
    %get3A_2148 = arith.index_cast %get3A_2147 : i32 to index
    %get3A_2149 = arith.constant 16 : index
    %get3A_2150 = tpu.vector_load %arg6[%get3A_2148, %get3A_2149] {strides = array<i32>} : memref<32x80xf32, #tpu.memory_space<vmem>>, vector<1x16xf32>,
    %get3A_2151 = vector.shape_cast %get3A_2150 : vector<1x16xf32> to vector<16xf32>
    %get3A_2152 = arith.constant 16 : i32
    %get3A_2153 = arith.index_cast %get3A_2152 : i32 to index
    %get3A_2154 = arith.constant 32 : index
    %get3A_2155 = tpu.vector_load %arg6[%get3A_2153, %get3A_2154] {strides = array<i32>} : memref<32x80xf32, #tpu.memory_space<vmem>>, vector<1x16xf32>,
    %get3A_2156 = vector.shape_cast %get3A_2155 : vector<1x16xf32> to vector<16xf32>
    %get3A_2157 = arith.constant 16 : i32
    %get3A_2158 = arith.index_cast %get3A_2157 : i32 to index
    %get3A_2159 = arith.constant 48 : index
    %get3A_2160 = tpu.vector_load %arg6[%get3A_2158, %get3A_2159] {strides = array<i32>} : memref<32x80xf32, #tpu.memory_space<vmem>>, vector<1x16xf32>,
    %get3A_2161 = vector.shape_cast %get3A_2160 : vector<1x16xf32> to vector<16xf32>
    %get3A_2162 = arith.constant 16 : i32
    %get3A_2163 = arith.index_cast %get3A_2162 : i32 to index
    %get3A_2164 = arith.constant 64 : index
    %get3A_2165 = tpu.vector_load %arg6[%get3A_2163, %get3A_2164] {strides = array<i32>} : memref<32x80xf32, #tpu.memory_space<vmem>>, vector<1x16xf32>,
    %get3A_2166 = vector.shape_cast %get3A_2165 : vector<1x16xf32> to vector<16xf32>
    %max3A_2167 = arith.maximumf %get3A_2146, %get3A_2151 : vector<16xf32>
    %max3A_2168 = arith.maximumf %get3A_2156, %get3A_2161 : vector<16xf32>
    %max3A_2169 = arith.maximumf %max3A_2167, %max3A_2168 : vector<16xf32>
    %max3A_2170 = arith.maximumf %max3A_2169, %get3A_2166 : vector<16xf32>
    %xor3A_2171 = arith.constant 8 : i32
    %xor3A_2172 = vector.broadcast %xor3A_2171 : i32 to vector<16xi32>
    %xor3A_2173 = arith.xori %iota3A, %xor3A_2172 : vector<16xi32>
    %broadcast_in_dim3A_2174 = vector.shape_cast %xor3A_2173 : vector<16xi32> to vector<16x1xi32>
    %gather3A_2175 = vector.shape_cast %broadcast_in_dim3A_2174 : vector<16x1xi32> to vector<16xi32>
    %gather3A_2176 = tpu.dynamic_gather %max3A_2170[%gather3A_2175] in [0] : vector<16xf32>, vector<16xi32> -> vector<16xf32>
    %max3A_2177 = arith.maximumf %max3A_2170, %gather3A_2176 : vector<16xf32>
    %xor3A_2178 = arith.constant 4 : i32
    %xor3A_2179 = vector.broadcast %xor3A_2178 : i32 to vector<16xi32>
    %xor3A_2180 = arith.xori %iota3A, %xor3A_2179 : vector<16xi32>
    %broadcast_in_dim3A_2181 = vector.shape_cast %xor3A_2180 : vector<16xi32> to vector<16x1xi32>
    %gather3A_2182 = vector.shape_cast %broadcast_in_dim3A_2181 : vector<16x1xi32> to vector<16xi32>
    %gather3A_2183 = tpu.dynamic_gather %max3A_2177[%gather3A_2182] in [0] : vector<16xf32>, vector<16xi32> -> vector<16xf32>
    %max3A_2184 = arith.maximumf %max3A_2177, %gather3A_2183 : vector<16xf32>
    %xor3A_2185 = arith.constant 2 : i32
    %xor3A_2186 = vector.broadcast %xor3A_2185 : i32 to vector<16xi32>
    %xor3A_2187 = arith.xori %iota3A, %xor3A_2186 : vector<16xi32>
    %broadcast_in_dim3A_2188 = vector.shape_cast %xor3A_2187 : vector<16xi32> to vector<16x1xi32>
    %gather3A_2189 = vector.shape_cast %broadcast_in_dim3A_2188 : vector<16x1xi32> to vector<16xi32>
    %gather3A_2190 = tpu.dynamic_gather %max3A_2184[%gather3A_2189] in [0] : vector<16xf32>, vector<16xi32> -> vector<16xf32>
    %max3A_2191 = arith.maximumf %max3A_2184, %gather3A_2190 : vector<16xf32>
    %xor3A_2192 = arith.constant 1 : i32
    %xor3A_2193 = vector.broadcast %xor3A_2192 : i32 to vector<16xi32>
    %xor3A_2194 = arith.xori %iota3A, %xor3A_2193 : vector<16xi32>
    %broadcast_in_dim3A_2195 = vector.shape_cast %xor3A_2194 : vector<16xi32> to vector<16x1xi32>
    %gather3A_2196 = vector.shape_cast %broadcast_in_dim3A_2195 : vector<16x1xi32> to vector<16xi32>
    %gather3A_2197 = tpu.dynamic_gather %max3A_2191[%gather3A_2196] in [0] : vector<16xf32>, vector<16xi32> -> vector<16xf32>
    %max3A_2198 = arith.maximumf %max3A_2191, %gather3A_2197 : vector<16xf32>
    %sub3A_2199 = arith.subf %get3A_2146, %max3A_2198 : vector<16xf32>
    %exp3A_2200 = math.exp %sub3A_2199 : vector<16xf32>
    %sub3A_2201 = arith.subf %get3A_2151, %max3A_2198 : vector<16xf32>
    %exp3A_2202 = math.exp %sub3A_2201 : vector<16xf32>
    %sub3A_2203 = arith.subf %get3A_2156, %max3A_2198 : vector<16xf32>
    %exp3A_2204 = math.exp %sub3A_2203 : vector<16xf32>
    %sub3A_2205 = arith.subf %get3A_2161, %max3A_2198 : vector<16xf32>
    %exp3A_2206 = math.exp %sub3A_2205 : vector<16xf32>
    %sub3A_2207 = arith.subf %get3A_2166, %max3A_2198 : vector<16xf32>
    %exp3A_2208 = math.exp %sub3A_2207 : vector<16xf32>
    %add3A_2209 = arith.addf %exp3A_2200, %exp3A_2202 : vector<16xf32>
    %add3A_2210 = arith.addf %exp3A_2204, %exp3A_2206 : vector<16xf32>
    %add3A_2211 = arith.addf %add3A_2209, %add3A_2210 : vector<16xf32>
    %add3A_2212 = arith.addf %add3A_2211, %exp3A_2208 : vector<16xf32>
    %xor3A_2213 = arith.constant 8 : i32
    %xor3A_2214 = vector.broadcast %xor3A_2213 : i32 to vector<16xi32>
    %xor3A_2215 = arith.xori %iota3A, %xor3A_2214 : vector<16xi32>
    %broadcast_in_dim3A_2216 = vector.shape_cast %xor3A_2215 : vector<16xi32> to vector<16x1xi32>
    %gather3A_2217 = vector.shape_cast %broadcast_in_dim3A_2216 : vector<16x1xi32> to vector<16xi32>
    %gather3A_2218 = tpu.dynamic_gather %add3A_2212[%gather3A_2217] in [0] : vector<16xf32>, vector<16xi32> -> vector<16xf32>
    %add3A_2219 = arith.addf %add3A_2212, %gather3A_2218 : vector<16xf32>
    %xor3A_2220 = arith.constant 4 : i32
    %xor3A_2221 = vector.broadcast %xor3A_2220 : i32 to vector<16xi32>
    %xor3A_2222 = arith.xori %iota3A, %xor3A_2221 : vector<16xi32>
    %broadcast_in_dim3A_2223 = vector.shape_cast %xor3A_2222 : vector<16xi32> to vector<16x1xi32>
    %gather3A_2224 = vector.shape_cast %broadcast_in_dim3A_2223 : vector<16x1xi32> to vector<16xi32>
    %gather3A_2225 = tpu.dynamic_gather %add3A_2219[%gather3A_2224] in [0] : vector<16xf32>, vector<16xi32> -> vector<16xf32>
    %add3A_2226 = arith.addf %add3A_2219, %gather3A_2225 : vector<16xf32>
    %xor3A_2227 = arith.constant 2 : i32
    %xor3A_2228 = vector.broadcast %xor3A_2227 : i32 to vector<16xi32>
    %xor3A_2229 = arith.xori %iota3A, %xor3A_2228 : vector<16xi32>
    %broadcast_in_dim3A_2230 = vector.shape_cast %xor3A_2229 : vector<16xi32> to vector<16x1xi32>
    %gather3A_2231 = vector.shape_cast %broadcast_in_dim3A_2230 : vector<16x1xi32> to vector<16xi32>
    %gather3A_2232 = tpu.dynamic_gather %add3A_2226[%gather3A_2231] in [0] : vector<16xf32>, vector<16xi32> -> vector<16xf32>
    %add3A_2233 = arith.addf %add3A_2226, %gather3A_2232 : vector<16xf32>
    %xor3A_2234 = arith.constant 1 : i32
    %xor3A_2235 = vector.broadcast %xor3A_2234 : i32 to vector<16xi32>
    %xor3A_2236 = arith.xori %iota3A, %xor3A_2235 : vector<16xi32>
    %broadcast_in_dim3A_2237 = vector.shape_cast %xor3A_2236 : vector<16xi32> to vector<16x1xi32>
    %gather3A_2238 = vector.shape_cast %broadcast_in_dim3A_2237 : vector<16x1xi32> to vector<16xi32>
    %gather3A_2239 = tpu.dynamic_gather %add3A_2233[%gather3A_2238] in [0] : vector<16xf32>, vector<16xi32> -> vector<16xf32>
    %add3A_2240 = arith.addf %add3A_2233, %gather3A_2239 : vector<16xf32>
    %div3A_2241 = arith.divf %exp3A_2200, %add3A_2240 : vector<16xf32>
    %swap3A_2242 = arith.constant 16 : i32
    %swap3A_2243 = arith.index_cast %swap3A_2242 : i32 to index
    %swap3A_2244 = arith.constant 0 : index
    %swap3A_2245 = tpu.vector_load %arg7[%swap3A_2243, %swap3A_2244] {strides = array<i32>} : memref<32x80xf32, #tpu.memory_space<vmem>>, vector<1x16xf32>,
    %swap3A_2246 = vector.shape_cast %swap3A_2245 : vector<1x16xf32> to vector<16xf32>
    %swap3A_2247 = vector.shape_cast %div3A_2241 : vector<16xf32> to vector<1x16xf32>
    tpu.vector_store %arg7[%swap3A_2243, %swap3A_2244], %swap3A_2247 {strides = array<i32>} : memref<32x80xf32, #tpu.memory_space<vmem>>, vector<1x16xf32>,
    %div3A_2248 = arith.divf %exp3A_2202, %add3A_2240 : vector<16xf32>
    %swap3A_2249 = arith.constant 16 : i32
    %swap3A_2250 = arith.index_cast %swap3A_2249 : i32 to index
    %swap3A_2251 = arith.constant 16 : index
    %swap3A_2252 = tpu.vector_load %arg7[%swap3A_2250, %swap3A_2251] {strides = array<i32>} : memref<32x80xf32, #tpu.memory_space<vmem>>, vector<1x16xf32>,
    %swap3A_2253 = vector.shape_cast %swap3A_2252 : vector<1x16xf32> to vector<16xf32>
    %swap3A_2254 = vector.shape_cast %div3A_2248 : vector<16xf32> to vector<1x16xf32>
    tpu.vector_store %arg7[%swap3A_2250, %swap3A_2251], %swap3A_2254 {strides = array<i32>} : memref<32x80xf32, #tpu.memory_space<vmem>>, vector<1x16xf32>,
    %div3A_2255 = arith.divf %exp3A_2204, %add3A_2240 : vector<16xf32>
    %swap3A_2256 = arith.constant 16 : i32
    %swap3A_2257 = arith.index_cast %swap3A_2256 : i32 to index
    %swap3A_2258 = arith.constant 32 : index
    %swap3A_2259 = tpu.vector_load %arg7[%swap3A_2257, %swap3A_2258] {strides = array<i32>} : memref<32x80xf32, #tpu.memory_space<vmem>>, vector<1x16xf32>,
    %swap3A_2260 = vector.shape_cast %swap3A_2259 : vector<1x16xf32> to vector<16xf32>
    %swap3A_2261 = vector.shape_cast %div3A_2255 : vector<16xf32> to vector<1x16xf32>
    tpu.vector_store %arg7[%swap3A_2257, %swap3A_2258], %swap3A_2261 {strides = array<i32>} : memref<32x80xf32, #tpu.memory_space<vmem>>, vector<1x16xf32>,
    %div3A_2262 = arith.divf %exp3A_2206, %add3A_2240 : vector<16xf32>
    %swap3A_2263 = arith.constant 16 : i32
    %swap3A_2264 = arith.index_cast %swap3A_2263 : i32 to index
    %swap3A_2265 = arith.constant 48 : index
    %swap3A_2266 = tpu.vector_load %arg7[%swap3A_2264, %swap3A_2265] {strides = array<i32>} : memref<32x80xf32, #tpu.memory_space<vmem>>, vector<1x16xf32>,
    %swap3A_2267 = vector.shape_cast %swap3A_2266 : vector<1x16xf32> to vector<16xf32>
    %swap3A_2268 = vector.shape_cast %div3A_2262 : vector<16xf32> to vector<1x16xf32>
    tpu.vector_store %arg7[%swap3A_2264, %swap3A_2265], %swap3A_2268 {strides = array<i32>} : memref<32x80xf32, #tpu.memory_space<vmem>>, vector<1x16xf32>,
    %div3A_2269 = arith.divf %exp3A_2208, %add3A_2240 : vector<16xf32>
    %swap3A_2270 = arith.constant 16 : i32
    %swap3A_2271 = arith.index_cast %swap3A_2270 : i32 to index
    %swap3A_2272 = arith.constant 64 : index
    %swap3A_2273 = tpu.vector_load %arg7[%swap3A_2271, %swap3A_2272] {strides = array<i32>} : memref<32x80xf32, #tpu.memory_space<vmem>>, vector<1x16xf32>,
    %swap3A_2274 = vector.shape_cast %swap3A_2273 : vector<1x16xf32> to vector<16xf32>
    %swap3A_2275 = vector.shape_cast %div3A_2269 : vector<16xf32> to vector<1x16xf32>
    tpu.vector_store %arg7[%swap3A_2271, %swap3A_2272], %swap3A_2275 {strides = array<i32>} : memref<32x80xf32, #tpu.memory_space<vmem>>, vector<1x16xf32>,
    %get3A_2276 = arith.constant 17 : i32
    %get3A_2277 = arith.index_cast %get3A_2276 : i32 to index
    %get3A_2278 = arith.constant 0 : index
    %get3A_2279 = tpu.vector_load %arg6[%get3A_2277, %get3A_2278] {strides = array<i32>} : memref<32x80xf32, #tpu.memory_space<vmem>>, vector<1x16xf32>,
    %get3A_2280 = vector.shape_cast %get3A_2279 : vector<1x16xf32> to vector<16xf32>
    %get3A_2281 = arith.constant 17 : i32
    %get3A_2282 = arith.index_cast %get3A_2281 : i32 to index
    %get3A_2283 = arith.constant 16 : index
    %get3A_2284 = tpu.vector_load %arg6[%get3A_2282, %get3A_2283] {strides = array<i32>} : memref<32x80xf32, #tpu.memory_space<vmem>>, vector<1x16xf32>,
    %get3A_2285 = vector.shape_cast %get3A_2284 : vector<1x16xf32> to vector<16xf32>
    %get3A_2286 = arith.constant 17 : i32
    %get3A_2287 = arith.index_cast %get3A_2286 : i32 to index
    %get3A_2288 = arith.constant 32 : index
    %get3A_2289 = tpu.vector_load %arg6[%get3A_2287, %get3A_2288] {strides = array<i32>} : memref<32x80xf32, #tpu.memory_space<vmem>>, vector<1x16xf32>,
    %get3A_2290 = vector.shape_cast %get3A_2289 : vector<1x16xf32> to vector<16xf32>
    %get3A_2291 = arith.constant 17 : i32
    %get3A_2292 = arith.index_cast %get3A_2291 : i32 to index
    %get3A_2293 = arith.constant 48 : index
    %get3A_2294 = tpu.vector_load %arg6[%get3A_2292, %get3A_2293] {strides = array<i32>} : memref<32x80xf32, #tpu.memory_space<vmem>>, vector<1x16xf32>,
    %get3A_2295 = vector.shape_cast %get3A_2294 : vector<1x16xf32> to vector<16xf32>
    %get3A_2296 = arith.constant 17 : i32
    %get3A_2297 = arith.index_cast %get3A_2296 : i32 to index
    %get3A_2298 = arith.constant 64 : index
    %get3A_2299 = tpu.vector_load %arg6[%get3A_2297, %get3A_2298] {strides = array<i32>} : memref<32x80xf32, #tpu.memory_space<vmem>>, vector<1x16xf32>,
    %get3A_2300 = vector.shape_cast %get3A_2299 : vector<1x16xf32> to vector<16xf32>
    %max3A_2301 = arith.maximumf %get3A_2280, %get3A_2285 : vector<16xf32>
    %max3A_2302 = arith.maximumf %get3A_2290, %get3A_2295 : vector<16xf32>
    %max3A_2303 = arith.maximumf %max3A_2301, %max3A_2302 : vector<16xf32>
    %max3A_2304 = arith.maximumf %max3A_2303, %get3A_2300 : vector<16xf32>
    %xor3A_2305 = arith.constant 8 : i32
    %xor3A_2306 = vector.broadcast %xor3A_2305 : i32 to vector<16xi32>
    %xor3A_2307 = arith.xori %iota3A, %xor3A_2306 : vector<16xi32>
    %broadcast_in_dim3A_2308 = vector.shape_cast %xor3A_2307 : vector<16xi32> to vector<16x1xi32>
    %gather3A_2309 = vector.shape_cast %broadcast_in_dim3A_2308 : vector<16x1xi32> to vector<16xi32>
    %gather3A_2310 = tpu.dynamic_gather %max3A_2304[%gather3A_2309] in [0] : vector<16xf32>, vector<16xi32> -> vector<16xf32>
    %max3A_2311 = arith.maximumf %max3A_2304, %gather3A_2310 : vector<16xf32>
    %xor3A_2312 = arith.constant 4 : i32
    %xor3A_2313 = vector.broadcast %xor3A_2312 : i32 to vector<16xi32>
    %xor3A_2314 = arith.xori %iota3A, %xor3A_2313 : vector<16xi32>
    %broadcast_in_dim3A_2315 = vector.shape_cast %xor3A_2314 : vector<16xi32> to vector<16x1xi32>
    %gather3A_2316 = vector.shape_cast %broadcast_in_dim3A_2315 : vector<16x1xi32> to vector<16xi32>
    %gather3A_2317 = tpu.dynamic_gather %max3A_2311[%gather3A_2316] in [0] : vector<16xf32>, vector<16xi32> -> vector<16xf32>
    %max3A_2318 = arith.maximumf %max3A_2311, %gather3A_2317 : vector<16xf32>
    %xor3A_2319 = arith.constant 2 : i32
    %xor3A_2320 = vector.broadcast %xor3A_2319 : i32 to vector<16xi32>
    %xor3A_2321 = arith.xori %iota3A, %xor3A_2320 : vector<16xi32>
    %broadcast_in_dim3A_2322 = vector.shape_cast %xor3A_2321 : vector<16xi32> to vector<16x1xi32>
    %gather3A_2323 = vector.shape_cast %broadcast_in_dim3A_2322 : vector<16x1xi32> to vector<16xi32>
    %gather3A_2324 = tpu.dynamic_gather %max3A_2318[%gather3A_2323] in [0] : vector<16xf32>, vector<16xi32> -> vector<16xf32>
    %max3A_2325 = arith.maximumf %max3A_2318, %gather3A_2324 : vector<16xf32>
    %xor3A_2326 = arith.constant 1 : i32
    %xor3A_2327 = vector.broadcast %xor3A_2326 : i32 to vector<16xi32>
    %xor3A_2328 = arith.xori %iota3A, %xor3A_2327 : vector<16xi32>
    %broadcast_in_dim3A_2329 = vector.shape_cast %xor3A_2328 : vector<16xi32> to vector<16x1xi32>
    %gather3A_2330 = vector.shape_cast %broadcast_in_dim3A_2329 : vector<16x1xi32> to vector<16xi32>
    %gather3A_2331 = tpu.dynamic_gather %max3A_2325[%gather3A_2330] in [0] : vector<16xf32>, vector<16xi32> -> vector<16xf32>
    %max3A_2332 = arith.maximumf %max3A_2325, %gather3A_2331 : vector<16xf32>
    %sub3A_2333 = arith.subf %get3A_2280, %max3A_2332 : vector<16xf32>
    %exp3A_2334 = math.exp %sub3A_2333 : vector<16xf32>
    %sub3A_2335 = arith.subf %get3A_2285, %max3A_2332 : vector<16xf32>
    %exp3A_2336 = math.exp %sub3A_2335 : vector<16xf32>
    %sub3A_2337 = arith.subf %get3A_2290, %max3A_2332 : vector<16xf32>
    %exp3A_2338 = math.exp %sub3A_2337 : vector<16xf32>
    %sub3A_2339 = arith.subf %get3A_2295, %max3A_2332 : vector<16xf32>
    %exp3A_2340 = math.exp %sub3A_2339 : vector<16xf32>
    %sub3A_2341 = arith.subf %get3A_2300, %max3A_2332 : vector<16xf32>
    %exp3A_2342 = math.exp %sub3A_2341 : vector<16xf32>
    %add3A_2343 = arith.addf %exp3A_2334, %exp3A_2336 : vector<16xf32>
    %add3A_2344 = arith.addf %exp3A_2338, %exp3A_2340 : vector<16xf32>
    %add3A_2345 = arith.addf %add3A_2343, %add3A_2344 : vector<16xf32>
    %add3A_2346 = arith.addf %add3A_2345, %exp3A_2342 : vector<16xf32>
    %xor3A_2347 = arith.constant 8 : i32
    %xor3A_2348 = vector.broadcast %xor3A_2347 : i32 to vector<16xi32>
    %xor3A_2349 = arith.xori %iota3A, %xor3A_2348 : vector<16xi32>
    %broadcast_in_dim3A_2350 = vector.shape_cast %xor3A_2349 : vector<16xi32> to vector<16x1xi32>
    %gather3A_2351 = vector.shape_cast %broadcast_in_dim3A_2350 : vector<16x1xi32> to vector<16xi32>
    %gather3A_2352 = tpu.dynamic_gather %add3A_2346[%gather3A_2351] in [0] : vector<16xf32>, vector<16xi32> -> vector<16xf32>
    %add3A_2353 = arith.addf %add3A_2346, %gather3A_2352 : vector<16xf32>
    %xor3A_2354 = arith.constant 4 : i32
    %xor3A_2355 = vector.broadcast %xor3A_2354 : i32 to vector<16xi32>
    %xor3A_2356 = arith.xori %iota3A, %xor3A_2355 : vector<16xi32>
    %broadcast_in_dim3A_2357 = vector.shape_cast %xor3A_2356 : vector<16xi32> to vector<16x1xi32>
    %gather3A_2358 = vector.shape_cast %broadcast_in_dim3A_2357 : vector<16x1xi32> to vector<16xi32>
    %gather3A_2359 = tpu.dynamic_gather %add3A_2353[%gather3A_2358] in [0] : vector<16xf32>, vector<16xi32> -> vector<16xf32>
    %add3A_2360 = arith.addf %add3A_2353, %gather3A_2359 : vector<16xf32>
    %xor3A_2361 = arith.constant 2 : i32
    %xor3A_2362 = vector.broadcast %xor3A_2361 : i32 to vector<16xi32>
    %xor3A_2363 = arith.xori %iota3A, %xor3A_2362 : vector<16xi32>
    %broadcast_in_dim3A_2364 = vector.shape_cast %xor3A_2363 : vector<16xi32> to vector<16x1xi32>
    %gather3A_2365 = vector.shape_cast %broadcast_in_dim3A_2364 : vector<16x1xi32> to vector<16xi32>
    %gather3A_2366 = tpu.dynamic_gather %add3A_2360[%gather3A_2365] in [0] : vector<16xf32>, vector<16xi32> -> vector<16xf32>
    %add3A_2367 = arith.addf %add3A_2360, %gather3A_2366 : vector<16xf32>
    %xor3A_2368 = arith.constant 1 : i32
    %xor3A_2369 = vector.broadcast %xor3A_2368 : i32 to vector<16xi32>
    %xor3A_2370 = arith.xori %iota3A, %xor3A_2369 : vector<16xi32>
    %broadcast_in_dim3A_2371 = vector.shape_cast %xor3A_2370 : vector<16xi32> to vector<16x1xi32>
    %gather3A_2372 = vector.shape_cast %broadcast_in_dim3A_2371 : vector<16x1xi32> to vector<16xi32>
    %gather3A_2373 = tpu.dynamic_gather %add3A_2367[%gather3A_2372] in [0] : vector<16xf32>, vector<16xi32> -> vector<16xf32>
    %add3A_2374 = arith.addf %add3A_2367, %gather3A_2373 : vector<16xf32>
    %div3A_2375 = arith.divf %exp3A_2334, %add3A_2374 : vector<16xf32>
    %swap3A_2376 = arith.constant 17 : i32
    %swap3A_2377 = arith.index_cast %swap3A_2376 : i32 to index
    %swap3A_2378 = arith.constant 0 : index
    %swap3A_2379 = tpu.vector_load %arg7[%swap3A_2377, %swap3A_2378] {strides = array<i32>} : memref<32x80xf32, #tpu.memory_space<vmem>>, vector<1x16xf32>,
    %swap3A_2380 = vector.shape_cast %swap3A_2379 : vector<1x16xf32> to vector<16xf32>
    %swap3A_2381 = vector.shape_cast %div3A_2375 : vector<16xf32> to vector<1x16xf32>
    tpu.vector_store %arg7[%swap3A_2377, %swap3A_2378], %swap3A_2381 {strides = array<i32>} : memref<32x80xf32, #tpu.memory_space<vmem>>, vector<1x16xf32>,
    %div3A_2382 = arith.divf %exp3A_2336, %add3A_2374 : vector<16xf32>
    %swap3A_2383 = arith.constant 17 : i32
    %swap3A_2384 = arith.index_cast %swap3A_2383 : i32 to index
    %swap3A_2385 = arith.constant 16 : index
    %swap3A_2386 = tpu.vector_load %arg7[%swap3A_2384, %swap3A_2385] {strides = array<i32>} : memref<32x80xf32, #tpu.memory_space<vmem>>, vector<1x16xf32>,
    %swap3A_2387 = vector.shape_cast %swap3A_2386 : vector<1x16xf32> to vector<16xf32>
    %swap3A_2388 = vector.shape_cast %div3A_2382 : vector<16xf32> to vector<1x16xf32>
    tpu.vector_store %arg7[%swap3A_2384, %swap3A_2385], %swap3A_2388 {strides = array<i32>} : memref<32x80xf32, #tpu.memory_space<vmem>>, vector<1x16xf32>,
    %div3A_2389 = arith.divf %exp3A_2338, %add3A_2374 : vector<16xf32>
    %swap3A_2390 = arith.constant 17 : i32
    %swap3A_2391 = arith.index_cast %swap3A_2390 : i32 to index
    %swap3A_2392 = arith.constant 32 : index
    %swap3A_2393 = tpu.vector_load %arg7[%swap3A_2391, %swap3A_2392] {strides = array<i32>} : memref<32x80xf32, #tpu.memory_space<vmem>>, vector<1x16xf32>,
    %swap3A_2394 = vector.shape_cast %swap3A_2393 : vector<1x16xf32> to vector<16xf32>
    %swap3A_2395 = vector.shape_cast %div3A_2389 : vector<16xf32> to vector<1x16xf32>
    tpu.vector_store %arg7[%swap3A_2391, %swap3A_2392], %swap3A_2395 {strides = array<i32>} : memref<32x80xf32, #tpu.memory_space<vmem>>, vector<1x16xf32>,
    %div3A_2396 = arith.divf %exp3A_2340, %add3A_2374 : vector<16xf32>
    %swap3A_2397 = arith.constant 17 : i32
    %swap3A_2398 = arith.index_cast %swap3A_2397 : i32 to index
    %swap3A_2399 = arith.constant 48 : index
    %swap3A_2400 = tpu.vector_load %arg7[%swap3A_2398, %swap3A_2399] {strides = array<i32>} : memref<32x80xf32, #tpu.memory_space<vmem>>, vector<1x16xf32>,
    %swap3A_2401 = vector.shape_cast %swap3A_2400 : vector<1x16xf32> to vector<16xf32>
    %swap3A_2402 = vector.shape_cast %div3A_2396 : vector<16xf32> to vector<1x16xf32>
    tpu.vector_store %arg7[%swap3A_2398, %swap3A_2399], %swap3A_2402 {strides = array<i32>} : memref<32x80xf32, #tpu.memory_space<vmem>>, vector<1x16xf32>,
    %div3A_2403 = arith.divf %exp3A_2342, %add3A_2374 : vector<16xf32>
    %swap3A_2404 = arith.constant 17 : i32
    %swap3A_2405 = arith.index_cast %swap3A_2404 : i32 to index
    %swap3A_2406 = arith.constant 64 : index
    %swap3A_2407 = tpu.vector_load %arg7[%swap3A_2405, %swap3A_2406] {strides = array<i32>} : memref<32x80xf32, #tpu.memory_space<vmem>>, vector<1x16xf32>,
    %swap3A_2408 = vector.shape_cast %swap3A_2407 : vector<1x16xf32> to vector<16xf32>
    %swap3A_2409 = vector.shape_cast %div3A_2403 : vector<16xf32> to vector<1x16xf32>
    tpu.vector_store %arg7[%swap3A_2405, %swap3A_2406], %swap3A_2409 {strides = array<i32>} : memref<32x80xf32, #tpu.memory_space<vmem>>, vector<1x16xf32>,
    %get3A_2410 = arith.constant 18 : i32
    %get3A_2411 = arith.index_cast %get3A_2410 : i32 to index
    %get3A_2412 = arith.constant 0 : index
    %get3A_2413 = tpu.vector_load %arg6[%get3A_2411, %get3A_2412] {strides = array<i32>} : memref<32x80xf32, #tpu.memory_space<vmem>>, vector<1x16xf32>,
    %get3A_2414 = vector.shape_cast %get3A_2413 : vector<1x16xf32> to vector<16xf32>
    %get3A_2415 = arith.constant 18 : i32
    %get3A_2416 = arith.index_cast %get3A_2415 : i32 to index
    %get3A_2417 = arith.constant 16 : index
    %get3A_2418 = tpu.vector_load %arg6[%get3A_2416, %get3A_2417] {strides = array<i32>} : memref<32x80xf32, #tpu.memory_space<vmem>>, vector<1x16xf32>,
    %get3A_2419 = vector.shape_cast %get3A_2418 : vector<1x16xf32> to vector<16xf32>
    %get3A_2420 = arith.constant 18 : i32
    %get3A_2421 = arith.index_cast %get3A_2420 : i32 to index
    %get3A_2422 = arith.constant 32 : index
    %get3A_2423 = tpu.vector_load %arg6[%get3A_2421, %get3A_2422] {strides = array<i32>} : memref<32x80xf32, #tpu.memory_space<vmem>>, vector<1x16xf32>,
    %get3A_2424 = vector.shape_cast %get3A_2423 : vector<1x16xf32> to vector<16xf32>
    %get3A_2425 = arith.constant 18 : i32
    %get3A_2426 = arith.index_cast %get3A_2425 : i32 to index
    %get3A_2427 = arith.constant 48 : index
    %get3A_2428 = tpu.vector_load %arg6[%get3A_2426, %get3A_2427] {strides = array<i32>} : memref<32x80xf32, #tpu.memory_space<vmem>>, vector<1x16xf32>,
    %get3A_2429 = vector.shape_cast %get3A_2428 : vector<1x16xf32> to vector<16xf32>
    %get3A_2430 = arith.constant 18 : i32
    %get3A_2431 = arith.index_cast %get3A_2430 : i32 to index
    %get3A_2432 = arith.constant 64 : index
    %get3A_2433 = tpu.vector_load %arg6[%get3A_2431, %get3A_2432] {strides = array<i32>} : memref<32x80xf32, #tpu.memory_space<vmem>>, vector<1x16xf32>,
    %get3A_2434 = vector.shape_cast %get3A_2433 : vector<1x16xf32> to vector<16xf32>
    %max3A_2435 = arith.maximumf %get3A_2414, %get3A_2419 : vector<16xf32>
    %max3A_2436 = arith.maximumf %get3A_2424, %get3A_2429 : vector<16xf32>
    %max3A_2437 = arith.maximumf %max3A_2435, %max3A_2436 : vector<16xf32>
    %max3A_2438 = arith.maximumf %max3A_2437, %get3A_2434 : vector<16xf32>
    %xor3A_2439 = arith.constant 8 : i32
    %xor3A_2440 = vector.broadcast %xor3A_2439 : i32 to vector<16xi32>
    %xor3A_2441 = arith.xori %iota3A, %xor3A_2440 : vector<16xi32>
    %broadcast_in_dim3A_2442 = vector.shape_cast %xor3A_2441 : vector<16xi32> to vector<16x1xi32>
    %gather3A_2443 = vector.shape_cast %broadcast_in_dim3A_2442 : vector<16x1xi32> to vector<16xi32>
    %gather3A_2444 = tpu.dynamic_gather %max3A_2438[%gather3A_2443] in [0] : vector<16xf32>, vector<16xi32> -> vector<16xf32>
    %max3A_2445 = arith.maximumf %max3A_2438, %gather3A_2444 : vector<16xf32>
    %xor3A_2446 = arith.constant 4 : i32
    %xor3A_2447 = vector.broadcast %xor3A_2446 : i32 to vector<16xi32>
    %xor3A_2448 = arith.xori %iota3A, %xor3A_2447 : vector<16xi32>
    %broadcast_in_dim3A_2449 = vector.shape_cast %xor3A_2448 : vector<16xi32> to vector<16x1xi32>
    %gather3A_2450 = vector.shape_cast %broadcast_in_dim3A_2449 : vector<16x1xi32> to vector<16xi32>
    %gather3A_2451 = tpu.dynamic_gather %max3A_2445[%gather3A_2450] in [0] : vector<16xf32>, vector<16xi32> -> vector<16xf32>
    %max3A_2452 = arith.maximumf %max3A_2445, %gather3A_2451 : vector<16xf32>
    %xor3A_2453 = arith.constant 2 : i32
    %xor3A_2454 = vector.broadcast %xor3A_2453 : i32 to vector<16xi32>
    %xor3A_2455 = arith.xori %iota3A, %xor3A_2454 : vector<16xi32>
    %broadcast_in_dim3A_2456 = vector.shape_cast %xor3A_2455 : vector<16xi32> to vector<16x1xi32>
    %gather3A_2457 = vector.shape_cast %broadcast_in_dim3A_2456 : vector<16x1xi32> to vector<16xi32>
    %gather3A_2458 = tpu.dynamic_gather %max3A_2452[%gather3A_2457] in [0] : vector<16xf32>, vector<16xi32> -> vector<16xf32>
    %max3A_2459 = arith.maximumf %max3A_2452, %gather3A_2458 : vector<16xf32>
    %xor3A_2460 = arith.constant 1 : i32
    %xor3A_2461 = vector.broadcast %xor3A_2460 : i32 to vector<16xi32>
    %xor3A_2462 = arith.xori %iota3A, %xor3A_2461 : vector<16xi32>
    %broadcast_in_dim3A_2463 = vector.shape_cast %xor3A_2462 : vector<16xi32> to vector<16x1xi32>
    %gather3A_2464 = vector.shape_cast %broadcast_in_dim3A_2463 : vector<16x1xi32> to vector<16xi32>
    %gather3A_2465 = tpu.dynamic_gather %max3A_2459[%gather3A_2464] in [0] : vector<16xf32>, vector<16xi32> -> vector<16xf32>
    %max3A_2466 = arith.maximumf %max3A_2459, %gather3A_2465 : vector<16xf32>
    %sub3A_2467 = arith.subf %get3A_2414, %max3A_2466 : vector<16xf32>
    %exp3A_2468 = math.exp %sub3A_2467 : vector<16xf32>
    %sub3A_2469 = arith.subf %get3A_2419, %max3A_2466 : vector<16xf32>
    %exp3A_2470 = math.exp %sub3A_2469 : vector<16xf32>
    %sub3A_2471 = arith.subf %get3A_2424, %max3A_2466 : vector<16xf32>
    %exp3A_2472 = math.exp %sub3A_2471 : vector<16xf32>
    %sub3A_2473 = arith.subf %get3A_2429, %max3A_2466 : vector<16xf32>
    %exp3A_2474 = math.exp %sub3A_2473 : vector<16xf32>
    %sub3A_2475 = arith.subf %get3A_2434, %max3A_2466 : vector<16xf32>
    %exp3A_2476 = math.exp %sub3A_2475 : vector<16xf32>
    %add3A_2477 = arith.addf %exp3A_2468, %exp3A_2470 : vector<16xf32>
    %add3A_2478 = arith.addf %exp3A_2472, %exp3A_2474 : vector<16xf32>
    %add3A_2479 = arith.addf %add3A_2477, %add3A_2478 : vector<16xf32>
    %add3A_2480 = arith.addf %add3A_2479, %exp3A_2476 : vector<16xf32>
    %xor3A_2481 = arith.constant 8 : i32
    %xor3A_2482 = vector.broadcast %xor3A_2481 : i32 to vector<16xi32>
    %xor3A_2483 = arith.xori %iota3A, %xor3A_2482 : vector<16xi32>
    %broadcast_in_dim3A_2484 = vector.shape_cast %xor3A_2483 : vector<16xi32> to vector<16x1xi32>
    %gather3A_2485 = vector.shape_cast %broadcast_in_dim3A_2484 : vector<16x1xi32> to vector<16xi32>
    %gather3A_2486 = tpu.dynamic_gather %add3A_2480[%gather3A_2485] in [0] : vector<16xf32>, vector<16xi32> -> vector<16xf32>
    %add3A_2487 = arith.addf %add3A_2480, %gather3A_2486 : vector<16xf32>
    %xor3A_2488 = arith.constant 4 : i32
    %xor3A_2489 = vector.broadcast %xor3A_2488 : i32 to vector<16xi32>
    %xor3A_2490 = arith.xori %iota3A, %xor3A_2489 : vector<16xi32>
    %broadcast_in_dim3A_2491 = vector.shape_cast %xor3A_2490 : vector<16xi32> to vector<16x1xi32>
    %gather3A_2492 = vector.shape_cast %broadcast_in_dim3A_2491 : vector<16x1xi32> to vector<16xi32>
    %gather3A_2493 = tpu.dynamic_gather %add3A_2487[%gather3A_2492] in [0] : vector<16xf32>, vector<16xi32> -> vector<16xf32>
    %add3A_2494 = arith.addf %add3A_2487, %gather3A_2493 : vector<16xf32>
    %xor3A_2495 = arith.constant 2 : i32
    %xor3A_2496 = vector.broadcast %xor3A_2495 : i32 to vector<16xi32>
    %xor3A_2497 = arith.xori %iota3A, %xor3A_2496 : vector<16xi32>
    %broadcast_in_dim3A_2498 = vector.shape_cast %xor3A_2497 : vector<16xi32> to vector<16x1xi32>
    %gather3A_2499 = vector.shape_cast %broadcast_in_dim3A_2498 : vector<16x1xi32> to vector<16xi32>
    %gather3A_2500 = tpu.dynamic_gather %add3A_2494[%gather3A_2499] in [0] : vector<16xf32>, vector<16xi32> -> vector<16xf32>
    %add3A_2501 = arith.addf %add3A_2494, %gather3A_2500 : vector<16xf32>
    %xor3A_2502 = arith.constant 1 : i32
    %xor3A_2503 = vector.broadcast %xor3A_2502 : i32 to vector<16xi32>
    %xor3A_2504 = arith.xori %iota3A, %xor3A_2503 : vector<16xi32>
    %broadcast_in_dim3A_2505 = vector.shape_cast %xor3A_2504 : vector<16xi32> to vector<16x1xi32>
    %gather3A_2506 = vector.shape_cast %broadcast_in_dim3A_2505 : vector<16x1xi32> to vector<16xi32>
    %gather3A_2507 = tpu.dynamic_gather %add3A_2501[%gather3A_2506] in [0] : vector<16xf32>, vector<16xi32> -> vector<16xf32>
    %add3A_2508 = arith.addf %add3A_2501, %gather3A_2507 : vector<16xf32>
    %div3A_2509 = arith.divf %exp3A_2468, %add3A_2508 : vector<16xf32>
    %swap3A_2510 = arith.constant 18 : i32
    %swap3A_2511 = arith.index_cast %swap3A_2510 : i32 to index
    %swap3A_2512 = arith.constant 0 : index
    %swap3A_2513 = tpu.vector_load %arg7[%swap3A_2511, %swap3A_2512] {strides = array<i32>} : memref<32x80xf32, #tpu.memory_space<vmem>>, vector<1x16xf32>,
    %swap3A_2514 = vector.shape_cast %swap3A_2513 : vector<1x16xf32> to vector<16xf32>
    %swap3A_2515 = vector.shape_cast %div3A_2509 : vector<16xf32> to vector<1x16xf32>
    tpu.vector_store %arg7[%swap3A_2511, %swap3A_2512], %swap3A_2515 {strides = array<i32>} : memref<32x80xf32, #tpu.memory_space<vmem>>, vector<1x16xf32>,
    %div3A_2516 = arith.divf %exp3A_2470, %add3A_2508 : vector<16xf32>
    %swap3A_2517 = arith.constant 18 : i32
    %swap3A_2518 = arith.index_cast %swap3A_2517 : i32 to index
    %swap3A_2519 = arith.constant 16 : index
    %swap3A_2520 = tpu.vector_load %arg7[%swap3A_2518, %swap3A_2519] {strides = array<i32>} : memref<32x80xf32, #tpu.memory_space<vmem>>, vector<1x16xf32>,
    %swap3A_2521 = vector.shape_cast %swap3A_2520 : vector<1x16xf32> to vector<16xf32>
    %swap3A_2522 = vector.shape_cast %div3A_2516 : vector<16xf32> to vector<1x16xf32>
    tpu.vector_store %arg7[%swap3A_2518, %swap3A_2519], %swap3A_2522 {strides = array<i32>} : memref<32x80xf32, #tpu.memory_space<vmem>>, vector<1x16xf32>,
    %div3A_2523 = arith.divf %exp3A_2472, %add3A_2508 : vector<16xf32>
    %swap3A_2524 = arith.constant 18 : i32
    %swap3A_2525 = arith.index_cast %swap3A_2524 : i32 to index
    %swap3A_2526 = arith.constant 32 : index
    %swap3A_2527 = tpu.vector_load %arg7[%swap3A_2525, %swap3A_2526] {strides = array<i32>} : memref<32x80xf32, #tpu.memory_space<vmem>>, vector<1x16xf32>,
    %swap3A_2528 = vector.shape_cast %swap3A_2527 : vector<1x16xf32> to vector<16xf32>
    %swap3A_2529 = vector.shape_cast %div3A_2523 : vector<16xf32> to vector<1x16xf32>
    tpu.vector_store %arg7[%swap3A_2525, %swap3A_2526], %swap3A_2529 {strides = array<i32>} : memref<32x80xf32, #tpu.memory_space<vmem>>, vector<1x16xf32>,
    %div3A_2530 = arith.divf %exp3A_2474, %add3A_2508 : vector<16xf32>
    %swap3A_2531 = arith.constant 18 : i32
    %swap3A_2532 = arith.index_cast %swap3A_2531 : i32 to index
    %swap3A_2533 = arith.constant 48 : index
    %swap3A_2534 = tpu.vector_load %arg7[%swap3A_2532, %swap3A_2533] {strides = array<i32>} : memref<32x80xf32, #tpu.memory_space<vmem>>, vector<1x16xf32>,
    %swap3A_2535 = vector.shape_cast %swap3A_2534 : vector<1x16xf32> to vector<16xf32>
    %swap3A_2536 = vector.shape_cast %div3A_2530 : vector<16xf32> to vector<1x16xf32>
    tpu.vector_store %arg7[%swap3A_2532, %swap3A_2533], %swap3A_2536 {strides = array<i32>} : memref<32x80xf32, #tpu.memory_space<vmem>>, vector<1x16xf32>,
    %div3A_2537 = arith.divf %exp3A_2476, %add3A_2508 : vector<16xf32>
    %swap3A_2538 = arith.constant 18 : i32
    %swap3A_2539 = arith.index_cast %swap3A_2538 : i32 to index
    %swap3A_2540 = arith.constant 64 : index
    %swap3A_2541 = tpu.vector_load %arg7[%swap3A_2539, %swap3A_2540] {strides = array<i32>} : memref<32x80xf32, #tpu.memory_space<vmem>>, vector<1x16xf32>,
    %swap3A_2542 = vector.shape_cast %swap3A_2541 : vector<1x16xf32> to vector<16xf32>
    %swap3A_2543 = vector.shape_cast %div3A_2537 : vector<16xf32> to vector<1x16xf32>
    tpu.vector_store %arg7[%swap3A_2539, %swap3A_2540], %swap3A_2543 {strides = array<i32>} : memref<32x80xf32, #tpu.memory_space<vmem>>, vector<1x16xf32>,
    %get3A_2544 = arith.constant 19 : i32
    %get3A_2545 = arith.index_cast %get3A_2544 : i32 to index
    %get3A_2546 = arith.constant 0 : index
    %get3A_2547 = tpu.vector_load %arg6[%get3A_2545, %get3A_2546] {strides = array<i32>} : memref<32x80xf32, #tpu.memory_space<vmem>>, vector<1x16xf32>,
    %get3A_2548 = vector.shape_cast %get3A_2547 : vector<1x16xf32> to vector<16xf32>
    %get3A_2549 = arith.constant 19 : i32
    %get3A_2550 = arith.index_cast %get3A_2549 : i32 to index
    %get3A_2551 = arith.constant 16 : index
    %get3A_2552 = tpu.vector_load %arg6[%get3A_2550, %get3A_2551] {strides = array<i32>} : memref<32x80xf32, #tpu.memory_space<vmem>>, vector<1x16xf32>,
    %get3A_2553 = vector.shape_cast %get3A_2552 : vector<1x16xf32> to vector<16xf32>
    %get3A_2554 = arith.constant 19 : i32
    %get3A_2555 = arith.index_cast %get3A_2554 : i32 to index
    %get3A_2556 = arith.constant 32 : index
    %get3A_2557 = tpu.vector_load %arg6[%get3A_2555, %get3A_2556] {strides = array<i32>} : memref<32x80xf32, #tpu.memory_space<vmem>>, vector<1x16xf32>,
    %get3A_2558 = vector.shape_cast %get3A_2557 : vector<1x16xf32> to vector<16xf32>
    %get3A_2559 = arith.constant 19 : i32
    %get3A_2560 = arith.index_cast %get3A_2559 : i32 to index
    %get3A_2561 = arith.constant 48 : index
    %get3A_2562 = tpu.vector_load %arg6[%get3A_2560, %get3A_2561] {strides = array<i32>} : memref<32x80xf32, #tpu.memory_space<vmem>>, vector<1x16xf32>,
    %get3A_2563 = vector.shape_cast %get3A_2562 : vector<1x16xf32> to vector<16xf32>
    %get3A_2564 = arith.constant 19 : i32
    %get3A_2565 = arith.index_cast %get3A_2564 : i32 to index
    %get3A_2566 = arith.constant 64 : index
    %get3A_2567 = tpu.vector_load %arg6[%get3A_2565, %get3A_2566] {strides = array<i32>} : memref<32x80xf32, #tpu.memory_space<vmem>>, vector<1x16xf32>,
    %get3A_2568 = vector.shape_cast %get3A_2567 : vector<1x16xf32> to vector<16xf32>
    %max3A_2569 = arith.maximumf %get3A_2548, %get3A_2553 : vector<16xf32>
    %max3A_2570 = arith.maximumf %get3A_2558, %get3A_2563 : vector<16xf32>
    %max3A_2571 = arith.maximumf %max3A_2569, %max3A_2570 : vector<16xf32>
    %max3A_2572 = arith.maximumf %max3A_2571, %get3A_2568 : vector<16xf32>
    %xor3A_2573 = arith.constant 8 : i32
    %xor3A_2574 = vector.broadcast %xor3A_2573 : i32 to vector<16xi32>
    %xor3A_2575 = arith.xori %iota3A, %xor3A_2574 : vector<16xi32>
    %broadcast_in_dim3A_2576 = vector.shape_cast %xor3A_2575 : vector<16xi32> to vector<16x1xi32>
    %gather3A_2577 = vector.shape_cast %broadcast_in_dim3A_2576 : vector<16x1xi32> to vector<16xi32>
    %gather3A_2578 = tpu.dynamic_gather %max3A_2572[%gather3A_2577] in [0] : vector<16xf32>, vector<16xi32> -> vector<16xf32>
    %max3A_2579 = arith.maximumf %max3A_2572, %gather3A_2578 : vector<16xf32>
    %xor3A_2580 = arith.constant 4 : i32
    %xor3A_2581 = vector.broadcast %xor3A_2580 : i32 to vector<16xi32>
    %xor3A_2582 = arith.xori %iota3A, %xor3A_2581 : vector<16xi32>
    %broadcast_in_dim3A_2583 = vector.shape_cast %xor3A_2582 : vector<16xi32> to vector<16x1xi32>
    %gather3A_2584 = vector.shape_cast %broadcast_in_dim3A_2583 : vector<16x1xi32> to vector<16xi32>
    %gather3A_2585 = tpu.dynamic_gather %max3A_2579[%gather3A_2584] in [0] : vector<16xf32>, vector<16xi32> -> vector<16xf32>
    %max3A_2586 = arith.maximumf %max3A_2579, %gather3A_2585 : vector<16xf32>
    %xor3A_2587 = arith.constant 2 : i32
    %xor3A_2588 = vector.broadcast %xor3A_2587 : i32 to vector<16xi32>
    %xor3A_2589 = arith.xori %iota3A, %xor3A_2588 : vector<16xi32>
    %broadcast_in_dim3A_2590 = vector.shape_cast %xor3A_2589 : vector<16xi32> to vector<16x1xi32>
    %gather3A_2591 = vector.shape_cast %broadcast_in_dim3A_2590 : vector<16x1xi32> to vector<16xi32>
    %gather3A_2592 = tpu.dynamic_gather %max3A_2586[%gather3A_2591] in [0] : vector<16xf32>, vector<16xi32> -> vector<16xf32>
    %max3A_2593 = arith.maximumf %max3A_2586, %gather3A_2592 : vector<16xf32>
    %xor3A_2594 = arith.constant 1 : i32
    %xor3A_2595 = vector.broadcast %xor3A_2594 : i32 to vector<16xi32>
    %xor3A_2596 = arith.xori %iota3A, %xor3A_2595 : vector<16xi32>
    %broadcast_in_dim3A_2597 = vector.shape_cast %xor3A_2596 : vector<16xi32> to vector<16x1xi32>
    %gather3A_2598 = vector.shape_cast %broadcast_in_dim3A_2597 : vector<16x1xi32> to vector<16xi32>
    %gather3A_2599 = tpu.dynamic_gather %max3A_2593[%gather3A_2598] in [0] : vector<16xf32>, vector<16xi32> -> vector<16xf32>
    %max3A_2600 = arith.maximumf %max3A_2593, %gather3A_2599 : vector<16xf32>
    %sub3A_2601 = arith.subf %get3A_2548, %max3A_2600 : vector<16xf32>
    %exp3A_2602 = math.exp %sub3A_2601 : vector<16xf32>
    %sub3A_2603 = arith.subf %get3A_2553, %max3A_2600 : vector<16xf32>
    %exp3A_2604 = math.exp %sub3A_2603 : vector<16xf32>
    %sub3A_2605 = arith.subf %get3A_2558, %max3A_2600 : vector<16xf32>
    %exp3A_2606 = math.exp %sub3A_2605 : vector<16xf32>
    %sub3A_2607 = arith.subf %get3A_2563, %max3A_2600 : vector<16xf32>
    %exp3A_2608 = math.exp %sub3A_2607 : vector<16xf32>
    %sub3A_2609 = arith.subf %get3A_2568, %max3A_2600 : vector<16xf32>
    %exp3A_2610 = math.exp %sub3A_2609 : vector<16xf32>
    %add3A_2611 = arith.addf %exp3A_2602, %exp3A_2604 : vector<16xf32>
    %add3A_2612 = arith.addf %exp3A_2606, %exp3A_2608 : vector<16xf32>
    %add3A_2613 = arith.addf %add3A_2611, %add3A_2612 : vector<16xf32>
    %add3A_2614 = arith.addf %add3A_2613, %exp3A_2610 : vector<16xf32>
    %xor3A_2615 = arith.constant 8 : i32
    %xor3A_2616 = vector.broadcast %xor3A_2615 : i32 to vector<16xi32>
    %xor3A_2617 = arith.xori %iota3A, %xor3A_2616 : vector<16xi32>
    %broadcast_in_dim3A_2618 = vector.shape_cast %xor3A_2617 : vector<16xi32> to vector<16x1xi32>
    %gather3A_2619 = vector.shape_cast %broadcast_in_dim3A_2618 : vector<16x1xi32> to vector<16xi32>
    %gather3A_2620 = tpu.dynamic_gather %add3A_2614[%gather3A_2619] in [0] : vector<16xf32>, vector<16xi32> -> vector<16xf32>
    %add3A_2621 = arith.addf %add3A_2614, %gather3A_2620 : vector<16xf32>
    %xor3A_2622 = arith.constant 4 : i32
    %xor3A_2623 = vector.broadcast %xor3A_2622 : i32 to vector<16xi32>
    %xor3A_2624 = arith.xori %iota3A, %xor3A_2623 : vector<16xi32>
    %broadcast_in_dim3A_2625 = vector.shape_cast %xor3A_2624 : vector<16xi32> to vector<16x1xi32>
    %gather3A_2626 = vector.shape_cast %broadcast_in_dim3A_2625 : vector<16x1xi32> to vector<16xi32>
    %gather3A_2627 = tpu.dynamic_gather %add3A_2621[%gather3A_2626] in [0] : vector<16xf32>, vector<16xi32> -> vector<16xf32>
    %add3A_2628 = arith.addf %add3A_2621, %gather3A_2627 : vector<16xf32>
    %xor3A_2629 = arith.constant 2 : i32
    %xor3A_2630 = vector.broadcast %xor3A_2629 : i32 to vector<16xi32>
    %xor3A_2631 = arith.xori %iota3A, %xor3A_2630 : vector<16xi32>
    %broadcast_in_dim3A_2632 = vector.shape_cast %xor3A_2631 : vector<16xi32> to vector<16x1xi32>
    %gather3A_2633 = vector.shape_cast %broadcast_in_dim3A_2632 : vector<16x1xi32> to vector<16xi32>
    %gather3A_2634 = tpu.dynamic_gather %add3A_2628[%gather3A_2633] in [0] : vector<16xf32>, vector<16xi32> -> vector<16xf32>
    %add3A_2635 = arith.addf %add3A_2628, %gather3A_2634 : vector<16xf32>
    %xor3A_2636 = arith.constant 1 : i32
    %xor3A_2637 = vector.broadcast %xor3A_2636 : i32 to vector<16xi32>
    %xor3A_2638 = arith.xori %iota3A, %xor3A_2637 : vector<16xi32>
    %broadcast_in_dim3A_2639 = vector.shape_cast %xor3A_2638 : vector<16xi32> to vector<16x1xi32>
    %gather3A_2640 = vector.shape_cast %broadcast_in_dim3A_2639 : vector<16x1xi32> to vector<16xi32>
    %gather3A_2641 = tpu.dynamic_gather %add3A_2635[%gather3A_2640] in [0] : vector<16xf32>, vector<16xi32> -> vector<16xf32>
    %add3A_2642 = arith.addf %add3A_2635, %gather3A_2641 : vector<16xf32>
    %div3A_2643 = arith.divf %exp3A_2602, %add3A_2642 : vector<16xf32>
    %swap3A_2644 = arith.constant 19 : i32
    %swap3A_2645 = arith.index_cast %swap3A_2644 : i32 to index
    %swap3A_2646 = arith.constant 0 : index
    %swap3A_2647 = tpu.vector_load %arg7[%swap3A_2645, %swap3A_2646] {strides = array<i32>} : memref<32x80xf32, #tpu.memory_space<vmem>>, vector<1x16xf32>,
    %swap3A_2648 = vector.shape_cast %swap3A_2647 : vector<1x16xf32> to vector<16xf32>
    %swap3A_2649 = vector.shape_cast %div3A_2643 : vector<16xf32> to vector<1x16xf32>
    tpu.vector_store %arg7[%swap3A_2645, %swap3A_2646], %swap3A_2649 {strides = array<i32>} : memref<32x80xf32, #tpu.memory_space<vmem>>, vector<1x16xf32>,
    %div3A_2650 = arith.divf %exp3A_2604, %add3A_2642 : vector<16xf32>
    %swap3A_2651 = arith.constant 19 : i32
    %swap3A_2652 = arith.index_cast %swap3A_2651 : i32 to index
    %swap3A_2653 = arith.constant 16 : index
    %swap3A_2654 = tpu.vector_load %arg7[%swap3A_2652, %swap3A_2653] {strides = array<i32>} : memref<32x80xf32, #tpu.memory_space<vmem>>, vector<1x16xf32>,
    %swap3A_2655 = vector.shape_cast %swap3A_2654 : vector<1x16xf32> to vector<16xf32>
    %swap3A_2656 = vector.shape_cast %div3A_2650 : vector<16xf32> to vector<1x16xf32>
    tpu.vector_store %arg7[%swap3A_2652, %swap3A_2653], %swap3A_2656 {strides = array<i32>} : memref<32x80xf32, #tpu.memory_space<vmem>>, vector<1x16xf32>,
    %div3A_2657 = arith.divf %exp3A_2606, %add3A_2642 : vector<16xf32>
    %swap3A_2658 = arith.constant 19 : i32
    %swap3A_2659 = arith.index_cast %swap3A_2658 : i32 to index
    %swap3A_2660 = arith.constant 32 : index
    %swap3A_2661 = tpu.vector_load %arg7[%swap3A_2659, %swap3A_2660] {strides = array<i32>} : memref<32x80xf32, #tpu.memory_space<vmem>>, vector<1x16xf32>,
    %swap3A_2662 = vector.shape_cast %swap3A_2661 : vector<1x16xf32> to vector<16xf32>
    %swap3A_2663 = vector.shape_cast %div3A_2657 : vector<16xf32> to vector<1x16xf32>
    tpu.vector_store %arg7[%swap3A_2659, %swap3A_2660], %swap3A_2663 {strides = array<i32>} : memref<32x80xf32, #tpu.memory_space<vmem>>, vector<1x16xf32>,
    %div3A_2664 = arith.divf %exp3A_2608, %add3A_2642 : vector<16xf32>
    %swap3A_2665 = arith.constant 19 : i32
    %swap3A_2666 = arith.index_cast %swap3A_2665 : i32 to index
    %swap3A_2667 = arith.constant 48 : index
    %swap3A_2668 = tpu.vector_load %arg7[%swap3A_2666, %swap3A_2667] {strides = array<i32>} : memref<32x80xf32, #tpu.memory_space<vmem>>, vector<1x16xf32>,
    %swap3A_2669 = vector.shape_cast %swap3A_2668 : vector<1x16xf32> to vector<16xf32>
    %swap3A_2670 = vector.shape_cast %div3A_2664 : vector<16xf32> to vector<1x16xf32>
    tpu.vector_store %arg7[%swap3A_2666, %swap3A_2667], %swap3A_2670 {strides = array<i32>} : memref<32x80xf32, #tpu.memory_space<vmem>>, vector<1x16xf32>,
    %div3A_2671 = arith.divf %exp3A_2610, %add3A_2642 : vector<16xf32>
    %swap3A_2672 = arith.constant 19 : i32
    %swap3A_2673 = arith.index_cast %swap3A_2672 : i32 to index
    %swap3A_2674 = arith.constant 64 : index
    %swap3A_2675 = tpu.vector_load %arg7[%swap3A_2673, %swap3A_2674] {strides = array<i32>} : memref<32x80xf32, #tpu.memory_space<vmem>>, vector<1x16xf32>,
    %swap3A_2676 = vector.shape_cast %swap3A_2675 : vector<1x16xf32> to vector<16xf32>
    %swap3A_2677 = vector.shape_cast %div3A_2671 : vector<16xf32> to vector<1x16xf32>
    tpu.vector_store %arg7[%swap3A_2673, %swap3A_2674], %swap3A_2677 {strides = array<i32>} : memref<32x80xf32, #tpu.memory_space<vmem>>, vector<1x16xf32>,
    %get3A_2678 = arith.constant 20 : i32
    %get3A_2679 = arith.index_cast %get3A_2678 : i32 to index
    %get3A_2680 = arith.constant 0 : index
    %get3A_2681 = tpu.vector_load %arg6[%get3A_2679, %get3A_2680] {strides = array<i32>} : memref<32x80xf32, #tpu.memory_space<vmem>>, vector<1x16xf32>,
    %get3A_2682 = vector.shape_cast %get3A_2681 : vector<1x16xf32> to vector<16xf32>
    %get3A_2683 = arith.constant 20 : i32
    %get3A_2684 = arith.index_cast %get3A_2683 : i32 to index
    %get3A_2685 = arith.constant 16 : index
    %get3A_2686 = tpu.vector_load %arg6[%get3A_2684, %get3A_2685] {strides = array<i32>} : memref<32x80xf32, #tpu.memory_space<vmem>>, vector<1x16xf32>,
    %get3A_2687 = vector.shape_cast %get3A_2686 : vector<1x16xf32> to vector<16xf32>
    %get3A_2688 = arith.constant 20 : i32
    %get3A_2689 = arith.index_cast %get3A_2688 : i32 to index
    %get3A_2690 = arith.constant 32 : index
    %get3A_2691 = tpu.vector_load %arg6[%get3A_2689, %get3A_2690] {strides = array<i32>} : memref<32x80xf32, #tpu.memory_space<vmem>>, vector<1x16xf32>,
    %get3A_2692 = vector.shape_cast %get3A_2691 : vector<1x16xf32> to vector<16xf32>
    %get3A_2693 = arith.constant 20 : i32
    %get3A_2694 = arith.index_cast %get3A_2693 : i32 to index
    %get3A_2695 = arith.constant 48 : index
    %get3A_2696 = tpu.vector_load %arg6[%get3A_2694, %get3A_2695] {strides = array<i32>} : memref<32x80xf32, #tpu.memory_space<vmem>>, vector<1x16xf32>,
    %get3A_2697 = vector.shape_cast %get3A_2696 : vector<1x16xf32> to vector<16xf32>
    %get3A_2698 = arith.constant 20 : i32
    %get3A_2699 = arith.index_cast %get3A_2698 : i32 to index
    %get3A_2700 = arith.constant 64 : index
    %get3A_2701 = tpu.vector_load %arg6[%get3A_2699, %get3A_2700] {strides = array<i32>} : memref<32x80xf32, #tpu.memory_space<vmem>>, vector<1x16xf32>,
    %get3A_2702 = vector.shape_cast %get3A_2701 : vector<1x16xf32> to vector<16xf32>
    %max3A_2703 = arith.maximumf %get3A_2682, %get3A_2687 : vector<16xf32>
    %max3A_2704 = arith.maximumf %get3A_2692, %get3A_2697 : vector<16xf32>
    %max3A_2705 = arith.maximumf %max3A_2703, %max3A_2704 : vector<16xf32>
    %max3A_2706 = arith.maximumf %max3A_2705, %get3A_2702 : vector<16xf32>
    %xor3A_2707 = arith.constant 8 : i32
    %xor3A_2708 = vector.broadcast %xor3A_2707 : i32 to vector<16xi32>
    %xor3A_2709 = arith.xori %iota3A, %xor3A_2708 : vector<16xi32>
    %broadcast_in_dim3A_2710 = vector.shape_cast %xor3A_2709 : vector<16xi32> to vector<16x1xi32>
    %gather3A_2711 = vector.shape_cast %broadcast_in_dim3A_2710 : vector<16x1xi32> to vector<16xi32>
    %gather3A_2712 = tpu.dynamic_gather %max3A_2706[%gather3A_2711] in [0] : vector<16xf32>, vector<16xi32> -> vector<16xf32>
    %max3A_2713 = arith.maximumf %max3A_2706, %gather3A_2712 : vector<16xf32>
    %xor3A_2714 = arith.constant 4 : i32
    %xor3A_2715 = vector.broadcast %xor3A_2714 : i32 to vector<16xi32>
    %xor3A_2716 = arith.xori %iota3A, %xor3A_2715 : vector<16xi32>
    %broadcast_in_dim3A_2717 = vector.shape_cast %xor3A_2716 : vector<16xi32> to vector<16x1xi32>
    %gather3A_2718 = vector.shape_cast %broadcast_in_dim3A_2717 : vector<16x1xi32> to vector<16xi32>
    %gather3A_2719 = tpu.dynamic_gather %max3A_2713[%gather3A_2718] in [0] : vector<16xf32>, vector<16xi32> -> vector<16xf32>
    %max3A_2720 = arith.maximumf %max3A_2713, %gather3A_2719 : vector<16xf32>
    %xor3A_2721 = arith.constant 2 : i32
    %xor3A_2722 = vector.broadcast %xor3A_2721 : i32 to vector<16xi32>
    %xor3A_2723 = arith.xori %iota3A, %xor3A_2722 : vector<16xi32>
    %broadcast_in_dim3A_2724 = vector.shape_cast %xor3A_2723 : vector<16xi32> to vector<16x1xi32>
    %gather3A_2725 = vector.shape_cast %broadcast_in_dim3A_2724 : vector<16x1xi32> to vector<16xi32>
    %gather3A_2726 = tpu.dynamic_gather %max3A_2720[%gather3A_2725] in [0] : vector<16xf32>, vector<16xi32> -> vector<16xf32>
    %max3A_2727 = arith.maximumf %max3A_2720, %gather3A_2726 : vector<16xf32>
    %xor3A_2728 = arith.constant 1 : i32
    %xor3A_2729 = vector.broadcast %xor3A_2728 : i32 to vector<16xi32>
    %xor3A_2730 = arith.xori %iota3A, %xor3A_2729 : vector<16xi32>
    %broadcast_in_dim3A_2731 = vector.shape_cast %xor3A_2730 : vector<16xi32> to vector<16x1xi32>
    %gather3A_2732 = vector.shape_cast %broadcast_in_dim3A_2731 : vector<16x1xi32> to vector<16xi32>
    %gather3A_2733 = tpu.dynamic_gather %max3A_2727[%gather3A_2732] in [0] : vector<16xf32>, vector<16xi32> -> vector<16xf32>
    %max3A_2734 = arith.maximumf %max3A_2727, %gather3A_2733 : vector<16xf32>
    %sub3A_2735 = arith.subf %get3A_2682, %max3A_2734 : vector<16xf32>
    %exp3A_2736 = math.exp %sub3A_2735 : vector<16xf32>
    %sub3A_2737 = arith.subf %get3A_2687, %max3A_2734 : vector<16xf32>
    %exp3A_2738 = math.exp %sub3A_2737 : vector<16xf32>
    %sub3A_2739 = arith.subf %get3A_2692, %max3A_2734 : vector<16xf32>
    %exp3A_2740 = math.exp %sub3A_2739 : vector<16xf32>
    %sub3A_2741 = arith.subf %get3A_2697, %max3A_2734 : vector<16xf32>
    %exp3A_2742 = math.exp %sub3A_2741 : vector<16xf32>
    %sub3A_2743 = arith.subf %get3A_2702, %max3A_2734 : vector<16xf32>
    %exp3A_2744 = math.exp %sub3A_2743 : vector<16xf32>
    %add3A_2745 = arith.addf %exp3A_2736, %exp3A_2738 : vector<16xf32>
    %add3A_2746 = arith.addf %exp3A_2740, %exp3A_2742 : vector<16xf32>
    %add3A_2747 = arith.addf %add3A_2745, %add3A_2746 : vector<16xf32>
    %add3A_2748 = arith.addf %add3A_2747, %exp3A_2744 : vector<16xf32>
    %xor3A_2749 = arith.constant 8 : i32
    %xor3A_2750 = vector.broadcast %xor3A_2749 : i32 to vector<16xi32>
    %xor3A_2751 = arith.xori %iota3A, %xor3A_2750 : vector<16xi32>
    %broadcast_in_dim3A_2752 = vector.shape_cast %xor3A_2751 : vector<16xi32> to vector<16x1xi32>
    %gather3A_2753 = vector.shape_cast %broadcast_in_dim3A_2752 : vector<16x1xi32> to vector<16xi32>
    %gather3A_2754 = tpu.dynamic_gather %add3A_2748[%gather3A_2753] in [0] : vector<16xf32>, vector<16xi32> -> vector<16xf32>
    %add3A_2755 = arith.addf %add3A_2748, %gather3A_2754 : vector<16xf32>
    %xor3A_2756 = arith.constant 4 : i32
    %xor3A_2757 = vector.broadcast %xor3A_2756 : i32 to vector<16xi32>
    %xor3A_2758 = arith.xori %iota3A, %xor3A_2757 : vector<16xi32>
    %broadcast_in_dim3A_2759 = vector.shape_cast %xor3A_2758 : vector<16xi32> to vector<16x1xi32>
    %gather3A_2760 = vector.shape_cast %broadcast_in_dim3A_2759 : vector<16x1xi32> to vector<16xi32>
    %gather3A_2761 = tpu.dynamic_gather %add3A_2755[%gather3A_2760] in [0] : vector<16xf32>, vector<16xi32> -> vector<16xf32>
    %add3A_2762 = arith.addf %add3A_2755, %gather3A_2761 : vector<16xf32>
    %xor3A_2763 = arith.constant 2 : i32
    %xor3A_2764 = vector.broadcast %xor3A_2763 : i32 to vector<16xi32>
    %xor3A_2765 = arith.xori %iota3A, %xor3A_2764 : vector<16xi32>
    %broadcast_in_dim3A_2766 = vector.shape_cast %xor3A_2765 : vector<16xi32> to vector<16x1xi32>
    %gather3A_2767 = vector.shape_cast %broadcast_in_dim3A_2766 : vector<16x1xi32> to vector<16xi32>
    %gather3A_2768 = tpu.dynamic_gather %add3A_2762[%gather3A_2767] in [0] : vector<16xf32>, vector<16xi32> -> vector<16xf32>
    %add3A_2769 = arith.addf %add3A_2762, %gather3A_2768 : vector<16xf32>
    %xor3A_2770 = arith.constant 1 : i32
    %xor3A_2771 = vector.broadcast %xor3A_2770 : i32 to vector<16xi32>
    %xor3A_2772 = arith.xori %iota3A, %xor3A_2771 : vector<16xi32>
    %broadcast_in_dim3A_2773 = vector.shape_cast %xor3A_2772 : vector<16xi32> to vector<16x1xi32>
    %gather3A_2774 = vector.shape_cast %broadcast_in_dim3A_2773 : vector<16x1xi32> to vector<16xi32>
    %gather3A_2775 = tpu.dynamic_gather %add3A_2769[%gather3A_2774] in [0] : vector<16xf32>, vector<16xi32> -> vector<16xf32>
    %add3A_2776 = arith.addf %add3A_2769, %gather3A_2775 : vector<16xf32>
    %div3A_2777 = arith.divf %exp3A_2736, %add3A_2776 : vector<16xf32>
    %swap3A_2778 = arith.constant 20 : i32
    %swap3A_2779 = arith.index_cast %swap3A_2778 : i32 to index
    %swap3A_2780 = arith.constant 0 : index
    %swap3A_2781 = tpu.vector_load %arg7[%swap3A_2779, %swap3A_2780] {strides = array<i32>} : memref<32x80xf32, #tpu.memory_space<vmem>>, vector<1x16xf32>,
    %swap3A_2782 = vector.shape_cast %swap3A_2781 : vector<1x16xf32> to vector<16xf32>
    %swap3A_2783 = vector.shape_cast %div3A_2777 : vector<16xf32> to vector<1x16xf32>
    tpu.vector_store %arg7[%swap3A_2779, %swap3A_2780], %swap3A_2783 {strides = array<i32>} : memref<32x80xf32, #tpu.memory_space<vmem>>, vector<1x16xf32>,
    %div3A_2784 = arith.divf %exp3A_2738, %add3A_2776 : vector<16xf32>
    %swap3A_2785 = arith.constant 20 : i32
    %swap3A_2786 = arith.index_cast %swap3A_2785 : i32 to index
    %swap3A_2787 = arith.constant 16 : index
    %swap3A_2788 = tpu.vector_load %arg7[%swap3A_2786, %swap3A_2787] {strides = array<i32>} : memref<32x80xf32, #tpu.memory_space<vmem>>, vector<1x16xf32>,
    %swap3A_2789 = vector.shape_cast %swap3A_2788 : vector<1x16xf32> to vector<16xf32>
    %swap3A_2790 = vector.shape_cast %div3A_2784 : vector<16xf32> to vector<1x16xf32>
    tpu.vector_store %arg7[%swap3A_2786, %swap3A_2787], %swap3A_2790 {strides = array<i32>} : memref<32x80xf32, #tpu.memory_space<vmem>>, vector<1x16xf32>,
    %div3A_2791 = arith.divf %exp3A_2740, %add3A_2776 : vector<16xf32>
    %swap3A_2792 = arith.constant 20 : i32
    %swap3A_2793 = arith.index_cast %swap3A_2792 : i32 to index
    %swap3A_2794 = arith.constant 32 : index
    %swap3A_2795 = tpu.vector_load %arg7[%swap3A_2793, %swap3A_2794] {strides = array<i32>} : memref<32x80xf32, #tpu.memory_space<vmem>>, vector<1x16xf32>,
    %swap3A_2796 = vector.shape_cast %swap3A_2795 : vector<1x16xf32> to vector<16xf32>
    %swap3A_2797 = vector.shape_cast %div3A_2791 : vector<16xf32> to vector<1x16xf32>
    tpu.vector_store %arg7[%swap3A_2793, %swap3A_2794], %swap3A_2797 {strides = array<i32>} : memref<32x80xf32, #tpu.memory_space<vmem>>, vector<1x16xf32>,
    %div3A_2798 = arith.divf %exp3A_2742, %add3A_2776 : vector<16xf32>
    %swap3A_2799 = arith.constant 20 : i32
    %swap3A_2800 = arith.index_cast %swap3A_2799 : i32 to index
    %swap3A_2801 = arith.constant 48 : index
    %swap3A_2802 = tpu.vector_load %arg7[%swap3A_2800, %swap3A_2801] {strides = array<i32>} : memref<32x80xf32, #tpu.memory_space<vmem>>, vector<1x16xf32>,
    %swap3A_2803 = vector.shape_cast %swap3A_2802 : vector<1x16xf32> to vector<16xf32>
    %swap3A_2804 = vector.shape_cast %div3A_2798 : vector<16xf32> to vector<1x16xf32>
    tpu.vector_store %arg7[%swap3A_2800, %swap3A_2801], %swap3A_2804 {strides = array<i32>} : memref<32x80xf32, #tpu.memory_space<vmem>>, vector<1x16xf32>,
    %div3A_2805 = arith.divf %exp3A_2744, %add3A_2776 : vector<16xf32>
    %swap3A_2806 = arith.constant 20 : i32
    %swap3A_2807 = arith.index_cast %swap3A_2806 : i32 to index
    %swap3A_2808 = arith.constant 64 : index
    %swap3A_2809 = tpu.vector_load %arg7[%swap3A_2807, %swap3A_2808] {strides = array<i32>} : memref<32x80xf32, #tpu.memory_space<vmem>>, vector<1x16xf32>,
    %swap3A_2810 = vector.shape_cast %swap3A_2809 : vector<1x16xf32> to vector<16xf32>
    %swap3A_2811 = vector.shape_cast %div3A_2805 : vector<16xf32> to vector<1x16xf32>
    tpu.vector_store %arg7[%swap3A_2807, %swap3A_2808], %swap3A_2811 {strides = array<i32>} : memref<32x80xf32, #tpu.memory_space<vmem>>, vector<1x16xf32>,
    %get3A_2812 = arith.constant 21 : i32
    %get3A_2813 = arith.index_cast %get3A_2812 : i32 to index
    %get3A_2814 = arith.constant 0 : index
    %get3A_2815 = tpu.vector_load %arg6[%get3A_2813, %get3A_2814] {strides = array<i32>} : memref<32x80xf32, #tpu.memory_space<vmem>>, vector<1x16xf32>,
    %get3A_2816 = vector.shape_cast %get3A_2815 : vector<1x16xf32> to vector<16xf32>
    %get3A_2817 = arith.constant 21 : i32
    %get3A_2818 = arith.index_cast %get3A_2817 : i32 to index
    %get3A_2819 = arith.constant 16 : index
    %get3A_2820 = tpu.vector_load %arg6[%get3A_2818, %get3A_2819] {strides = array<i32>} : memref<32x80xf32, #tpu.memory_space<vmem>>, vector<1x16xf32>,
    %get3A_2821 = vector.shape_cast %get3A_2820 : vector<1x16xf32> to vector<16xf32>
    %get3A_2822 = arith.constant 21 : i32
    %get3A_2823 = arith.index_cast %get3A_2822 : i32 to index
    %get3A_2824 = arith.constant 32 : index
    %get3A_2825 = tpu.vector_load %arg6[%get3A_2823, %get3A_2824] {strides = array<i32>} : memref<32x80xf32, #tpu.memory_space<vmem>>, vector<1x16xf32>,
    %get3A_2826 = vector.shape_cast %get3A_2825 : vector<1x16xf32> to vector<16xf32>
    %get3A_2827 = arith.constant 21 : i32
    %get3A_2828 = arith.index_cast %get3A_2827 : i32 to index
    %get3A_2829 = arith.constant 48 : index
    %get3A_2830 = tpu.vector_load %arg6[%get3A_2828, %get3A_2829] {strides = array<i32>} : memref<32x80xf32, #tpu.memory_space<vmem>>, vector<1x16xf32>,
    %get3A_2831 = vector.shape_cast %get3A_2830 : vector<1x16xf32> to vector<16xf32>
    %get3A_2832 = arith.constant 21 : i32
    %get3A_2833 = arith.index_cast %get3A_2832 : i32 to index
    %get3A_2834 = arith.constant 64 : index
    %get3A_2835 = tpu.vector_load %arg6[%get3A_2833, %get3A_2834] {strides = array<i32>} : memref<32x80xf32, #tpu.memory_space<vmem>>, vector<1x16xf32>,
    %get3A_2836 = vector.shape_cast %get3A_2835 : vector<1x16xf32> to vector<16xf32>
    %max3A_2837 = arith.maximumf %get3A_2816, %get3A_2821 : vector<16xf32>
    %max3A_2838 = arith.maximumf %get3A_2826, %get3A_2831 : vector<16xf32>
    %max3A_2839 = arith.maximumf %max3A_2837, %max3A_2838 : vector<16xf32>
    %max3A_2840 = arith.maximumf %max3A_2839, %get3A_2836 : vector<16xf32>
    %xor3A_2841 = arith.constant 8 : i32
    %xor3A_2842 = vector.broadcast %xor3A_2841 : i32 to vector<16xi32>
    %xor3A_2843 = arith.xori %iota3A, %xor3A_2842 : vector<16xi32>
    %broadcast_in_dim3A_2844 = vector.shape_cast %xor3A_2843 : vector<16xi32> to vector<16x1xi32>
    %gather3A_2845 = vector.shape_cast %broadcast_in_dim3A_2844 : vector<16x1xi32> to vector<16xi32>
    %gather3A_2846 = tpu.dynamic_gather %max3A_2840[%gather3A_2845] in [0] : vector<16xf32>, vector<16xi32> -> vector<16xf32>
    %max3A_2847 = arith.maximumf %max3A_2840, %gather3A_2846 : vector<16xf32>
    %xor3A_2848 = arith.constant 4 : i32
    %xor3A_2849 = vector.broadcast %xor3A_2848 : i32 to vector<16xi32>
    %xor3A_2850 = arith.xori %iota3A, %xor3A_2849 : vector<16xi32>
    %broadcast_in_dim3A_2851 = vector.shape_cast %xor3A_2850 : vector<16xi32> to vector<16x1xi32>
    %gather3A_2852 = vector.shape_cast %broadcast_in_dim3A_2851 : vector<16x1xi32> to vector<16xi32>
    %gather3A_2853 = tpu.dynamic_gather %max3A_2847[%gather3A_2852] in [0] : vector<16xf32>, vector<16xi32> -> vector<16xf32>
    %max3A_2854 = arith.maximumf %max3A_2847, %gather3A_2853 : vector<16xf32>
    %xor3A_2855 = arith.constant 2 : i32
    %xor3A_2856 = vector.broadcast %xor3A_2855 : i32 to vector<16xi32>
    %xor3A_2857 = arith.xori %iota3A, %xor3A_2856 : vector<16xi32>
    %broadcast_in_dim3A_2858 = vector.shape_cast %xor3A_2857 : vector<16xi32> to vector<16x1xi32>
    %gather3A_2859 = vector.shape_cast %broadcast_in_dim3A_2858 : vector<16x1xi32> to vector<16xi32>
    %gather3A_2860 = tpu.dynamic_gather %max3A_2854[%gather3A_2859] in [0] : vector<16xf32>, vector<16xi32> -> vector<16xf32>
    %max3A_2861 = arith.maximumf %max3A_2854, %gather3A_2860 : vector<16xf32>
    %xor3A_2862 = arith.constant 1 : i32
    %xor3A_2863 = vector.broadcast %xor3A_2862 : i32 to vector<16xi32>
    %xor3A_2864 = arith.xori %iota3A, %xor3A_2863 : vector<16xi32>
    %broadcast_in_dim3A_2865 = vector.shape_cast %xor3A_2864 : vector<16xi32> to vector<16x1xi32>
    %gather3A_2866 = vector.shape_cast %broadcast_in_dim3A_2865 : vector<16x1xi32> to vector<16xi32>
    %gather3A_2867 = tpu.dynamic_gather %max3A_2861[%gather3A_2866] in [0] : vector<16xf32>, vector<16xi32> -> vector<16xf32>
    %max3A_2868 = arith.maximumf %max3A_2861, %gather3A_2867 : vector<16xf32>
    %sub3A_2869 = arith.subf %get3A_2816, %max3A_2868 : vector<16xf32>
    %exp3A_2870 = math.exp %sub3A_2869 : vector<16xf32>
    %sub3A_2871 = arith.subf %get3A_2821, %max3A_2868 : vector<16xf32>
    %exp3A_2872 = math.exp %sub3A_2871 : vector<16xf32>
    %sub3A_2873 = arith.subf %get3A_2826, %max3A_2868 : vector<16xf32>
    %exp3A_2874 = math.exp %sub3A_2873 : vector<16xf32>
    %sub3A_2875 = arith.subf %get3A_2831, %max3A_2868 : vector<16xf32>
    %exp3A_2876 = math.exp %sub3A_2875 : vector<16xf32>
    %sub3A_2877 = arith.subf %get3A_2836, %max3A_2868 : vector<16xf32>
    %exp3A_2878 = math.exp %sub3A_2877 : vector<16xf32>
    %add3A_2879 = arith.addf %exp3A_2870, %exp3A_2872 : vector<16xf32>
    %add3A_2880 = arith.addf %exp3A_2874, %exp3A_2876 : vector<16xf32>
    %add3A_2881 = arith.addf %add3A_2879, %add3A_2880 : vector<16xf32>
    %add3A_2882 = arith.addf %add3A_2881, %exp3A_2878 : vector<16xf32>
    %xor3A_2883 = arith.constant 8 : i32
    %xor3A_2884 = vector.broadcast %xor3A_2883 : i32 to vector<16xi32>
    %xor3A_2885 = arith.xori %iota3A, %xor3A_2884 : vector<16xi32>
    %broadcast_in_dim3A_2886 = vector.shape_cast %xor3A_2885 : vector<16xi32> to vector<16x1xi32>
    %gather3A_2887 = vector.shape_cast %broadcast_in_dim3A_2886 : vector<16x1xi32> to vector<16xi32>
    %gather3A_2888 = tpu.dynamic_gather %add3A_2882[%gather3A_2887] in [0] : vector<16xf32>, vector<16xi32> -> vector<16xf32>
    %add3A_2889 = arith.addf %add3A_2882, %gather3A_2888 : vector<16xf32>
    %xor3A_2890 = arith.constant 4 : i32
    %xor3A_2891 = vector.broadcast %xor3A_2890 : i32 to vector<16xi32>
    %xor3A_2892 = arith.xori %iota3A, %xor3A_2891 : vector<16xi32>
    %broadcast_in_dim3A_2893 = vector.shape_cast %xor3A_2892 : vector<16xi32> to vector<16x1xi32>
    %gather3A_2894 = vector.shape_cast %broadcast_in_dim3A_2893 : vector<16x1xi32> to vector<16xi32>
    %gather3A_2895 = tpu.dynamic_gather %add3A_2889[%gather3A_2894] in [0] : vector<16xf32>, vector<16xi32> -> vector<16xf32>
    %add3A_2896 = arith.addf %add3A_2889, %gather3A_2895 : vector<16xf32>
    %xor3A_2897 = arith.constant 2 : i32
    %xor3A_2898 = vector.broadcast %xor3A_2897 : i32 to vector<16xi32>
    %xor3A_2899 = arith.xori %iota3A, %xor3A_2898 : vector<16xi32>
    %broadcast_in_dim3A_2900 = vector.shape_cast %xor3A_2899 : vector<16xi32> to vector<16x1xi32>
    %gather3A_2901 = vector.shape_cast %broadcast_in_dim3A_2900 : vector<16x1xi32> to vector<16xi32>
    %gather3A_2902 = tpu.dynamic_gather %add3A_2896[%gather3A_2901] in [0] : vector<16xf32>, vector<16xi32> -> vector<16xf32>
    %add3A_2903 = arith.addf %add3A_2896, %gather3A_2902 : vector<16xf32>
    %xor3A_2904 = arith.constant 1 : i32
    %xor3A_2905 = vector.broadcast %xor3A_2904 : i32 to vector<16xi32>
    %xor3A_2906 = arith.xori %iota3A, %xor3A_2905 : vector<16xi32>
    %broadcast_in_dim3A_2907 = vector.shape_cast %xor3A_2906 : vector<16xi32> to vector<16x1xi32>
    %gather3A_2908 = vector.shape_cast %broadcast_in_dim3A_2907 : vector<16x1xi32> to vector<16xi32>
    %gather3A_2909 = tpu.dynamic_gather %add3A_2903[%gather3A_2908] in [0] : vector<16xf32>, vector<16xi32> -> vector<16xf32>
    %add3A_2910 = arith.addf %add3A_2903, %gather3A_2909 : vector<16xf32>
    %div3A_2911 = arith.divf %exp3A_2870, %add3A_2910 : vector<16xf32>
    %swap3A_2912 = arith.constant 21 : i32
    %swap3A_2913 = arith.index_cast %swap3A_2912 : i32 to index
    %swap3A_2914 = arith.constant 0 : index
    %swap3A_2915 = tpu.vector_load %arg7[%swap3A_2913, %swap3A_2914] {strides = array<i32>} : memref<32x80xf32, #tpu.memory_space<vmem>>, vector<1x16xf32>,
    %swap3A_2916 = vector.shape_cast %swap3A_2915 : vector<1x16xf32> to vector<16xf32>
    %swap3A_2917 = vector.shape_cast %div3A_2911 : vector<16xf32> to vector<1x16xf32>
    tpu.vector_store %arg7[%swap3A_2913, %swap3A_2914], %swap3A_2917 {strides = array<i32>} : memref<32x80xf32, #tpu.memory_space<vmem>>, vector<1x16xf32>,
    %div3A_2918 = arith.divf %exp3A_2872, %add3A_2910 : vector<16xf32>
    %swap3A_2919 = arith.constant 21 : i32
    %swap3A_2920 = arith.index_cast %swap3A_2919 : i32 to index
    %swap3A_2921 = arith.constant 16 : index
    %swap3A_2922 = tpu.vector_load %arg7[%swap3A_2920, %swap3A_2921] {strides = array<i32>} : memref<32x80xf32, #tpu.memory_space<vmem>>, vector<1x16xf32>,
    %swap3A_2923 = vector.shape_cast %swap3A_2922 : vector<1x16xf32> to vector<16xf32>
    %swap3A_2924 = vector.shape_cast %div3A_2918 : vector<16xf32> to vector<1x16xf32>
    tpu.vector_store %arg7[%swap3A_2920, %swap3A_2921], %swap3A_2924 {strides = array<i32>} : memref<32x80xf32, #tpu.memory_space<vmem>>, vector<1x16xf32>,
    %div3A_2925 = arith.divf %exp3A_2874, %add3A_2910 : vector<16xf32>
    %swap3A_2926 = arith.constant 21 : i32
    %swap3A_2927 = arith.index_cast %swap3A_2926 : i32 to index
    %swap3A_2928 = arith.constant 32 : index
    %swap3A_2929 = tpu.vector_load %arg7[%swap3A_2927, %swap3A_2928] {strides = array<i32>} : memref<32x80xf32, #tpu.memory_space<vmem>>, vector<1x16xf32>,
    %swap3A_2930 = vector.shape_cast %swap3A_2929 : vector<1x16xf32> to vector<16xf32>
    %swap3A_2931 = vector.shape_cast %div3A_2925 : vector<16xf32> to vector<1x16xf32>
    tpu.vector_store %arg7[%swap3A_2927, %swap3A_2928], %swap3A_2931 {strides = array<i32>} : memref<32x80xf32, #tpu.memory_space<vmem>>, vector<1x16xf32>,
    %div3A_2932 = arith.divf %exp3A_2876, %add3A_2910 : vector<16xf32>
    %swap3A_2933 = arith.constant 21 : i32
    %swap3A_2934 = arith.index_cast %swap3A_2933 : i32 to index
    %swap3A_2935 = arith.constant 48 : index
    %swap3A_2936 = tpu.vector_load %arg7[%swap3A_2934, %swap3A_2935] {strides = array<i32>} : memref<32x80xf32, #tpu.memory_space<vmem>>, vector<1x16xf32>,
    %swap3A_2937 = vector.shape_cast %swap3A_2936 : vector<1x16xf32> to vector<16xf32>
    %swap3A_2938 = vector.shape_cast %div3A_2932 : vector<16xf32> to vector<1x16xf32>
    tpu.vector_store %arg7[%swap3A_2934, %swap3A_2935], %swap3A_2938 {strides = array<i32>} : memref<32x80xf32, #tpu.memory_space<vmem>>, vector<1x16xf32>,
    %div3A_2939 = arith.divf %exp3A_2878, %add3A_2910 : vector<16xf32>
    %swap3A_2940 = arith.constant 21 : i32
    %swap3A_2941 = arith.index_cast %swap3A_2940 : i32 to index
    %swap3A_2942 = arith.constant 64 : index
    %swap3A_2943 = tpu.vector_load %arg7[%swap3A_2941, %swap3A_2942] {strides = array<i32>} : memref<32x80xf32, #tpu.memory_space<vmem>>, vector<1x16xf32>,
    %swap3A_2944 = vector.shape_cast %swap3A_2943 : vector<1x16xf32> to vector<16xf32>
    %swap3A_2945 = vector.shape_cast %div3A_2939 : vector<16xf32> to vector<1x16xf32>
    tpu.vector_store %arg7[%swap3A_2941, %swap3A_2942], %swap3A_2945 {strides = array<i32>} : memref<32x80xf32, #tpu.memory_space<vmem>>, vector<1x16xf32>,
    %get3A_2946 = arith.constant 22 : i32
    %get3A_2947 = arith.index_cast %get3A_2946 : i32 to index
    %get3A_2948 = arith.constant 0 : index
    %get3A_2949 = tpu.vector_load %arg6[%get3A_2947, %get3A_2948] {strides = array<i32>} : memref<32x80xf32, #tpu.memory_space<vmem>>, vector<1x16xf32>,
    %get3A_2950 = vector.shape_cast %get3A_2949 : vector<1x16xf32> to vector<16xf32>
    %get3A_2951 = arith.constant 22 : i32
    %get3A_2952 = arith.index_cast %get3A_2951 : i32 to index
    %get3A_2953 = arith.constant 16 : index
    %get3A_2954 = tpu.vector_load %arg6[%get3A_2952, %get3A_2953] {strides = array<i32>} : memref<32x80xf32, #tpu.memory_space<vmem>>, vector<1x16xf32>,
    %get3A_2955 = vector.shape_cast %get3A_2954 : vector<1x16xf32> to vector<16xf32>
    %get3A_2956 = arith.constant 22 : i32
    %get3A_2957 = arith.index_cast %get3A_2956 : i32 to index
    %get3A_2958 = arith.constant 32 : index
    %get3A_2959 = tpu.vector_load %arg6[%get3A_2957, %get3A_2958] {strides = array<i32>} : memref<32x80xf32, #tpu.memory_space<vmem>>, vector<1x16xf32>,
    %get3A_2960 = vector.shape_cast %get3A_2959 : vector<1x16xf32> to vector<16xf32>
    %get3A_2961 = arith.constant 22 : i32
    %get3A_2962 = arith.index_cast %get3A_2961 : i32 to index
    %get3A_2963 = arith.constant 48 : index
    %get3A_2964 = tpu.vector_load %arg6[%get3A_2962, %get3A_2963] {strides = array<i32>} : memref<32x80xf32, #tpu.memory_space<vmem>>, vector<1x16xf32>,
    %get3A_2965 = vector.shape_cast %get3A_2964 : vector<1x16xf32> to vector<16xf32>
    %get3A_2966 = arith.constant 22 : i32
    %get3A_2967 = arith.index_cast %get3A_2966 : i32 to index
    %get3A_2968 = arith.constant 64 : index
    %get3A_2969 = tpu.vector_load %arg6[%get3A_2967, %get3A_2968] {strides = array<i32>} : memref<32x80xf32, #tpu.memory_space<vmem>>, vector<1x16xf32>,
    %get3A_2970 = vector.shape_cast %get3A_2969 : vector<1x16xf32> to vector<16xf32>
    %max3A_2971 = arith.maximumf %get3A_2950, %get3A_2955 : vector<16xf32>
    %max3A_2972 = arith.maximumf %get3A_2960, %get3A_2965 : vector<16xf32>
    %max3A_2973 = arith.maximumf %max3A_2971, %max3A_2972 : vector<16xf32>
    %max3A_2974 = arith.maximumf %max3A_2973, %get3A_2970 : vector<16xf32>
    %xor3A_2975 = arith.constant 8 : i32
    %xor3A_2976 = vector.broadcast %xor3A_2975 : i32 to vector<16xi32>
    %xor3A_2977 = arith.xori %iota3A, %xor3A_2976 : vector<16xi32>
    %broadcast_in_dim3A_2978 = vector.shape_cast %xor3A_2977 : vector<16xi32> to vector<16x1xi32>
    %gather3A_2979 = vector.shape_cast %broadcast_in_dim3A_2978 : vector<16x1xi32> to vector<16xi32>
    %gather3A_2980 = tpu.dynamic_gather %max3A_2974[%gather3A_2979] in [0] : vector<16xf32>, vector<16xi32> -> vector<16xf32>
    %max3A_2981 = arith.maximumf %max3A_2974, %gather3A_2980 : vector<16xf32>
    %xor3A_2982 = arith.constant 4 : i32
    %xor3A_2983 = vector.broadcast %xor3A_2982 : i32 to vector<16xi32>
    %xor3A_2984 = arith.xori %iota3A, %xor3A_2983 : vector<16xi32>
    %broadcast_in_dim3A_2985 = vector.shape_cast %xor3A_2984 : vector<16xi32> to vector<16x1xi32>
    %gather3A_2986 = vector.shape_cast %broadcast_in_dim3A_2985 : vector<16x1xi32> to vector<16xi32>
    %gather3A_2987 = tpu.dynamic_gather %max3A_2981[%gather3A_2986] in [0] : vector<16xf32>, vector<16xi32> -> vector<16xf32>
    %max3A_2988 = arith.maximumf %max3A_2981, %gather3A_2987 : vector<16xf32>
    %xor3A_2989 = arith.constant 2 : i32
    %xor3A_2990 = vector.broadcast %xor3A_2989 : i32 to vector<16xi32>
    %xor3A_2991 = arith.xori %iota3A, %xor3A_2990 : vector<16xi32>
    %broadcast_in_dim3A_2992 = vector.shape_cast %xor3A_2991 : vector<16xi32> to vector<16x1xi32>
    %gather3A_2993 = vector.shape_cast %broadcast_in_dim3A_2992 : vector<16x1xi32> to vector<16xi32>
    %gather3A_2994 = tpu.dynamic_gather %max3A_2988[%gather3A_2993] in [0] : vector<16xf32>, vector<16xi32> -> vector<16xf32>
    %max3A_2995 = arith.maximumf %max3A_2988, %gather3A_2994 : vector<16xf32>
    %xor3A_2996 = arith.constant 1 : i32
    %xor3A_2997 = vector.broadcast %xor3A_2996 : i32 to vector<16xi32>
    %xor3A_2998 = arith.xori %iota3A, %xor3A_2997 : vector<16xi32>
    %broadcast_in_dim3A_2999 = vector.shape_cast %xor3A_2998 : vector<16xi32> to vector<16x1xi32>
    %gather3A_3000 = vector.shape_cast %broadcast_in_dim3A_2999 : vector<16x1xi32> to vector<16xi32>
    %gather3A_3001 = tpu.dynamic_gather %max3A_2995[%gather3A_3000] in [0] : vector<16xf32>, vector<16xi32> -> vector<16xf32>
    %max3A_3002 = arith.maximumf %max3A_2995, %gather3A_3001 : vector<16xf32>
    %sub3A_3003 = arith.subf %get3A_2950, %max3A_3002 : vector<16xf32>
    %exp3A_3004 = math.exp %sub3A_3003 : vector<16xf32>
    %sub3A_3005 = arith.subf %get3A_2955, %max3A_3002 : vector<16xf32>
    %exp3A_3006 = math.exp %sub3A_3005 : vector<16xf32>
    %sub3A_3007 = arith.subf %get3A_2960, %max3A_3002 : vector<16xf32>
    %exp3A_3008 = math.exp %sub3A_3007 : vector<16xf32>
    %sub3A_3009 = arith.subf %get3A_2965, %max3A_3002 : vector<16xf32>
    %exp3A_3010 = math.exp %sub3A_3009 : vector<16xf32>
    %sub3A_3011 = arith.subf %get3A_2970, %max3A_3002 : vector<16xf32>
    %exp3A_3012 = math.exp %sub3A_3011 : vector<16xf32>
    %add3A_3013 = arith.addf %exp3A_3004, %exp3A_3006 : vector<16xf32>
    %add3A_3014 = arith.addf %exp3A_3008, %exp3A_3010 : vector<16xf32>
    %add3A_3015 = arith.addf %add3A_3013, %add3A_3014 : vector<16xf32>
    %add3A_3016 = arith.addf %add3A_3015, %exp3A_3012 : vector<16xf32>
    %xor3A_3017 = arith.constant 8 : i32
    %xor3A_3018 = vector.broadcast %xor3A_3017 : i32 to vector<16xi32>
    %xor3A_3019 = arith.xori %iota3A, %xor3A_3018 : vector<16xi32>
    %broadcast_in_dim3A_3020 = vector.shape_cast %xor3A_3019 : vector<16xi32> to vector<16x1xi32>
    %gather3A_3021 = vector.shape_cast %broadcast_in_dim3A_3020 : vector<16x1xi32> to vector<16xi32>
    %gather3A_3022 = tpu.dynamic_gather %add3A_3016[%gather3A_3021] in [0] : vector<16xf32>, vector<16xi32> -> vector<16xf32>
    %add3A_3023 = arith.addf %add3A_3016, %gather3A_3022 : vector<16xf32>
    %xor3A_3024 = arith.constant 4 : i32
    %xor3A_3025 = vector.broadcast %xor3A_3024 : i32 to vector<16xi32>
    %xor3A_3026 = arith.xori %iota3A, %xor3A_3025 : vector<16xi32>
    %broadcast_in_dim3A_3027 = vector.shape_cast %xor3A_3026 : vector<16xi32> to vector<16x1xi32>
    %gather3A_3028 = vector.shape_cast %broadcast_in_dim3A_3027 : vector<16x1xi32> to vector<16xi32>
    %gather3A_3029 = tpu.dynamic_gather %add3A_3023[%gather3A_3028] in [0] : vector<16xf32>, vector<16xi32> -> vector<16xf32>
    %add3A_3030 = arith.addf %add3A_3023, %gather3A_3029 : vector<16xf32>
    %xor3A_3031 = arith.constant 2 : i32
    %xor3A_3032 = vector.broadcast %xor3A_3031 : i32 to vector<16xi32>
    %xor3A_3033 = arith.xori %iota3A, %xor3A_3032 : vector<16xi32>
    %broadcast_in_dim3A_3034 = vector.shape_cast %xor3A_3033 : vector<16xi32> to vector<16x1xi32>
    %gather3A_3035 = vector.shape_cast %broadcast_in_dim3A_3034 : vector<16x1xi32> to vector<16xi32>
    %gather3A_3036 = tpu.dynamic_gather %add3A_3030[%gather3A_3035] in [0] : vector<16xf32>, vector<16xi32> -> vector<16xf32>
    %add3A_3037 = arith.addf %add3A_3030, %gather3A_3036 : vector<16xf32>
    %xor3A_3038 = arith.constant 1 : i32
    %xor3A_3039 = vector.broadcast %xor3A_3038 : i32 to vector<16xi32>
    %xor3A_3040 = arith.xori %iota3A, %xor3A_3039 : vector<16xi32>
    %broadcast_in_dim3A_3041 = vector.shape_cast %xor3A_3040 : vector<16xi32> to vector<16x1xi32>
    %gather3A_3042 = vector.shape_cast %broadcast_in_dim3A_3041 : vector<16x1xi32> to vector<16xi32>
    %gather3A_3043 = tpu.dynamic_gather %add3A_3037[%gather3A_3042] in [0] : vector<16xf32>, vector<16xi32> -> vector<16xf32>
    %add3A_3044 = arith.addf %add3A_3037, %gather3A_3043 : vector<16xf32>
    %div3A_3045 = arith.divf %exp3A_3004, %add3A_3044 : vector<16xf32>
    %swap3A_3046 = arith.constant 22 : i32
    %swap3A_3047 = arith.index_cast %swap3A_3046 : i32 to index
    %swap3A_3048 = arith.constant 0 : index
    %swap3A_3049 = tpu.vector_load %arg7[%swap3A_3047, %swap3A_3048] {strides = array<i32>} : memref<32x80xf32, #tpu.memory_space<vmem>>, vector<1x16xf32>,
    %swap3A_3050 = vector.shape_cast %swap3A_3049 : vector<1x16xf32> to vector<16xf32>
    %swap3A_3051 = vector.shape_cast %div3A_3045 : vector<16xf32> to vector<1x16xf32>
    tpu.vector_store %arg7[%swap3A_3047, %swap3A_3048], %swap3A_3051 {strides = array<i32>} : memref<32x80xf32, #tpu.memory_space<vmem>>, vector<1x16xf32>,
    %div3A_3052 = arith.divf %exp3A_3006, %add3A_3044 : vector<16xf32>
    %swap3A_3053 = arith.constant 22 : i32
    %swap3A_3054 = arith.index_cast %swap3A_3053 : i32 to index
    %swap3A_3055 = arith.constant 16 : index
    %swap3A_3056 = tpu.vector_load %arg7[%swap3A_3054, %swap3A_3055] {strides = array<i32>} : memref<32x80xf32, #tpu.memory_space<vmem>>, vector<1x16xf32>,
    %swap3A_3057 = vector.shape_cast %swap3A_3056 : vector<1x16xf32> to vector<16xf32>
    %swap3A_3058 = vector.shape_cast %div3A_3052 : vector<16xf32> to vector<1x16xf32>
    tpu.vector_store %arg7[%swap3A_3054, %swap3A_3055], %swap3A_3058 {strides = array<i32>} : memref<32x80xf32, #tpu.memory_space<vmem>>, vector<1x16xf32>,
    %div3A_3059 = arith.divf %exp3A_3008, %add3A_3044 : vector<16xf32>
    %swap3A_3060 = arith.constant 22 : i32
    %swap3A_3061 = arith.index_cast %swap3A_3060 : i32 to index
    %swap3A_3062 = arith.constant 32 : index
    %swap3A_3063 = tpu.vector_load %arg7[%swap3A_3061, %swap3A_3062] {strides = array<i32>} : memref<32x80xf32, #tpu.memory_space<vmem>>, vector<1x16xf32>,
    %swap3A_3064 = vector.shape_cast %swap3A_3063 : vector<1x16xf32> to vector<16xf32>
    %swap3A_3065 = vector.shape_cast %div3A_3059 : vector<16xf32> to vector<1x16xf32>
    tpu.vector_store %arg7[%swap3A_3061, %swap3A_3062], %swap3A_3065 {strides = array<i32>} : memref<32x80xf32, #tpu.memory_space<vmem>>, vector<1x16xf32>,
    %div3A_3066 = arith.divf %exp3A_3010, %add3A_3044 : vector<16xf32>
    %swap3A_3067 = arith.constant 22 : i32
    %swap3A_3068 = arith.index_cast %swap3A_3067 : i32 to index
    %swap3A_3069 = arith.constant 48 : index
    %swap3A_3070 = tpu.vector_load %arg7[%swap3A_3068, %swap3A_3069] {strides = array<i32>} : memref<32x80xf32, #tpu.memory_space<vmem>>, vector<1x16xf32>,
    %swap3A_3071 = vector.shape_cast %swap3A_3070 : vector<1x16xf32> to vector<16xf32>
    %swap3A_3072 = vector.shape_cast %div3A_3066 : vector<16xf32> to vector<1x16xf32>
    tpu.vector_store %arg7[%swap3A_3068, %swap3A_3069], %swap3A_3072 {strides = array<i32>} : memref<32x80xf32, #tpu.memory_space<vmem>>, vector<1x16xf32>,
    %div3A_3073 = arith.divf %exp3A_3012, %add3A_3044 : vector<16xf32>
    %swap3A_3074 = arith.constant 22 : i32
    %swap3A_3075 = arith.index_cast %swap3A_3074 : i32 to index
    %swap3A_3076 = arith.constant 64 : index
    %swap3A_3077 = tpu.vector_load %arg7[%swap3A_3075, %swap3A_3076] {strides = array<i32>} : memref<32x80xf32, #tpu.memory_space<vmem>>, vector<1x16xf32>,
    %swap3A_3078 = vector.shape_cast %swap3A_3077 : vector<1x16xf32> to vector<16xf32>
    %swap3A_3079 = vector.shape_cast %div3A_3073 : vector<16xf32> to vector<1x16xf32>
    tpu.vector_store %arg7[%swap3A_3075, %swap3A_3076], %swap3A_3079 {strides = array<i32>} : memref<32x80xf32, #tpu.memory_space<vmem>>, vector<1x16xf32>,
    %get3A_3080 = arith.constant 23 : i32
    %get3A_3081 = arith.index_cast %get3A_3080 : i32 to index
    %get3A_3082 = arith.constant 0 : index
    %get3A_3083 = tpu.vector_load %arg6[%get3A_3081, %get3A_3082] {strides = array<i32>} : memref<32x80xf32, #tpu.memory_space<vmem>>, vector<1x16xf32>,
    %get3A_3084 = vector.shape_cast %get3A_3083 : vector<1x16xf32> to vector<16xf32>
    %get3A_3085 = arith.constant 23 : i32
    %get3A_3086 = arith.index_cast %get3A_3085 : i32 to index
    %get3A_3087 = arith.constant 16 : index
    %get3A_3088 = tpu.vector_load %arg6[%get3A_3086, %get3A_3087] {strides = array<i32>} : memref<32x80xf32, #tpu.memory_space<vmem>>, vector<1x16xf32>,
    %get3A_3089 = vector.shape_cast %get3A_3088 : vector<1x16xf32> to vector<16xf32>
    %get3A_3090 = arith.constant 23 : i32
    %get3A_3091 = arith.index_cast %get3A_3090 : i32 to index
    %get3A_3092 = arith.constant 32 : index
    %get3A_3093 = tpu.vector_load %arg6[%get3A_3091, %get3A_3092] {strides = array<i32>} : memref<32x80xf32, #tpu.memory_space<vmem>>, vector<1x16xf32>,
    %get3A_3094 = vector.shape_cast %get3A_3093 : vector<1x16xf32> to vector<16xf32>
    %get3A_3095 = arith.constant 23 : i32
    %get3A_3096 = arith.index_cast %get3A_3095 : i32 to index
    %get3A_3097 = arith.constant 48 : index
    %get3A_3098 = tpu.vector_load %arg6[%get3A_3096, %get3A_3097] {strides = array<i32>} : memref<32x80xf32, #tpu.memory_space<vmem>>, vector<1x16xf32>,
    %get3A_3099 = vector.shape_cast %get3A_3098 : vector<1x16xf32> to vector<16xf32>
    %get3A_3100 = arith.constant 23 : i32
    %get3A_3101 = arith.index_cast %get3A_3100 : i32 to index
    %get3A_3102 = arith.constant 64 : index
    %get3A_3103 = tpu.vector_load %arg6[%get3A_3101, %get3A_3102] {strides = array<i32>} : memref<32x80xf32, #tpu.memory_space<vmem>>, vector<1x16xf32>,
    %get3A_3104 = vector.shape_cast %get3A_3103 : vector<1x16xf32> to vector<16xf32>
    %max3A_3105 = arith.maximumf %get3A_3084, %get3A_3089 : vector<16xf32>
    %max3A_3106 = arith.maximumf %get3A_3094, %get3A_3099 : vector<16xf32>
    %max3A_3107 = arith.maximumf %max3A_3105, %max3A_3106 : vector<16xf32>
    %max3A_3108 = arith.maximumf %max3A_3107, %get3A_3104 : vector<16xf32>
    %xor3A_3109 = arith.constant 8 : i32
    %xor3A_3110 = vector.broadcast %xor3A_3109 : i32 to vector<16xi32>
    %xor3A_3111 = arith.xori %iota3A, %xor3A_3110 : vector<16xi32>
    %broadcast_in_dim3A_3112 = vector.shape_cast %xor3A_3111 : vector<16xi32> to vector<16x1xi32>
    %gather3A_3113 = vector.shape_cast %broadcast_in_dim3A_3112 : vector<16x1xi32> to vector<16xi32>
    %gather3A_3114 = tpu.dynamic_gather %max3A_3108[%gather3A_3113] in [0] : vector<16xf32>, vector<16xi32> -> vector<16xf32>
    %max3A_3115 = arith.maximumf %max3A_3108, %gather3A_3114 : vector<16xf32>
    %xor3A_3116 = arith.constant 4 : i32
    %xor3A_3117 = vector.broadcast %xor3A_3116 : i32 to vector<16xi32>
    %xor3A_3118 = arith.xori %iota3A, %xor3A_3117 : vector<16xi32>
    %broadcast_in_dim3A_3119 = vector.shape_cast %xor3A_3118 : vector<16xi32> to vector<16x1xi32>
    %gather3A_3120 = vector.shape_cast %broadcast_in_dim3A_3119 : vector<16x1xi32> to vector<16xi32>
    %gather3A_3121 = tpu.dynamic_gather %max3A_3115[%gather3A_3120] in [0] : vector<16xf32>, vector<16xi32> -> vector<16xf32>
    %max3A_3122 = arith.maximumf %max3A_3115, %gather3A_3121 : vector<16xf32>
    %xor3A_3123 = arith.constant 2 : i32
    %xor3A_3124 = vector.broadcast %xor3A_3123 : i32 to vector<16xi32>
    %xor3A_3125 = arith.xori %iota3A, %xor3A_3124 : vector<16xi32>
    %broadcast_in_dim3A_3126 = vector.shape_cast %xor3A_3125 : vector<16xi32> to vector<16x1xi32>
    %gather3A_3127 = vector.shape_cast %broadcast_in_dim3A_3126 : vector<16x1xi32> to vector<16xi32>
    %gather3A_3128 = tpu.dynamic_gather %max3A_3122[%gather3A_3127] in [0] : vector<16xf32>, vector<16xi32> -> vector<16xf32>
    %max3A_3129 = arith.maximumf %max3A_3122, %gather3A_3128 : vector<16xf32>
    %xor3A_3130 = arith.constant 1 : i32
    %xor3A_3131 = vector.broadcast %xor3A_3130 : i32 to vector<16xi32>
    %xor3A_3132 = arith.xori %iota3A, %xor3A_3131 : vector<16xi32>
    %broadcast_in_dim3A_3133 = vector.shape_cast %xor3A_3132 : vector<16xi32> to vector<16x1xi32>
    %gather3A_3134 = vector.shape_cast %broadcast_in_dim3A_3133 : vector<16x1xi32> to vector<16xi32>
    %gather3A_3135 = tpu.dynamic_gather %max3A_3129[%gather3A_3134] in [0] : vector<16xf32>, vector<16xi32> -> vector<16xf32>
    %max3A_3136 = arith.maximumf %max3A_3129, %gather3A_3135 : vector<16xf32>
    %sub3A_3137 = arith.subf %get3A_3084, %max3A_3136 : vector<16xf32>
    %exp3A_3138 = math.exp %sub3A_3137 : vector<16xf32>
    %sub3A_3139 = arith.subf %get3A_3089, %max3A_3136 : vector<16xf32>
    %exp3A_3140 = math.exp %sub3A_3139 : vector<16xf32>
    %sub3A_3141 = arith.subf %get3A_3094, %max3A_3136 : vector<16xf32>
    %exp3A_3142 = math.exp %sub3A_3141 : vector<16xf32>
    %sub3A_3143 = arith.subf %get3A_3099, %max3A_3136 : vector<16xf32>
    %exp3A_3144 = math.exp %sub3A_3143 : vector<16xf32>
    %sub3A_3145 = arith.subf %get3A_3104, %max3A_3136 : vector<16xf32>
    %exp3A_3146 = math.exp %sub3A_3145 : vector<16xf32>
    %add3A_3147 = arith.addf %exp3A_3138, %exp3A_3140 : vector<16xf32>
    %add3A_3148 = arith.addf %exp3A_3142, %exp3A_3144 : vector<16xf32>
    %add3A_3149 = arith.addf %add3A_3147, %add3A_3148 : vector<16xf32>
    %add3A_3150 = arith.addf %add3A_3149, %exp3A_3146 : vector<16xf32>
    %xor3A_3151 = arith.constant 8 : i32
    %xor3A_3152 = vector.broadcast %xor3A_3151 : i32 to vector<16xi32>
    %xor3A_3153 = arith.xori %iota3A, %xor3A_3152 : vector<16xi32>
    %broadcast_in_dim3A_3154 = vector.shape_cast %xor3A_3153 : vector<16xi32> to vector<16x1xi32>
    %gather3A_3155 = vector.shape_cast %broadcast_in_dim3A_3154 : vector<16x1xi32> to vector<16xi32>
    %gather3A_3156 = tpu.dynamic_gather %add3A_3150[%gather3A_3155] in [0] : vector<16xf32>, vector<16xi32> -> vector<16xf32>
    %add3A_3157 = arith.addf %add3A_3150, %gather3A_3156 : vector<16xf32>
    %xor3A_3158 = arith.constant 4 : i32
    %xor3A_3159 = vector.broadcast %xor3A_3158 : i32 to vector<16xi32>
    %xor3A_3160 = arith.xori %iota3A, %xor3A_3159 : vector<16xi32>
    %broadcast_in_dim3A_3161 = vector.shape_cast %xor3A_3160 : vector<16xi32> to vector<16x1xi32>
    %gather3A_3162 = vector.shape_cast %broadcast_in_dim3A_3161 : vector<16x1xi32> to vector<16xi32>
    %gather3A_3163 = tpu.dynamic_gather %add3A_3157[%gather3A_3162] in [0] : vector<16xf32>, vector<16xi32> -> vector<16xf32>
    %add3A_3164 = arith.addf %add3A_3157, %gather3A_3163 : vector<16xf32>
    %xor3A_3165 = arith.constant 2 : i32
    %xor3A_3166 = vector.broadcast %xor3A_3165 : i32 to vector<16xi32>
    %xor3A_3167 = arith.xori %iota3A, %xor3A_3166 : vector<16xi32>
    %broadcast_in_dim3A_3168 = vector.shape_cast %xor3A_3167 : vector<16xi32> to vector<16x1xi32>
    %gather3A_3169 = vector.shape_cast %broadcast_in_dim3A_3168 : vector<16x1xi32> to vector<16xi32>
    %gather3A_3170 = tpu.dynamic_gather %add3A_3164[%gather3A_3169] in [0] : vector<16xf32>, vector<16xi32> -> vector<16xf32>
    %add3A_3171 = arith.addf %add3A_3164, %gather3A_3170 : vector<16xf32>
    %xor3A_3172 = arith.constant 1 : i32
    %xor3A_3173 = vector.broadcast %xor3A_3172 : i32 to vector<16xi32>
    %xor3A_3174 = arith.xori %iota3A, %xor3A_3173 : vector<16xi32>
    %broadcast_in_dim3A_3175 = vector.shape_cast %xor3A_3174 : vector<16xi32> to vector<16x1xi32>
    %gather3A_3176 = vector.shape_cast %broadcast_in_dim3A_3175 : vector<16x1xi32> to vector<16xi32>
    %gather3A_3177 = tpu.dynamic_gather %add3A_3171[%gather3A_3176] in [0] : vector<16xf32>, vector<16xi32> -> vector<16xf32>
    %add3A_3178 = arith.addf %add3A_3171, %gather3A_3177 : vector<16xf32>
    %div3A_3179 = arith.divf %exp3A_3138, %add3A_3178 : vector<16xf32>
    %swap3A_3180 = arith.constant 23 : i32
    %swap3A_3181 = arith.index_cast %swap3A_3180 : i32 to index
    %swap3A_3182 = arith.constant 0 : index
    %swap3A_3183 = tpu.vector_load %arg7[%swap3A_3181, %swap3A_3182] {strides = array<i32>} : memref<32x80xf32, #tpu.memory_space<vmem>>, vector<1x16xf32>,
    %swap3A_3184 = vector.shape_cast %swap3A_3183 : vector<1x16xf32> to vector<16xf32>
    %swap3A_3185 = vector.shape_cast %div3A_3179 : vector<16xf32> to vector<1x16xf32>
    tpu.vector_store %arg7[%swap3A_3181, %swap3A_3182], %swap3A_3185 {strides = array<i32>} : memref<32x80xf32, #tpu.memory_space<vmem>>, vector<1x16xf32>,
    %div3A_3186 = arith.divf %exp3A_3140, %add3A_3178 : vector<16xf32>
    %swap3A_3187 = arith.constant 23 : i32
    %swap3A_3188 = arith.index_cast %swap3A_3187 : i32 to index
    %swap3A_3189 = arith.constant 16 : index
    %swap3A_3190 = tpu.vector_load %arg7[%swap3A_3188, %swap3A_3189] {strides = array<i32>} : memref<32x80xf32, #tpu.memory_space<vmem>>, vector<1x16xf32>,
    %swap3A_3191 = vector.shape_cast %swap3A_3190 : vector<1x16xf32> to vector<16xf32>
    %swap3A_3192 = vector.shape_cast %div3A_3186 : vector<16xf32> to vector<1x16xf32>
    tpu.vector_store %arg7[%swap3A_3188, %swap3A_3189], %swap3A_3192 {strides = array<i32>} : memref<32x80xf32, #tpu.memory_space<vmem>>, vector<1x16xf32>,
    %div3A_3193 = arith.divf %exp3A_3142, %add3A_3178 : vector<16xf32>
    %swap3A_3194 = arith.constant 23 : i32
    %swap3A_3195 = arith.index_cast %swap3A_3194 : i32 to index
    %swap3A_3196 = arith.constant 32 : index
    %swap3A_3197 = tpu.vector_load %arg7[%swap3A_3195, %swap3A_3196] {strides = array<i32>} : memref<32x80xf32, #tpu.memory_space<vmem>>, vector<1x16xf32>,
    %swap3A_3198 = vector.shape_cast %swap3A_3197 : vector<1x16xf32> to vector<16xf32>
    %swap3A_3199 = vector.shape_cast %div3A_3193 : vector<16xf32> to vector<1x16xf32>
    tpu.vector_store %arg7[%swap3A_3195, %swap3A_3196], %swap3A_3199 {strides = array<i32>} : memref<32x80xf32, #tpu.memory_space<vmem>>, vector<1x16xf32>,
    %div3A_3200 = arith.divf %exp3A_3144, %add3A_3178 : vector<16xf32>
    %swap3A_3201 = arith.constant 23 : i32
    %swap3A_3202 = arith.index_cast %swap3A_3201 : i32 to index
    %swap3A_3203 = arith.constant 48 : index
    %swap3A_3204 = tpu.vector_load %arg7[%swap3A_3202, %swap3A_3203] {strides = array<i32>} : memref<32x80xf32, #tpu.memory_space<vmem>>, vector<1x16xf32>,
    %swap3A_3205 = vector.shape_cast %swap3A_3204 : vector<1x16xf32> to vector<16xf32>
    %swap3A_3206 = vector.shape_cast %div3A_3200 : vector<16xf32> to vector<1x16xf32>
    tpu.vector_store %arg7[%swap3A_3202, %swap3A_3203], %swap3A_3206 {strides = array<i32>} : memref<32x80xf32, #tpu.memory_space<vmem>>, vector<1x16xf32>,
    %div3A_3207 = arith.divf %exp3A_3146, %add3A_3178 : vector<16xf32>
    %swap3A_3208 = arith.constant 23 : i32
    %swap3A_3209 = arith.index_cast %swap3A_3208 : i32 to index
    %swap3A_3210 = arith.constant 64 : index
    %swap3A_3211 = tpu.vector_load %arg7[%swap3A_3209, %swap3A_3210] {strides = array<i32>} : memref<32x80xf32, #tpu.memory_space<vmem>>, vector<1x16xf32>,
    %swap3A_3212 = vector.shape_cast %swap3A_3211 : vector<1x16xf32> to vector<16xf32>
    %swap3A_3213 = vector.shape_cast %div3A_3207 : vector<16xf32> to vector<1x16xf32>
    tpu.vector_store %arg7[%swap3A_3209, %swap3A_3210], %swap3A_3213 {strides = array<i32>} : memref<32x80xf32, #tpu.memory_space<vmem>>, vector<1x16xf32>,
    %get3A_3214 = arith.constant 24 : i32
    %get3A_3215 = arith.index_cast %get3A_3214 : i32 to index
    %get3A_3216 = arith.constant 0 : index
    %get3A_3217 = tpu.vector_load %arg6[%get3A_3215, %get3A_3216] {strides = array<i32>} : memref<32x80xf32, #tpu.memory_space<vmem>>, vector<1x16xf32>,
    %get3A_3218 = vector.shape_cast %get3A_3217 : vector<1x16xf32> to vector<16xf32>
    %get3A_3219 = arith.constant 24 : i32
    %get3A_3220 = arith.index_cast %get3A_3219 : i32 to index
    %get3A_3221 = arith.constant 16 : index
    %get3A_3222 = tpu.vector_load %arg6[%get3A_3220, %get3A_3221] {strides = array<i32>} : memref<32x80xf32, #tpu.memory_space<vmem>>, vector<1x16xf32>,
    %get3A_3223 = vector.shape_cast %get3A_3222 : vector<1x16xf32> to vector<16xf32>
    %get3A_3224 = arith.constant 24 : i32
    %get3A_3225 = arith.index_cast %get3A_3224 : i32 to index
    %get3A_3226 = arith.constant 32 : index
    %get3A_3227 = tpu.vector_load %arg6[%get3A_3225, %get3A_3226] {strides = array<i32>} : memref<32x80xf32, #tpu.memory_space<vmem>>, vector<1x16xf32>,
    %get3A_3228 = vector.shape_cast %get3A_3227 : vector<1x16xf32> to vector<16xf32>
    %get3A_3229 = arith.constant 24 : i32
    %get3A_3230 = arith.index_cast %get3A_3229 : i32 to index
    %get3A_3231 = arith.constant 48 : index
    %get3A_3232 = tpu.vector_load %arg6[%get3A_3230, %get3A_3231] {strides = array<i32>} : memref<32x80xf32, #tpu.memory_space<vmem>>, vector<1x16xf32>,
    %get3A_3233 = vector.shape_cast %get3A_3232 : vector<1x16xf32> to vector<16xf32>
    %get3A_3234 = arith.constant 24 : i32
    %get3A_3235 = arith.index_cast %get3A_3234 : i32 to index
    %get3A_3236 = arith.constant 64 : index
    %get3A_3237 = tpu.vector_load %arg6[%get3A_3235, %get3A_3236] {strides = array<i32>} : memref<32x80xf32, #tpu.memory_space<vmem>>, vector<1x16xf32>,
    %get3A_3238 = vector.shape_cast %get3A_3237 : vector<1x16xf32> to vector<16xf32>
    %max3A_3239 = arith.maximumf %get3A_3218, %get3A_3223 : vector<16xf32>
    %max3A_3240 = arith.maximumf %get3A_3228, %get3A_3233 : vector<16xf32>
    %max3A_3241 = arith.maximumf %max3A_3239, %max3A_3240 : vector<16xf32>
    %max3A_3242 = arith.maximumf %max3A_3241, %get3A_3238 : vector<16xf32>
    %xor3A_3243 = arith.constant 8 : i32
    %xor3A_3244 = vector.broadcast %xor3A_3243 : i32 to vector<16xi32>
    %xor3A_3245 = arith.xori %iota3A, %xor3A_3244 : vector<16xi32>
    %broadcast_in_dim3A_3246 = vector.shape_cast %xor3A_3245 : vector<16xi32> to vector<16x1xi32>
    %gather3A_3247 = vector.shape_cast %broadcast_in_dim3A_3246 : vector<16x1xi32> to vector<16xi32>
    %gather3A_3248 = tpu.dynamic_gather %max3A_3242[%gather3A_3247] in [0] : vector<16xf32>, vector<16xi32> -> vector<16xf32>
    %max3A_3249 = arith.maximumf %max3A_3242, %gather3A_3248 : vector<16xf32>
    %xor3A_3250 = arith.constant 4 : i32
    %xor3A_3251 = vector.broadcast %xor3A_3250 : i32 to vector<16xi32>
    %xor3A_3252 = arith.xori %iota3A, %xor3A_3251 : vector<16xi32>
    %broadcast_in_dim3A_3253 = vector.shape_cast %xor3A_3252 : vector<16xi32> to vector<16x1xi32>
    %gather3A_3254 = vector.shape_cast %broadcast_in_dim3A_3253 : vector<16x1xi32> to vector<16xi32>
    %gather3A_3255 = tpu.dynamic_gather %max3A_3249[%gather3A_3254] in [0] : vector<16xf32>, vector<16xi32> -> vector<16xf32>
    %max3A_3256 = arith.maximumf %max3A_3249, %gather3A_3255 : vector<16xf32>
    %xor3A_3257 = arith.constant 2 : i32
    %xor3A_3258 = vector.broadcast %xor3A_3257 : i32 to vector<16xi32>
    %xor3A_3259 = arith.xori %iota3A, %xor3A_3258 : vector<16xi32>
    %broadcast_in_dim3A_3260 = vector.shape_cast %xor3A_3259 : vector<16xi32> to vector<16x1xi32>
    %gather3A_3261 = vector.shape_cast %broadcast_in_dim3A_3260 : vector<16x1xi32> to vector<16xi32>
    %gather3A_3262 = tpu.dynamic_gather %max3A_3256[%gather3A_3261] in [0] : vector<16xf32>, vector<16xi32> -> vector<16xf32>
    %max3A_3263 = arith.maximumf %max3A_3256, %gather3A_3262 : vector<16xf32>
    %xor3A_3264 = arith.constant 1 : i32
    %xor3A_3265 = vector.broadcast %xor3A_3264 : i32 to vector<16xi32>
    %xor3A_3266 = arith.xori %iota3A, %xor3A_3265 : vector<16xi32>
    %broadcast_in_dim3A_3267 = vector.shape_cast %xor3A_3266 : vector<16xi32> to vector<16x1xi32>
    %gather3A_3268 = vector.shape_cast %broadcast_in_dim3A_3267 : vector<16x1xi32> to vector<16xi32>
    %gather3A_3269 = tpu.dynamic_gather %max3A_3263[%gather3A_3268] in [0] : vector<16xf32>, vector<16xi32> -> vector<16xf32>
    %max3A_3270 = arith.maximumf %max3A_3263, %gather3A_3269 : vector<16xf32>
    %sub3A_3271 = arith.subf %get3A_3218, %max3A_3270 : vector<16xf32>
    %exp3A_3272 = math.exp %sub3A_3271 : vector<16xf32>
    %sub3A_3273 = arith.subf %get3A_3223, %max3A_3270 : vector<16xf32>
    %exp3A_3274 = math.exp %sub3A_3273 : vector<16xf32>
    %sub3A_3275 = arith.subf %get3A_3228, %max3A_3270 : vector<16xf32>
    %exp3A_3276 = math.exp %sub3A_3275 : vector<16xf32>
    %sub3A_3277 = arith.subf %get3A_3233, %max3A_3270 : vector<16xf32>
    %exp3A_3278 = math.exp %sub3A_3277 : vector<16xf32>
    %sub3A_3279 = arith.subf %get3A_3238, %max3A_3270 : vector<16xf32>
    %exp3A_3280 = math.exp %sub3A_3279 : vector<16xf32>
    %add3A_3281 = arith.addf %exp3A_3272, %exp3A_3274 : vector<16xf32>
    %add3A_3282 = arith.addf %exp3A_3276, %exp3A_3278 : vector<16xf32>
    %add3A_3283 = arith.addf %add3A_3281, %add3A_3282 : vector<16xf32>
    %add3A_3284 = arith.addf %add3A_3283, %exp3A_3280 : vector<16xf32>
    %xor3A_3285 = arith.constant 8 : i32
    %xor3A_3286 = vector.broadcast %xor3A_3285 : i32 to vector<16xi32>
    %xor3A_3287 = arith.xori %iota3A, %xor3A_3286 : vector<16xi32>
    %broadcast_in_dim3A_3288 = vector.shape_cast %xor3A_3287 : vector<16xi32> to vector<16x1xi32>
    %gather3A_3289 = vector.shape_cast %broadcast_in_dim3A_3288 : vector<16x1xi32> to vector<16xi32>
    %gather3A_3290 = tpu.dynamic_gather %add3A_3284[%gather3A_3289] in [0] : vector<16xf32>, vector<16xi32> -> vector<16xf32>
    %add3A_3291 = arith.addf %add3A_3284, %gather3A_3290 : vector<16xf32>
    %xor3A_3292 = arith.constant 4 : i32
    %xor3A_3293 = vector.broadcast %xor3A_3292 : i32 to vector<16xi32>
    %xor3A_3294 = arith.xori %iota3A, %xor3A_3293 : vector<16xi32>
    %broadcast_in_dim3A_3295 = vector.shape_cast %xor3A_3294 : vector<16xi32> to vector<16x1xi32>
    %gather3A_3296 = vector.shape_cast %broadcast_in_dim3A_3295 : vector<16x1xi32> to vector<16xi32>
    %gather3A_3297 = tpu.dynamic_gather %add3A_3291[%gather3A_3296] in [0] : vector<16xf32>, vector<16xi32> -> vector<16xf32>
    %add3A_3298 = arith.addf %add3A_3291, %gather3A_3297 : vector<16xf32>
    %xor3A_3299 = arith.constant 2 : i32
    %xor3A_3300 = vector.broadcast %xor3A_3299 : i32 to vector<16xi32>
    %xor3A_3301 = arith.xori %iota3A, %xor3A_3300 : vector<16xi32>
    %broadcast_in_dim3A_3302 = vector.shape_cast %xor3A_3301 : vector<16xi32> to vector<16x1xi32>
    %gather3A_3303 = vector.shape_cast %broadcast_in_dim3A_3302 : vector<16x1xi32> to vector<16xi32>
    %gather3A_3304 = tpu.dynamic_gather %add3A_3298[%gather3A_3303] in [0] : vector<16xf32>, vector<16xi32> -> vector<16xf32>
    %add3A_3305 = arith.addf %add3A_3298, %gather3A_3304 : vector<16xf32>
    %xor3A_3306 = arith.constant 1 : i32
    %xor3A_3307 = vector.broadcast %xor3A_3306 : i32 to vector<16xi32>
    %xor3A_3308 = arith.xori %iota3A, %xor3A_3307 : vector<16xi32>
    %broadcast_in_dim3A_3309 = vector.shape_cast %xor3A_3308 : vector<16xi32> to vector<16x1xi32>
    %gather3A_3310 = vector.shape_cast %broadcast_in_dim3A_3309 : vector<16x1xi32> to vector<16xi32>
    %gather3A_3311 = tpu.dynamic_gather %add3A_3305[%gather3A_3310] in [0] : vector<16xf32>, vector<16xi32> -> vector<16xf32>
    %add3A_3312 = arith.addf %add3A_3305, %gather3A_3311 : vector<16xf32>
    %div3A_3313 = arith.divf %exp3A_3272, %add3A_3312 : vector<16xf32>
    %swap3A_3314 = arith.constant 24 : i32
    %swap3A_3315 = arith.index_cast %swap3A_3314 : i32 to index
    %swap3A_3316 = arith.constant 0 : index
    %swap3A_3317 = tpu.vector_load %arg7[%swap3A_3315, %swap3A_3316] {strides = array<i32>} : memref<32x80xf32, #tpu.memory_space<vmem>>, vector<1x16xf32>,
    %swap3A_3318 = vector.shape_cast %swap3A_3317 : vector<1x16xf32> to vector<16xf32>
    %swap3A_3319 = vector.shape_cast %div3A_3313 : vector<16xf32> to vector<1x16xf32>
    tpu.vector_store %arg7[%swap3A_3315, %swap3A_3316], %swap3A_3319 {strides = array<i32>} : memref<32x80xf32, #tpu.memory_space<vmem>>, vector<1x16xf32>,
    %div3A_3320 = arith.divf %exp3A_3274, %add3A_3312 : vector<16xf32>
    %swap3A_3321 = arith.constant 24 : i32
    %swap3A_3322 = arith.index_cast %swap3A_3321 : i32 to index
    %swap3A_3323 = arith.constant 16 : index
    %swap3A_3324 = tpu.vector_load %arg7[%swap3A_3322, %swap3A_3323] {strides = array<i32>} : memref<32x80xf32, #tpu.memory_space<vmem>>, vector<1x16xf32>,
    %swap3A_3325 = vector.shape_cast %swap3A_3324 : vector<1x16xf32> to vector<16xf32>
    %swap3A_3326 = vector.shape_cast %div3A_3320 : vector<16xf32> to vector<1x16xf32>
    tpu.vector_store %arg7[%swap3A_3322, %swap3A_3323], %swap3A_3326 {strides = array<i32>} : memref<32x80xf32, #tpu.memory_space<vmem>>, vector<1x16xf32>,
    %div3A_3327 = arith.divf %exp3A_3276, %add3A_3312 : vector<16xf32>
    %swap3A_3328 = arith.constant 24 : i32
    %swap3A_3329 = arith.index_cast %swap3A_3328 : i32 to index
    %swap3A_3330 = arith.constant 32 : index
    %swap3A_3331 = tpu.vector_load %arg7[%swap3A_3329, %swap3A_3330] {strides = array<i32>} : memref<32x80xf32, #tpu.memory_space<vmem>>, vector<1x16xf32>,
    %swap3A_3332 = vector.shape_cast %swap3A_3331 : vector<1x16xf32> to vector<16xf32>
    %swap3A_3333 = vector.shape_cast %div3A_3327 : vector<16xf32> to vector<1x16xf32>
    tpu.vector_store %arg7[%swap3A_3329, %swap3A_3330], %swap3A_3333 {strides = array<i32>} : memref<32x80xf32, #tpu.memory_space<vmem>>, vector<1x16xf32>,
    %div3A_3334 = arith.divf %exp3A_3278, %add3A_3312 : vector<16xf32>
    %swap3A_3335 = arith.constant 24 : i32
    %swap3A_3336 = arith.index_cast %swap3A_3335 : i32 to index
    %swap3A_3337 = arith.constant 48 : index
    %swap3A_3338 = tpu.vector_load %arg7[%swap3A_3336, %swap3A_3337] {strides = array<i32>} : memref<32x80xf32, #tpu.memory_space<vmem>>, vector<1x16xf32>,
    %swap3A_3339 = vector.shape_cast %swap3A_3338 : vector<1x16xf32> to vector<16xf32>
    %swap3A_3340 = vector.shape_cast %div3A_3334 : vector<16xf32> to vector<1x16xf32>
    tpu.vector_store %arg7[%swap3A_3336, %swap3A_3337], %swap3A_3340 {strides = array<i32>} : memref<32x80xf32, #tpu.memory_space<vmem>>, vector<1x16xf32>,
    %div3A_3341 = arith.divf %exp3A_3280, %add3A_3312 : vector<16xf32>
    %swap3A_3342 = arith.constant 24 : i32
    %swap3A_3343 = arith.index_cast %swap3A_3342 : i32 to index
    %swap3A_3344 = arith.constant 64 : index
    %swap3A_3345 = tpu.vector_load %arg7[%swap3A_3343, %swap3A_3344] {strides = array<i32>} : memref<32x80xf32, #tpu.memory_space<vmem>>, vector<1x16xf32>,
    %swap3A_3346 = vector.shape_cast %swap3A_3345 : vector<1x16xf32> to vector<16xf32>
    %swap3A_3347 = vector.shape_cast %div3A_3341 : vector<16xf32> to vector<1x16xf32>
    tpu.vector_store %arg7[%swap3A_3343, %swap3A_3344], %swap3A_3347 {strides = array<i32>} : memref<32x80xf32, #tpu.memory_space<vmem>>, vector<1x16xf32>,
    %get3A_3348 = arith.constant 25 : i32
    %get3A_3349 = arith.index_cast %get3A_3348 : i32 to index
    %get3A_3350 = arith.constant 0 : index
    %get3A_3351 = tpu.vector_load %arg6[%get3A_3349, %get3A_3350] {strides = array<i32>} : memref<32x80xf32, #tpu.memory_space<vmem>>, vector<1x16xf32>,
    %get3A_3352 = vector.shape_cast %get3A_3351 : vector<1x16xf32> to vector<16xf32>
    %get3A_3353 = arith.constant 25 : i32
    %get3A_3354 = arith.index_cast %get3A_3353 : i32 to index
    %get3A_3355 = arith.constant 16 : index
    %get3A_3356 = tpu.vector_load %arg6[%get3A_3354, %get3A_3355] {strides = array<i32>} : memref<32x80xf32, #tpu.memory_space<vmem>>, vector<1x16xf32>,
    %get3A_3357 = vector.shape_cast %get3A_3356 : vector<1x16xf32> to vector<16xf32>
    %get3A_3358 = arith.constant 25 : i32
    %get3A_3359 = arith.index_cast %get3A_3358 : i32 to index
    %get3A_3360 = arith.constant 32 : index
    %get3A_3361 = tpu.vector_load %arg6[%get3A_3359, %get3A_3360] {strides = array<i32>} : memref<32x80xf32, #tpu.memory_space<vmem>>, vector<1x16xf32>,
    %get3A_3362 = vector.shape_cast %get3A_3361 : vector<1x16xf32> to vector<16xf32>
    %get3A_3363 = arith.constant 25 : i32
    %get3A_3364 = arith.index_cast %get3A_3363 : i32 to index
    %get3A_3365 = arith.constant 48 : index
    %get3A_3366 = tpu.vector_load %arg6[%get3A_3364, %get3A_3365] {strides = array<i32>} : memref<32x80xf32, #tpu.memory_space<vmem>>, vector<1x16xf32>,
    %get3A_3367 = vector.shape_cast %get3A_3366 : vector<1x16xf32> to vector<16xf32>
    %get3A_3368 = arith.constant 25 : i32
    %get3A_3369 = arith.index_cast %get3A_3368 : i32 to index
    %get3A_3370 = arith.constant 64 : index
    %get3A_3371 = tpu.vector_load %arg6[%get3A_3369, %get3A_3370] {strides = array<i32>} : memref<32x80xf32, #tpu.memory_space<vmem>>, vector<1x16xf32>,
    %get3A_3372 = vector.shape_cast %get3A_3371 : vector<1x16xf32> to vector<16xf32>
    %max3A_3373 = arith.maximumf %get3A_3352, %get3A_3357 : vector<16xf32>
    %max3A_3374 = arith.maximumf %get3A_3362, %get3A_3367 : vector<16xf32>
    %max3A_3375 = arith.maximumf %max3A_3373, %max3A_3374 : vector<16xf32>
    %max3A_3376 = arith.maximumf %max3A_3375, %get3A_3372 : vector<16xf32>
    %xor3A_3377 = arith.constant 8 : i32
    %xor3A_3378 = vector.broadcast %xor3A_3377 : i32 to vector<16xi32>
    %xor3A_3379 = arith.xori %iota3A, %xor3A_3378 : vector<16xi32>
    %broadcast_in_dim3A_3380 = vector.shape_cast %xor3A_3379 : vector<16xi32> to vector<16x1xi32>
    %gather3A_3381 = vector.shape_cast %broadcast_in_dim3A_3380 : vector<16x1xi32> to vector<16xi32>
    %gather3A_3382 = tpu.dynamic_gather %max3A_3376[%gather3A_3381] in [0] : vector<16xf32>, vector<16xi32> -> vector<16xf32>
    %max3A_3383 = arith.maximumf %max3A_3376, %gather3A_3382 : vector<16xf32>
    %xor3A_3384 = arith.constant 4 : i32
    %xor3A_3385 = vector.broadcast %xor3A_3384 : i32 to vector<16xi32>
    %xor3A_3386 = arith.xori %iota3A, %xor3A_3385 : vector<16xi32>
    %broadcast_in_dim3A_3387 = vector.shape_cast %xor3A_3386 : vector<16xi32> to vector<16x1xi32>
    %gather3A_3388 = vector.shape_cast %broadcast_in_dim3A_3387 : vector<16x1xi32> to vector<16xi32>
    %gather3A_3389 = tpu.dynamic_gather %max3A_3383[%gather3A_3388] in [0] : vector<16xf32>, vector<16xi32> -> vector<16xf32>
    %max3A_3390 = arith.maximumf %max3A_3383, %gather3A_3389 : vector<16xf32>
    %xor3A_3391 = arith.constant 2 : i32
    %xor3A_3392 = vector.broadcast %xor3A_3391 : i32 to vector<16xi32>
    %xor3A_3393 = arith.xori %iota3A, %xor3A_3392 : vector<16xi32>
    %broadcast_in_dim3A_3394 = vector.shape_cast %xor3A_3393 : vector<16xi32> to vector<16x1xi32>
    %gather3A_3395 = vector.shape_cast %broadcast_in_dim3A_3394 : vector<16x1xi32> to vector<16xi32>
    %gather3A_3396 = tpu.dynamic_gather %max3A_3390[%gather3A_3395] in [0] : vector<16xf32>, vector<16xi32> -> vector<16xf32>
    %max3A_3397 = arith.maximumf %max3A_3390, %gather3A_3396 : vector<16xf32>
    %xor3A_3398 = arith.constant 1 : i32
    %xor3A_3399 = vector.broadcast %xor3A_3398 : i32 to vector<16xi32>
    %xor3A_3400 = arith.xori %iota3A, %xor3A_3399 : vector<16xi32>
    %broadcast_in_dim3A_3401 = vector.shape_cast %xor3A_3400 : vector<16xi32> to vector<16x1xi32>
    %gather3A_3402 = vector.shape_cast %broadcast_in_dim3A_3401 : vector<16x1xi32> to vector<16xi32>
    %gather3A_3403 = tpu.dynamic_gather %max3A_3397[%gather3A_3402] in [0] : vector<16xf32>, vector<16xi32> -> vector<16xf32>
    %max3A_3404 = arith.maximumf %max3A_3397, %gather3A_3403 : vector<16xf32>
    %sub3A_3405 = arith.subf %get3A_3352, %max3A_3404 : vector<16xf32>
    %exp3A_3406 = math.exp %sub3A_3405 : vector<16xf32>
    %sub3A_3407 = arith.subf %get3A_3357, %max3A_3404 : vector<16xf32>
    %exp3A_3408 = math.exp %sub3A_3407 : vector<16xf32>
    %sub3A_3409 = arith.subf %get3A_3362, %max3A_3404 : vector<16xf32>
    %exp3A_3410 = math.exp %sub3A_3409 : vector<16xf32>
    %sub3A_3411 = arith.subf %get3A_3367, %max3A_3404 : vector<16xf32>
    %exp3A_3412 = math.exp %sub3A_3411 : vector<16xf32>
    %sub3A_3413 = arith.subf %get3A_3372, %max3A_3404 : vector<16xf32>
    %exp3A_3414 = math.exp %sub3A_3413 : vector<16xf32>
    %add3A_3415 = arith.addf %exp3A_3406, %exp3A_3408 : vector<16xf32>
    %add3A_3416 = arith.addf %exp3A_3410, %exp3A_3412 : vector<16xf32>
    %add3A_3417 = arith.addf %add3A_3415, %add3A_3416 : vector<16xf32>
    %add3A_3418 = arith.addf %add3A_3417, %exp3A_3414 : vector<16xf32>
    %xor3A_3419 = arith.constant 8 : i32
    %xor3A_3420 = vector.broadcast %xor3A_3419 : i32 to vector<16xi32>
    %xor3A_3421 = arith.xori %iota3A, %xor3A_3420 : vector<16xi32>
    %broadcast_in_dim3A_3422 = vector.shape_cast %xor3A_3421 : vector<16xi32> to vector<16x1xi32>
    %gather3A_3423 = vector.shape_cast %broadcast_in_dim3A_3422 : vector<16x1xi32> to vector<16xi32>
    %gather3A_3424 = tpu.dynamic_gather %add3A_3418[%gather3A_3423] in [0] : vector<16xf32>, vector<16xi32> -> vector<16xf32>
    %add3A_3425 = arith.addf %add3A_3418, %gather3A_3424 : vector<16xf32>
    %xor3A_3426 = arith.constant 4 : i32
    %xor3A_3427 = vector.broadcast %xor3A_3426 : i32 to vector<16xi32>
    %xor3A_3428 = arith.xori %iota3A, %xor3A_3427 : vector<16xi32>
    %broadcast_in_dim3A_3429 = vector.shape_cast %xor3A_3428 : vector<16xi32> to vector<16x1xi32>
    %gather3A_3430 = vector.shape_cast %broadcast_in_dim3A_3429 : vector<16x1xi32> to vector<16xi32>
    %gather3A_3431 = tpu.dynamic_gather %add3A_3425[%gather3A_3430] in [0] : vector<16xf32>, vector<16xi32> -> vector<16xf32>
    %add3A_3432 = arith.addf %add3A_3425, %gather3A_3431 : vector<16xf32>
    %xor3A_3433 = arith.constant 2 : i32
    %xor3A_3434 = vector.broadcast %xor3A_3433 : i32 to vector<16xi32>
    %xor3A_3435 = arith.xori %iota3A, %xor3A_3434 : vector<16xi32>
    %broadcast_in_dim3A_3436 = vector.shape_cast %xor3A_3435 : vector<16xi32> to vector<16x1xi32>
    %gather3A_3437 = vector.shape_cast %broadcast_in_dim3A_3436 : vector<16x1xi32> to vector<16xi32>
    %gather3A_3438 = tpu.dynamic_gather %add3A_3432[%gather3A_3437] in [0] : vector<16xf32>, vector<16xi32> -> vector<16xf32>
    %add3A_3439 = arith.addf %add3A_3432, %gather3A_3438 : vector<16xf32>
    %xor3A_3440 = arith.constant 1 : i32
    %xor3A_3441 = vector.broadcast %xor3A_3440 : i32 to vector<16xi32>
    %xor3A_3442 = arith.xori %iota3A, %xor3A_3441 : vector<16xi32>
    %broadcast_in_dim3A_3443 = vector.shape_cast %xor3A_3442 : vector<16xi32> to vector<16x1xi32>
    %gather3A_3444 = vector.shape_cast %broadcast_in_dim3A_3443 : vector<16x1xi32> to vector<16xi32>
    %gather3A_3445 = tpu.dynamic_gather %add3A_3439[%gather3A_3444] in [0] : vector<16xf32>, vector<16xi32> -> vector<16xf32>
    %add3A_3446 = arith.addf %add3A_3439, %gather3A_3445 : vector<16xf32>
    %div3A_3447 = arith.divf %exp3A_3406, %add3A_3446 : vector<16xf32>
    %swap3A_3448 = arith.constant 25 : i32
    %swap3A_3449 = arith.index_cast %swap3A_3448 : i32 to index
    %swap3A_3450 = arith.constant 0 : index
    %swap3A_3451 = tpu.vector_load %arg7[%swap3A_3449, %swap3A_3450] {strides = array<i32>} : memref<32x80xf32, #tpu.memory_space<vmem>>, vector<1x16xf32>,
    %swap3A_3452 = vector.shape_cast %swap3A_3451 : vector<1x16xf32> to vector<16xf32>
    %swap3A_3453 = vector.shape_cast %div3A_3447 : vector<16xf32> to vector<1x16xf32>
    tpu.vector_store %arg7[%swap3A_3449, %swap3A_3450], %swap3A_3453 {strides = array<i32>} : memref<32x80xf32, #tpu.memory_space<vmem>>, vector<1x16xf32>,
    %div3A_3454 = arith.divf %exp3A_3408, %add3A_3446 : vector<16xf32>
    %swap3A_3455 = arith.constant 25 : i32
    %swap3A_3456 = arith.index_cast %swap3A_3455 : i32 to index
    %swap3A_3457 = arith.constant 16 : index
    %swap3A_3458 = tpu.vector_load %arg7[%swap3A_3456, %swap3A_3457] {strides = array<i32>} : memref<32x80xf32, #tpu.memory_space<vmem>>, vector<1x16xf32>,
    %swap3A_3459 = vector.shape_cast %swap3A_3458 : vector<1x16xf32> to vector<16xf32>
    %swap3A_3460 = vector.shape_cast %div3A_3454 : vector<16xf32> to vector<1x16xf32>
    tpu.vector_store %arg7[%swap3A_3456, %swap3A_3457], %swap3A_3460 {strides = array<i32>} : memref<32x80xf32, #tpu.memory_space<vmem>>, vector<1x16xf32>,
    %div3A_3461 = arith.divf %exp3A_3410, %add3A_3446 : vector<16xf32>
    %swap3A_3462 = arith.constant 25 : i32
    %swap3A_3463 = arith.index_cast %swap3A_3462 : i32 to index
    %swap3A_3464 = arith.constant 32 : index
    %swap3A_3465 = tpu.vector_load %arg7[%swap3A_3463, %swap3A_3464] {strides = array<i32>} : memref<32x80xf32, #tpu.memory_space<vmem>>, vector<1x16xf32>,
    %swap3A_3466 = vector.shape_cast %swap3A_3465 : vector<1x16xf32> to vector<16xf32>
    %swap3A_3467 = vector.shape_cast %div3A_3461 : vector<16xf32> to vector<1x16xf32>
    tpu.vector_store %arg7[%swap3A_3463, %swap3A_3464], %swap3A_3467 {strides = array<i32>} : memref<32x80xf32, #tpu.memory_space<vmem>>, vector<1x16xf32>,
    %div3A_3468 = arith.divf %exp3A_3412, %add3A_3446 : vector<16xf32>
    %swap3A_3469 = arith.constant 25 : i32
    %swap3A_3470 = arith.index_cast %swap3A_3469 : i32 to index
    %swap3A_3471 = arith.constant 48 : index
    %swap3A_3472 = tpu.vector_load %arg7[%swap3A_3470, %swap3A_3471] {strides = array<i32>} : memref<32x80xf32, #tpu.memory_space<vmem>>, vector<1x16xf32>,
    %swap3A_3473 = vector.shape_cast %swap3A_3472 : vector<1x16xf32> to vector<16xf32>
    %swap3A_3474 = vector.shape_cast %div3A_3468 : vector<16xf32> to vector<1x16xf32>
    tpu.vector_store %arg7[%swap3A_3470, %swap3A_3471], %swap3A_3474 {strides = array<i32>} : memref<32x80xf32, #tpu.memory_space<vmem>>, vector<1x16xf32>,
    %div3A_3475 = arith.divf %exp3A_3414, %add3A_3446 : vector<16xf32>
    %swap3A_3476 = arith.constant 25 : i32
    %swap3A_3477 = arith.index_cast %swap3A_3476 : i32 to index
    %swap3A_3478 = arith.constant 64 : index
    %swap3A_3479 = tpu.vector_load %arg7[%swap3A_3477, %swap3A_3478] {strides = array<i32>} : memref<32x80xf32, #tpu.memory_space<vmem>>, vector<1x16xf32>,
    %swap3A_3480 = vector.shape_cast %swap3A_3479 : vector<1x16xf32> to vector<16xf32>
    %swap3A_3481 = vector.shape_cast %div3A_3475 : vector<16xf32> to vector<1x16xf32>
    tpu.vector_store %arg7[%swap3A_3477, %swap3A_3478], %swap3A_3481 {strides = array<i32>} : memref<32x80xf32, #tpu.memory_space<vmem>>, vector<1x16xf32>,
    %get3A_3482 = arith.constant 26 : i32
    %get3A_3483 = arith.index_cast %get3A_3482 : i32 to index
    %get3A_3484 = arith.constant 0 : index
    %get3A_3485 = tpu.vector_load %arg6[%get3A_3483, %get3A_3484] {strides = array<i32>} : memref<32x80xf32, #tpu.memory_space<vmem>>, vector<1x16xf32>,
    %get3A_3486 = vector.shape_cast %get3A_3485 : vector<1x16xf32> to vector<16xf32>
    %get3A_3487 = arith.constant 26 : i32
    %get3A_3488 = arith.index_cast %get3A_3487 : i32 to index
    %get3A_3489 = arith.constant 16 : index
    %get3A_3490 = tpu.vector_load %arg6[%get3A_3488, %get3A_3489] {strides = array<i32>} : memref<32x80xf32, #tpu.memory_space<vmem>>, vector<1x16xf32>,
    %get3A_3491 = vector.shape_cast %get3A_3490 : vector<1x16xf32> to vector<16xf32>
    %get3A_3492 = arith.constant 26 : i32
    %get3A_3493 = arith.index_cast %get3A_3492 : i32 to index
    %get3A_3494 = arith.constant 32 : index
    %get3A_3495 = tpu.vector_load %arg6[%get3A_3493, %get3A_3494] {strides = array<i32>} : memref<32x80xf32, #tpu.memory_space<vmem>>, vector<1x16xf32>,
    %get3A_3496 = vector.shape_cast %get3A_3495 : vector<1x16xf32> to vector<16xf32>
    %get3A_3497 = arith.constant 26 : i32
    %get3A_3498 = arith.index_cast %get3A_3497 : i32 to index
    %get3A_3499 = arith.constant 48 : index
    %get3A_3500 = tpu.vector_load %arg6[%get3A_3498, %get3A_3499] {strides = array<i32>} : memref<32x80xf32, #tpu.memory_space<vmem>>, vector<1x16xf32>,
    %get3A_3501 = vector.shape_cast %get3A_3500 : vector<1x16xf32> to vector<16xf32>
    %get3A_3502 = arith.constant 26 : i32
    %get3A_3503 = arith.index_cast %get3A_3502 : i32 to index
    %get3A_3504 = arith.constant 64 : index
    %get3A_3505 = tpu.vector_load %arg6[%get3A_3503, %get3A_3504] {strides = array<i32>} : memref<32x80xf32, #tpu.memory_space<vmem>>, vector<1x16xf32>,
    %get3A_3506 = vector.shape_cast %get3A_3505 : vector<1x16xf32> to vector<16xf32>
    %max3A_3507 = arith.maximumf %get3A_3486, %get3A_3491 : vector<16xf32>
    %max3A_3508 = arith.maximumf %get3A_3496, %get3A_3501 : vector<16xf32>
    %max3A_3509 = arith.maximumf %max3A_3507, %max3A_3508 : vector<16xf32>
    %max3A_3510 = arith.maximumf %max3A_3509, %get3A_3506 : vector<16xf32>
    %xor3A_3511 = arith.constant 8 : i32
    %xor3A_3512 = vector.broadcast %xor3A_3511 : i32 to vector<16xi32>
    %xor3A_3513 = arith.xori %iota3A, %xor3A_3512 : vector<16xi32>
    %broadcast_in_dim3A_3514 = vector.shape_cast %xor3A_3513 : vector<16xi32> to vector<16x1xi32>
    %gather3A_3515 = vector.shape_cast %broadcast_in_dim3A_3514 : vector<16x1xi32> to vector<16xi32>
    %gather3A_3516 = tpu.dynamic_gather %max3A_3510[%gather3A_3515] in [0] : vector<16xf32>, vector<16xi32> -> vector<16xf32>
    %max3A_3517 = arith.maximumf %max3A_3510, %gather3A_3516 : vector<16xf32>
    %xor3A_3518 = arith.constant 4 : i32
    %xor3A_3519 = vector.broadcast %xor3A_3518 : i32 to vector<16xi32>
    %xor3A_3520 = arith.xori %iota3A, %xor3A_3519 : vector<16xi32>
    %broadcast_in_dim3A_3521 = vector.shape_cast %xor3A_3520 : vector<16xi32> to vector<16x1xi32>
    %gather3A_3522 = vector.shape_cast %broadcast_in_dim3A_3521 : vector<16x1xi32> to vector<16xi32>
    %gather3A_3523 = tpu.dynamic_gather %max3A_3517[%gather3A_3522] in [0] : vector<16xf32>, vector<16xi32> -> vector<16xf32>
    %max3A_3524 = arith.maximumf %max3A_3517, %gather3A_3523 : vector<16xf32>
    %xor3A_3525 = arith.constant 2 : i32
    %xor3A_3526 = vector.broadcast %xor3A_3525 : i32 to vector<16xi32>
    %xor3A_3527 = arith.xori %iota3A, %xor3A_3526 : vector<16xi32>
    %broadcast_in_dim3A_3528 = vector.shape_cast %xor3A_3527 : vector<16xi32> to vector<16x1xi32>
    %gather3A_3529 = vector.shape_cast %broadcast_in_dim3A_3528 : vector<16x1xi32> to vector<16xi32>
    %gather3A_3530 = tpu.dynamic_gather %max3A_3524[%gather3A_3529] in [0] : vector<16xf32>, vector<16xi32> -> vector<16xf32>
    %max3A_3531 = arith.maximumf %max3A_3524, %gather3A_3530 : vector<16xf32>
    %xor3A_3532 = arith.constant 1 : i32
    %xor3A_3533 = vector.broadcast %xor3A_3532 : i32 to vector<16xi32>
    %xor3A_3534 = arith.xori %iota3A, %xor3A_3533 : vector<16xi32>
    %broadcast_in_dim3A_3535 = vector.shape_cast %xor3A_3534 : vector<16xi32> to vector<16x1xi32>
    %gather3A_3536 = vector.shape_cast %broadcast_in_dim3A_3535 : vector<16x1xi32> to vector<16xi32>
    %gather3A_3537 = tpu.dynamic_gather %max3A_3531[%gather3A_3536] in [0] : vector<16xf32>, vector<16xi32> -> vector<16xf32>
    %max3A_3538 = arith.maximumf %max3A_3531, %gather3A_3537 : vector<16xf32>
    %sub3A_3539 = arith.subf %get3A_3486, %max3A_3538 : vector<16xf32>
    %exp3A_3540 = math.exp %sub3A_3539 : vector<16xf32>
    %sub3A_3541 = arith.subf %get3A_3491, %max3A_3538 : vector<16xf32>
    %exp3A_3542 = math.exp %sub3A_3541 : vector<16xf32>
    %sub3A_3543 = arith.subf %get3A_3496, %max3A_3538 : vector<16xf32>
    %exp3A_3544 = math.exp %sub3A_3543 : vector<16xf32>
    %sub3A_3545 = arith.subf %get3A_3501, %max3A_3538 : vector<16xf32>
    %exp3A_3546 = math.exp %sub3A_3545 : vector<16xf32>
    %sub3A_3547 = arith.subf %get3A_3506, %max3A_3538 : vector<16xf32>
    %exp3A_3548 = math.exp %sub3A_3547 : vector<16xf32>
    %add3A_3549 = arith.addf %exp3A_3540, %exp3A_3542 : vector<16xf32>
    %add3A_3550 = arith.addf %exp3A_3544, %exp3A_3546 : vector<16xf32>
    %add3A_3551 = arith.addf %add3A_3549, %add3A_3550 : vector<16xf32>
    %add3A_3552 = arith.addf %add3A_3551, %exp3A_3548 : vector<16xf32>
    %xor3A_3553 = arith.constant 8 : i32
    %xor3A_3554 = vector.broadcast %xor3A_3553 : i32 to vector<16xi32>
    %xor3A_3555 = arith.xori %iota3A, %xor3A_3554 : vector<16xi32>
    %broadcast_in_dim3A_3556 = vector.shape_cast %xor3A_3555 : vector<16xi32> to vector<16x1xi32>
    %gather3A_3557 = vector.shape_cast %broadcast_in_dim3A_3556 : vector<16x1xi32> to vector<16xi32>
    %gather3A_3558 = tpu.dynamic_gather %add3A_3552[%gather3A_3557] in [0] : vector<16xf32>, vector<16xi32> -> vector<16xf32>
    %add3A_3559 = arith.addf %add3A_3552, %gather3A_3558 : vector<16xf32>
    %xor3A_3560 = arith.constant 4 : i32
    %xor3A_3561 = vector.broadcast %xor3A_3560 : i32 to vector<16xi32>
    %xor3A_3562 = arith.xori %iota3A, %xor3A_3561 : vector<16xi32>
    %broadcast_in_dim3A_3563 = vector.shape_cast %xor3A_3562 : vector<16xi32> to vector<16x1xi32>
    %gather3A_3564 = vector.shape_cast %broadcast_in_dim3A_3563 : vector<16x1xi32> to vector<16xi32>
    %gather3A_3565 = tpu.dynamic_gather %add3A_3559[%gather3A_3564] in [0] : vector<16xf32>, vector<16xi32> -> vector<16xf32>
    %add3A_3566 = arith.addf %add3A_3559, %gather3A_3565 : vector<16xf32>
    %xor3A_3567 = arith.constant 2 : i32
    %xor3A_3568 = vector.broadcast %xor3A_3567 : i32 to vector<16xi32>
    %xor3A_3569 = arith.xori %iota3A, %xor3A_3568 : vector<16xi32>
    %broadcast_in_dim3A_3570 = vector.shape_cast %xor3A_3569 : vector<16xi32> to vector<16x1xi32>
    %gather3A_3571 = vector.shape_cast %broadcast_in_dim3A_3570 : vector<16x1xi32> to vector<16xi32>
    %gather3A_3572 = tpu.dynamic_gather %add3A_3566[%gather3A_3571] in [0] : vector<16xf32>, vector<16xi32> -> vector<16xf32>
    %add3A_3573 = arith.addf %add3A_3566, %gather3A_3572 : vector<16xf32>
    %xor3A_3574 = arith.constant 1 : i32
    %xor3A_3575 = vector.broadcast %xor3A_3574 : i32 to vector<16xi32>
    %xor3A_3576 = arith.xori %iota3A, %xor3A_3575 : vector<16xi32>
    %broadcast_in_dim3A_3577 = vector.shape_cast %xor3A_3576 : vector<16xi32> to vector<16x1xi32>
    %gather3A_3578 = vector.shape_cast %broadcast_in_dim3A_3577 : vector<16x1xi32> to vector<16xi32>
    %gather3A_3579 = tpu.dynamic_gather %add3A_3573[%gather3A_3578] in [0] : vector<16xf32>, vector<16xi32> -> vector<16xf32>
    %add3A_3580 = arith.addf %add3A_3573, %gather3A_3579 : vector<16xf32>
    %div3A_3581 = arith.divf %exp3A_3540, %add3A_3580 : vector<16xf32>
    %swap3A_3582 = arith.constant 26 : i32
    %swap3A_3583 = arith.index_cast %swap3A_3582 : i32 to index
    %swap3A_3584 = arith.constant 0 : index
    %swap3A_3585 = tpu.vector_load %arg7[%swap3A_3583, %swap3A_3584] {strides = array<i32>} : memref<32x80xf32, #tpu.memory_space<vmem>>, vector<1x16xf32>,
    %swap3A_3586 = vector.shape_cast %swap3A_3585 : vector<1x16xf32> to vector<16xf32>
    %swap3A_3587 = vector.shape_cast %div3A_3581 : vector<16xf32> to vector<1x16xf32>
    tpu.vector_store %arg7[%swap3A_3583, %swap3A_3584], %swap3A_3587 {strides = array<i32>} : memref<32x80xf32, #tpu.memory_space<vmem>>, vector<1x16xf32>,
    %div3A_3588 = arith.divf %exp3A_3542, %add3A_3580 : vector<16xf32>
    %swap3A_3589 = arith.constant 26 : i32
    %swap3A_3590 = arith.index_cast %swap3A_3589 : i32 to index
    %swap3A_3591 = arith.constant 16 : index
    %swap3A_3592 = tpu.vector_load %arg7[%swap3A_3590, %swap3A_3591] {strides = array<i32>} : memref<32x80xf32, #tpu.memory_space<vmem>>, vector<1x16xf32>,
    %swap3A_3593 = vector.shape_cast %swap3A_3592 : vector<1x16xf32> to vector<16xf32>
    %swap3A_3594 = vector.shape_cast %div3A_3588 : vector<16xf32> to vector<1x16xf32>
    tpu.vector_store %arg7[%swap3A_3590, %swap3A_3591], %swap3A_3594 {strides = array<i32>} : memref<32x80xf32, #tpu.memory_space<vmem>>, vector<1x16xf32>,
    %div3A_3595 = arith.divf %exp3A_3544, %add3A_3580 : vector<16xf32>
    %swap3A_3596 = arith.constant 26 : i32
    %swap3A_3597 = arith.index_cast %swap3A_3596 : i32 to index
    %swap3A_3598 = arith.constant 32 : index
    %swap3A_3599 = tpu.vector_load %arg7[%swap3A_3597, %swap3A_3598] {strides = array<i32>} : memref<32x80xf32, #tpu.memory_space<vmem>>, vector<1x16xf32>,
    %swap3A_3600 = vector.shape_cast %swap3A_3599 : vector<1x16xf32> to vector<16xf32>
    %swap3A_3601 = vector.shape_cast %div3A_3595 : vector<16xf32> to vector<1x16xf32>
    tpu.vector_store %arg7[%swap3A_3597, %swap3A_3598], %swap3A_3601 {strides = array<i32>} : memref<32x80xf32, #tpu.memory_space<vmem>>, vector<1x16xf32>,
    %div3A_3602 = arith.divf %exp3A_3546, %add3A_3580 : vector<16xf32>
    %swap3A_3603 = arith.constant 26 : i32
    %swap3A_3604 = arith.index_cast %swap3A_3603 : i32 to index
    %swap3A_3605 = arith.constant 48 : index
    %swap3A_3606 = tpu.vector_load %arg7[%swap3A_3604, %swap3A_3605] {strides = array<i32>} : memref<32x80xf32, #tpu.memory_space<vmem>>, vector<1x16xf32>,
    %swap3A_3607 = vector.shape_cast %swap3A_3606 : vector<1x16xf32> to vector<16xf32>
    %swap3A_3608 = vector.shape_cast %div3A_3602 : vector<16xf32> to vector<1x16xf32>
    tpu.vector_store %arg7[%swap3A_3604, %swap3A_3605], %swap3A_3608 {strides = array<i32>} : memref<32x80xf32, #tpu.memory_space<vmem>>, vector<1x16xf32>,
    %div3A_3609 = arith.divf %exp3A_3548, %add3A_3580 : vector<16xf32>
    %swap3A_3610 = arith.constant 26 : i32
    %swap3A_3611 = arith.index_cast %swap3A_3610 : i32 to index
    %swap3A_3612 = arith.constant 64 : index
    %swap3A_3613 = tpu.vector_load %arg7[%swap3A_3611, %swap3A_3612] {strides = array<i32>} : memref<32x80xf32, #tpu.memory_space<vmem>>, vector<1x16xf32>,
    %swap3A_3614 = vector.shape_cast %swap3A_3613 : vector<1x16xf32> to vector<16xf32>
    %swap3A_3615 = vector.shape_cast %div3A_3609 : vector<16xf32> to vector<1x16xf32>
    tpu.vector_store %arg7[%swap3A_3611, %swap3A_3612], %swap3A_3615 {strides = array<i32>} : memref<32x80xf32, #tpu.memory_space<vmem>>, vector<1x16xf32>,
    %get3A_3616 = arith.constant 27 : i32
    %get3A_3617 = arith.index_cast %get3A_3616 : i32 to index
    %get3A_3618 = arith.constant 0 : index
    %get3A_3619 = tpu.vector_load %arg6[%get3A_3617, %get3A_3618] {strides = array<i32>} : memref<32x80xf32, #tpu.memory_space<vmem>>, vector<1x16xf32>,
    %get3A_3620 = vector.shape_cast %get3A_3619 : vector<1x16xf32> to vector<16xf32>
    %get3A_3621 = arith.constant 27 : i32
    %get3A_3622 = arith.index_cast %get3A_3621 : i32 to index
    %get3A_3623 = arith.constant 16 : index
    %get3A_3624 = tpu.vector_load %arg6[%get3A_3622, %get3A_3623] {strides = array<i32>} : memref<32x80xf32, #tpu.memory_space<vmem>>, vector<1x16xf32>,
    %get3A_3625 = vector.shape_cast %get3A_3624 : vector<1x16xf32> to vector<16xf32>
    %get3A_3626 = arith.constant 27 : i32
    %get3A_3627 = arith.index_cast %get3A_3626 : i32 to index
    %get3A_3628 = arith.constant 32 : index
    %get3A_3629 = tpu.vector_load %arg6[%get3A_3627, %get3A_3628] {strides = array<i32>} : memref<32x80xf32, #tpu.memory_space<vmem>>, vector<1x16xf32>,
    %get3A_3630 = vector.shape_cast %get3A_3629 : vector<1x16xf32> to vector<16xf32>
    %get3A_3631 = arith.constant 27 : i32
    %get3A_3632 = arith.index_cast %get3A_3631 : i32 to index
    %get3A_3633 = arith.constant 48 : index
    %get3A_3634 = tpu.vector_load %arg6[%get3A_3632, %get3A_3633] {strides = array<i32>} : memref<32x80xf32, #tpu.memory_space<vmem>>, vector<1x16xf32>,
    %get3A_3635 = vector.shape_cast %get3A_3634 : vector<1x16xf32> to vector<16xf32>
    %get3A_3636 = arith.constant 27 : i32
    %get3A_3637 = arith.index_cast %get3A_3636 : i32 to index
    %get3A_3638 = arith.constant 64 : index
    %get3A_3639 = tpu.vector_load %arg6[%get3A_3637, %get3A_3638] {strides = array<i32>} : memref<32x80xf32, #tpu.memory_space<vmem>>, vector<1x16xf32>,
    %get3A_3640 = vector.shape_cast %get3A_3639 : vector<1x16xf32> to vector<16xf32>
    %max3A_3641 = arith.maximumf %get3A_3620, %get3A_3625 : vector<16xf32>
    %max3A_3642 = arith.maximumf %get3A_3630, %get3A_3635 : vector<16xf32>
    %max3A_3643 = arith.maximumf %max3A_3641, %max3A_3642 : vector<16xf32>
    %max3A_3644 = arith.maximumf %max3A_3643, %get3A_3640 : vector<16xf32>
    %xor3A_3645 = arith.constant 8 : i32
    %xor3A_3646 = vector.broadcast %xor3A_3645 : i32 to vector<16xi32>
    %xor3A_3647 = arith.xori %iota3A, %xor3A_3646 : vector<16xi32>
    %broadcast_in_dim3A_3648 = vector.shape_cast %xor3A_3647 : vector<16xi32> to vector<16x1xi32>
    %gather3A_3649 = vector.shape_cast %broadcast_in_dim3A_3648 : vector<16x1xi32> to vector<16xi32>
    %gather3A_3650 = tpu.dynamic_gather %max3A_3644[%gather3A_3649] in [0] : vector<16xf32>, vector<16xi32> -> vector<16xf32>
    %max3A_3651 = arith.maximumf %max3A_3644, %gather3A_3650 : vector<16xf32>
    %xor3A_3652 = arith.constant 4 : i32
    %xor3A_3653 = vector.broadcast %xor3A_3652 : i32 to vector<16xi32>
    %xor3A_3654 = arith.xori %iota3A, %xor3A_3653 : vector<16xi32>
    %broadcast_in_dim3A_3655 = vector.shape_cast %xor3A_3654 : vector<16xi32> to vector<16x1xi32>
    %gather3A_3656 = vector.shape_cast %broadcast_in_dim3A_3655 : vector<16x1xi32> to vector<16xi32>
    %gather3A_3657 = tpu.dynamic_gather %max3A_3651[%gather3A_3656] in [0] : vector<16xf32>, vector<16xi32> -> vector<16xf32>
    %max3A_3658 = arith.maximumf %max3A_3651, %gather3A_3657 : vector<16xf32>
    %xor3A_3659 = arith.constant 2 : i32
    %xor3A_3660 = vector.broadcast %xor3A_3659 : i32 to vector<16xi32>
    %xor3A_3661 = arith.xori %iota3A, %xor3A_3660 : vector<16xi32>
    %broadcast_in_dim3A_3662 = vector.shape_cast %xor3A_3661 : vector<16xi32> to vector<16x1xi32>
    %gather3A_3663 = vector.shape_cast %broadcast_in_dim3A_3662 : vector<16x1xi32> to vector<16xi32>
    %gather3A_3664 = tpu.dynamic_gather %max3A_3658[%gather3A_3663] in [0] : vector<16xf32>, vector<16xi32> -> vector<16xf32>
    %max3A_3665 = arith.maximumf %max3A_3658, %gather3A_3664 : vector<16xf32>
    %xor3A_3666 = arith.constant 1 : i32
    %xor3A_3667 = vector.broadcast %xor3A_3666 : i32 to vector<16xi32>
    %xor3A_3668 = arith.xori %iota3A, %xor3A_3667 : vector<16xi32>
    %broadcast_in_dim3A_3669 = vector.shape_cast %xor3A_3668 : vector<16xi32> to vector<16x1xi32>
    %gather3A_3670 = vector.shape_cast %broadcast_in_dim3A_3669 : vector<16x1xi32> to vector<16xi32>
    %gather3A_3671 = tpu.dynamic_gather %max3A_3665[%gather3A_3670] in [0] : vector<16xf32>, vector<16xi32> -> vector<16xf32>
    %max3A_3672 = arith.maximumf %max3A_3665, %gather3A_3671 : vector<16xf32>
    %sub3A_3673 = arith.subf %get3A_3620, %max3A_3672 : vector<16xf32>
    %exp3A_3674 = math.exp %sub3A_3673 : vector<16xf32>
    %sub3A_3675 = arith.subf %get3A_3625, %max3A_3672 : vector<16xf32>
    %exp3A_3676 = math.exp %sub3A_3675 : vector<16xf32>
    %sub3A_3677 = arith.subf %get3A_3630, %max3A_3672 : vector<16xf32>
    %exp3A_3678 = math.exp %sub3A_3677 : vector<16xf32>
    %sub3A_3679 = arith.subf %get3A_3635, %max3A_3672 : vector<16xf32>
    %exp3A_3680 = math.exp %sub3A_3679 : vector<16xf32>
    %sub3A_3681 = arith.subf %get3A_3640, %max3A_3672 : vector<16xf32>
    %exp3A_3682 = math.exp %sub3A_3681 : vector<16xf32>
    %add3A_3683 = arith.addf %exp3A_3674, %exp3A_3676 : vector<16xf32>
    %add3A_3684 = arith.addf %exp3A_3678, %exp3A_3680 : vector<16xf32>
    %add3A_3685 = arith.addf %add3A_3683, %add3A_3684 : vector<16xf32>
    %add3A_3686 = arith.addf %add3A_3685, %exp3A_3682 : vector<16xf32>
    %xor3A_3687 = arith.constant 8 : i32
    %xor3A_3688 = vector.broadcast %xor3A_3687 : i32 to vector<16xi32>
    %xor3A_3689 = arith.xori %iota3A, %xor3A_3688 : vector<16xi32>
    %broadcast_in_dim3A_3690 = vector.shape_cast %xor3A_3689 : vector<16xi32> to vector<16x1xi32>
    %gather3A_3691 = vector.shape_cast %broadcast_in_dim3A_3690 : vector<16x1xi32> to vector<16xi32>
    %gather3A_3692 = tpu.dynamic_gather %add3A_3686[%gather3A_3691] in [0] : vector<16xf32>, vector<16xi32> -> vector<16xf32>
    %add3A_3693 = arith.addf %add3A_3686, %gather3A_3692 : vector<16xf32>
    %xor3A_3694 = arith.constant 4 : i32
    %xor3A_3695 = vector.broadcast %xor3A_3694 : i32 to vector<16xi32>
    %xor3A_3696 = arith.xori %iota3A, %xor3A_3695 : vector<16xi32>
    %broadcast_in_dim3A_3697 = vector.shape_cast %xor3A_3696 : vector<16xi32> to vector<16x1xi32>
    %gather3A_3698 = vector.shape_cast %broadcast_in_dim3A_3697 : vector<16x1xi32> to vector<16xi32>
    %gather3A_3699 = tpu.dynamic_gather %add3A_3693[%gather3A_3698] in [0] : vector<16xf32>, vector<16xi32> -> vector<16xf32>
    %add3A_3700 = arith.addf %add3A_3693, %gather3A_3699 : vector<16xf32>
    %xor3A_3701 = arith.constant 2 : i32
    %xor3A_3702 = vector.broadcast %xor3A_3701 : i32 to vector<16xi32>
    %xor3A_3703 = arith.xori %iota3A, %xor3A_3702 : vector<16xi32>
    %broadcast_in_dim3A_3704 = vector.shape_cast %xor3A_3703 : vector<16xi32> to vector<16x1xi32>
    %gather3A_3705 = vector.shape_cast %broadcast_in_dim3A_3704 : vector<16x1xi32> to vector<16xi32>
    %gather3A_3706 = tpu.dynamic_gather %add3A_3700[%gather3A_3705] in [0] : vector<16xf32>, vector<16xi32> -> vector<16xf32>
    %add3A_3707 = arith.addf %add3A_3700, %gather3A_3706 : vector<16xf32>
    %xor3A_3708 = arith.constant 1 : i32
    %xor3A_3709 = vector.broadcast %xor3A_3708 : i32 to vector<16xi32>
    %xor3A_3710 = arith.xori %iota3A, %xor3A_3709 : vector<16xi32>
    %broadcast_in_dim3A_3711 = vector.shape_cast %xor3A_3710 : vector<16xi32> to vector<16x1xi32>
    %gather3A_3712 = vector.shape_cast %broadcast_in_dim3A_3711 : vector<16x1xi32> to vector<16xi32>
    %gather3A_3713 = tpu.dynamic_gather %add3A_3707[%gather3A_3712] in [0] : vector<16xf32>, vector<16xi32> -> vector<16xf32>
    %add3A_3714 = arith.addf %add3A_3707, %gather3A_3713 : vector<16xf32>
    %div3A_3715 = arith.divf %exp3A_3674, %add3A_3714 : vector<16xf32>
    %swap3A_3716 = arith.constant 27 : i32
    %swap3A_3717 = arith.index_cast %swap3A_3716 : i32 to index
    %swap3A_3718 = arith.constant 0 : index
    %swap3A_3719 = tpu.vector_load %arg7[%swap3A_3717, %swap3A_3718] {strides = array<i32>} : memref<32x80xf32, #tpu.memory_space<vmem>>, vector<1x16xf32>,
    %swap3A_3720 = vector.shape_cast %swap3A_3719 : vector<1x16xf32> to vector<16xf32>
    %swap3A_3721 = vector.shape_cast %div3A_3715 : vector<16xf32> to vector<1x16xf32>
    tpu.vector_store %arg7[%swap3A_3717, %swap3A_3718], %swap3A_3721 {strides = array<i32>} : memref<32x80xf32, #tpu.memory_space<vmem>>, vector<1x16xf32>,
    %div3A_3722 = arith.divf %exp3A_3676, %add3A_3714 : vector<16xf32>
    %swap3A_3723 = arith.constant 27 : i32
    %swap3A_3724 = arith.index_cast %swap3A_3723 : i32 to index
    %swap3A_3725 = arith.constant 16 : index
    %swap3A_3726 = tpu.vector_load %arg7[%swap3A_3724, %swap3A_3725] {strides = array<i32>} : memref<32x80xf32, #tpu.memory_space<vmem>>, vector<1x16xf32>,
    %swap3A_3727 = vector.shape_cast %swap3A_3726 : vector<1x16xf32> to vector<16xf32>
    %swap3A_3728 = vector.shape_cast %div3A_3722 : vector<16xf32> to vector<1x16xf32>
    tpu.vector_store %arg7[%swap3A_3724, %swap3A_3725], %swap3A_3728 {strides = array<i32>} : memref<32x80xf32, #tpu.memory_space<vmem>>, vector<1x16xf32>,
    %div3A_3729 = arith.divf %exp3A_3678, %add3A_3714 : vector<16xf32>
    %swap3A_3730 = arith.constant 27 : i32
    %swap3A_3731 = arith.index_cast %swap3A_3730 : i32 to index
    %swap3A_3732 = arith.constant 32 : index
    %swap3A_3733 = tpu.vector_load %arg7[%swap3A_3731, %swap3A_3732] {strides = array<i32>} : memref<32x80xf32, #tpu.memory_space<vmem>>, vector<1x16xf32>,
    %swap3A_3734 = vector.shape_cast %swap3A_3733 : vector<1x16xf32> to vector<16xf32>
    %swap3A_3735 = vector.shape_cast %div3A_3729 : vector<16xf32> to vector<1x16xf32>
    tpu.vector_store %arg7[%swap3A_3731, %swap3A_3732], %swap3A_3735 {strides = array<i32>} : memref<32x80xf32, #tpu.memory_space<vmem>>, vector<1x16xf32>,
    %div3A_3736 = arith.divf %exp3A_3680, %add3A_3714 : vector<16xf32>
    %swap3A_3737 = arith.constant 27 : i32
    %swap3A_3738 = arith.index_cast %swap3A_3737 : i32 to index
    %swap3A_3739 = arith.constant 48 : index
    %swap3A_3740 = tpu.vector_load %arg7[%swap3A_3738, %swap3A_3739] {strides = array<i32>} : memref<32x80xf32, #tpu.memory_space<vmem>>, vector<1x16xf32>,
    %swap3A_3741 = vector.shape_cast %swap3A_3740 : vector<1x16xf32> to vector<16xf32>
    %swap3A_3742 = vector.shape_cast %div3A_3736 : vector<16xf32> to vector<1x16xf32>
    tpu.vector_store %arg7[%swap3A_3738, %swap3A_3739], %swap3A_3742 {strides = array<i32>} : memref<32x80xf32, #tpu.memory_space<vmem>>, vector<1x16xf32>,
    %div3A_3743 = arith.divf %exp3A_3682, %add3A_3714 : vector<16xf32>
    %swap3A_3744 = arith.constant 27 : i32
    %swap3A_3745 = arith.index_cast %swap3A_3744 : i32 to index
    %swap3A_3746 = arith.constant 64 : index
    %swap3A_3747 = tpu.vector_load %arg7[%swap3A_3745, %swap3A_3746] {strides = array<i32>} : memref<32x80xf32, #tpu.memory_space<vmem>>, vector<1x16xf32>,
    %swap3A_3748 = vector.shape_cast %swap3A_3747 : vector<1x16xf32> to vector<16xf32>
    %swap3A_3749 = vector.shape_cast %div3A_3743 : vector<16xf32> to vector<1x16xf32>
    tpu.vector_store %arg7[%swap3A_3745, %swap3A_3746], %swap3A_3749 {strides = array<i32>} : memref<32x80xf32, #tpu.memory_space<vmem>>, vector<1x16xf32>,
    %get3A_3750 = arith.constant 28 : i32
    %get3A_3751 = arith.index_cast %get3A_3750 : i32 to index
    %get3A_3752 = arith.constant 0 : index
    %get3A_3753 = tpu.vector_load %arg6[%get3A_3751, %get3A_3752] {strides = array<i32>} : memref<32x80xf32, #tpu.memory_space<vmem>>, vector<1x16xf32>,
    %get3A_3754 = vector.shape_cast %get3A_3753 : vector<1x16xf32> to vector<16xf32>
    %get3A_3755 = arith.constant 28 : i32
    %get3A_3756 = arith.index_cast %get3A_3755 : i32 to index
    %get3A_3757 = arith.constant 16 : index
    %get3A_3758 = tpu.vector_load %arg6[%get3A_3756, %get3A_3757] {strides = array<i32>} : memref<32x80xf32, #tpu.memory_space<vmem>>, vector<1x16xf32>,
    %get3A_3759 = vector.shape_cast %get3A_3758 : vector<1x16xf32> to vector<16xf32>
    %get3A_3760 = arith.constant 28 : i32
    %get3A_3761 = arith.index_cast %get3A_3760 : i32 to index
    %get3A_3762 = arith.constant 32 : index
    %get3A_3763 = tpu.vector_load %arg6[%get3A_3761, %get3A_3762] {strides = array<i32>} : memref<32x80xf32, #tpu.memory_space<vmem>>, vector<1x16xf32>,
    %get3A_3764 = vector.shape_cast %get3A_3763 : vector<1x16xf32> to vector<16xf32>
    %get3A_3765 = arith.constant 28 : i32
    %get3A_3766 = arith.index_cast %get3A_3765 : i32 to index
    %get3A_3767 = arith.constant 48 : index
    %get3A_3768 = tpu.vector_load %arg6[%get3A_3766, %get3A_3767] {strides = array<i32>} : memref<32x80xf32, #tpu.memory_space<vmem>>, vector<1x16xf32>,
    %get3A_3769 = vector.shape_cast %get3A_3768 : vector<1x16xf32> to vector<16xf32>
    %get3A_3770 = arith.constant 28 : i32
    %get3A_3771 = arith.index_cast %get3A_3770 : i32 to index
    %get3A_3772 = arith.constant 64 : index
    %get3A_3773 = tpu.vector_load %arg6[%get3A_3771, %get3A_3772] {strides = array<i32>} : memref<32x80xf32, #tpu.memory_space<vmem>>, vector<1x16xf32>,
    %get3A_3774 = vector.shape_cast %get3A_3773 : vector<1x16xf32> to vector<16xf32>
    %max3A_3775 = arith.maximumf %get3A_3754, %get3A_3759 : vector<16xf32>
    %max3A_3776 = arith.maximumf %get3A_3764, %get3A_3769 : vector<16xf32>
    %max3A_3777 = arith.maximumf %max3A_3775, %max3A_3776 : vector<16xf32>
    %max3A_3778 = arith.maximumf %max3A_3777, %get3A_3774 : vector<16xf32>
    %xor3A_3779 = arith.constant 8 : i32
    %xor3A_3780 = vector.broadcast %xor3A_3779 : i32 to vector<16xi32>
    %xor3A_3781 = arith.xori %iota3A, %xor3A_3780 : vector<16xi32>
    %broadcast_in_dim3A_3782 = vector.shape_cast %xor3A_3781 : vector<16xi32> to vector<16x1xi32>
    %gather3A_3783 = vector.shape_cast %broadcast_in_dim3A_3782 : vector<16x1xi32> to vector<16xi32>
    %gather3A_3784 = tpu.dynamic_gather %max3A_3778[%gather3A_3783] in [0] : vector<16xf32>, vector<16xi32> -> vector<16xf32>
    %max3A_3785 = arith.maximumf %max3A_3778, %gather3A_3784 : vector<16xf32>
    %xor3A_3786 = arith.constant 4 : i32
    %xor3A_3787 = vector.broadcast %xor3A_3786 : i32 to vector<16xi32>
    %xor3A_3788 = arith.xori %iota3A, %xor3A_3787 : vector<16xi32>
    %broadcast_in_dim3A_3789 = vector.shape_cast %xor3A_3788 : vector<16xi32> to vector<16x1xi32>
    %gather3A_3790 = vector.shape_cast %broadcast_in_dim3A_3789 : vector<16x1xi32> to vector<16xi32>
    %gather3A_3791 = tpu.dynamic_gather %max3A_3785[%gather3A_3790] in [0] : vector<16xf32>, vector<16xi32> -> vector<16xf32>
    %max3A_3792 = arith.maximumf %max3A_3785, %gather3A_3791 : vector<16xf32>
    %xor3A_3793 = arith.constant 2 : i32
    %xor3A_3794 = vector.broadcast %xor3A_3793 : i32 to vector<16xi32>
    %xor3A_3795 = arith.xori %iota3A, %xor3A_3794 : vector<16xi32>
    %broadcast_in_dim3A_3796 = vector.shape_cast %xor3A_3795 : vector<16xi32> to vector<16x1xi32>
    %gather3A_3797 = vector.shape_cast %broadcast_in_dim3A_3796 : vector<16x1xi32> to vector<16xi32>
    %gather3A_3798 = tpu.dynamic_gather %max3A_3792[%gather3A_3797] in [0] : vector<16xf32>, vector<16xi32> -> vector<16xf32>
    %max3A_3799 = arith.maximumf %max3A_3792, %gather3A_3798 : vector<16xf32>
    %xor3A_3800 = arith.constant 1 : i32
    %xor3A_3801 = vector.broadcast %xor3A_3800 : i32 to vector<16xi32>
    %xor3A_3802 = arith.xori %iota3A, %xor3A_3801 : vector<16xi32>
    %broadcast_in_dim3A_3803 = vector.shape_cast %xor3A_3802 : vector<16xi32> to vector<16x1xi32>
    %gather3A_3804 = vector.shape_cast %broadcast_in_dim3A_3803 : vector<16x1xi32> to vector<16xi32>
    %gather3A_3805 = tpu.dynamic_gather %max3A_3799[%gather3A_3804] in [0] : vector<16xf32>, vector<16xi32> -> vector<16xf32>
    %max3A_3806 = arith.maximumf %max3A_3799, %gather3A_3805 : vector<16xf32>
    %sub3A_3807 = arith.subf %get3A_3754, %max3A_3806 : vector<16xf32>
    %exp3A_3808 = math.exp %sub3A_3807 : vector<16xf32>
    %sub3A_3809 = arith.subf %get3A_3759, %max3A_3806 : vector<16xf32>
    %exp3A_3810 = math.exp %sub3A_3809 : vector<16xf32>
    %sub3A_3811 = arith.subf %get3A_3764, %max3A_3806 : vector<16xf32>
    %exp3A_3812 = math.exp %sub3A_3811 : vector<16xf32>
    %sub3A_3813 = arith.subf %get3A_3769, %max3A_3806 : vector<16xf32>
    %exp3A_3814 = math.exp %sub3A_3813 : vector<16xf32>
    %sub3A_3815 = arith.subf %get3A_3774, %max3A_3806 : vector<16xf32>
    %exp3A_3816 = math.exp %sub3A_3815 : vector<16xf32>
    %add3A_3817 = arith.addf %exp3A_3808, %exp3A_3810 : vector<16xf32>
    %add3A_3818 = arith.addf %exp3A_3812, %exp3A_3814 : vector<16xf32>
    %add3A_3819 = arith.addf %add3A_3817, %add3A_3818 : vector<16xf32>
    %add3A_3820 = arith.addf %add3A_3819, %exp3A_3816 : vector<16xf32>
    %xor3A_3821 = arith.constant 8 : i32
    %xor3A_3822 = vector.broadcast %xor3A_3821 : i32 to vector<16xi32>
    %xor3A_3823 = arith.xori %iota3A, %xor3A_3822 : vector<16xi32>
    %broadcast_in_dim3A_3824 = vector.shape_cast %xor3A_3823 : vector<16xi32> to vector<16x1xi32>
    %gather3A_3825 = vector.shape_cast %broadcast_in_dim3A_3824 : vector<16x1xi32> to vector<16xi32>
    %gather3A_3826 = tpu.dynamic_gather %add3A_3820[%gather3A_3825] in [0] : vector<16xf32>, vector<16xi32> -> vector<16xf32>
    %add3A_3827 = arith.addf %add3A_3820, %gather3A_3826 : vector<16xf32>
    %xor3A_3828 = arith.constant 4 : i32
    %xor3A_3829 = vector.broadcast %xor3A_3828 : i32 to vector<16xi32>
    %xor3A_3830 = arith.xori %iota3A, %xor3A_3829 : vector<16xi32>
    %broadcast_in_dim3A_3831 = vector.shape_cast %xor3A_3830 : vector<16xi32> to vector<16x1xi32>
    %gather3A_3832 = vector.shape_cast %broadcast_in_dim3A_3831 : vector<16x1xi32> to vector<16xi32>
    %gather3A_3833 = tpu.dynamic_gather %add3A_3827[%gather3A_3832] in [0] : vector<16xf32>, vector<16xi32> -> vector<16xf32>
    %add3A_3834 = arith.addf %add3A_3827, %gather3A_3833 : vector<16xf32>
    %xor3A_3835 = arith.constant 2 : i32
    %xor3A_3836 = vector.broadcast %xor3A_3835 : i32 to vector<16xi32>
    %xor3A_3837 = arith.xori %iota3A, %xor3A_3836 : vector<16xi32>
    %broadcast_in_dim3A_3838 = vector.shape_cast %xor3A_3837 : vector<16xi32> to vector<16x1xi32>
    %gather3A_3839 = vector.shape_cast %broadcast_in_dim3A_3838 : vector<16x1xi32> to vector<16xi32>
    %gather3A_3840 = tpu.dynamic_gather %add3A_3834[%gather3A_3839] in [0] : vector<16xf32>, vector<16xi32> -> vector<16xf32>
    %add3A_3841 = arith.addf %add3A_3834, %gather3A_3840 : vector<16xf32>
    %xor3A_3842 = arith.constant 1 : i32
    %xor3A_3843 = vector.broadcast %xor3A_3842 : i32 to vector<16xi32>
    %xor3A_3844 = arith.xori %iota3A, %xor3A_3843 : vector<16xi32>
    %broadcast_in_dim3A_3845 = vector.shape_cast %xor3A_3844 : vector<16xi32> to vector<16x1xi32>
    %gather3A_3846 = vector.shape_cast %broadcast_in_dim3A_3845 : vector<16x1xi32> to vector<16xi32>
    %gather3A_3847 = tpu.dynamic_gather %add3A_3841[%gather3A_3846] in [0] : vector<16xf32>, vector<16xi32> -> vector<16xf32>
    %add3A_3848 = arith.addf %add3A_3841, %gather3A_3847 : vector<16xf32>
    %div3A_3849 = arith.divf %exp3A_3808, %add3A_3848 : vector<16xf32>
    %swap3A_3850 = arith.constant 28 : i32
    %swap3A_3851 = arith.index_cast %swap3A_3850 : i32 to index
    %swap3A_3852 = arith.constant 0 : index
    %swap3A_3853 = tpu.vector_load %arg7[%swap3A_3851, %swap3A_3852] {strides = array<i32>} : memref<32x80xf32, #tpu.memory_space<vmem>>, vector<1x16xf32>,
    %swap3A_3854 = vector.shape_cast %swap3A_3853 : vector<1x16xf32> to vector<16xf32>
    %swap3A_3855 = vector.shape_cast %div3A_3849 : vector<16xf32> to vector<1x16xf32>
    tpu.vector_store %arg7[%swap3A_3851, %swap3A_3852], %swap3A_3855 {strides = array<i32>} : memref<32x80xf32, #tpu.memory_space<vmem>>, vector<1x16xf32>,
    %div3A_3856 = arith.divf %exp3A_3810, %add3A_3848 : vector<16xf32>
    %swap3A_3857 = arith.constant 28 : i32
    %swap3A_3858 = arith.index_cast %swap3A_3857 : i32 to index
    %swap3A_3859 = arith.constant 16 : index
    %swap3A_3860 = tpu.vector_load %arg7[%swap3A_3858, %swap3A_3859] {strides = array<i32>} : memref<32x80xf32, #tpu.memory_space<vmem>>, vector<1x16xf32>,
    %swap3A_3861 = vector.shape_cast %swap3A_3860 : vector<1x16xf32> to vector<16xf32>
    %swap3A_3862 = vector.shape_cast %div3A_3856 : vector<16xf32> to vector<1x16xf32>
    tpu.vector_store %arg7[%swap3A_3858, %swap3A_3859], %swap3A_3862 {strides = array<i32>} : memref<32x80xf32, #tpu.memory_space<vmem>>, vector<1x16xf32>,
    %div3A_3863 = arith.divf %exp3A_3812, %add3A_3848 : vector<16xf32>
    %swap3A_3864 = arith.constant 28 : i32
    %swap3A_3865 = arith.index_cast %swap3A_3864 : i32 to index
    %swap3A_3866 = arith.constant 32 : index
    %swap3A_3867 = tpu.vector_load %arg7[%swap3A_3865, %swap3A_3866] {strides = array<i32>} : memref<32x80xf32, #tpu.memory_space<vmem>>, vector<1x16xf32>,
    %swap3A_3868 = vector.shape_cast %swap3A_3867 : vector<1x16xf32> to vector<16xf32>
    %swap3A_3869 = vector.shape_cast %div3A_3863 : vector<16xf32> to vector<1x16xf32>
    tpu.vector_store %arg7[%swap3A_3865, %swap3A_3866], %swap3A_3869 {strides = array<i32>} : memref<32x80xf32, #tpu.memory_space<vmem>>, vector<1x16xf32>,
    %div3A_3870 = arith.divf %exp3A_3814, %add3A_3848 : vector<16xf32>
    %swap3A_3871 = arith.constant 28 : i32
    %swap3A_3872 = arith.index_cast %swap3A_3871 : i32 to index
    %swap3A_3873 = arith.constant 48 : index
    %swap3A_3874 = tpu.vector_load %arg7[%swap3A_3872, %swap3A_3873] {strides = array<i32>} : memref<32x80xf32, #tpu.memory_space<vmem>>, vector<1x16xf32>,
    %swap3A_3875 = vector.shape_cast %swap3A_3874 : vector<1x16xf32> to vector<16xf32>
    %swap3A_3876 = vector.shape_cast %div3A_3870 : vector<16xf32> to vector<1x16xf32>
    tpu.vector_store %arg7[%swap3A_3872, %swap3A_3873], %swap3A_3876 {strides = array<i32>} : memref<32x80xf32, #tpu.memory_space<vmem>>, vector<1x16xf32>,
    %div3A_3877 = arith.divf %exp3A_3816, %add3A_3848 : vector<16xf32>
    %swap3A_3878 = arith.constant 28 : i32
    %swap3A_3879 = arith.index_cast %swap3A_3878 : i32 to index
    %swap3A_3880 = arith.constant 64 : index
    %swap3A_3881 = tpu.vector_load %arg7[%swap3A_3879, %swap3A_3880] {strides = array<i32>} : memref<32x80xf32, #tpu.memory_space<vmem>>, vector<1x16xf32>,
    %swap3A_3882 = vector.shape_cast %swap3A_3881 : vector<1x16xf32> to vector<16xf32>
    %swap3A_3883 = vector.shape_cast %div3A_3877 : vector<16xf32> to vector<1x16xf32>
    tpu.vector_store %arg7[%swap3A_3879, %swap3A_3880], %swap3A_3883 {strides = array<i32>} : memref<32x80xf32, #tpu.memory_space<vmem>>, vector<1x16xf32>,
    %get3A_3884 = arith.constant 29 : i32
    %get3A_3885 = arith.index_cast %get3A_3884 : i32 to index
    %get3A_3886 = arith.constant 0 : index
    %get3A_3887 = tpu.vector_load %arg6[%get3A_3885, %get3A_3886] {strides = array<i32>} : memref<32x80xf32, #tpu.memory_space<vmem>>, vector<1x16xf32>,
    %get3A_3888 = vector.shape_cast %get3A_3887 : vector<1x16xf32> to vector<16xf32>
    %get3A_3889 = arith.constant 29 : i32
    %get3A_3890 = arith.index_cast %get3A_3889 : i32 to index
    %get3A_3891 = arith.constant 16 : index
    %get3A_3892 = tpu.vector_load %arg6[%get3A_3890, %get3A_3891] {strides = array<i32>} : memref<32x80xf32, #tpu.memory_space<vmem>>, vector<1x16xf32>,
    %get3A_3893 = vector.shape_cast %get3A_3892 : vector<1x16xf32> to vector<16xf32>
    %get3A_3894 = arith.constant 29 : i32
    %get3A_3895 = arith.index_cast %get3A_3894 : i32 to index
    %get3A_3896 = arith.constant 32 : index
    %get3A_3897 = tpu.vector_load %arg6[%get3A_3895, %get3A_3896] {strides = array<i32>} : memref<32x80xf32, #tpu.memory_space<vmem>>, vector<1x16xf32>,
    %get3A_3898 = vector.shape_cast %get3A_3897 : vector<1x16xf32> to vector<16xf32>
    %get3A_3899 = arith.constant 29 : i32
    %get3A_3900 = arith.index_cast %get3A_3899 : i32 to index
    %get3A_3901 = arith.constant 48 : index
    %get3A_3902 = tpu.vector_load %arg6[%get3A_3900, %get3A_3901] {strides = array<i32>} : memref<32x80xf32, #tpu.memory_space<vmem>>, vector<1x16xf32>,
    %get3A_3903 = vector.shape_cast %get3A_3902 : vector<1x16xf32> to vector<16xf32>
    %get3A_3904 = arith.constant 29 : i32
    %get3A_3905 = arith.index_cast %get3A_3904 : i32 to index
    %get3A_3906 = arith.constant 64 : index
    %get3A_3907 = tpu.vector_load %arg6[%get3A_3905, %get3A_3906] {strides = array<i32>} : memref<32x80xf32, #tpu.memory_space<vmem>>, vector<1x16xf32>,
    %get3A_3908 = vector.shape_cast %get3A_3907 : vector<1x16xf32> to vector<16xf32>
    %max3A_3909 = arith.maximumf %get3A_3888, %get3A_3893 : vector<16xf32>
    %max3A_3910 = arith.maximumf %get3A_3898, %get3A_3903 : vector<16xf32>
    %max3A_3911 = arith.maximumf %max3A_3909, %max3A_3910 : vector<16xf32>
    %max3A_3912 = arith.maximumf %max3A_3911, %get3A_3908 : vector<16xf32>
    %xor3A_3913 = arith.constant 8 : i32
    %xor3A_3914 = vector.broadcast %xor3A_3913 : i32 to vector<16xi32>
    %xor3A_3915 = arith.xori %iota3A, %xor3A_3914 : vector<16xi32>
    %broadcast_in_dim3A_3916 = vector.shape_cast %xor3A_3915 : vector<16xi32> to vector<16x1xi32>
    %gather3A_3917 = vector.shape_cast %broadcast_in_dim3A_3916 : vector<16x1xi32> to vector<16xi32>
    %gather3A_3918 = tpu.dynamic_gather %max3A_3912[%gather3A_3917] in [0] : vector<16xf32>, vector<16xi32> -> vector<16xf32>
    %max3A_3919 = arith.maximumf %max3A_3912, %gather3A_3918 : vector<16xf32>
    %xor3A_3920 = arith.constant 4 : i32
    %xor3A_3921 = vector.broadcast %xor3A_3920 : i32 to vector<16xi32>
    %xor3A_3922 = arith.xori %iota3A, %xor3A_3921 : vector<16xi32>
    %broadcast_in_dim3A_3923 = vector.shape_cast %xor3A_3922 : vector<16xi32> to vector<16x1xi32>
    %gather3A_3924 = vector.shape_cast %broadcast_in_dim3A_3923 : vector<16x1xi32> to vector<16xi32>
    %gather3A_3925 = tpu.dynamic_gather %max3A_3919[%gather3A_3924] in [0] : vector<16xf32>, vector<16xi32> -> vector<16xf32>
    %max3A_3926 = arith.maximumf %max3A_3919, %gather3A_3925 : vector<16xf32>
    %xor3A_3927 = arith.constant 2 : i32
    %xor3A_3928 = vector.broadcast %xor3A_3927 : i32 to vector<16xi32>
    %xor3A_3929 = arith.xori %iota3A, %xor3A_3928 : vector<16xi32>
    %broadcast_in_dim3A_3930 = vector.shape_cast %xor3A_3929 : vector<16xi32> to vector<16x1xi32>
    %gather3A_3931 = vector.shape_cast %broadcast_in_dim3A_3930 : vector<16x1xi32> to vector<16xi32>
    %gather3A_3932 = tpu.dynamic_gather %max3A_3926[%gather3A_3931] in [0] : vector<16xf32>, vector<16xi32> -> vector<16xf32>
    %max3A_3933 = arith.maximumf %max3A_3926, %gather3A_3932 : vector<16xf32>
    %xor3A_3934 = arith.constant 1 : i32
    %xor3A_3935 = vector.broadcast %xor3A_3934 : i32 to vector<16xi32>
    %xor3A_3936 = arith.xori %iota3A, %xor3A_3935 : vector<16xi32>
    %broadcast_in_dim3A_3937 = vector.shape_cast %xor3A_3936 : vector<16xi32> to vector<16x1xi32>
    %gather3A_3938 = vector.shape_cast %broadcast_in_dim3A_3937 : vector<16x1xi32> to vector<16xi32>
    %gather3A_3939 = tpu.dynamic_gather %max3A_3933[%gather3A_3938] in [0] : vector<16xf32>, vector<16xi32> -> vector<16xf32>
    %max3A_3940 = arith.maximumf %max3A_3933, %gather3A_3939 : vector<16xf32>
    %sub3A_3941 = arith.subf %get3A_3888, %max3A_3940 : vector<16xf32>
    %exp3A_3942 = math.exp %sub3A_3941 : vector<16xf32>
    %sub3A_3943 = arith.subf %get3A_3893, %max3A_3940 : vector<16xf32>
    %exp3A_3944 = math.exp %sub3A_3943 : vector<16xf32>
    %sub3A_3945 = arith.subf %get3A_3898, %max3A_3940 : vector<16xf32>
    %exp3A_3946 = math.exp %sub3A_3945 : vector<16xf32>
    %sub3A_3947 = arith.subf %get3A_3903, %max3A_3940 : vector<16xf32>
    %exp3A_3948 = math.exp %sub3A_3947 : vector<16xf32>
    %sub3A_3949 = arith.subf %get3A_3908, %max3A_3940 : vector<16xf32>
    %exp3A_3950 = math.exp %sub3A_3949 : vector<16xf32>
    %add3A_3951 = arith.addf %exp3A_3942, %exp3A_3944 : vector<16xf32>
    %add3A_3952 = arith.addf %exp3A_3946, %exp3A_3948 : vector<16xf32>
    %add3A_3953 = arith.addf %add3A_3951, %add3A_3952 : vector<16xf32>
    %add3A_3954 = arith.addf %add3A_3953, %exp3A_3950 : vector<16xf32>
    %xor3A_3955 = arith.constant 8 : i32
    %xor3A_3956 = vector.broadcast %xor3A_3955 : i32 to vector<16xi32>
    %xor3A_3957 = arith.xori %iota3A, %xor3A_3956 : vector<16xi32>
    %broadcast_in_dim3A_3958 = vector.shape_cast %xor3A_3957 : vector<16xi32> to vector<16x1xi32>
    %gather3A_3959 = vector.shape_cast %broadcast_in_dim3A_3958 : vector<16x1xi32> to vector<16xi32>
    %gather3A_3960 = tpu.dynamic_gather %add3A_3954[%gather3A_3959] in [0] : vector<16xf32>, vector<16xi32> -> vector<16xf32>
    %add3A_3961 = arith.addf %add3A_3954, %gather3A_3960 : vector<16xf32>
    %xor3A_3962 = arith.constant 4 : i32
    %xor3A_3963 = vector.broadcast %xor3A_3962 : i32 to vector<16xi32>
    %xor3A_3964 = arith.xori %iota3A, %xor3A_3963 : vector<16xi32>
    %broadcast_in_dim3A_3965 = vector.shape_cast %xor3A_3964 : vector<16xi32> to vector<16x1xi32>
    %gather3A_3966 = vector.shape_cast %broadcast_in_dim3A_3965 : vector<16x1xi32> to vector<16xi32>
    %gather3A_3967 = tpu.dynamic_gather %add3A_3961[%gather3A_3966] in [0] : vector<16xf32>, vector<16xi32> -> vector<16xf32>
    %add3A_3968 = arith.addf %add3A_3961, %gather3A_3967 : vector<16xf32>
    %xor3A_3969 = arith.constant 2 : i32
    %xor3A_3970 = vector.broadcast %xor3A_3969 : i32 to vector<16xi32>
    %xor3A_3971 = arith.xori %iota3A, %xor3A_3970 : vector<16xi32>
    %broadcast_in_dim3A_3972 = vector.shape_cast %xor3A_3971 : vector<16xi32> to vector<16x1xi32>
    %gather3A_3973 = vector.shape_cast %broadcast_in_dim3A_3972 : vector<16x1xi32> to vector<16xi32>
    %gather3A_3974 = tpu.dynamic_gather %add3A_3968[%gather3A_3973] in [0] : vector<16xf32>, vector<16xi32> -> vector<16xf32>
    %add3A_3975 = arith.addf %add3A_3968, %gather3A_3974 : vector<16xf32>
    %xor3A_3976 = arith.constant 1 : i32
    %xor3A_3977 = vector.broadcast %xor3A_3976 : i32 to vector<16xi32>
    %xor3A_3978 = arith.xori %iota3A, %xor3A_3977 : vector<16xi32>
    %broadcast_in_dim3A_3979 = vector.shape_cast %xor3A_3978 : vector<16xi32> to vector<16x1xi32>
    %gather3A_3980 = vector.shape_cast %broadcast_in_dim3A_3979 : vector<16x1xi32> to vector<16xi32>
    %gather3A_3981 = tpu.dynamic_gather %add3A_3975[%gather3A_3980] in [0] : vector<16xf32>, vector<16xi32> -> vector<16xf32>
    %add3A_3982 = arith.addf %add3A_3975, %gather3A_3981 : vector<16xf32>
    %div3A_3983 = arith.divf %exp3A_3942, %add3A_3982 : vector<16xf32>
    %swap3A_3984 = arith.constant 29 : i32
    %swap3A_3985 = arith.index_cast %swap3A_3984 : i32 to index
    %swap3A_3986 = arith.constant 0 : index
    %swap3A_3987 = tpu.vector_load %arg7[%swap3A_3985, %swap3A_3986] {strides = array<i32>} : memref<32x80xf32, #tpu.memory_space<vmem>>, vector<1x16xf32>,
    %swap3A_3988 = vector.shape_cast %swap3A_3987 : vector<1x16xf32> to vector<16xf32>
    %swap3A_3989 = vector.shape_cast %div3A_3983 : vector<16xf32> to vector<1x16xf32>
    tpu.vector_store %arg7[%swap3A_3985, %swap3A_3986], %swap3A_3989 {strides = array<i32>} : memref<32x80xf32, #tpu.memory_space<vmem>>, vector<1x16xf32>,
    %div3A_3990 = arith.divf %exp3A_3944, %add3A_3982 : vector<16xf32>
    %swap3A_3991 = arith.constant 29 : i32
    %swap3A_3992 = arith.index_cast %swap3A_3991 : i32 to index
    %swap3A_3993 = arith.constant 16 : index
    %swap3A_3994 = tpu.vector_load %arg7[%swap3A_3992, %swap3A_3993] {strides = array<i32>} : memref<32x80xf32, #tpu.memory_space<vmem>>, vector<1x16xf32>,
    %swap3A_3995 = vector.shape_cast %swap3A_3994 : vector<1x16xf32> to vector<16xf32>
    %swap3A_3996 = vector.shape_cast %div3A_3990 : vector<16xf32> to vector<1x16xf32>
    tpu.vector_store %arg7[%swap3A_3992, %swap3A_3993], %swap3A_3996 {strides = array<i32>} : memref<32x80xf32, #tpu.memory_space<vmem>>, vector<1x16xf32>,
    %div3A_3997 = arith.divf %exp3A_3946, %add3A_3982 : vector<16xf32>
    %swap3A_3998 = arith.constant 29 : i32
    %swap3A_3999 = arith.index_cast %swap3A_3998 : i32 to index
    %swap3A_4000 = arith.constant 32 : index
    %swap3A_4001 = tpu.vector_load %arg7[%swap3A_3999, %swap3A_4000] {strides = array<i32>} : memref<32x80xf32, #tpu.memory_space<vmem>>, vector<1x16xf32>,
    %swap3A_4002 = vector.shape_cast %swap3A_4001 : vector<1x16xf32> to vector<16xf32>
    %swap3A_4003 = vector.shape_cast %div3A_3997 : vector<16xf32> to vector<1x16xf32>
    tpu.vector_store %arg7[%swap3A_3999, %swap3A_4000], %swap3A_4003 {strides = array<i32>} : memref<32x80xf32, #tpu.memory_space<vmem>>, vector<1x16xf32>,
    %div3A_4004 = arith.divf %exp3A_3948, %add3A_3982 : vector<16xf32>
    %swap3A_4005 = arith.constant 29 : i32
    %swap3A_4006 = arith.index_cast %swap3A_4005 : i32 to index
    %swap3A_4007 = arith.constant 48 : index
    %swap3A_4008 = tpu.vector_load %arg7[%swap3A_4006, %swap3A_4007] {strides = array<i32>} : memref<32x80xf32, #tpu.memory_space<vmem>>, vector<1x16xf32>,
    %swap3A_4009 = vector.shape_cast %swap3A_4008 : vector<1x16xf32> to vector<16xf32>
    %swap3A_4010 = vector.shape_cast %div3A_4004 : vector<16xf32> to vector<1x16xf32>
    tpu.vector_store %arg7[%swap3A_4006, %swap3A_4007], %swap3A_4010 {strides = array<i32>} : memref<32x80xf32, #tpu.memory_space<vmem>>, vector<1x16xf32>,
    %div3A_4011 = arith.divf %exp3A_3950, %add3A_3982 : vector<16xf32>
    %swap3A_4012 = arith.constant 29 : i32
    %swap3A_4013 = arith.index_cast %swap3A_4012 : i32 to index
    %swap3A_4014 = arith.constant 64 : index
    %swap3A_4015 = tpu.vector_load %arg7[%swap3A_4013, %swap3A_4014] {strides = array<i32>} : memref<32x80xf32, #tpu.memory_space<vmem>>, vector<1x16xf32>,
    %swap3A_4016 = vector.shape_cast %swap3A_4015 : vector<1x16xf32> to vector<16xf32>
    %swap3A_4017 = vector.shape_cast %div3A_4011 : vector<16xf32> to vector<1x16xf32>
    tpu.vector_store %arg7[%swap3A_4013, %swap3A_4014], %swap3A_4017 {strides = array<i32>} : memref<32x80xf32, #tpu.memory_space<vmem>>, vector<1x16xf32>,
    %get3A_4018 = arith.constant 30 : i32
    %get3A_4019 = arith.index_cast %get3A_4018 : i32 to index
    %get3A_4020 = arith.constant 0 : index
    %get3A_4021 = tpu.vector_load %arg6[%get3A_4019, %get3A_4020] {strides = array<i32>} : memref<32x80xf32, #tpu.memory_space<vmem>>, vector<1x16xf32>,
    %get3A_4022 = vector.shape_cast %get3A_4021 : vector<1x16xf32> to vector<16xf32>
    %get3A_4023 = arith.constant 30 : i32
    %get3A_4024 = arith.index_cast %get3A_4023 : i32 to index
    %get3A_4025 = arith.constant 16 : index
    %get3A_4026 = tpu.vector_load %arg6[%get3A_4024, %get3A_4025] {strides = array<i32>} : memref<32x80xf32, #tpu.memory_space<vmem>>, vector<1x16xf32>,
    %get3A_4027 = vector.shape_cast %get3A_4026 : vector<1x16xf32> to vector<16xf32>
    %get3A_4028 = arith.constant 30 : i32
    %get3A_4029 = arith.index_cast %get3A_4028 : i32 to index
    %get3A_4030 = arith.constant 32 : index
    %get3A_4031 = tpu.vector_load %arg6[%get3A_4029, %get3A_4030] {strides = array<i32>} : memref<32x80xf32, #tpu.memory_space<vmem>>, vector<1x16xf32>,
    %get3A_4032 = vector.shape_cast %get3A_4031 : vector<1x16xf32> to vector<16xf32>
    %get3A_4033 = arith.constant 30 : i32
    %get3A_4034 = arith.index_cast %get3A_4033 : i32 to index
    %get3A_4035 = arith.constant 48 : index
    %get3A_4036 = tpu.vector_load %arg6[%get3A_4034, %get3A_4035] {strides = array<i32>} : memref<32x80xf32, #tpu.memory_space<vmem>>, vector<1x16xf32>,
    %get3A_4037 = vector.shape_cast %get3A_4036 : vector<1x16xf32> to vector<16xf32>
    %get3A_4038 = arith.constant 30 : i32
    %get3A_4039 = arith.index_cast %get3A_4038 : i32 to index
    %get3A_4040 = arith.constant 64 : index
    %get3A_4041 = tpu.vector_load %arg6[%get3A_4039, %get3A_4040] {strides = array<i32>} : memref<32x80xf32, #tpu.memory_space<vmem>>, vector<1x16xf32>,
    %get3A_4042 = vector.shape_cast %get3A_4041 : vector<1x16xf32> to vector<16xf32>
    %max3A_4043 = arith.maximumf %get3A_4022, %get3A_4027 : vector<16xf32>
    %max3A_4044 = arith.maximumf %get3A_4032, %get3A_4037 : vector<16xf32>
    %max3A_4045 = arith.maximumf %max3A_4043, %max3A_4044 : vector<16xf32>
    %max3A_4046 = arith.maximumf %max3A_4045, %get3A_4042 : vector<16xf32>
    %xor3A_4047 = arith.constant 8 : i32
    %xor3A_4048 = vector.broadcast %xor3A_4047 : i32 to vector<16xi32>
    %xor3A_4049 = arith.xori %iota3A, %xor3A_4048 : vector<16xi32>
    %broadcast_in_dim3A_4050 = vector.shape_cast %xor3A_4049 : vector<16xi32> to vector<16x1xi32>
    %gather3A_4051 = vector.shape_cast %broadcast_in_dim3A_4050 : vector<16x1xi32> to vector<16xi32>
    %gather3A_4052 = tpu.dynamic_gather %max3A_4046[%gather3A_4051] in [0] : vector<16xf32>, vector<16xi32> -> vector<16xf32>
    %max3A_4053 = arith.maximumf %max3A_4046, %gather3A_4052 : vector<16xf32>
    %xor3A_4054 = arith.constant 4 : i32
    %xor3A_4055 = vector.broadcast %xor3A_4054 : i32 to vector<16xi32>
    %xor3A_4056 = arith.xori %iota3A, %xor3A_4055 : vector<16xi32>
    %broadcast_in_dim3A_4057 = vector.shape_cast %xor3A_4056 : vector<16xi32> to vector<16x1xi32>
    %gather3A_4058 = vector.shape_cast %broadcast_in_dim3A_4057 : vector<16x1xi32> to vector<16xi32>
    %gather3A_4059 = tpu.dynamic_gather %max3A_4053[%gather3A_4058] in [0] : vector<16xf32>, vector<16xi32> -> vector<16xf32>
    %max3A_4060 = arith.maximumf %max3A_4053, %gather3A_4059 : vector<16xf32>
    %xor3A_4061 = arith.constant 2 : i32
    %xor3A_4062 = vector.broadcast %xor3A_4061 : i32 to vector<16xi32>
    %xor3A_4063 = arith.xori %iota3A, %xor3A_4062 : vector<16xi32>
    %broadcast_in_dim3A_4064 = vector.shape_cast %xor3A_4063 : vector<16xi32> to vector<16x1xi32>
    %gather3A_4065 = vector.shape_cast %broadcast_in_dim3A_4064 : vector<16x1xi32> to vector<16xi32>
    %gather3A_4066 = tpu.dynamic_gather %max3A_4060[%gather3A_4065] in [0] : vector<16xf32>, vector<16xi32> -> vector<16xf32>
    %max3A_4067 = arith.maximumf %max3A_4060, %gather3A_4066 : vector<16xf32>
    %xor3A_4068 = arith.constant 1 : i32
    %xor3A_4069 = vector.broadcast %xor3A_4068 : i32 to vector<16xi32>
    %xor3A_4070 = arith.xori %iota3A, %xor3A_4069 : vector<16xi32>
    %broadcast_in_dim3A_4071 = vector.shape_cast %xor3A_4070 : vector<16xi32> to vector<16x1xi32>
    %gather3A_4072 = vector.shape_cast %broadcast_in_dim3A_4071 : vector<16x1xi32> to vector<16xi32>
    %gather3A_4073 = tpu.dynamic_gather %max3A_4067[%gather3A_4072] in [0] : vector<16xf32>, vector<16xi32> -> vector<16xf32>
    %max3A_4074 = arith.maximumf %max3A_4067, %gather3A_4073 : vector<16xf32>
    %sub3A_4075 = arith.subf %get3A_4022, %max3A_4074 : vector<16xf32>
    %exp3A_4076 = math.exp %sub3A_4075 : vector<16xf32>
    %sub3A_4077 = arith.subf %get3A_4027, %max3A_4074 : vector<16xf32>
    %exp3A_4078 = math.exp %sub3A_4077 : vector<16xf32>
    %sub3A_4079 = arith.subf %get3A_4032, %max3A_4074 : vector<16xf32>
    %exp3A_4080 = math.exp %sub3A_4079 : vector<16xf32>
    %sub3A_4081 = arith.subf %get3A_4037, %max3A_4074 : vector<16xf32>
    %exp3A_4082 = math.exp %sub3A_4081 : vector<16xf32>
    %sub3A_4083 = arith.subf %get3A_4042, %max3A_4074 : vector<16xf32>
    %exp3A_4084 = math.exp %sub3A_4083 : vector<16xf32>
    %add3A_4085 = arith.addf %exp3A_4076, %exp3A_4078 : vector<16xf32>
    %add3A_4086 = arith.addf %exp3A_4080, %exp3A_4082 : vector<16xf32>
    %add3A_4087 = arith.addf %add3A_4085, %add3A_4086 : vector<16xf32>
    %add3A_4088 = arith.addf %add3A_4087, %exp3A_4084 : vector<16xf32>
    %xor3A_4089 = arith.constant 8 : i32
    %xor3A_4090 = vector.broadcast %xor3A_4089 : i32 to vector<16xi32>
    %xor3A_4091 = arith.xori %iota3A, %xor3A_4090 : vector<16xi32>
    %broadcast_in_dim3A_4092 = vector.shape_cast %xor3A_4091 : vector<16xi32> to vector<16x1xi32>
    %gather3A_4093 = vector.shape_cast %broadcast_in_dim3A_4092 : vector<16x1xi32> to vector<16xi32>
    %gather3A_4094 = tpu.dynamic_gather %add3A_4088[%gather3A_4093] in [0] : vector<16xf32>, vector<16xi32> -> vector<16xf32>
    %add3A_4095 = arith.addf %add3A_4088, %gather3A_4094 : vector<16xf32>
    %xor3A_4096 = arith.constant 4 : i32
    %xor3A_4097 = vector.broadcast %xor3A_4096 : i32 to vector<16xi32>
    %xor3A_4098 = arith.xori %iota3A, %xor3A_4097 : vector<16xi32>
    %broadcast_in_dim3A_4099 = vector.shape_cast %xor3A_4098 : vector<16xi32> to vector<16x1xi32>
    %gather3A_4100 = vector.shape_cast %broadcast_in_dim3A_4099 : vector<16x1xi32> to vector<16xi32>
    %gather3A_4101 = tpu.dynamic_gather %add3A_4095[%gather3A_4100] in [0] : vector<16xf32>, vector<16xi32> -> vector<16xf32>
    %add3A_4102 = arith.addf %add3A_4095, %gather3A_4101 : vector<16xf32>
    %xor3A_4103 = arith.constant 2 : i32
    %xor3A_4104 = vector.broadcast %xor3A_4103 : i32 to vector<16xi32>
    %xor3A_4105 = arith.xori %iota3A, %xor3A_4104 : vector<16xi32>
    %broadcast_in_dim3A_4106 = vector.shape_cast %xor3A_4105 : vector<16xi32> to vector<16x1xi32>
    %gather3A_4107 = vector.shape_cast %broadcast_in_dim3A_4106 : vector<16x1xi32> to vector<16xi32>
    %gather3A_4108 = tpu.dynamic_gather %add3A_4102[%gather3A_4107] in [0] : vector<16xf32>, vector<16xi32> -> vector<16xf32>
    %add3A_4109 = arith.addf %add3A_4102, %gather3A_4108 : vector<16xf32>
    %xor3A_4110 = arith.constant 1 : i32
    %xor3A_4111 = vector.broadcast %xor3A_4110 : i32 to vector<16xi32>
    %xor3A_4112 = arith.xori %iota3A, %xor3A_4111 : vector<16xi32>
    %broadcast_in_dim3A_4113 = vector.shape_cast %xor3A_4112 : vector<16xi32> to vector<16x1xi32>
    %gather3A_4114 = vector.shape_cast %broadcast_in_dim3A_4113 : vector<16x1xi32> to vector<16xi32>
    %gather3A_4115 = tpu.dynamic_gather %add3A_4109[%gather3A_4114] in [0] : vector<16xf32>, vector<16xi32> -> vector<16xf32>
    %add3A_4116 = arith.addf %add3A_4109, %gather3A_4115 : vector<16xf32>
    %div3A_4117 = arith.divf %exp3A_4076, %add3A_4116 : vector<16xf32>
    %swap3A_4118 = arith.constant 30 : i32
    %swap3A_4119 = arith.index_cast %swap3A_4118 : i32 to index
    %swap3A_4120 = arith.constant 0 : index
    %swap3A_4121 = tpu.vector_load %arg7[%swap3A_4119, %swap3A_4120] {strides = array<i32>} : memref<32x80xf32, #tpu.memory_space<vmem>>, vector<1x16xf32>,
    %swap3A_4122 = vector.shape_cast %swap3A_4121 : vector<1x16xf32> to vector<16xf32>
    %swap3A_4123 = vector.shape_cast %div3A_4117 : vector<16xf32> to vector<1x16xf32>
    tpu.vector_store %arg7[%swap3A_4119, %swap3A_4120], %swap3A_4123 {strides = array<i32>} : memref<32x80xf32, #tpu.memory_space<vmem>>, vector<1x16xf32>,
    %div3A_4124 = arith.divf %exp3A_4078, %add3A_4116 : vector<16xf32>
    %swap3A_4125 = arith.constant 30 : i32
    %swap3A_4126 = arith.index_cast %swap3A_4125 : i32 to index
    %swap3A_4127 = arith.constant 16 : index
    %swap3A_4128 = tpu.vector_load %arg7[%swap3A_4126, %swap3A_4127] {strides = array<i32>} : memref<32x80xf32, #tpu.memory_space<vmem>>, vector<1x16xf32>,
    %swap3A_4129 = vector.shape_cast %swap3A_4128 : vector<1x16xf32> to vector<16xf32>
    %swap3A_4130 = vector.shape_cast %div3A_4124 : vector<16xf32> to vector<1x16xf32>
    tpu.vector_store %arg7[%swap3A_4126, %swap3A_4127], %swap3A_4130 {strides = array<i32>} : memref<32x80xf32, #tpu.memory_space<vmem>>, vector<1x16xf32>,
    %div3A_4131 = arith.divf %exp3A_4080, %add3A_4116 : vector<16xf32>
    %swap3A_4132 = arith.constant 30 : i32
    %swap3A_4133 = arith.index_cast %swap3A_4132 : i32 to index
    %swap3A_4134 = arith.constant 32 : index
    %swap3A_4135 = tpu.vector_load %arg7[%swap3A_4133, %swap3A_4134] {strides = array<i32>} : memref<32x80xf32, #tpu.memory_space<vmem>>, vector<1x16xf32>,
    %swap3A_4136 = vector.shape_cast %swap3A_4135 : vector<1x16xf32> to vector<16xf32>
    %swap3A_4137 = vector.shape_cast %div3A_4131 : vector<16xf32> to vector<1x16xf32>
    tpu.vector_store %arg7[%swap3A_4133, %swap3A_4134], %swap3A_4137 {strides = array<i32>} : memref<32x80xf32, #tpu.memory_space<vmem>>, vector<1x16xf32>,
    %div3A_4138 = arith.divf %exp3A_4082, %add3A_4116 : vector<16xf32>
    %swap3A_4139 = arith.constant 30 : i32
    %swap3A_4140 = arith.index_cast %swap3A_4139 : i32 to index
    %swap3A_4141 = arith.constant 48 : index
    %swap3A_4142 = tpu.vector_load %arg7[%swap3A_4140, %swap3A_4141] {strides = array<i32>} : memref<32x80xf32, #tpu.memory_space<vmem>>, vector<1x16xf32>,
    %swap3A_4143 = vector.shape_cast %swap3A_4142 : vector<1x16xf32> to vector<16xf32>
    %swap3A_4144 = vector.shape_cast %div3A_4138 : vector<16xf32> to vector<1x16xf32>
    tpu.vector_store %arg7[%swap3A_4140, %swap3A_4141], %swap3A_4144 {strides = array<i32>} : memref<32x80xf32, #tpu.memory_space<vmem>>, vector<1x16xf32>,
    %div3A_4145 = arith.divf %exp3A_4084, %add3A_4116 : vector<16xf32>
    %swap3A_4146 = arith.constant 30 : i32
    %swap3A_4147 = arith.index_cast %swap3A_4146 : i32 to index
    %swap3A_4148 = arith.constant 64 : index
    %swap3A_4149 = tpu.vector_load %arg7[%swap3A_4147, %swap3A_4148] {strides = array<i32>} : memref<32x80xf32, #tpu.memory_space<vmem>>, vector<1x16xf32>,
    %swap3A_4150 = vector.shape_cast %swap3A_4149 : vector<1x16xf32> to vector<16xf32>
    %swap3A_4151 = vector.shape_cast %div3A_4145 : vector<16xf32> to vector<1x16xf32>
    tpu.vector_store %arg7[%swap3A_4147, %swap3A_4148], %swap3A_4151 {strides = array<i32>} : memref<32x80xf32, #tpu.memory_space<vmem>>, vector<1x16xf32>,
    %get3A_4152 = arith.constant 31 : i32
    %get3A_4153 = arith.index_cast %get3A_4152 : i32 to index
    %get3A_4154 = arith.constant 0 : index
    %get3A_4155 = tpu.vector_load %arg6[%get3A_4153, %get3A_4154] {strides = array<i32>} : memref<32x80xf32, #tpu.memory_space<vmem>>, vector<1x16xf32>,
    %get3A_4156 = vector.shape_cast %get3A_4155 : vector<1x16xf32> to vector<16xf32>
    %get3A_4157 = arith.constant 31 : i32
    %get3A_4158 = arith.index_cast %get3A_4157 : i32 to index
    %get3A_4159 = arith.constant 16 : index
    %get3A_4160 = tpu.vector_load %arg6[%get3A_4158, %get3A_4159] {strides = array<i32>} : memref<32x80xf32, #tpu.memory_space<vmem>>, vector<1x16xf32>,
    %get3A_4161 = vector.shape_cast %get3A_4160 : vector<1x16xf32> to vector<16xf32>
    %get3A_4162 = arith.constant 31 : i32
    %get3A_4163 = arith.index_cast %get3A_4162 : i32 to index
    %get3A_4164 = arith.constant 32 : index
    %get3A_4165 = tpu.vector_load %arg6[%get3A_4163, %get3A_4164] {strides = array<i32>} : memref<32x80xf32, #tpu.memory_space<vmem>>, vector<1x16xf32>,
    %get3A_4166 = vector.shape_cast %get3A_4165 : vector<1x16xf32> to vector<16xf32>
    %get3A_4167 = arith.constant 31 : i32
    %get3A_4168 = arith.index_cast %get3A_4167 : i32 to index
    %get3A_4169 = arith.constant 48 : index
    %get3A_4170 = tpu.vector_load %arg6[%get3A_4168, %get3A_4169] {strides = array<i32>} : memref<32x80xf32, #tpu.memory_space<vmem>>, vector<1x16xf32>,
    %get3A_4171 = vector.shape_cast %get3A_4170 : vector<1x16xf32> to vector<16xf32>
    %get3A_4172 = arith.constant 31 : i32
    %get3A_4173 = arith.index_cast %get3A_4172 : i32 to index
    %get3A_4174 = arith.constant 64 : index
    %get3A_4175 = tpu.vector_load %arg6[%get3A_4173, %get3A_4174] {strides = array<i32>} : memref<32x80xf32, #tpu.memory_space<vmem>>, vector<1x16xf32>,
    %get3A_4176 = vector.shape_cast %get3A_4175 : vector<1x16xf32> to vector<16xf32>
    %max3A_4177 = arith.maximumf %get3A_4156, %get3A_4161 : vector<16xf32>
    %max3A_4178 = arith.maximumf %get3A_4166, %get3A_4171 : vector<16xf32>
    %max3A_4179 = arith.maximumf %max3A_4177, %max3A_4178 : vector<16xf32>
    %max3A_4180 = arith.maximumf %max3A_4179, %get3A_4176 : vector<16xf32>
    %xor3A_4181 = arith.constant 8 : i32
    %xor3A_4182 = vector.broadcast %xor3A_4181 : i32 to vector<16xi32>
    %xor3A_4183 = arith.xori %iota3A, %xor3A_4182 : vector<16xi32>
    %broadcast_in_dim3A_4184 = vector.shape_cast %xor3A_4183 : vector<16xi32> to vector<16x1xi32>
    %gather3A_4185 = vector.shape_cast %broadcast_in_dim3A_4184 : vector<16x1xi32> to vector<16xi32>
    %gather3A_4186 = tpu.dynamic_gather %max3A_4180[%gather3A_4185] in [0] : vector<16xf32>, vector<16xi32> -> vector<16xf32>
    %max3A_4187 = arith.maximumf %max3A_4180, %gather3A_4186 : vector<16xf32>
    %xor3A_4188 = arith.constant 4 : i32
    %xor3A_4189 = vector.broadcast %xor3A_4188 : i32 to vector<16xi32>
    %xor3A_4190 = arith.xori %iota3A, %xor3A_4189 : vector<16xi32>
    %broadcast_in_dim3A_4191 = vector.shape_cast %xor3A_4190 : vector<16xi32> to vector<16x1xi32>
    %gather3A_4192 = vector.shape_cast %broadcast_in_dim3A_4191 : vector<16x1xi32> to vector<16xi32>
    %gather3A_4193 = tpu.dynamic_gather %max3A_4187[%gather3A_4192] in [0] : vector<16xf32>, vector<16xi32> -> vector<16xf32>
    %max3A_4194 = arith.maximumf %max3A_4187, %gather3A_4193 : vector<16xf32>
    %xor3A_4195 = arith.constant 2 : i32
    %xor3A_4196 = vector.broadcast %xor3A_4195 : i32 to vector<16xi32>
    %xor3A_4197 = arith.xori %iota3A, %xor3A_4196 : vector<16xi32>
    %broadcast_in_dim3A_4198 = vector.shape_cast %xor3A_4197 : vector<16xi32> to vector<16x1xi32>
    %gather3A_4199 = vector.shape_cast %broadcast_in_dim3A_4198 : vector<16x1xi32> to vector<16xi32>
    %gather3A_4200 = tpu.dynamic_gather %max3A_4194[%gather3A_4199] in [0] : vector<16xf32>, vector<16xi32> -> vector<16xf32>
    %max3A_4201 = arith.maximumf %max3A_4194, %gather3A_4200 : vector<16xf32>
    %xor3A_4202 = arith.constant 1 : i32
    %xor3A_4203 = vector.broadcast %xor3A_4202 : i32 to vector<16xi32>
    %xor3A_4204 = arith.xori %iota3A, %xor3A_4203 : vector<16xi32>
    %broadcast_in_dim3A_4205 = vector.shape_cast %xor3A_4204 : vector<16xi32> to vector<16x1xi32>
    %gather3A_4206 = vector.shape_cast %broadcast_in_dim3A_4205 : vector<16x1xi32> to vector<16xi32>
    %gather3A_4207 = tpu.dynamic_gather %max3A_4201[%gather3A_4206] in [0] : vector<16xf32>, vector<16xi32> -> vector<16xf32>
    %max3A_4208 = arith.maximumf %max3A_4201, %gather3A_4207 : vector<16xf32>
    %sub3A_4209 = arith.subf %get3A_4156, %max3A_4208 : vector<16xf32>
    %exp3A_4210 = math.exp %sub3A_4209 : vector<16xf32>
    %sub3A_4211 = arith.subf %get3A_4161, %max3A_4208 : vector<16xf32>
    %exp3A_4212 = math.exp %sub3A_4211 : vector<16xf32>
    %sub3A_4213 = arith.subf %get3A_4166, %max3A_4208 : vector<16xf32>
    %exp3A_4214 = math.exp %sub3A_4213 : vector<16xf32>
    %sub3A_4215 = arith.subf %get3A_4171, %max3A_4208 : vector<16xf32>
    %exp3A_4216 = math.exp %sub3A_4215 : vector<16xf32>
    %sub3A_4217 = arith.subf %get3A_4176, %max3A_4208 : vector<16xf32>
    %exp3A_4218 = math.exp %sub3A_4217 : vector<16xf32>
    %add3A_4219 = arith.addf %exp3A_4210, %exp3A_4212 : vector<16xf32>
    %add3A_4220 = arith.addf %exp3A_4214, %exp3A_4216 : vector<16xf32>
    %add3A_4221 = arith.addf %add3A_4219, %add3A_4220 : vector<16xf32>
    %add3A_4222 = arith.addf %add3A_4221, %exp3A_4218 : vector<16xf32>
    %xor3A_4223 = arith.constant 8 : i32
    %xor3A_4224 = vector.broadcast %xor3A_4223 : i32 to vector<16xi32>
    %xor3A_4225 = arith.xori %iota3A, %xor3A_4224 : vector<16xi32>
    %broadcast_in_dim3A_4226 = vector.shape_cast %xor3A_4225 : vector<16xi32> to vector<16x1xi32>
    %gather3A_4227 = vector.shape_cast %broadcast_in_dim3A_4226 : vector<16x1xi32> to vector<16xi32>
    %gather3A_4228 = tpu.dynamic_gather %add3A_4222[%gather3A_4227] in [0] : vector<16xf32>, vector<16xi32> -> vector<16xf32>
    %add3A_4229 = arith.addf %add3A_4222, %gather3A_4228 : vector<16xf32>
    %xor3A_4230 = arith.constant 4 : i32
    %xor3A_4231 = vector.broadcast %xor3A_4230 : i32 to vector<16xi32>
    %xor3A_4232 = arith.xori %iota3A, %xor3A_4231 : vector<16xi32>
    %broadcast_in_dim3A_4233 = vector.shape_cast %xor3A_4232 : vector<16xi32> to vector<16x1xi32>
    %gather3A_4234 = vector.shape_cast %broadcast_in_dim3A_4233 : vector<16x1xi32> to vector<16xi32>
    %gather3A_4235 = tpu.dynamic_gather %add3A_4229[%gather3A_4234] in [0] : vector<16xf32>, vector<16xi32> -> vector<16xf32>
    %add3A_4236 = arith.addf %add3A_4229, %gather3A_4235 : vector<16xf32>
    %xor3A_4237 = arith.constant 2 : i32
    %xor3A_4238 = vector.broadcast %xor3A_4237 : i32 to vector<16xi32>
    %xor3A_4239 = arith.xori %iota3A, %xor3A_4238 : vector<16xi32>
    %broadcast_in_dim3A_4240 = vector.shape_cast %xor3A_4239 : vector<16xi32> to vector<16x1xi32>
    %gather3A_4241 = vector.shape_cast %broadcast_in_dim3A_4240 : vector<16x1xi32> to vector<16xi32>
    %gather3A_4242 = tpu.dynamic_gather %add3A_4236[%gather3A_4241] in [0] : vector<16xf32>, vector<16xi32> -> vector<16xf32>
    %add3A_4243 = arith.addf %add3A_4236, %gather3A_4242 : vector<16xf32>
    %xor3A_4244 = arith.constant 1 : i32
    %xor3A_4245 = vector.broadcast %xor3A_4244 : i32 to vector<16xi32>
    %xor3A_4246 = arith.xori %iota3A, %xor3A_4245 : vector<16xi32>
    %broadcast_in_dim3A_4247 = vector.shape_cast %xor3A_4246 : vector<16xi32> to vector<16x1xi32>
    %gather3A_4248 = vector.shape_cast %broadcast_in_dim3A_4247 : vector<16x1xi32> to vector<16xi32>
    %gather3A_4249 = tpu.dynamic_gather %add3A_4243[%gather3A_4248] in [0] : vector<16xf32>, vector<16xi32> -> vector<16xf32>
    %add3A_4250 = arith.addf %add3A_4243, %gather3A_4249 : vector<16xf32>
    %div3A_4251 = arith.divf %exp3A_4210, %add3A_4250 : vector<16xf32>
    %swap3A_4252 = arith.constant 31 : i32
    %swap3A_4253 = arith.index_cast %swap3A_4252 : i32 to index
    %swap3A_4254 = arith.constant 0 : index
    %swap3A_4255 = tpu.vector_load %arg7[%swap3A_4253, %swap3A_4254] {strides = array<i32>} : memref<32x80xf32, #tpu.memory_space<vmem>>, vector<1x16xf32>,
    %swap3A_4256 = vector.shape_cast %swap3A_4255 : vector<1x16xf32> to vector<16xf32>
    %swap3A_4257 = vector.shape_cast %div3A_4251 : vector<16xf32> to vector<1x16xf32>
    tpu.vector_store %arg7[%swap3A_4253, %swap3A_4254], %swap3A_4257 {strides = array<i32>} : memref<32x80xf32, #tpu.memory_space<vmem>>, vector<1x16xf32>,
    %div3A_4258 = arith.divf %exp3A_4212, %add3A_4250 : vector<16xf32>
    %swap3A_4259 = arith.constant 31 : i32
    %swap3A_4260 = arith.index_cast %swap3A_4259 : i32 to index
    %swap3A_4261 = arith.constant 16 : index
    %swap3A_4262 = tpu.vector_load %arg7[%swap3A_4260, %swap3A_4261] {strides = array<i32>} : memref<32x80xf32, #tpu.memory_space<vmem>>, vector<1x16xf32>,
    %swap3A_4263 = vector.shape_cast %swap3A_4262 : vector<1x16xf32> to vector<16xf32>
    %swap3A_4264 = vector.shape_cast %div3A_4258 : vector<16xf32> to vector<1x16xf32>
    tpu.vector_store %arg7[%swap3A_4260, %swap3A_4261], %swap3A_4264 {strides = array<i32>} : memref<32x80xf32, #tpu.memory_space<vmem>>, vector<1x16xf32>,
    %div3A_4265 = arith.divf %exp3A_4214, %add3A_4250 : vector<16xf32>
    %swap3A_4266 = arith.constant 31 : i32
    %swap3A_4267 = arith.index_cast %swap3A_4266 : i32 to index
    %swap3A_4268 = arith.constant 32 : index
    %swap3A_4269 = tpu.vector_load %arg7[%swap3A_4267, %swap3A_4268] {strides = array<i32>} : memref<32x80xf32, #tpu.memory_space<vmem>>, vector<1x16xf32>,
    %swap3A_4270 = vector.shape_cast %swap3A_4269 : vector<1x16xf32> to vector<16xf32>
    %swap3A_4271 = vector.shape_cast %div3A_4265 : vector<16xf32> to vector<1x16xf32>
    tpu.vector_store %arg7[%swap3A_4267, %swap3A_4268], %swap3A_4271 {strides = array<i32>} : memref<32x80xf32, #tpu.memory_space<vmem>>, vector<1x16xf32>,
    %div3A_4272 = arith.divf %exp3A_4216, %add3A_4250 : vector<16xf32>
    %swap3A_4273 = arith.constant 31 : i32
    %swap3A_4274 = arith.index_cast %swap3A_4273 : i32 to index
    %swap3A_4275 = arith.constant 48 : index
    %swap3A_4276 = tpu.vector_load %arg7[%swap3A_4274, %swap3A_4275] {strides = array<i32>} : memref<32x80xf32, #tpu.memory_space<vmem>>, vector<1x16xf32>,
    %swap3A_4277 = vector.shape_cast %swap3A_4276 : vector<1x16xf32> to vector<16xf32>
    %swap3A_4278 = vector.shape_cast %div3A_4272 : vector<16xf32> to vector<1x16xf32>
    tpu.vector_store %arg7[%swap3A_4274, %swap3A_4275], %swap3A_4278 {strides = array<i32>} : memref<32x80xf32, #tpu.memory_space<vmem>>, vector<1x16xf32>,
    %div3A_4279 = arith.divf %exp3A_4218, %add3A_4250 : vector<16xf32>
    %swap3A_4280 = arith.constant 31 : i32
    %swap3A_4281 = arith.index_cast %swap3A_4280 : i32 to index
    %swap3A_4282 = arith.constant 64 : index
    %swap3A_4283 = tpu.vector_load %arg7[%swap3A_4281, %swap3A_4282] {strides = array<i32>} : memref<32x80xf32, #tpu.memory_space<vmem>>, vector<1x16xf32>,
    %swap3A_4284 = vector.shape_cast %swap3A_4283 : vector<1x16xf32> to vector<16xf32>
    %swap3A_4285 = vector.shape_cast %div3A_4279 : vector<16xf32> to vector<1x16xf32>
    tpu.vector_store %arg7[%swap3A_4281, %swap3A_4282], %swap3A_4285 {strides = array<i32>} : memref<32x80xf32, #tpu.memory_space<vmem>>, vector<1x16xf32>,
    "tpu.region"() ({
      %run_scoped3A = tpu.sem_alloc : memref<!tpu.dma_semaphore, #tpu.memory_space<semaphore_mem>>
      %dma_start3A_4286 = arith.constant 0 : i32
      %dma_start3A_4287 = tpu.memref_slice %arg4[%mul3A_2, %dma_start3A_4286] : memref<1024x80xf32, #tpu.memory_space<hbm>> -> memref<32x80xf32, #tpu.memory_space<hbm>>
      %dma_start3A_4288 = arith.constant 0 : i32
      %dma_start3A_4289 = tpu.memref_slice %arg4[%mul3A_2, %dma_start3A_4288] : memref<1024x80xf32, #tpu.memory_space<hbm>> -> memref<32x80xf32, #tpu.memory_space<hbm>>
      tpu.enqueue_dma source(%arg7 : memref<32x80xf32, #tpu.memory_space<vmem>>) target(%dma_start3A_4289 : memref<32x80xf32, #tpu.memory_space<hbm>>) target_semaphore(%run_scoped3A : memref<!tpu.dma_semaphore, #tpu.memory_space<semaphore_mem>>)
      %dma_wait3A_4290 = arith.constant 0 : i32
      %dma_wait3A_4291 = tpu.memref_slice %arg4[%mul3A_2, %dma_wait3A_4290] : memref<1024x80xf32, #tpu.memory_space<hbm>> -> memref<32x80xf32, #tpu.memory_space<hbm>>
      %dma_wait3A_4292 = arith.constant 0 : i32
      %dma_wait3A_4293 = tpu.memref_slice %arg4[%mul3A_2, %dma_wait3A_4292] : memref<1024x80xf32, #tpu.memory_space<hbm>> -> memref<32x80xf32, #tpu.memory_space<hbm>>
      tpu.wait_dma2 semaphore(%run_scoped3A : memref<!tpu.dma_semaphore, #tpu.memory_space<semaphore_mem>>) src(%arg7 : memref<32x80xf32, #tpu.memory_space<vmem>>) dst(%dma_wait3A_4293 : memref<32x80xf32, #tpu.memory_space<hbm>>)
      tpu.yield
    }) : () -> ()
    return
  }
}

module attributes {stable_mosaic.version = 14 : i64} {
  func.func @_nms_body(%arg0: memref<8x5000xf32, #tpu.memory_space<vmem>>, %arg1: memref<8x5000xf32, #tpu.memory_space<vmem>>, %arg2: memref<8x5000xf32, #tpu.memory_space<vmem>>, %arg3: memref<8x5000xf32, #tpu.memory_space<vmem>>, %arg4: memref<8x5000x80xf32, #tpu.memory_space<vmem>>, %arg5: memref<100x8xf32, #tpu.memory_space<vmem>>, %arg6: memref<100x8xf32, #tpu.memory_space<vmem>>, %arg7: memref<100x8xf32, #tpu.memory_space<vmem>>, %arg8: memref<100x8xf32, #tpu.memory_space<vmem>>, %arg9: memref<100x8xf32, #tpu.memory_space<vmem>>, %arg10: memref<100x8xi32, #tpu.memory_space<vmem>>, %arg11: memref<100x8xf32, #tpu.memory_space<vmem>>) attributes {dimension_semantics = [], scalar_prefetch = 0 : i64, scratch_operands = 0 : i64, tpu.core_type = #tpu.core_type<tc>} {
    %get3A = arith.constant 0 : index
    %get3A_0 = arith.constant 0 : index
    %get3A_1 = vector.load %arg0[%get3A, %get3A_0] : memref<8x5000xf32, #tpu.memory_space<vmem>>, vector<8x5000xf32>
    %get3A_2 = arith.constant 0 : index
    %get3A_3 = arith.constant 0 : index
    %get3A_4 = vector.load %arg1[%get3A_2, %get3A_3] : memref<8x5000xf32, #tpu.memory_space<vmem>>, vector<8x5000xf32>
    %get3A_5 = arith.constant 0 : index
    %get3A_6 = arith.constant 0 : index
    %get3A_7 = vector.load %arg2[%get3A_5, %get3A_6] : memref<8x5000xf32, #tpu.memory_space<vmem>>, vector<8x5000xf32>
    %sub3A = arith.subf %get3A_7, %get3A_1 : vector<8x5000xf32>
    %get3A_8 = arith.constant 0 : index
    %get3A_9 = arith.constant 0 : index
    %get3A_10 = vector.load %arg3[%get3A_8, %get3A_9] : memref<8x5000xf32, #tpu.memory_space<vmem>>, vector<8x5000xf32>
    %sub3A_11 = arith.subf %get3A_10, %get3A_4 : vector<8x5000xf32>
    %min3A = arith.minimumf %get3A_1, %sub3A : vector<8x5000xf32>
    %max3A = arith.maximumf %get3A_1, %sub3A : vector<8x5000xf32>
    %min3A_12 = arith.minimumf %get3A_4, %sub3A_11 : vector<8x5000xf32>
    %max3A_13 = arith.maximumf %get3A_4, %sub3A_11 : vector<8x5000xf32>
    %sub3A_14 = arith.subf %max3A, %min3A : vector<8x5000xf32>
    %sub3A_15 = arith.subf %max3A_13, %min3A_12 : vector<8x5000xf32>
    %mul3A = arith.mulf %sub3A_14, %sub3A_15 : vector<8x5000xf32>
    %get3A_16 = arith.constant 0 : index
    %get3A_17 = arith.constant 0 : index
    %get3A_18 = arith.constant 0 : index
    %get3A_19 = vector.load %arg4[%get3A_16, %get3A_17, %get3A_18] : memref<8x5000x80xf32, #tpu.memory_space<vmem>>, vector<1x5000x80xf32>
    %get3A_20 = vector.shape_cast %get3A_19 : vector<1x5000x80xf32> to vector<5000x80xf32>
    %reduce_max3A = arith.constant dense<0xFF800000> : vector<5000xf32>
    %reduce_max3A_21 = vector.multi_reduction <maximumf>, %get3A_20, %reduce_max3A [1] : vector<5000x80xf32> to vector<5000xf32>
    %broadcast_in_dim3A = vector.shape_cast %reduce_max3A_21 : vector<5000xf32> to vector<5000x1xf32>
    %transpose3A = tpu.transpose %broadcast_in_dim3A, [1, 0] : vector<5000x1xf32> -> vector<1x5000xf32>
    %get3A_22 = arith.constant 1 : index
    %get3A_23 = arith.constant 0 : index
    %get3A_24 = arith.constant 0 : index
    %get3A_25 = vector.load %arg4[%get3A_22, %get3A_23, %get3A_24] : memref<8x5000x80xf32, #tpu.memory_space<vmem>>, vector<1x5000x80xf32>
    %get3A_26 = vector.shape_cast %get3A_25 : vector<1x5000x80xf32> to vector<5000x80xf32>
    %reduce_max3A_27 = arith.constant dense<0xFF800000> : vector<5000xf32>
    %reduce_max3A_28 = vector.multi_reduction <maximumf>, %get3A_26, %reduce_max3A_27 [1] : vector<5000x80xf32> to vector<5000xf32>
    %broadcast_in_dim3A_29 = vector.shape_cast %reduce_max3A_28 : vector<5000xf32> to vector<5000x1xf32>
    %transpose3A_30 = tpu.transpose %broadcast_in_dim3A_29, [1, 0] : vector<5000x1xf32> -> vector<1x5000xf32>
    %get3A_31 = arith.constant 2 : index
    %get3A_32 = arith.constant 0 : index
    %get3A_33 = arith.constant 0 : index
    %get3A_34 = vector.load %arg4[%get3A_31, %get3A_32, %get3A_33] : memref<8x5000x80xf32, #tpu.memory_space<vmem>>, vector<1x5000x80xf32>
    %get3A_35 = vector.shape_cast %get3A_34 : vector<1x5000x80xf32> to vector<5000x80xf32>
    %reduce_max3A_36 = arith.constant dense<0xFF800000> : vector<5000xf32>
    %reduce_max3A_37 = vector.multi_reduction <maximumf>, %get3A_35, %reduce_max3A_36 [1] : vector<5000x80xf32> to vector<5000xf32>
    %broadcast_in_dim3A_38 = vector.shape_cast %reduce_max3A_37 : vector<5000xf32> to vector<5000x1xf32>
    %transpose3A_39 = tpu.transpose %broadcast_in_dim3A_38, [1, 0] : vector<5000x1xf32> -> vector<1x5000xf32>
    %get3A_40 = arith.constant 3 : index
    %get3A_41 = arith.constant 0 : index
    %get3A_42 = arith.constant 0 : index
    %get3A_43 = vector.load %arg4[%get3A_40, %get3A_41, %get3A_42] : memref<8x5000x80xf32, #tpu.memory_space<vmem>>, vector<1x5000x80xf32>
    %get3A_44 = vector.shape_cast %get3A_43 : vector<1x5000x80xf32> to vector<5000x80xf32>
    %reduce_max3A_45 = arith.constant dense<0xFF800000> : vector<5000xf32>
    %reduce_max3A_46 = vector.multi_reduction <maximumf>, %get3A_44, %reduce_max3A_45 [1] : vector<5000x80xf32> to vector<5000xf32>
    %broadcast_in_dim3A_47 = vector.shape_cast %reduce_max3A_46 : vector<5000xf32> to vector<5000x1xf32>
    %transpose3A_48 = tpu.transpose %broadcast_in_dim3A_47, [1, 0] : vector<5000x1xf32> -> vector<1x5000xf32>
    %get3A_49 = arith.constant 4 : index
    %get3A_50 = arith.constant 0 : index
    %get3A_51 = arith.constant 0 : index
    %get3A_52 = vector.load %arg4[%get3A_49, %get3A_50, %get3A_51] : memref<8x5000x80xf32, #tpu.memory_space<vmem>>, vector<1x5000x80xf32>
    %get3A_53 = vector.shape_cast %get3A_52 : vector<1x5000x80xf32> to vector<5000x80xf32>
    %reduce_max3A_54 = arith.constant dense<0xFF800000> : vector<5000xf32>
    %reduce_max3A_55 = vector.multi_reduction <maximumf>, %get3A_53, %reduce_max3A_54 [1] : vector<5000x80xf32> to vector<5000xf32>
    %broadcast_in_dim3A_56 = vector.shape_cast %reduce_max3A_55 : vector<5000xf32> to vector<5000x1xf32>
    %transpose3A_57 = tpu.transpose %broadcast_in_dim3A_56, [1, 0] : vector<5000x1xf32> -> vector<1x5000xf32>
    %get3A_58 = arith.constant 5 : index
    %get3A_59 = arith.constant 0 : index
    %get3A_60 = arith.constant 0 : index
    %get3A_61 = vector.load %arg4[%get3A_58, %get3A_59, %get3A_60] : memref<8x5000x80xf32, #tpu.memory_space<vmem>>, vector<1x5000x80xf32>
    %get3A_62 = vector.shape_cast %get3A_61 : vector<1x5000x80xf32> to vector<5000x80xf32>
    %reduce_max3A_63 = arith.constant dense<0xFF800000> : vector<5000xf32>
    %reduce_max3A_64 = vector.multi_reduction <maximumf>, %get3A_62, %reduce_max3A_63 [1] : vector<5000x80xf32> to vector<5000xf32>
    %broadcast_in_dim3A_65 = vector.shape_cast %reduce_max3A_64 : vector<5000xf32> to vector<5000x1xf32>
    %transpose3A_66 = tpu.transpose %broadcast_in_dim3A_65, [1, 0] : vector<5000x1xf32> -> vector<1x5000xf32>
    %get3A_67 = arith.constant 6 : index
    %get3A_68 = arith.constant 0 : index
    %get3A_69 = arith.constant 0 : index
    %get3A_70 = vector.load %arg4[%get3A_67, %get3A_68, %get3A_69] : memref<8x5000x80xf32, #tpu.memory_space<vmem>>, vector<1x5000x80xf32>
    %get3A_71 = vector.shape_cast %get3A_70 : vector<1x5000x80xf32> to vector<5000x80xf32>
    %reduce_max3A_72 = arith.constant dense<0xFF800000> : vector<5000xf32>
    %reduce_max3A_73 = vector.multi_reduction <maximumf>, %get3A_71, %reduce_max3A_72 [1] : vector<5000x80xf32> to vector<5000xf32>
    %broadcast_in_dim3A_74 = vector.shape_cast %reduce_max3A_73 : vector<5000xf32> to vector<5000x1xf32>
    %transpose3A_75 = tpu.transpose %broadcast_in_dim3A_74, [1, 0] : vector<5000x1xf32> -> vector<1x5000xf32>
    %get3A_76 = arith.constant 7 : index
    %get3A_77 = arith.constant 0 : index
    %get3A_78 = arith.constant 0 : index
    %get3A_79 = vector.load %arg4[%get3A_76, %get3A_77, %get3A_78] : memref<8x5000x80xf32, #tpu.memory_space<vmem>>, vector<1x5000x80xf32>
    %get3A_80 = vector.shape_cast %get3A_79 : vector<1x5000x80xf32> to vector<5000x80xf32>
    %reduce_max3A_81 = arith.constant dense<0xFF800000> : vector<5000xf32>
    %reduce_max3A_82 = vector.multi_reduction <maximumf>, %get3A_80, %reduce_max3A_81 [1] : vector<5000x80xf32> to vector<5000xf32>
    %broadcast_in_dim3A_83 = vector.shape_cast %reduce_max3A_82 : vector<5000xf32> to vector<5000x1xf32>
    %transpose3A_84 = tpu.transpose %broadcast_in_dim3A_83, [1, 0] : vector<5000x1xf32> -> vector<1x5000xf32>
    %concatenate3A = tpu.concatenate %transpose3A, %transpose3A_30, %transpose3A_39, %transpose3A_48, %transpose3A_57, %transpose3A_66, %transpose3A_75, %transpose3A_84 in 0 : vector<1x5000xf32>, vector<1x5000xf32>, vector<1x5000xf32>, vector<1x5000xf32>, vector<1x5000xf32>, vector<1x5000xf32>, vector<1x5000xf32>, vector<1x5000xf32> -> vector<8x5000xf32>
    %logistic3A = arith.negf %concatenate3A : vector<8x5000xf32>
    %logistic3A_85 = math.exp %logistic3A : vector<8x5000xf32>
    %logistic3A_86 = arith.constant 1.000000e+00 : f32
    %logistic3A_87 = vector.broadcast %logistic3A_86 : f32 to vector<8x5000xf32>
    %logistic3A_88 = arith.addf %logistic3A_87, %logistic3A_85 : vector<8x5000xf32>
    %logistic3A_89 = arith.divf %logistic3A_87, %logistic3A_88 : vector<8x5000xf32>
    %iota3A = tpu.iota {dimensions = array<i32: 1>} : vector<8x5000xi32>
    %iota3A_90 = tpu.iota {dimensions = array<i32: 0>} : vector<8x1xi32>
    %mul3A_91 = arith.constant 5000 : i32
    %mul3A_92 = vector.broadcast %mul3A_91 : i32 to vector<8x1xi32>
    %mul3A_93 = arith.muli %iota3A_90, %mul3A_92 : vector<8x1xi32>
    %gt3A = arith.constant 5.000000e-01 : f32
    %gt3A_94 = vector.broadcast %gt3A : f32 to vector<8x5000xf32>
    %gt3A_95 = arith.cmpf ogt, %logistic3A_89, %gt3A_94 : vector<8x5000xf32>
    %jit3A = arith.constant 0xFF800000 : f32
    %broadcast_in_dim3A_96 = vector.broadcast %jit3A : f32 to vector<8x5000xf32>
    %select_n3A = arith.select %gt3A_95, %logistic3A_89, %broadcast_in_dim3A_96 : vector<8x5000xi1>, vector<8x5000xf32>
    %scan3A = arith.constant 0 : i32
    %scan3A_97 = arith.constant 100 : i32
    %scan3A_98 = arith.addi %scan3A, %scan3A_97 : i32
    %scan3A_99 = arith.constant 1 : i32
    %scan3A_100 = scf.for %scan3A_102 = %scan3A to %scan3A_98 step %scan3A_99 iter_args(%scan3A_103 = %select_n3A) -> (vector<8x5000xf32>)  : i32 {
      %reduce_max3A_104 = arith.constant dense<0xFF800000> : vector<8xf32>
      %reduce_max3A_105 = vector.multi_reduction <maximumf>, %scan3A_103, %reduce_max3A_104 [1] : vector<8x5000xf32> to vector<8xf32>
      %broadcast_in_dim3A_106 = vector.shape_cast %reduce_max3A_105 : vector<8xf32> to vector<8x1xf32>
      %eq3A = vector.broadcast %broadcast_in_dim3A_106 : vector<8x1xf32> to vector<8x5000xf32>
      %eq3A_107 = arith.cmpf oeq, %scan3A_103, %eq3A : vector<8x5000xf32>
      %jit3A_108 = arith.constant 5000 : i32
      %broadcast_in_dim3A_109 = vector.broadcast %jit3A_108 : i32 to vector<8x5000xi32>
      %select_n3A_110 = arith.select %eq3A_107, %iota3A, %broadcast_in_dim3A_109 : vector<8x5000xi1>, vector<8x5000xi32>
      %reduce_min3A = arith.constant dense<2147483647> : vector<8xi32>
      %reduce_min3A_111 = vector.multi_reduction <minsi>, %select_n3A_110, %reduce_min3A [1] : vector<8x5000xi32> to vector<8xi32>
      %broadcast_in_dim3A_112 = vector.shape_cast %reduce_min3A_111 : vector<8xi32> to vector<8x1xi32>
      %eq3A_113 = vector.broadcast %broadcast_in_dim3A_112 : vector<8x1xi32> to vector<8x5000xi32>
      %eq3A_114 = arith.cmpi eq, %iota3A, %eq3A_113 : vector<8x5000xi32>
      %gt3A_115 = arith.constant 5.000000e-01 : f32
      %gt3A_116 = vector.broadcast %gt3A_115 : f32 to vector<8x1xf32>
      %gt3A_117 = arith.cmpf ogt, %broadcast_in_dim3A_106, %gt3A_116 : vector<8x1xf32>
      %convert_element_type3A = arith.extui %gt3A_117 : vector<8x1xi1> to vector<8x1xi32>
      %convert_element_type3A_118 = arith.sitofp %convert_element_type3A : vector<8x1xi32> to vector<8x1xf32>
      %jit3A_119 = arith.constant 0.000000e+00 : f32
      %broadcast_in_dim3A_120 = vector.broadcast %jit3A_119 : f32 to vector<8x5000xf32>
      %select_n3A_121 = arith.select %eq3A_114, %get3A_1, %broadcast_in_dim3A_120 : vector<8x5000xi1>, vector<8x5000xf32>
      %reduce_sum3A = arith.constant dense<0.000000e+00> : vector<8xf32>
      %reduce_sum3A_122 = vector.multi_reduction <add>, %select_n3A_121, %reduce_sum3A [1] : vector<8x5000xf32> to vector<8xf32>
      %broadcast_in_dim3A_123 = vector.shape_cast %reduce_sum3A_122 : vector<8xf32> to vector<8x1xf32>
      %jit3A_124 = arith.constant 0.000000e+00 : f32
      %broadcast_in_dim3A_125 = vector.broadcast %jit3A_124 : f32 to vector<8x5000xf32>
      %select_n3A_126 = arith.select %eq3A_114, %get3A_4, %broadcast_in_dim3A_125 : vector<8x5000xi1>, vector<8x5000xf32>
      %reduce_sum3A_127 = arith.constant dense<0.000000e+00> : vector<8xf32>
      %reduce_sum3A_128 = vector.multi_reduction <add>, %select_n3A_126, %reduce_sum3A_127 [1] : vector<8x5000xf32> to vector<8xf32>
      %broadcast_in_dim3A_129 = vector.shape_cast %reduce_sum3A_128 : vector<8xf32> to vector<8x1xf32>
      %jit3A_130 = arith.constant 0.000000e+00 : f32
      %broadcast_in_dim3A_131 = vector.broadcast %jit3A_130 : f32 to vector<8x5000xf32>
      %select_n3A_132 = arith.select %eq3A_114, %sub3A, %broadcast_in_dim3A_131 : vector<8x5000xi1>, vector<8x5000xf32>
      %reduce_sum3A_133 = arith.constant dense<0.000000e+00> : vector<8xf32>
      %reduce_sum3A_134 = vector.multi_reduction <add>, %select_n3A_132, %reduce_sum3A_133 [1] : vector<8x5000xf32> to vector<8xf32>
      %broadcast_in_dim3A_135 = vector.shape_cast %reduce_sum3A_134 : vector<8xf32> to vector<8x1xf32>
      %jit3A_136 = arith.constant 0.000000e+00 : f32
      %broadcast_in_dim3A_137 = vector.broadcast %jit3A_136 : f32 to vector<8x5000xf32>
      %select_n3A_138 = arith.select %eq3A_114, %sub3A_11, %broadcast_in_dim3A_137 : vector<8x5000xi1>, vector<8x5000xf32>
      %reduce_sum3A_139 = arith.constant dense<0.000000e+00> : vector<8xf32>
      %reduce_sum3A_140 = vector.multi_reduction <add>, %select_n3A_138, %reduce_sum3A_139 [1] : vector<8x5000xf32> to vector<8xf32>
      %broadcast_in_dim3A_141 = vector.shape_cast %reduce_sum3A_140 : vector<8xf32> to vector<8x1xf32>
      %min3A_142 = arith.minimumf %broadcast_in_dim3A_123, %broadcast_in_dim3A_135 : vector<8x1xf32>
      %max3A_143 = arith.maximumf %broadcast_in_dim3A_123, %broadcast_in_dim3A_135 : vector<8x1xf32>
      %min3A_144 = arith.minimumf %broadcast_in_dim3A_129, %broadcast_in_dim3A_141 : vector<8x1xf32>
      %max3A_145 = arith.maximumf %broadcast_in_dim3A_129, %broadcast_in_dim3A_141 : vector<8x1xf32>
      %sub3A_146 = arith.subf %max3A_143, %min3A_142 : vector<8x1xf32>
      %sub3A_147 = arith.subf %max3A_145, %min3A_144 : vector<8x1xf32>
      %mul3A_148 = arith.mulf %sub3A_146, %sub3A_147 : vector<8x1xf32>
      %min3A_149 = vector.broadcast %max3A_143 : vector<8x1xf32> to vector<8x5000xf32>
      %min3A_150 = arith.minimumf %min3A_149, %max3A : vector<8x5000xf32>
      %max3A_151 = vector.broadcast %min3A_142 : vector<8x1xf32> to vector<8x5000xf32>
      %max3A_152 = arith.maximumf %max3A_151, %min3A : vector<8x5000xf32>
      %sub3A_153 = arith.subf %min3A_150, %max3A_152 : vector<8x5000xf32>
      %max3A_154 = arith.constant 0.000000e+00 : f32
      %max3A_155 = vector.broadcast %max3A_154 : f32 to vector<8x5000xf32>
      %max3A_156 = arith.maximumf %max3A_155, %sub3A_153 : vector<8x5000xf32>
      %min3A_157 = vector.broadcast %max3A_145 : vector<8x1xf32> to vector<8x5000xf32>
      %min3A_158 = arith.minimumf %min3A_157, %max3A_13 : vector<8x5000xf32>
      %max3A_159 = vector.broadcast %min3A_144 : vector<8x1xf32> to vector<8x5000xf32>
      %max3A_160 = arith.maximumf %max3A_159, %min3A_12 : vector<8x5000xf32>
      %sub3A_161 = arith.subf %min3A_158, %max3A_160 : vector<8x5000xf32>
      %max3A_162 = arith.constant 0.000000e+00 : f32
      %max3A_163 = vector.broadcast %max3A_162 : f32 to vector<8x5000xf32>
      %max3A_164 = arith.maximumf %max3A_163, %sub3A_161 : vector<8x5000xf32>
      %mul3A_165 = arith.mulf %max3A_156, %max3A_164 : vector<8x5000xf32>
      %add3A = vector.broadcast %mul3A_148 : vector<8x1xf32> to vector<8x5000xf32>
      %add3A_166 = arith.addf %add3A, %mul3A : vector<8x5000xf32>
      %sub3A_167 = arith.subf %add3A_166, %mul3A_165 : vector<8x5000xf32>
      %gt3A_168 = arith.constant 0.000000e+00 : f32
      %gt3A_169 = vector.broadcast %gt3A_168 : f32 to vector<8x5000xf32>
      %gt3A_170 = arith.cmpf ogt, %sub3A_167, %gt3A_169 : vector<8x5000xf32>
      %jit3A_171 = arith.constant 1.000000e+00 : f32
      %broadcast_in_dim3A_172 = vector.broadcast %jit3A_171 : f32 to vector<8x5000xf32>
      %select_n3A_173 = arith.select %gt3A_170, %sub3A_167, %broadcast_in_dim3A_172 : vector<8x5000xi1>, vector<8x5000xf32>
      %gt3A_174 = arith.constant 0.000000e+00 : f32
      %gt3A_175 = vector.broadcast %gt3A_174 : f32 to vector<8x5000xf32>
      %gt3A_176 = arith.cmpf ogt, %sub3A_167, %gt3A_175 : vector<8x5000xf32>
      %div3A = arith.divf %mul3A_165, %select_n3A_173 : vector<8x5000xf32>
      %jit3A_177 = arith.constant 0.000000e+00 : f32
      %broadcast_in_dim3A_178 = vector.broadcast %jit3A_177 : f32 to vector<8x5000xf32>
      %select_n3A_179 = arith.select %gt3A_176, %div3A, %broadcast_in_dim3A_178 : vector<8x5000xi1>, vector<8x5000xf32>
      %gt3A_180 = arith.constant 5.000000e-01 : f32
      %gt3A_181 = vector.broadcast %gt3A_180 : f32 to vector<8x5000xf32>
      %gt3A_182 = arith.cmpf ogt, %select_n3A_179, %gt3A_181 : vector<8x5000xf32>
      %or3A = arith.ori %gt3A_182, %eq3A_114 : vector<8x5000xi1>
      %not3A = arith.constant dense<true> : vector<8x1xi1>
      %not3A_183 = arith.xori %gt3A_117, %not3A : vector<8x1xi1>
      %or3A_184 = vector.broadcast %not3A_183 : vector<8x1xi1> to vector<8x5000xi1>
      %or3A_185 = arith.ori %or3A, %or3A_184 : vector<8x5000xi1>
      %jit3A_186 = arith.constant 0xFF800000 : f32
      %broadcast_in_dim3A_187 = vector.broadcast %jit3A_186 : f32 to vector<8x5000xf32>
      %select_n3A_188 = arith.select %or3A_185, %broadcast_in_dim3A_187, %scan3A_103 : vector<8x5000xi1>, vector<8x5000xf32>
      %mul3A_189 = arith.mulf %broadcast_in_dim3A_123, %convert_element_type3A_118 : vector<8x1xf32>
      %reshape3A = vector.shape_cast %mul3A_189 : vector<8x1xf32> to vector<1x8xf32>
      %swap3A = arith.index_cast %scan3A_102 : i32 to index
      %swap3A_190 = arith.constant 0 : index
      %swap3A_191 = vector.load %arg5[%swap3A, %swap3A_190] : memref<100x8xf32, #tpu.memory_space<vmem>>, vector<1x8xf32>
      tpu.vector_store %arg5[%swap3A, %swap3A_190], %reshape3A {strides = array<i32>} : memref<100x8xf32, #tpu.memory_space<vmem>>, vector<1x8xf32>,
      %mul3A_192 = arith.mulf %broadcast_in_dim3A_129, %convert_element_type3A_118 : vector<8x1xf32>
      %reshape3A_193 = vector.shape_cast %mul3A_192 : vector<8x1xf32> to vector<1x8xf32>
      %swap3A_194 = arith.index_cast %scan3A_102 : i32 to index
      %swap3A_195 = arith.constant 0 : index
      %swap3A_196 = vector.load %arg6[%swap3A_194, %swap3A_195] : memref<100x8xf32, #tpu.memory_space<vmem>>, vector<1x8xf32>
      tpu.vector_store %arg6[%swap3A_194, %swap3A_195], %reshape3A_193 {strides = array<i32>} : memref<100x8xf32, #tpu.memory_space<vmem>>, vector<1x8xf32>,
      %mul3A_197 = arith.mulf %broadcast_in_dim3A_135, %convert_element_type3A_118 : vector<8x1xf32>
      %reshape3A_198 = vector.shape_cast %mul3A_197 : vector<8x1xf32> to vector<1x8xf32>
      %swap3A_199 = arith.index_cast %scan3A_102 : i32 to index
      %swap3A_200 = arith.constant 0 : index
      %swap3A_201 = vector.load %arg7[%swap3A_199, %swap3A_200] : memref<100x8xf32, #tpu.memory_space<vmem>>, vector<1x8xf32>
      tpu.vector_store %arg7[%swap3A_199, %swap3A_200], %reshape3A_198 {strides = array<i32>} : memref<100x8xf32, #tpu.memory_space<vmem>>, vector<1x8xf32>,
      %mul3A_202 = arith.mulf %broadcast_in_dim3A_141, %convert_element_type3A_118 : vector<8x1xf32>
      %reshape3A_203 = vector.shape_cast %mul3A_202 : vector<8x1xf32> to vector<1x8xf32>
      %swap3A_204 = arith.index_cast %scan3A_102 : i32 to index
      %swap3A_205 = arith.constant 0 : index
      %swap3A_206 = vector.load %arg8[%swap3A_204, %swap3A_205] : memref<100x8xf32, #tpu.memory_space<vmem>>, vector<1x8xf32>
      tpu.vector_store %arg8[%swap3A_204, %swap3A_205], %reshape3A_203 {strides = array<i32>} : memref<100x8xf32, #tpu.memory_space<vmem>>, vector<1x8xf32>,
      %jit3A_207 = arith.constant 0.000000e+00 : f32
      %broadcast_in_dim3A_208 = vector.broadcast %jit3A_207 : f32 to vector<8x1xf32>
      %select_n3A_209 = arith.select %gt3A_117, %broadcast_in_dim3A_106, %broadcast_in_dim3A_208 : vector<8x1xi1>, vector<8x1xf32>
      %reshape3A_210 = vector.shape_cast %select_n3A_209 : vector<8x1xf32> to vector<1x8xf32>
      %swap3A_211 = arith.index_cast %scan3A_102 : i32 to index
      %swap3A_212 = arith.constant 0 : index
      %swap3A_213 = vector.load %arg9[%swap3A_211, %swap3A_212] : memref<100x8xf32, #tpu.memory_space<vmem>>, vector<1x8xf32>
      tpu.vector_store %arg9[%swap3A_211, %swap3A_212], %reshape3A_210 {strides = array<i32>} : memref<100x8xf32, #tpu.memory_space<vmem>>, vector<1x8xf32>,
      %add3A_214 = arith.addi %broadcast_in_dim3A_112, %mul3A_93 : vector<8x1xi32>
      %reshape3A_215 = vector.shape_cast %add3A_214 : vector<8x1xi32> to vector<1x8xi32>
      %swap3A_216 = arith.index_cast %scan3A_102 : i32 to index
      %swap3A_217 = arith.constant 0 : index
      %swap3A_218 = vector.load %arg10[%swap3A_216, %swap3A_217] : memref<100x8xi32, #tpu.memory_space<vmem>>, vector<1x8xi32>
      tpu.vector_store %arg10[%swap3A_216, %swap3A_217], %reshape3A_215 {strides = array<i32>} : memref<100x8xi32, #tpu.memory_space<vmem>>, vector<1x8xi32>,
      %reshape3A_219 = vector.shape_cast %convert_element_type3A_118 : vector<8x1xf32> to vector<1x8xf32>
      %swap3A_220 = arith.index_cast %scan3A_102 : i32 to index
      %swap3A_221 = arith.constant 0 : index
      %swap3A_222 = vector.load %arg11[%swap3A_220, %swap3A_221] : memref<100x8xf32, #tpu.memory_space<vmem>>, vector<1x8xf32>
      tpu.vector_store %arg11[%swap3A_220, %swap3A_221], %reshape3A_219 {strides = array<i32>} : memref<100x8xf32, #tpu.memory_space<vmem>>, vector<1x8xf32>,
      scf.yield %select_n3A_188 : vector<8x5000xf32>
    }
    %scan3A_101 = arith.constant 100 : i32
    return
  }
}

</mosaic_0001>

<sc_bundles>
// kernel: kernel.4.cloned.1.call-start
scs
__scs_entry_jumppad:
0x0: {  	(pc) =	sbr.rel $0x88, $3  }
0x1: {  	(tag) =	ssettag $0x0;
	lr =	simm.s32 $0x1  }
0x2: {  	[smem:$0x3F9F] =	sst lr;
	_ =	strace $0xD0000000  }
0x3: {  	_ = 	snop  }
0x4: {  	_ = 	snop  }
0x5: {  	_ = 	snop  }
0x6: {  	_ = 	snop  }
0x7: {  	_ = 	snop  }
__scs_overlays_trampoline_lowered:
0x8: {  	[smem:$0x3FAE] =	sst s0  }
0x9: {  	[smem:$0x3FAF] =	sst s1  }
0xa: {  	[smem:$0x3FB0] =	sst s2  }
0xb: {  	[smem:$0x3FB1] =	sst s3  }
0xc: {  	[smem:$0x3FB2] =	sst s4  }
0xd: {  	[smem:$0x3FB3] =	sst s5  }
0xe: {  	[smem:$0x3FB4] =	sst s6  }
0xf: {  	[smem:$0x3FB5] =	sst s7  }
0x10: {  	[smem:$0x3FB6] =	sst s8  }
0x11: {  	[smem:$0x3FB7] =	sst s9;
	s0 =	simm.s32 @!p0 $0x0  }
0x12: {  	s1 =	sld [smem:$0x3F9D];
	s0 =	simm.s32 @p0 $0x1  }
0x13: {  	[smem:$0x3FB8] =	sst s0;
	s0 =	simm.s32 @!p1 $0x0  }
0x14: {  	s2 =	sld [smem:$0x3F9C];
	s0 =	simm.s32 @p1 $0x1  }
0x15: {  	[smem:$0x3FB9] =	sst s0;
	s0 =	simm.s32 @!p2 $0x0  }
0x16: {  	s3 =	sld [smem:$0x3FDB];
	s0 =	simm.s32 @p2 $0x1  }
0x17: {  	s4 =	simm.s32 $0x1BF5;
	[smem:$0x3FBB] =	sst s0  }
0x18: {  	s0 =	sld [smem:$0x3F9E];
	_ =	swait.ge [sflag:s4], $0x0  }
0x19: {  	s7 =	sld [smem:$0x3F9F]  }
0x1a: {  	s8 =	sadd.s32 $0xFFFFE003, lr  }
0x1b: {  	s9 =	sadd.s32 $0xFFFFFEF7, lr;
	s5 =	simm.s32 $0xFFFFFFFF;
	p2 =	slt.u32 s8, $0xFFFFF086  }
0x1c: {  	p1 =	slt.u32 s9, $0xF7A;
	s5 =	simm.s32 @!p2 $0x0  }
0x1d: {  	s5 =	simm.s32 @p1 $0x1;
	p0 =	seq.s32 s7, s2  }
0x1e: {  	s7 =	smul.u32 @!p0 $0xF7A, s2;
	p2 =	seq.s32 @!p0 s5, $0x0  }
0x1f: {  	s9 =	smul.u32 $0xF7A, s1;
	s8 =	simm.s32 @!p0 $0x1BF5;
	p2 =	por !p2, p0  }
0x20: {  	[sflag:s8] =	ssyncset.s32 @!p0 $0xFFFFF086;
	s6 =	sadd.s32 @!p0 s3, s7;
	s7 =	simm.s32 @!p0 $0x108  }
0x21: {  	s3 =	sadd.s32 s3, s9;
	s6 =	sadd.s32 @!p0 $0x88, s6;
	s7 =	simm.s32 @p2 $0x1082  }
0x22: {  	[simem:s7], [sflag:s8] =	dma.local @!p0 [hbm:s6], $0xF7A  }
0x23: {  	s9 =	sor.u32 $0xD0000000, s2;
	s6 =	simm.s32 $0x108;
	_ =	swait.ge @!p0 [sflag:s8], $0x0  }
0x24: {  	s3 =	sadd.s32 $0x88, s3;
	s6 =	simm.s32 @!p1 $0x1082;
	[sflag:s4] =	ssyncset.s32 $0xFFFFF086  }
0x25: {  	[simem:s6], [sflag:s4] =	dma.local [hbm:s3], $0xF7A  }
0x26: {  	[smem:$0x3F9F] =	sst s1;
	(tag) =	ssettag s2;
	_ =	strace s9  }
0x27: {  	s1 =	sld [smem:$0x3FAF]  }
0x28: {  	s2 =	sld [smem:$0x3FB0]  }
0x29: {  	s4 =	sld [smem:$0x3FB2]  }
0x2a: {  	p0 =	seq.s32 s5, $0x0;
	s5 =	sld [smem:$0x3FB3]  }
0x2b: {  	s6 =	sld [smem:$0x3FB4]  }
0x2c: {  	s7 =	sld [smem:$0x3FB5]  }
0x2d: {  	s3 =	simm.s32 $0x108;
	s8 =	sld [smem:$0x3FB6]  }
0x2e: {  	s3 =	simm.s32 @!p0 $0x1082;
	s9 =	sld [smem:$0x3FB7]  }
0x2f: {  	lr =	sadd.s32 s0, s3;
	s0 =	sld [smem:$0x3FAE]  }
0x30: {  	s3 =	sld [smem:$0x3FB1]  }
0x31: {  	[smem:$0x3FBA] =	sst s10  }
0x32: {  	s10 =	sld [smem:$0x3FB8];
	_ =	sdelay $0x3  }
0x33: {  	p0 =	seq.s32 s10, $0x1;
	s10 =	sld [smem:$0x3FBA];
	_ =	sdelay $0x3  }
0x34: {  	[smem:$0x3FBA] =	sst s10  }
0x35: {  	s10 =	sld [smem:$0x3FB9];
	_ =	sdelay $0x3  }
0x36: {  	p1 =	seq.s32 s10, $0x1;
	s10 =	sld [smem:$0x3FBA];
	_ =	sdelay $0x3  }
0x37: {  	[smem:$0x3FBA] =	sst s10  }
0x38: {  	s10 =	sld [smem:$0x3FBB]  }
0x39: {  	_ = 	snop;
	(pc) =	sbr.ind lr, $3  }
0x3a: {  	_ = 	snop  }
0x3b: {  	_ = 	snop  }
0x3c: {  	p2 =	seq.s32 s10, $0x1;
	s10 =	sld [smem:$0x3FBA]  }
0x3d: {  	_ =	shalt  }
0x3e: {  	_ =	shalt  }
0x3f: {  	_ =	shalt  }
0x40: {  	_ =	shalt  }
0x41: {  	_ =	shalt  }
0x42: {  	_ =	shalt  }
0x43: {  	_ =	shalt  }
0x44: {  	_ =	shalt  }
0x45: {  	_ =	shalt  }
0x46: {  	_ =	shalt  }
0x47: {  	_ =	shalt  }
0x48: {  	_ =	shalt  }
0x49: {  	_ =	shalt  }
0x4a: {  	_ =	shalt  }
0x4b: {  	_ =	shalt  }
0x4c: {  	_ =	shalt  }
0x4d: {  	_ =	shalt  }
0x4e: {  	_ =	shalt  }
0x4f: {  	_ =	shalt  }
0x50: {  	_ =	shalt  }
0x51: {  	_ =	shalt  }
0x52: {  	_ =	shalt  }
0x53: {  	_ =	shalt  }
0x54: {  	_ =	shalt  }
0x55: {  	_ =	shalt  }
0x56: {  	_ =	shalt  }
0x57: {  	_ =	shalt  }
0x58: {  	_ =	shalt  }
0x59: {  	_ =	shalt  }
0x5a: {  	_ =	shalt  }
0x5b: {  	_ =	shalt  }
0x5c: {  	_ =	shalt  }
0x5d: {  	_ =	shalt  }
0x5e: {  	_ =	shalt  }
0x5f: {  	_ =	shalt  }
0x60: {  	_ =	shalt  }
0x61: {  	_ =	shalt  }
0x62: {  	_ =	shalt  }
0x63: {  	_ =	shalt  }
0x64: {  	_ =	shalt  }
0x65: {  	_ =	shalt  }
0x66: {  	_ =	shalt  }
0x67: {  	_ =	shalt  }
0x68: {  	_ =	shalt  }
0x69: {  	_ =	shalt  }
0x6a: {  	_ =	shalt  }
0x6b: {  	_ =	shalt  }
0x6c: {  	_ =	shalt  }
0x6d: {  	_ =	shalt  }
0x6e: {  	_ =	shalt  }
0x6f: {  	_ =	shalt  }
0x70: {  	_ =	shalt  }
0x71: {  	_ =	shalt  }
0x72: {  	_ =	shalt  }
0x73: {  	_ =	shalt  }
0x74: {  	_ =	shalt  }
0x75: {  	_ =	shalt  }
0x76: {  	_ =	shalt  }
0x77: {  	_ =	shalt  }
0x78: {  	_ =	shalt  }
0x79: {  	_ =	shalt  }
0x7a: {  	_ =	shalt  }
0x7b: {  	_ =	shalt  }
0x7c: {  	_ =	shalt  }
0x7d: {  	_ =	shalt  }
0x7e: {  	_ =	shalt  }
0x7f: {  	_ =	shalt  }
0x80: {  	_ =	shalt  }
0x81: {  	_ =	shalt  }
0x82: {  	_ =	shalt  }
0x83: {  	_ =	shalt  }
0x84: {  	_ =	shalt  }
0x85: {  	_ =	shalt  }
0x86: {  	_ =	shalt  }
0x87: {  	_ =	shalt  }
.Lfunc_end0:
.L_simem_size_0:
called_computation_lowered:
.L_overlay_start_0:
0x88: {  	s2 =	sld [smem:$0x3FD9]  }
0x89: {  	s3 =	sld [smem:$0x3FFE];
	_ =	sdelay $0x1  }
0x8a: {  	s1 =	srdreg.scid  }
0x8b: {  	s0 =	sand.u32 $0x1, s1  }
0x8c: {  	s14 =	sshll.u32 s0, $0xA;
	s2 =	sadd.s32 s3, s2  }
0x8d: {  	s2 =	sadd.s32 s2, s14  }
0x8e: {  	[smem:$0x3FC6] =	sst s2  }
0x8f: {  	_ = 	snop  }
0x90: {  	s2 =	sld [smem:$0x3FD0];
	_ =	sdelay $0x2  }
0x91: {  	s15 =	simm.s32 $0xA;
	s4 =	simm.s32 $0x10  }
0x92: {  	[smem:s4], [sflag:s15] =	dma.local [hbm:s2], $0x1  }
0x93: {  	_ =	swait.eq [sflag:s15], $0x1  }
0x94: {  	[sflag:s15] =	ssyncset.done $0x0  }
0x95: {  	[sflag:s15] =	ssyncadd.s32 $0xFFFFFFFF  }
0x96: {  	s16 =	sld [smem:$0x11];
	(tm) =	ssettm $0x1  }
0x97: {  	s17 =	sld [smem:$0x3FFB];
	_ =	sdelay $0x3  }
0x98: {  	_ =	strace s17  }
0x99: {  	s3 =	sld [smem:$0x3FFC];
	_ =	sdelay $0x3  }
0x9a: {  	_ =	strace s3  }
0x9b: {  	s3 =	sld [smem:$0x3FFD];
	_ =	sdelay $0x3  }
0x9c: {  	_ =	strace s3  }
0x9d: {  	_ =	strace $0x8FFFFFFF  }
0x9e: {  	s18 =	sld [smem:$0x3FDB];
	_ =	sdelay $0x1  }
0x9f: {  	s19 =	simm.s32 $_scs_section_size  }
0xa0: {  	s5 =	simm.s32 $_size__tile_overlayer_lowered;
	s6 =	simm.s32 $_tile_overlayer_lowered  }
0xa1: {  	s22 =	simm.s32 $0x1BFF;
	s21 =	sshll.u32 s6, $0x1;
	s3 =	sadd.s32 s19, s18  }
0xa2: {  	s7 =	simm.s32 $0x0;
	s20 =	sshll.u32 s5, $0x1;
	s5 =	sadd.s32 s21, s3  }
0xa3: {  	[timem:s7], [sflag:s22] =	dma.local [hbm:s5], s20  }
0xa4: {  	_ =	swait.ge [sflag:s22], s20  }
0xa5: {  	s4 =	ssub.s32 $0x0, s20;
	[sflag:s22] =	ssyncset.done $0x0  }
0xa6: {  	[sflag:s22] =	ssyncadd.s32 s4;
	_ =	sdelay $0x1  }
0xa7: {  	s23 =	simm.s32 $0x1B8B  }
0xa8: {  	_ =	swait.ge [sflag:s23], $0x1  }
0xa9: {  	[sflag:s23] =	ssyncset.done $0x0  }
0xaa: {  	s25 =	simm.s32 $0x1B8E;
	s24 =	sld [smem:$0x3FFE];
	[sflag:s23] =	ssyncadd.s32 $0xFFFFFFFF  }
0xab: {  	s26 =	simm.s32 $execute0_lowered;
	[smem:$0x3FD2] =	sst s25  }
0xac: {  	s5 =	sshll.u32 s26, $0x1;
	_ =	strace $0x80000046;
	[dreg:$0x1] =	wrdreg $0xFFFFFFFF  }
0xad: {  	s28 =	simm.s32 $_size_execute0_lowered;
	s3 =	sadd.s32 s3, s5;
	[dreg:$0x0] =	wrdreg $0x0  }
0xae: {  	s5 =	sshll.u32 s28, $0x1;
	[dreg:$0x2] =	wrdreg s3  }
0xaf: {  	[dreg:$0x3] =	wrdreg s5  }
0xb0: {  	[dreg:$0x4] =	wrdreg $0xC0  }
0xb1: {  	_ =	task [dreg:s7], $0x5FFFF  }
0xb2: {  	[dreg:$0x1] =	wrdreg $0xFFFFFFFF  }
0xb3: {  	[dreg:$0x0] =	wrdreg $0x60  }
0xb4: {  	[dreg:$0x2] =	wrdreg s24  }
0xb5: {  	[dreg:$0x3] =	wrdreg s16  }
0xb6: {  	[dreg:$0x4] =	wrdreg $0x9  }
0xb7: {  	_ =	task.clear_ibuf [dreg:s7], $0x5FFFF;
	_ =	strace $0x90000046  }
0xb8: {  	s29 =	simm.s32 $0x9;
	_ =	strace $0x80000048  }
0xb9: {  	_ =	swait.ge [sflag:s29], $0x1  }
0xba: {  	[sflag:s29] =	ssyncadd.s32 $0xFFFFFFFF  }
0xbb: {  	_ =	strace $0x90000048  }
0xbc: {  	_ =	sfence  }
0xbd: {  	s30 =	sld [smem:$0x0];
	_ =	sdelay $0x2  }
0xbe: {  	s31 =	sshll.u32 s1, $0xD;
	s1 =	sshrl.u32 s1, $0x2  }
0xbf: {  	s3 =	sand.u32 $0x4000, s31;
	s1 =	sadd.s32 s1, s30  }
0xc0: {  	s0 =	sor.u32 s3, s0;
	s1 =	sshll.u32 s1, $0x11  }
0xc1: {  	s0 =	sor.u32 s1, s0  }
0xc2: {  	s0 =	sadd.s32 $0x8F2B, s0  }
0xc3: {  	[sflag:s0] =	ssyncadd.remote.s32 $0x1  }
0xc4: {  	_ =	sfence.sel $0xFFFF  }
0xc5: {  	[dreg:$0x0] =	wrdreg $0xFFFFFFFF;
	(pc) =	sbr.abs _section_cstart, $3  }
0xc6: {  	[dreg:$0x1] =	wrdreg $0xFFFFFFFF  }
0xc7: {  	_ =	task.clear_ibuf [dreg:s7], $0x2FFFF;
	_ =	strace $0x9FFFFFFF  }
0xc8: {  	(tm) =	ssettm $0x7FFFFFFF  }
0xc9: {  	_ =	shalt  }
tec
execute0_lowered:
.L_overlay_start_1:
0x0: {  	(tag) =	ssettag $0x1  }
0x1: {  	v0 =	vimm.s32 $0xFEDCBA98;
	v1 =	vimm.s32 $0x76543210;
	v2 =	vimm.s32 $0xBA98FEDC  }
0x2: {  	v3 =	vimm.s32 $0x32107654;
	v4 =	vimm.s32 $0xDCFE98BA;
	v5 =	vimm.s32 $0x54761032  }
0x3: {  	v6 =	vimm.s32 $0xEFCDAB89;
	v7 =	vimm.s32 $0x67452301;
	v0 =	vunpack.c.l.s4.s8 v0  }
0x4: {  	v1 =	vunpack.c.l.s4.s8 v1;
	v2 =	vunpack.c.l.s4.s8 v2;
	v3 =	vunpack.c.l.s4.s8 v3  }
0x5: {  	s3 =	rddreg [dreg:$0x0];
	v4 =	vunpack.c.l.s4.s8 v4;
	v5 =	vunpack.c.l.s4.s8 v5;
	v6 =	vunpack.c.l.s4.s8 v6  }
0x6: {  	s5 =	rddreg [dreg:$0x1];
	s2 =	srdreg.scid;
	v7 =	vunpack.c.l.s4.s8 v7;
	v0 =	vunpack.c.0.s8.s32 v0;
	v2 =	vunpack.c.0.s8.s32 v2  }
0x7: {  	s0 =	rddreg [dreg:$0x2];
	s1 =	stileid.u32;
	v3 =	vunpack.c.0.s8.s32 v3;
	v4 =	vunpack.c.0.s8.s32 v4;
	v1 =	vunpack.c.0.s8.s32 v1  }
0x8: {  	s9 =	simm.s32 $0x1;
	s4 =	sand.u32 $0x1, s2;
	s2 =	simm.s32 $0x0;
	v5 =	vunpack.c.0.s8.s32 v5;
	v6 =	vunpack.c.0.s8.s32 v6;
	v0 =	vand.u32 $0xF, v0  }
0x9: {  	s6 =	sshll.u32 s1, $0x6;
	s7 =	sshll.u32 s4, $0x5;
	[smem:$0x7FF] =	sst s2;
	v7 =	vunpack.c.0.s8.s32 v7;
	v2 =	vcombine.low v3, v2;
	v0 =	vcombine.low v0, v1  }
0xa: {  	s4 =	ssub.s32 $0x2, s4;
	s6 =	sor.u32 s7, s6;
	_ =	strace $0x80000047;
	v59 =	vcombine.low v5, v4  }
0xb: {  	s8 =	sshrl.u32 s4, $0x1;
	s7 =	sshrl.u32 s6, $0x3;
	s6 =	smul.u32 $0xA, s6;
	v60 =	vcombine.low v7, v6;
	v61 =	vand.u32 $0xF, v2;
	[tilespmem:$0x1FFC0] =	vst v0  }
0xc: {  	s10 =	simm.s32 $0xA20;
	s8 =	ssub.s32 s4, s8;
	s7 =	sadd.s32 s7, s3;
	v62 =	vand.u32 $0xF, v59;
	[tilespmem:$0x1FFD0] =	vst v61  }
0xd: {  	s3 =	sadd.s32 $0x9D400, s3;
	s4 =	sadd.s32 $0x1000, s7;
	s5 =	sadd.s32 s5, s6;
	v63 =	vand.u32 $0xF, v60;
	[tilespmem:$0x1FFE0] =	vst v62  }
0xe: {  	s6 =	smax.u32 s8, $0x1;
	s7 =	simm.s32 $0x2;
	s8 =	simm.s32 $0x20;
	[tilespmem:$0x1FFF0] =	vst v63  }
.LBB2_1:
0xf: {  	[tilespmem:s2], [sflag:$0x2] =	stream.linear.gather [hbm4b:s4+s2], $0x20, $0x38;
	[tilespmem:$0x1420] =	vst v63  }
0x10: {  	_ =	swait.ge [sflag:s7], $0x20  }
0x11: {  	[sflag:s7] =	ssyncset.done $0x0  }
0x12: {  	[sflag:s7] =	ssyncadd.s32 $0xFFFFFFE0  }
0x13: {  	[tilespmem:s8], [sflag:$0x1] =	stream.indirect.gather [hbm4b:s3+s8], $0x50, s2, s8, $0xb8;
	[tilespmem:$0x1420] =	vst v63  }
0x14: {  	_ =	swait.ge [sflag:s9], $0xA00  }
0x15: {  	[sflag:s9] =	ssyncset.done $0x0  }
0x16: {  	[sflag:s9] =	ssyncadd.s32 $0xFFFFF600  }
0x17: {  	v4 =	vld [tilespmem:$0x20]  }
0x18: {  	v5 =	vld [tilespmem:$0x30]  }
0x19: {  	v6 =	vld [tilespmem:$0x40]  }
0x1a: {  	v7 =	vld [tilespmem:$0x50];
	_ =	sdelay $0x1  }
0x1b: {  	v8 =	vld [tilespmem:$0x60]  }
0x1c: {  	v3 =	vld [tilespmem:$0x1FFC0];
	_ =	sdelay $0x1  }
0x1d: {  	v9 =	vmax.f32 v4, v5;
	v10 =	vmax.f32 v6, v7  }
0x1e: {  	v1 =	vld [tilespmem:$0x1FFD0];
	v9 =	vmax.f32 v9, v10  }
0x1f: {  	v9 =	vmax.f32 v9, v8  }
0x20: {  	v18 =	vperm.xlane v9, v3  }
0x21: {  	v0 =	vld [tilespmem:$0x1FFE0]  }
0x22: {  	v9 =	vmax.f32 v9, v18  }
0x23: {  	v10 =	vperm.xlane v9, v1  }
0x24: {  	v2 =	vld [tilespmem:$0x1FFF0]  }
0x25: {  	v9 =	vmax.f32 v9, v10  }
0x26: {  	v10 =	vperm.xlane v9, v0;
	_ =	sdelay $0x1  }
0x27: {  	v9 =	vmax.f32 v9, v10  }
0x28: {  	v10 =	vperm.xlane v9, v2;
	_ =	sdelay $0x1  }
0x29: {  	v9 =	vmax.f32 v9, v10  }
0x2a: {  	v4 =	vsub.f32 v4, v9  }
0x2b: {  	v5 =	vsub.f32 v5, v9  }
0x2c: {  	v6 =	vsub.f32 v6, v9;
	v4 =	vmul.f32 $1.442695020e+00, v4  }
0x2d: {  	v7 =	vsub.f32 v7, v9;
	v5 =	vmul.f32 $1.442695020e+00, v5  }
0x2e: {  	v19 =	vmul.f32 $1.442695020e+00, v6;
	(erf) = vpow2.f32 v4  }
0x2f: {  	v20 =	vmul.f32 $1.442695020e+00, v7;
	(erf) = vpow2.f32 v5  }
0x30: {  	(erf) = vpow2.f32 v19  }
0x31: {  	v21 =	vsub.f32 v8, v9;
	(erf) = vpow2.f32 v20;
	_ =	sdelay $0x1  }
0x32: {  	v4 =	vmul.f32 $1.442695020e+00, v21;
	_ =	sdelay $0x1  }
0x33: {  	(erf) = vpow2.f32 v4;
	_ =	sdelay $0x1  }
0x34: {  	v22 =	vld [tilespmem:$0x70];
	v5 =	vpop (erf)  }
0x35: {  	v23 =	vld [tilespmem:$0x80];
	v6 =	vpop (erf)  }
0x36: {  	v11 =	vld [tilespmem:$0x90];
	v7 =	vpop (erf)  }
0x37: {  	v12 =	vld [tilespmem:$0xA0];
	v4 =	vpop (erf)  }
0x38: {  	v24 =	vadd.f32 v6, v5;
	v13 =	vadd.f32 v4, v7  }
0x39: {  	v14 =	vld [tilespmem:$0xB0]  }
0x3a: {  	v13 =	vadd.f32 v13, v24  }
0x3b: {  	v8 =	vpop (erf)  }
0x3c: {  	v15 =	vmax.f32 v22, v23;
	v16 =	vmax.f32 v11, v12;
	v13 =	vadd.f32 v13, v8  }
0x3d: {  	v15 =	vmax.f32 v15, v16  }
0x3e: {  	v15 =	vmax.f32 v15, v14;
	v25 =	vperm.xlane v13, v3  }
0x3f: {  	v17 =	vperm.xlane v15, v3  }
0x40: {  	v13 =	vadd.f32 v13, v25  }
0x41: {  	v15 =	vmax.f32 v15, v17  }
0x42: {  	v17 =	vperm.xlane v15, v1;
	v16 =	vperm.xlane v13, v1;
	_ =	sdelay $0x1  }
0x43: {  	v15 =	vmax.f32 v15, v17;
	v13 =	vadd.f32 v13, v16  }
0x44: {  	v26 =	vperm.xlane v15, v0  }
0x45: {  	v27 =	vperm.xlane v13, v0  }
0x46: {  	v15 =	vmax.f32 v15, v26  }
0x47: {  	v16 =	vperm.xlane v15, v2;
	v13 =	vadd.f32 v13, v27;
	_ =	sdelay $0x1  }
0x48: {  	v15 =	vmax.f32 v15, v16;
	v17 =	vperm.xlane v13, v2  }
0x49: {  	v9 =	vsub.f32 v22, v15  }
0x4a: {  	v10 =	vsub.f32 v23, v15;
	v13 =	vadd.f32 v13, v17  }
0x4b: {  	v11 =	vsub.f32 v11, v15;
	v9 =	vmul.f32 $1.442695020e+00, v9  }
0x4c: {  	v12 =	vsub.f32 v12, v15;
	v10 =	vmul.f32 $1.442695020e+00, v10;
	(erf) = vrcp.f32 v13  }
0x4d: {  	v28 =	vmul.f32 $1.442695020e+00, v11;
	(erf) = vpow2.f32 v9  }
0x4e: {  	v29 =	vmul.f32 $1.442695020e+00, v12;
	(erf) = vpow2.f32 v10  }
0x4f: {  	(erf) = vpow2.f32 v28  }
0x50: {  	v30 =	vsub.f32 v14, v15;
	(erf) = vpow2.f32 v29;
	_ =	sdelay $0x1  }
0x51: {  	v9 =	vmul.f32 $1.442695020e+00, v30;
	_ =	sdelay $0x1  }
0x52: {  	(erf) = vpow2.f32 v9  }
0x53: {  	v14 =	vpop (erf)  }
0x54: {  	v31 =	vld [tilespmem:$0xC0];
	v13 =	vpop (erf)  }
0x55: {  	v32 =	vld [tilespmem:$0xD0];
	v11 =	vpop (erf)  }
0x56: {  	v33 =	vld [tilespmem:$0xE0];
	v10 =	vpop (erf)  }
0x57: {  	v18 =	vld [tilespmem:$0xF0];
	v9 =	vpop (erf)  }
0x58: {  	v34 =	vadd.f32 v11, v13;
	v19 =	vadd.f32 v9, v10  }
0x59: {  	v20 =	vld [tilespmem:$0x100]  }
0x5a: {  	v19 =	vadd.f32 v19, v34  }
0x5b: {  	v12 =	vpop (erf)  }
0x5c: {  	v21 =	vmax.f32 v31, v32;
	v22 =	vmax.f32 v33, v18;
	v19 =	vadd.f32 v19, v12  }
0x5d: {  	v21 =	vmax.f32 v21, v22  }
0x5e: {  	v21 =	vmax.f32 v21, v20;
	v35 =	vperm.xlane v19, v3  }
0x5f: {  	v23 =	vperm.xlane v21, v3  }
0x60: {  	v19 =	vadd.f32 v19, v35  }
0x61: {  	v21 =	vmax.f32 v21, v23  }
0x62: {  	v23 =	vperm.xlane v21, v1;
	v22 =	vperm.xlane v19, v1;
	_ =	sdelay $0x1  }
0x63: {  	v21 =	vmax.f32 v21, v23;
	v19 =	vadd.f32 v19, v22  }
0x64: {  	v36 =	vperm.xlane v21, v0  }
0x65: {  	v37 =	vperm.xlane v19, v0  }
0x66: {  	v21 =	vmax.f32 v21, v36  }
0x67: {  	v22 =	vperm.xlane v21, v2;
	v19 =	vadd.f32 v19, v37;
	_ =	sdelay $0x1  }
0x68: {  	v21 =	vmax.f32 v21, v22;
	v23 =	vperm.xlane v19, v2  }
0x69: {  	v15 =	vsub.f32 v31, v21  }
0x6a: {  	v16 =	vsub.f32 v32, v21;
	v19 =	vadd.f32 v19, v23  }
0x6b: {  	v17 =	vsub.f32 v33, v21;
	v15 =	vmul.f32 $1.442695020e+00, v15  }
0x6c: {  	v18 =	vsub.f32 v18, v21;
	v16 =	vmul.f32 $1.442695020e+00, v16;
	(erf) = vrcp.f32 v19  }
0x6d: {  	v38 =	vmul.f32 $1.442695020e+00, v17;
	(erf) = vpow2.f32 v15  }
0x6e: {  	v39 =	vmul.f32 $1.442695020e+00, v18;
	(erf) = vpow2.f32 v16  }
0x6f: {  	(erf) = vpow2.f32 v38  }
0x70: {  	v40 =	vsub.f32 v20, v21;
	(erf) = vpow2.f32 v39;
	_ =	sdelay $0x1  }
0x71: {  	v15 =	vmul.f32 $1.442695020e+00, v40;
	_ =	sdelay $0x1  }
0x72: {  	(erf) = vpow2.f32 v15  }
0x73: {  	v20 =	vpop (erf)  }
0x74: {  	v41 =	vld [tilespmem:$0x110];
	v19 =	vpop (erf)  }
0x75: {  	v42 =	vld [tilespmem:$0x120];
	v17 =	vpop (erf)  }
0x76: {  	v43 =	vld [tilespmem:$0x130];
	v16 =	vpop (erf)  }
0x77: {  	v24 =	vld [tilespmem:$0x140];
	v15 =	vpop (erf)  }
0x78: {  	v44 =	vadd.f32 v17, v19;
	v25 =	vadd.f32 v15, v16  }
0x79: {  	v26 =	vld [tilespmem:$0x150]  }
0x7a: {  	v25 =	vadd.f32 v25, v44  }
0x7b: {  	v18 =	vpop (erf)  }
0x7c: {  	v27 =	vmax.f32 v41, v42;
	v28 =	vmax.f32 v43, v24;
	v25 =	vadd.f32 v25, v18  }
0x7d: {  	v27 =	vmax.f32 v27, v28  }
0x7e: {  	v27 =	vmax.f32 v27, v26;
	v45 =	vperm.xlane v25, v3  }
0x7f: {  	v29 =	vperm.xlane v27, v3  }
0x80: {  	v25 =	vadd.f32 v25, v45  }
0x81: {  	v27 =	vmax.f32 v27, v29  }
0x82: {  	v29 =	vperm.xlane v27, v1;
	v28 =	vperm.xlane v25, v1;
	_ =	sdelay $0x1  }
0x83: {  	v27 =	vmax.f32 v27, v29;
	v25 =	vadd.f32 v25, v28  }
0x84: {  	v46 =	vperm.xlane v27, v0  }
0x85: {  	v47 =	vperm.xlane v25, v0  }
0x86: {  	v27 =	vmax.f32 v27, v46  }
0x87: {  	v28 =	vperm.xlane v27, v2;
	v25 =	vadd.f32 v25, v47;
	_ =	sdelay $0x1  }
0x88: {  	v27 =	vmax.f32 v27, v28;
	v29 =	vperm.xlane v25, v2  }
0x89: {  	v21 =	vsub.f32 v41, v27  }
0x8a: {  	v22 =	vsub.f32 v42, v27;
	v25 =	vadd.f32 v25, v29  }
0x8b: {  	v23 =	vsub.f32 v43, v27;
	v21 =	vmul.f32 $1.442695020e+00, v21  }
0x8c: {  	v24 =	vsub.f32 v24, v27;
	v22 =	vmul.f32 $1.442695020e+00, v22;
	(erf) = vrcp.f32 v25  }
0x8d: {  	v48 =	vmul.f32 $1.442695020e+00, v23;
	(erf) = vpow2.f32 v21  }
0x8e: {  	v49 =	vmul.f32 $1.442695020e+00, v24;
	(erf) = vpow2.f32 v22  }
0x8f: {  	(erf) = vpow2.f32 v48  }
0x90: {  	v50 =	vsub.f32 v26, v27;
	(erf) = vpow2.f32 v49;
	_ =	sdelay $0x1  }
0x91: {  	v21 =	vmul.f32 $1.442695020e+00, v50;
	_ =	sdelay $0x1  }
0x92: {  	(erf) = vpow2.f32 v21  }
0x93: {  	v26 =	vpop (erf)  }
0x94: {  	v51 =	vld [tilespmem:$0x160];
	v24 =	vpop (erf)  }
0x95: {  	v52 =	vld [tilespmem:$0x170];
	v25 =	vpop (erf)  }
0x96: {  	v53 =	vld [tilespmem:$0x180];
	v22 =	vpop (erf)  }
0x97: {  	v30 =	vld [tilespmem:$0x190];
	v21 =	vpop (erf)  }
0x98: {  	v54 =	vadd.f32 v25, v24;
	v31 =	vadd.f32 v21, v22  }
0x99: {  	v32 =	vld [tilespmem:$0x1A0]  }
0x9a: {  	v31 =	vadd.f32 v31, v54  }
0x9b: {  	v23 =	vpop (erf)  }
0x9c: {  	v34 =	vmax.f32 v53, v30;
	v33 =	vmax.f32 v51, v52;
	v31 =	vadd.f32 v31, v23  }
0x9d: {  	v33 =	vmax.f32 v33, v34  }
0x9e: {  	v33 =	vmax.f32 v33, v32;
	v55 =	vperm.xlane v31, v3  }
0x9f: {  	v35 =	vperm.xlane v33, v3  }
0xa0: {  	v31 =	vadd.f32 v31, v55  }
0xa1: {  	v33 =	vmax.f32 v33, v35  }
0xa2: {  	v35 =	vperm.xlane v33, v1;
	v34 =	vperm.xlane v31, v1;
	_ =	sdelay $0x1  }
0xa3: {  	v33 =	vmax.f32 v33, v35;
	v31 =	vadd.f32 v31, v34  }
0xa4: {  	v56 =	vperm.xlane v33, v0  }
0xa5: {  	v57 =	vperm.xlane v31, v0  }
0xa6: {  	v33 =	vmax.f32 v33, v56  }
0xa7: {  	v34 =	vperm.xlane v33, v2;
	v31 =	vadd.f32 v31, v57;
	_ =	sdelay $0x1  }
0xa8: {  	v33 =	vmax.f32 v33, v34;
	v35 =	vperm.xlane v31, v2  }
0xa9: {  	v27 =	vsub.f32 v51, v33  }
0xaa: {  	v28 =	vsub.f32 v52, v33;
	v31 =	vadd.f32 v31, v35  }
0xab: {  	v29 =	vsub.f32 v53, v33;
	v27 =	vmul.f32 $1.442695020e+00, v27  }
0xac: {  	v30 =	vsub.f32 v30, v33;
	v28 =	vmul.f32 $1.442695020e+00, v28;
	(erf) = vrcp.f32 v31  }
0xad: {  	v58 =	vmul.f32 $1.442695020e+00, v29;
	(erf) = vpow2.f32 v27  }
0xae: {  	v59 =	vmul.f32 $1.442695020e+00, v30;
	(erf) = vpow2.f32 v28  }
0xaf: {  	(erf) = vpow2.f32 v58  }
0xb0: {  	v60 =	vsub.f32 v32, v33;
	(erf) = vpow2.f32 v59;
	_ =	sdelay $0x1  }
0xb1: {  	v27 =	vmul.f32 $1.442695020e+00, v60;
	_ =	sdelay $0x1  }
0xb2: {  	(erf) = vpow2.f32 v27  }
0xb3: {  	v32 =	vpop (erf)  }
0xb4: {  	v61 =	vld [tilespmem:$0x1B0];
	v31 =	vpop (erf)  }
0xb5: {  	v62 =	vld [tilespmem:$0x1C0];
	v28 =	vpop (erf)  }
0xb6: {  	v63 =	vld [tilespmem:$0x1D0];
	v29 =	vpop (erf)  }
0xb7: {  	v36 =	vld [tilespmem:$0x1E0];
	v27 =	vpop (erf)  }
0xb8: {  	v44 =	vadd.f32 v28, v31;
	v37 =	vadd.f32 v27, v29  }
0xb9: {  	v38 =	vld [tilespmem:$0x1F0]  }
0xba: {  	v37 =	vadd.f32 v37, v44  }
0xbb: {  	v30 =	vpop (erf)  }
0xbc: {  	v40 =	vmax.f32 v63, v36;
	v39 =	vmax.f32 v61, v62;
	v37 =	vadd.f32 v37, v30  }
0xbd: {  	v39 =	vmax.f32 v39, v40  }
0xbe: {  	v39 =	vmax.f32 v39, v38;
	v45 =	vperm.xlane v37, v3  }
0xbf: {  	v41 =	vperm.xlane v39, v3  }
0xc0: {  	v37 =	vadd.f32 v37, v45  }
0xc1: {  	v39 =	vmax.f32 v39, v41  }
0xc2: {  	v41 =	vperm.xlane v39, v1;
	v40 =	vperm.xlane v37, v1;
	_ =	sdelay $0x1  }
0xc3: {  	v39 =	vmax.f32 v39, v41;
	v37 =	vadd.f32 v37, v40  }
0xc4: {  	v46 =	vperm.xlane v39, v0  }
0xc5: {  	v47 =	vperm.xlane v37, v0  }
0xc6: {  	v39 =	vmax.f32 v39, v46  }
0xc7: {  	v40 =	vperm.xlane v39, v2;
	v37 =	vadd.f32 v37, v47;
	_ =	sdelay $0x1  }
0xc8: {  	v39 =	vmax.f32 v39, v40;
	v41 =	vperm.xlane v37, v2  }
0xc9: {  	v33 =	vsub.f32 v61, v39  }
0xca: {  	v34 =	vsub.f32 v62, v39;
	v37 =	vadd.f32 v37, v41  }
0xcb: {  	v35 =	vsub.f32 v63, v39;
	v33 =	vmul.f32 $1.442695020e+00, v33  }
0xcc: {  	v36 =	vsub.f32 v36, v39;
	v34 =	vmul.f32 $1.442695020e+00, v34;
	(erf) = vrcp.f32 v37  }
0xcd: {  	v48 =	vmul.f32 $1.442695020e+00, v35;
	(erf) = vpow2.f32 v33  }
0xce: {  	v49 =	vmul.f32 $1.442695020e+00, v36;
	(erf) = vpow2.f32 v34  }
0xcf: {  	(erf) = vpow2.f32 v48  }
0xd0: {  	v50 =	vsub.f32 v38, v39;
	(erf) = vpow2.f32 v49;
	_ =	sdelay $0x1  }
0xd1: {  	v33 =	vmul.f32 $1.442695020e+00, v50;
	_ =	sdelay $0x1  }
0xd2: {  	(erf) = vpow2.f32 v33  }
0xd3: {  	v38 =	vpop (erf)  }
0xd4: {  	v42 =	vld [tilespmem:$0x230];
	v36 =	vpop (erf)  }
0xd5: {  	v51 =	vld [tilespmem:$0x200];
	v37 =	vpop (erf)  }
0xd6: {  	v52 =	vld [tilespmem:$0x210];
	v33 =	vpop (erf)  }
0xd7: {  	v53 =	vld [tilespmem:$0x220];
	v34 =	vpop (erf)  }
0xd8: {  	v54 =	vadd.f32 v37, v36;
	v43 =	vadd.f32 v34, v33  }
0xd9: {  	v44 =	vld [tilespmem:$0x240]  }
0xda: {  	v43 =	vadd.f32 v43, v54  }
0xdb: {  	v35 =	vpop (erf)  }
0xdc: {  	v46 =	vmax.f32 v53, v42;
	v45 =	vmax.f32 v51, v52;
	v43 =	vadd.f32 v43, v35  }
0xdd: {  	v45 =	vmax.f32 v45, v46  }
0xde: {  	v45 =	vmax.f32 v45, v44;
	v55 =	vperm.xlane v43, v3  }
0xdf: {  	v47 =	vperm.xlane v45, v3  }
0xe0: {  	v43 =	vadd.f32 v43, v55  }
0xe1: {  	v45 =	vmax.f32 v45, v47  }
0xe2: {  	v47 =	vperm.xlane v45, v1;
	v46 =	vperm.xlane v43, v1;
	_ =	sdelay $0x1  }
0xe3: {  	v45 =	vmax.f32 v45, v47;
	v43 =	vadd.f32 v43, v46  }
0xe4: {  	v56 =	vperm.xlane v45, v0  }
0xe5: {  	v57 =	vperm.xlane v43, v0  }
0xe6: {  	v45 =	vmax.f32 v45, v56  }
0xe7: {  	v46 =	vperm.xlane v45, v2;
	v43 =	vadd.f32 v43, v57;
	_ =	sdelay $0x1  }
0xe8: {  	v45 =	vmax.f32 v45, v46;
	v47 =	vperm.xlane v43, v2  }
0xe9: {  	v39 =	vsub.f32 v51, v45  }
0xea: {  	v40 =	vsub.f32 v52, v45;
	v43 =	vadd.f32 v43, v47  }
0xeb: {  	v41 =	vsub.f32 v53, v45;
	v39 =	vmul.f32 $1.442695020e+00, v39  }
0xec: {  	v42 =	vsub.f32 v42, v45;
	v40 =	vmul.f32 $1.442695020e+00, v40;
	(erf) = vrcp.f32 v43  }
0xed: {  	v58 =	vmul.f32 $1.442695020e+00, v41;
	(erf) = vpow2.f32 v39  }
0xee: {  	v59 =	vmul.f32 $1.442695020e+00, v42;
	(erf) = vpow2.f32 v40  }
0xef: {  	(erf) = vpow2.f32 v58  }
0xf0: {  	v60 =	vsub.f32 v44, v45;
	(erf) = vpow2.f32 v59;
	_ =	sdelay $0x1  }
0xf1: {  	v39 =	vmul.f32 $1.442695020e+00, v60;
	_ =	sdelay $0x1  }
0xf2: {  	(erf) = vpow2.f32 v39  }
0xf3: {  	v44 =	vpop (erf)  }
0xf4: {  	v61 =	vld [tilespmem:$0x250];
	v42 =	vpop (erf)  }
0xf5: {  	v62 =	vld [tilespmem:$0x260];
	v41 =	vpop (erf)  }
0xf6: {  	v63 =	vld [tilespmem:$0x270];
	v40 =	vpop (erf)  }
0xf7: {  	v48 =	vld [tilespmem:$0x280];
	v39 =	vpop (erf)  }
0xf8: {  	v55 =	vadd.f32 v41, v42;
	v49 =	vadd.f32 v39, v40  }
0xf9: {  	v50 =	vld [tilespmem:$0x290]  }
0xfa: {  	v49 =	vadd.f32 v49, v55  }
0xfb: {  	v43 =	vpop (erf)  }
0xfc: {  	v51 =	vmax.f32 v61, v62;
	v52 =	vmax.f32 v63, v48;
	v49 =	vadd.f32 v49, v43  }
0xfd: {  	v51 =	vmax.f32 v51, v52  }
0xfe: {  	v51 =	vmax.f32 v51, v50;
	v56 =	vperm.xlane v49, v3  }
0xff: {  	v53 =	vperm.xlane v51, v3  }
0x100: {  	v49 =	vadd.f32 v49, v56  }
0x101: {  	v51 =	vmax.f32 v51, v53  }
0x102: {  	v53 =	vperm.xlane v51, v1;
	v52 =	vperm.xlane v49, v1;
	_ =	sdelay $0x1  }
0x103: {  	v51 =	vmax.f32 v51, v53;
	v49 =	vadd.f32 v49, v52  }
0x104: {  	v57 =	vperm.xlane v51, v0  }
0x105: {  	v58 =	vperm.xlane v49, v0  }
0x106: {  	v51 =	vmax.f32 v51, v57  }
0x107: {  	v52 =	vperm.xlane v51, v2;
	v49 =	vadd.f32 v49, v58;
	_ =	sdelay $0x1  }
0x108: {  	v51 =	vmax.f32 v51, v52;
	v53 =	vperm.xlane v49, v2  }
0x109: {  	v45 =	vsub.f32 v61, v51  }
0x10a: {  	v46 =	vsub.f32 v62, v51;
	v49 =	vadd.f32 v49, v53  }
0x10b: {  	v47 =	vsub.f32 v63, v51;
	v45 =	vmul.f32 $1.442695020e+00, v45  }
0x10c: {  	v48 =	vsub.f32 v48, v51;
	v46 =	vmul.f32 $1.442695020e+00, v46;
	(erf) = vrcp.f32 v49  }
0x10d: {  	v59 =	vmul.f32 $1.442695020e+00, v47;
	(erf) = vpow2.f32 v45  }
0x10e: {  	v60 =	vmul.f32 $1.442695020e+00, v48;
	(erf) = vpow2.f32 v46  }
0x10f: {  	(erf) = vpow2.f32 v59  }
0x110: {  	v61 =	vsub.f32 v50, v51;
	(erf) = vpow2.f32 v60;
	_ =	sdelay $0x1  }
0x111: {  	v45 =	vmul.f32 $1.442695020e+00, v61;
	_ =	sdelay $0x1  }
0x112: {  	(erf) = vpow2.f32 v45  }
0x113: {  	v50 =	vpop (erf)  }
0x114: {  	v54 =	vld [tilespmem:$0x2D0];
	v48 =	vpop (erf)  }
0x115: {  	v52 =	vld [tilespmem:$0x2B0];
	v47 =	vpop (erf)  }
0x116: {  	v51 =	vld [tilespmem:$0x2A0];
	v46 =	vpop (erf)  }
0x117: {  	v53 =	vld [tilespmem:$0x2C0];
	v45 =	vpop (erf)  }
0x118: {  	v62 =	vadd.f32 v47, v48;
	v55 =	vadd.f32 v45, v46  }
0x119: {  	v56 =	vld [tilespmem:$0x2E0]  }
0x11a: {  	v55 =	vadd.f32 v55, v62  }
0x11b: {  	v49 =	vpop (erf)  }
0x11c: {  	v57 =	vmax.f32 v51, v52;
	v58 =	vmax.f32 v53, v54;
	v55 =	vadd.f32 v55, v49  }
0x11d: {  	v57 =	vmax.f32 v57, v58  }
0x11e: {  	v57 =	vmax.f32 v57, v56;
	v63 =	vperm.xlane v55, v3  }
0x11f: {  	v59 =	vperm.xlane v57, v3  }
0x120: {  	v55 =	vadd.f32 v55, v63  }
0x121: {  	v57 =	vmax.f32 v57, v59  }
0x122: {  	v59 =	vperm.xlane v57, v1;
	v58 =	vperm.xlane v55, v1;
	_ =	sdelay $0x1  }
0x123: {  	v57 =	vmax.f32 v57, v59;
	v55 =	vadd.f32 v55, v58  }
0x124: {  	v60 =	vperm.xlane v57, v0  }
0x125: {  	v61 =	vperm.xlane v55, v0  }
0x126: {  	v57 =	vmax.f32 v57, v60  }
0x127: {  	v58 =	vperm.xlane v57, v2;
	v55 =	vadd.f32 v55, v61;
	_ =	sdelay $0x1  }
0x128: {  	v57 =	vmax.f32 v57, v58;
	v59 =	vperm.xlane v55, v2  }
0x129: {  	v51 =	vsub.f32 v51, v57  }
0x12a: {  	v52 =	vsub.f32 v52, v57;
	v55 =	vadd.f32 v55, v59  }
0x12b: {  	v53 =	vsub.f32 v53, v57;
	v51 =	vmul.f32 $1.442695020e+00, v51  }
0x12c: {  	v54 =	vsub.f32 v54, v57;
	v52 =	vmul.f32 $1.442695020e+00, v52;
	(erf) = vrcp.f32 v55  }
0x12d: {  	v62 =	vmul.f32 $1.442695020e+00, v53;
	(erf) = vpow2.f32 v51  }
0x12e: {  	v63 =	vmul.f32 $1.442695020e+00, v54;
	(erf) = vpow2.f32 v52  }
0x12f: {  	(erf) = vpow2.f32 v62  }
0x130: {  	v54 =	vsub.f32 v56, v57;
	(erf) = vpow2.f32 v63  }
0x131: {  	v6 =	vmul.f32 v14, v6  }
0x132: {  	v51 =	vmul.f32 $1.442695020e+00, v54;
	_ =	sdelay $0x1  }
0x133: {  	(erf) = vpow2.f32 v51  }
0x134: {  	[tilespmem:$0xA30] =	vst v6;
	v6 =	vpop (erf)  }
0x135: {  	v53 =	vmul.f32 v26, v16;
	v16 =	vld [tilespmem:$0x320];
	v55 =	vmul.f32 v14, v7;
	v7 =	vpop (erf)  }
0x136: {  	v56 =	vmul.f32 v14, v8;
	v52 =	vmul.f32 v26, v17;
	v17 =	vld [tilespmem:$0x310];
	v8 =	vpop (erf)  }
0x137: {  	v58 =	vmul.f32 v20, v11;
	v63 =	vmul.f32 v20, v12;
	v12 =	vld [tilespmem:$0x2F0];
	v11 =	vpop (erf)  }
0x138: {  	v59 =	vmul.f32 v20, v10;
	v51 =	vld [tilespmem:$0x300];
	v10 =	vpop (erf)  }
0x139: {  	v61 =	vadd.f32 v8, v7;
	v62 =	vadd.f32 v10, v11  }
0x13a: {  	[tilespmem:$0xA40] =	vst v55;
	v55 =	vmul.f32 v26, v18;
	v18 =	vld [tilespmem:$0x330]  }
0x13b: {  	v60 =	vmul.f32 v20, v9;
	v9 =	vadd.f32 v62, v61  }
0x13c: {  	v5 =	vmul.f32 v14, v5;
	v4 =	vmul.f32 v14, v4;
	v14 =	vpop (erf)  }
0x13d: {  	[tilespmem:$0xAA0] =	vst v60;
	v60 =	vmax.f32 v12, v51;
	v61 =	vmax.f32 v17, v16;
	v9 =	vadd.f32 v9, v14  }
0x13e: {  	v57 =	vmul.f32 v20, v13;
	v54 =	vmul.f32 v26, v15;
	v15 =	vmax.f32 v60, v61  }
0x13f: {  	[tilespmem:$0xA60] =	vst v56;
	v15 =	vmax.f32 v15, v18;
	v56 =	vperm.xlane v9, v3  }
0x140: {  	[tilespmem:$0xA70] =	vst v57;
	v57 =	vmul.f32 v32, v24;
	v24 =	vperm.xlane v15, v3  }
0x141: {  	v9 =	vadd.f32 v9, v56  }
0x142: {  	v20 =	vmul.f32 v26, v19;
	v15 =	vmax.f32 v15, v24  }
0x143: {  	[tilespmem:$0xAB0] =	vst v63;
	v19 =	vperm.xlane v15, v1;
	v63 =	vperm.xlane v9, v1  }
0x144: {  	v27 =	vmul.f32 v38, v27;
	[tilespmem:$0xA80] =	vst v58;
	v58 =	vmul.f32 v32, v25  }
0x145: {  	[tilespmem:$0xA90] =	vst v59;
	v59 =	vmul.f32 v32, v22;
	v15 =	vmax.f32 v15, v19;
	v9 =	vadd.f32 v9, v63  }
0x146: {  	v22 =	vmul.f32 v32, v23;
	v19 =	vperm.xlane v15, v0  }
0x147: {  	[tilespmem:$0xAC0] =	vst v20;
	v62 =	vmul.f32 v32, v21;
	v20 =	vperm.xlane v9, v0  }
0x148: {  	v32 =	vmul.f32 v44, v33;
	v33 =	vmul.f32 v44, v34;
	v34 =	vmax.f32 v15, v19  }
0x149: {  	v25 =	vmul.f32 v38, v28;
	v15 =	vperm.xlane v34, v2;
	v9 =	vadd.f32 v9, v20  }
0x14a: {  	v28 =	vmul.f32 v38, v30;
	v23 =	vmul.f32 v38, v31  }
0x14b: {  	v26 =	vmul.f32 v38, v29;
	v38 =	vmax.f32 v34, v15;
	v31 =	vperm.xlane v9, v2  }
0x14c: {  	v12 =	vsub.f32 v12, v38  }
0x14d: {  	[tilespmem:$0xA20] =	vst v5;
	v5 =	vadd.f32 v9, v31  }
0x14e: {  	v12 =	vmul.f32 $1.442695020e+00, v12  }
0x14f: {  	(erf) = vrcp.f32 v5  }
0x150: {  	v13 =	vsub.f32 v51, v38;
	(erf) = vpow2.f32 v12;
	_ =	sdelay $0x1  }
0x151: {  	v13 =	vmul.f32 $1.442695020e+00, v13;
	_ =	sdelay $0x1  }
0x152: {  	[tilespmem:$0xAE0] =	vst v53;
	v53 =	vsub.f32 v17, v38;
	(erf) = vpow2.f32 v13  }
0x153: {  	[tilespmem:$0xAF0] =	vst v54;
	v29 =	vmul.f32 v44, v36;
	v36 =	vmul.f32 v50, v42;
	v54 =	vsub.f32 v16, v38  }
0x154: {  	[tilespmem:$0xB00] =	vst v55;
	v42 =	vmul.f32 v50, v43;
	v55 =	vmul.f32 $1.442695020e+00, v53  }
0x155: {  	v43 =	vmul.f32 v6, v48;
	v56 =	vmul.f32 $1.442695020e+00, v54  }
0x156: {  	v48 =	vmul.f32 v6, v49;
	v49 =	vpop (erf);
	(erf) = vpow2.f32 v55  }
0x157: {  	[tilespmem:$0xB10] =	vst v57;
	v57 =	vsub.f32 v18, v38;
	v60 =	vpop (erf);
	(erf) = vpow2.f32 v56;
	_ =	sdelay $0x1  }
0x158: {  	[tilespmem:$0xA50] =	vst v4;
	v4 =	vmul.f32 $1.442695020e+00, v57;
	_ =	sdelay $0x1  }
0x159: {  	[tilespmem:$0xB40] =	vst v62;
	v62 =	vpop (erf);
	(erf) = vpow2.f32 v4;
	_ =	sdelay $0x1  }
0x15a: {  	[tilespmem:$0xB20] =	vst v58;
	v58 =	vld [tilespmem:$0x340]  }
0x15b: {  	[tilespmem:$0xB30] =	vst v59;
	v59 =	vld [tilespmem:$0x350]  }
0x15c: {  	v63 =	vld [tilespmem:$0x360];
	v61 =	vpop (erf)  }
0x15d: {  	v17 =	vld [tilespmem:$0x370];
	v16 =	vpop (erf)  }
0x15e: {  	v40 =	vmul.f32 v50, v40;
	v18 =	vadd.f32 v62, v60;
	v9 =	vadd.f32 v16, v61  }
0x15f: {  	v30 =	vmul.f32 v44, v37;
	v37 =	vmul.f32 v50, v41;
	v19 =	vld [tilespmem:$0x380]  }
0x160: {  	v41 =	vmul.f32 v50, v39;
	v50 =	vmul.f32 v49, v8;
	v8 =	vadd.f32 v9, v18  }
0x161: {  	v20 =	vpop (erf)  }
0x162: {  	[tilespmem:$0xB50] =	vst v22;
	v21 =	vmax.f32 v58, v59;
	v22 =	vmax.f32 v63, v17;
	v8 =	vadd.f32 v8, v20  }
0x163: {  	v9 =	vmax.f32 v21, v22  }
0x164: {  	[tilespmem:$0xB60] =	vst v23;
	v9 =	vmax.f32 v9, v19;
	v23 =	vperm.xlane v8, v3  }
0x165: {  	v24 =	vperm.xlane v9, v3  }
0x166: {  	v8 =	vadd.f32 v8, v23  }
0x167: {  	v51 =	vmul.f32 v49, v11;
	v9 =	vmax.f32 v9, v24  }
0x168: {  	v12 =	vperm.xlane v9, v1;
	v11 =	vperm.xlane v8, v1;
	_ =	sdelay $0x1  }
0x169: {  	v9 =	vmax.f32 v9, v12;
	v8 =	vadd.f32 v8, v11  }
0x16a: {  	[tilespmem:$0xB70] =	vst v25;
	v25 =	vperm.xlane v9, v0  }
0x16b: {  	[tilespmem:$0xB80] =	vst v26;
	v26 =	vperm.xlane v8, v0  }
0x16c: {  	v9 =	vmax.f32 v9, v25  }
0x16d: {  	v11 =	vperm.xlane v9, v2;
	v8 =	vadd.f32 v8, v26  }
0x16e: {  	v35 =	vmul.f32 v44, v35;
	v46 =	vmul.f32 v6, v46  }
0x16f: {  	v44 =	vmul.f32 v6, v47;
	v9 =	vmax.f32 v9, v11;
	v12 =	vperm.xlane v8, v2  }
0x170: {  	v47 =	vmul.f32 v6, v45;
	v6 =	vmul.f32 v49, v14;
	v4 =	vsub.f32 v58, v9  }
0x171: {  	v7 =	vmul.f32 v49, v7;
	v5 =	vsub.f32 v59, v9;
	v8 =	vadd.f32 v8, v12  }
0x172: {  	[tilespmem:$0xCE0] =	vst v6;
	v6 =	vsub.f32 v63, v9;
	v4 =	vmul.f32 $1.442695020e+00, v4  }
0x173: {  	[tilespmem:$0xCA0] =	vst v7;
	v7 =	vsub.f32 v17, v9;
	v5 =	vmul.f32 $1.442695020e+00, v5;
	(erf) = vrcp.f32 v8  }
0x174: {  	[tilespmem:$0xBA0] =	vst v28;
	v28 =	vmul.f32 $1.442695020e+00, v6;
	(erf) = vpow2.f32 v4  }
0x175: {  	[tilespmem:$0xBB0] =	vst v29;
	v29 =	vmul.f32 $1.442695020e+00, v7;
	(erf) = vpow2.f32 v5  }
0x176: {  	(erf) = vpow2.f32 v28  }
0x177: {  	[tilespmem:$0xBC0] =	vst v30;
	v30 =	vsub.f32 v19, v9;
	(erf) = vpow2.f32 v29;
	_ =	sdelay $0x1  }
0x178: {  	v4 =	vmul.f32 $1.442695020e+00, v30;
	_ =	sdelay $0x1  }
0x179: {  	(erf) = vpow2.f32 v4  }
0x17a: {  	[tilespmem:$0xC00] =	vst v36;
	v45 =	vpop (erf)  }
0x17b: {  	v36 =	vld [tilespmem:$0x3B0];
	[tilespmem:$0xBD0] =	vst v32;
	v31 =	vpop (erf)  }
0x17c: {  	[tilespmem:$0xBE0] =	vst v33;
	v32 =	vld [tilespmem:$0x390];
	v33 =	vpop (erf)  }
0x17d: {  	[tilespmem:$0xBF0] =	vst v35;
	v34 =	vld [tilespmem:$0x3A0];
	v35 =	vpop (erf)  }
0x17e: {  	[tilespmem:$0xC10] =	vst v37;
	v38 =	vld [tilespmem:$0x3C0];
	v37 =	vpop (erf)  }
0x17f: {  	v8 =	vadd.f32 v33, v31;
	v39 =	vadd.f32 v37, v35  }
0x180: {  	[tilespmem:$0xC20] =	vst v40;
	v40 =	vld [tilespmem:$0x3D0]  }
0x181: {  	[tilespmem:$0xC30] =	vst v41;
	v8 =	vadd.f32 v39, v8  }
0x182: {  	[tilespmem:$0xC40] =	vst v42;
	v41 =	vpop (erf)  }
0x183: {  	[tilespmem:$0xC50] =	vst v43;
	v42 =	vmax.f32 v32, v34;
	v43 =	vmax.f32 v36, v38;
	v8 =	vadd.f32 v8, v41  }
0x184: {  	v9 =	vmax.f32 v42, v43  }
0x185: {  	[tilespmem:$0xC60] =	vst v44;
	v9 =	vmax.f32 v9, v40;
	v44 =	vperm.xlane v8, v3  }
0x186: {  	[tilespmem:$0xC70] =	vst v46;
	v46 =	vperm.xlane v9, v3  }
0x187: {  	v8 =	vadd.f32 v8, v44  }
0x188: {  	v13 =	vmov v1;
	v9 =	vmax.f32 v9, v46  }
0x189: {  	v12 =	vperm.xlane v9, v13;
	v11 =	vperm.xlane v8, v13;
	_ =	sdelay $0x1  }
0x18a: {  	[tilespmem:$0xB90] =	vst v27;
	v27 =	vmov v0;
	v9 =	vmax.f32 v9, v12;
	v8 =	vadd.f32 v8, v11  }
0x18b: {  	[tilespmem:$0xC80] =	vst v47;
	v47 =	vperm.xlane v9, v27  }
0x18c: {  	[tilespmem:$0xC90] =	vst v48;
	v48 =	vperm.xlane v8, v27  }
0x18d: {  	v9 =	vmax.f32 v9, v47  }
0x18e: {  	v11 =	vperm.xlane v9, v2;
	v8 =	vadd.f32 v8, v48;
	_ =	sdelay $0x1  }
0x18f: {  	v9 =	vmax.f32 v9, v11;
	v12 =	vperm.xlane v8, v2  }
0x190: {  	v4 =	vsub.f32 v32, v9  }
0x191: {  	v5 =	vsub.f32 v34, v9;
	v8 =	vadd.f32 v8, v12  }
0x192: {  	[tilespmem:$0xAD0] =	vst v52;
	v52 =	vmul.f32 v49, v10;
	v6 =	vsub.f32 v36, v9;
	v4 =	vmul.f32 $1.442695020e+00, v4  }
0x193: {  	v7 =	vsub.f32 v38, v9;
	v5 =	vmul.f32 $1.442695020e+00, v5;
	(erf) = vrcp.f32 v8  }
0x194: {  	v49 =	vmul.f32 $1.442695020e+00, v6;
	(erf) = vpow2.f32 v4  }
0x195: {  	[tilespmem:$0xCB0] =	vst v50;
	v50 =	vmul.f32 $1.442695020e+00, v7;
	(erf) = vpow2.f32 v5  }
0x196: {  	(erf) = vpow2.f32 v49  }
0x197: {  	[tilespmem:$0xCC0] =	vst v51;
	v51 =	vsub.f32 v40, v9;
	(erf) = vpow2.f32 v50;
	_ =	sdelay $0x1  }
0x198: {  	v4 =	vmul.f32 $1.442695020e+00, v51;
	_ =	sdelay $0x1  }
0x199: {  	(erf) = vpow2.f32 v4  }
0x19a: {  	[tilespmem:$0x1FB90] =	vst v37;
	v37 =	vpop (erf)  }
0x19b: {  	v53 =	vld [tilespmem:$0x3E0];
	[tilespmem:$0xCD0] =	vst v52;
	v52 =	vpop (erf)  }
0x19c: {  	v57 =	vld [tilespmem:$0x400];
	v54 =	vpop (erf)  }
0x19d: {  	v55 =	vld [tilespmem:$0x3F0];
	v56 =	vpop (erf)  }
0x19e: {  	v59 =	vld [tilespmem:$0x410];
	v58 =	vpop (erf)  }
0x19f: {  	[tilespmem:$0x1FB30] =	vst v61;
	v8 =	vadd.f32 v54, v52;
	v61 =	vadd.f32 v58, v56  }
0x1a0: {  	v63 =	vld [tilespmem:$0x420]  }
0x1a1: {  	v8 =	vadd.f32 v61, v8  }
0x1a2: {  	v15 =	vpop (erf)  }
0x1a3: {  	[tilespmem:$0x1FB40] =	vst v16;
	v16 =	vmax.f32 v53, v55;
	v17 =	vmax.f32 v57, v59;
	v8 =	vadd.f32 v8, v15  }
0x1a4: {  	v9 =	vmax.f32 v16, v17  }
0x1a5: {  	v9 =	vmax.f32 v9, v63;
	v18 =	vperm.xlane v8, v3  }
0x1a6: {  	v19 =	vperm.xlane v9, v3  }
0x1a7: {  	v8 =	vadd.f32 v8, v18  }
0x1a8: {  	v9 =	vmax.f32 v9, v19  }
0x1a9: {  	v12 =	vperm.xlane v9, v13;
	v11 =	vperm.xlane v8, v13;
	_ =	sdelay $0x1  }
0x1aa: {  	v9 =	vmax.f32 v9, v12;
	v8 =	vadd.f32 v8, v11  }
0x1ab: {  	[tilespmem:$0x1FB50] =	vst v20;
	v20 =	vperm.xlane v9, v27  }
0x1ac: {  	v21 =	vperm.xlane v8, v27  }
0x1ad: {  	v9 =	vmax.f32 v9, v20  }
0x1ae: {  	v11 =	vperm.xlane v9, v2;
	v8 =	vadd.f32 v8, v21;
	_ =	sdelay $0x1  }
0x1af: {  	v9 =	vmax.f32 v9, v11;
	v12 =	vperm.xlane v8, v2  }
0x1b0: {  	v4 =	vsub.f32 v53, v9  }
0x1b1: {  	v5 =	vsub.f32 v55, v9;
	v8 =	vadd.f32 v8, v12  }
0x1b2: {  	v6 =	vsub.f32 v57, v9;
	v4 =	vmul.f32 $1.442695020e+00, v4  }
0x1b3: {  	v7 =	vsub.f32 v59, v9;
	v5 =	vmul.f32 $1.442695020e+00, v5;
	(erf) = vrcp.f32 v8  }
0x1b4: {  	v22 =	vmul.f32 $1.442695020e+00, v6;
	(erf) = vpow2.f32 v4  }
0x1b5: {  	v23 =	vmul.f32 $1.442695020e+00, v7;
	(erf) = vpow2.f32 v5  }
0x1b6: {  	(erf) = vpow2.f32 v22  }
0x1b7: {  	v24 =	vsub.f32 v63, v9;
	(erf) = vpow2.f32 v23;
	_ =	sdelay $0x1  }
0x1b8: {  	v4 =	vmul.f32 $1.442695020e+00, v24;
	_ =	sdelay $0x1  }
0x1b9: {  	(erf) = vpow2.f32 v4  }
0x1ba: {  	v36 =	vpop (erf)  }
0x1bb: {  	v26 =	vld [tilespmem:$0x430];
	v25 =	vpop (erf)  }
0x1bc: {  	v29 =	vld [tilespmem:$0x440];
	v28 =	vpop (erf)  }
0x1bd: {  	[tilespmem:$0x1FB60] =	vst v31;
	v31 =	vld [tilespmem:$0x450];
	v30 =	vpop (erf)  }
0x1be: {  	[tilespmem:$0x1FB70] =	vst v33;
	v33 =	vld [tilespmem:$0x460];
	v32 =	vpop (erf)  }
0x1bf: {  	v8 =	vadd.f32 v28, v25;
	v34 =	vadd.f32 v32, v30  }
0x1c0: {  	[tilespmem:$0x1FB80] =	vst v35;
	v35 =	vld [tilespmem:$0x470]  }
0x1c1: {  	v8 =	vadd.f32 v34, v8  }
0x1c2: {  	v38 =	vpop (erf)  }
0x1c3: {  	v39 =	vmax.f32 v26, v29;
	v40 =	vmax.f32 v31, v33;
	v8 =	vadd.f32 v8, v38  }
0x1c4: {  	v9 =	vmax.f32 v39, v40  }
0x1c5: {  	[tilespmem:$0x1FBA0] =	vst v41;
	v9 =	vmax.f32 v9, v35;
	v41 =	vperm.xlane v8, v3  }
0x1c6: {  	v42 =	vperm.xlane v9, v3  }
0x1c7: {  	v8 =	vadd.f32 v8, v41  }
0x1c8: {  	v9 =	vmax.f32 v9, v42  }
0x1c9: {  	v12 =	vperm.xlane v9, v13;
	v11 =	vperm.xlane v8, v13;
	_ =	sdelay $0x1  }
0x1ca: {  	v9 =	vmax.f32 v9, v12;
	v8 =	vadd.f32 v8, v11  }
0x1cb: {  	v43 =	vperm.xlane v9, v27  }
0x1cc: {  	v44 =	vperm.xlane v8, v27  }
0x1cd: {  	v9 =	vmax.f32 v9, v43  }
0x1ce: {  	v11 =	vperm.xlane v9, v2;
	v8 =	vadd.f32 v8, v44;
	_ =	sdelay $0x1  }
0x1cf: {  	v9 =	vmax.f32 v9, v11;
	v12 =	vperm.xlane v8, v2  }
0x1d0: {  	v4 =	vsub.f32 v26, v9  }
0x1d1: {  	v5 =	vsub.f32 v29, v9;
	v8 =	vadd.f32 v8, v12  }
0x1d2: {  	v6 =	vsub.f32 v31, v9;
	v4 =	vmul.f32 $1.442695020e+00, v4  }
0x1d3: {  	v7 =	vsub.f32 v33, v9;
	v5 =	vmul.f32 $1.442695020e+00, v5;
	(erf) = vrcp.f32 v8  }
0x1d4: {  	v46 =	vmul.f32 $1.442695020e+00, v6;
	(erf) = vpow2.f32 v4  }
0x1d5: {  	v47 =	vmul.f32 $1.442695020e+00, v7;
	(erf) = vpow2.f32 v5  }
0x1d6: {  	(erf) = vpow2.f32 v46  }
0x1d7: {  	v48 =	vsub.f32 v35, v9;
	(erf) = vpow2.f32 v47;
	_ =	sdelay $0x1  }
0x1d8: {  	v4 =	vmul.f32 $1.442695020e+00, v48;
	_ =	sdelay $0x1  }
0x1d9: {  	(erf) = vpow2.f32 v4  }
0x1da: {  	[tilespmem:$0x1FC30] =	vst v32;
	v32 =	vpop (erf)  }
0x1db: {  	v50 =	vld [tilespmem:$0x480];
	v49 =	vpop (erf)  }
0x1dc: {  	[tilespmem:$0x1FBB0] =	vst v52;
	v52 =	vld [tilespmem:$0x490];
	v51 =	vpop (erf)  }
0x1dd: {  	[tilespmem:$0x1FBC0] =	vst v54;
	v54 =	vld [tilespmem:$0x4A0];
	v53 =	vpop (erf)  }
0x1de: {  	[tilespmem:$0x1FBD0] =	vst v56;
	v56 =	vld [tilespmem:$0x4B0];
	v55 =	vpop (erf)  }
0x1df: {  	v8 =	vadd.f32 v51, v49;
	v57 =	vadd.f32 v55, v53  }
0x1e0: {  	[tilespmem:$0x1FBE0] =	vst v58;
	v58 =	vld [tilespmem:$0x4C0]  }
0x1e1: {  	v8 =	vadd.f32 v57, v8  }
0x1e2: {  	v59 =	vpop (erf)  }
0x1e3: {  	v61 =	vmax.f32 v50, v52;
	v63 =	vmax.f32 v54, v56;
	v8 =	vadd.f32 v8, v59  }
0x1e4: {  	v9 =	vmax.f32 v61, v63  }
0x1e5: {  	v9 =	vmax.f32 v9, v58;
	v0 =	vperm.xlane v8, v3  }
0x1e6: {  	v1 =	vperm.xlane v9, v3  }
0x1e7: {  	v8 =	vadd.f32 v8, v0  }
0x1e8: {  	v9 =	vmax.f32 v9, v1  }
0x1e9: {  	v12 =	vperm.xlane v9, v13;
	v11 =	vperm.xlane v8, v13;
	_ =	sdelay $0x1  }
0x1ea: {  	v9 =	vmax.f32 v9, v12;
	v8 =	vadd.f32 v8, v11  }
0x1eb: {  	v16 =	vperm.xlane v9, v27  }
0x1ec: {  	v17 =	vperm.xlane v8, v27  }
0x1ed: {  	v9 =	vmax.f32 v9, v16  }
0x1ee: {  	v11 =	vperm.xlane v9, v2;
	v8 =	vadd.f32 v8, v17;
	_ =	sdelay $0x1  }
0x1ef: {  	v9 =	vmax.f32 v9, v11;
	v12 =	vperm.xlane v8, v2  }
0x1f0: {  	v4 =	vsub.f32 v50, v9  }
0x1f1: {  	v5 =	vsub.f32 v52, v9;
	v8 =	vadd.f32 v8, v12  }
0x1f2: {  	v6 =	vsub.f32 v54, v9;
	v4 =	vmul.f32 $1.442695020e+00, v4  }
0x1f3: {  	v7 =	vsub.f32 v56, v9;
	v5 =	vmul.f32 $1.442695020e+00, v5;
	(erf) = vrcp.f32 v8  }
0x1f4: {  	v18 =	vmul.f32 $1.442695020e+00, v6;
	(erf) = vpow2.f32 v4  }
0x1f5: {  	v19 =	vmul.f32 $1.442695020e+00, v7;
	(erf) = vpow2.f32 v5  }
0x1f6: {  	(erf) = vpow2.f32 v18  }
0x1f7: {  	v20 =	vsub.f32 v58, v9;
	(erf) = vpow2.f32 v19;
	_ =	sdelay $0x1  }
0x1f8: {  	v4 =	vmul.f32 $1.442695020e+00, v20;
	_ =	sdelay $0x1  }
0x1f9: {  	(erf) = vpow2.f32 v4  }
0x1fa: {  	[tilespmem:$0x1FC40] =	vst v38;
	v38 =	vpop (erf)  }
0x1fb: {  	v24 =	vld [tilespmem:$0x4E0];
	v21 =	vpop (erf)  }
0x1fc: {  	v22 =	vld [tilespmem:$0x4D0];
	v23 =	vpop (erf)  }
0x1fd: {  	[tilespmem:$0x1FC00] =	vst v25;
	v26 =	vld [tilespmem:$0x4F0];
	v25 =	vpop (erf)  }
0x1fe: {  	[tilespmem:$0x1FC10] =	vst v28;
	v29 =	vld [tilespmem:$0x500];
	v28 =	vpop (erf)  }
0x1ff: {  	[tilespmem:$0x1FC20] =	vst v30;
	v8 =	vadd.f32 v23, v21;
	v30 =	vadd.f32 v28, v25  }
0x200: {  	v31 =	vld [tilespmem:$0x510]  }
0x201: {  	v8 =	vadd.f32 v30, v8  }
0x202: {  	v33 =	vpop (erf)  }
0x203: {  	v34 =	vmax.f32 v22, v24;
	v35 =	vmax.f32 v26, v29;
	v8 =	vadd.f32 v8, v33  }
0x204: {  	v9 =	vmax.f32 v34, v35  }
0x205: {  	v9 =	vmax.f32 v9, v31;
	v39 =	vperm.xlane v8, v3  }
0x206: {  	v40 =	vperm.xlane v9, v3  }
0x207: {  	v8 =	vadd.f32 v8, v39  }
0x208: {  	v9 =	vmax.f32 v9, v40  }
0x209: {  	v12 =	vperm.xlane v9, v13;
	v11 =	vperm.xlane v8, v13;
	_ =	sdelay $0x1  }
0x20a: {  	v9 =	vmax.f32 v9, v12;
	v8 =	vadd.f32 v8, v11  }
0x20b: {  	v41 =	vperm.xlane v9, v27  }
0x20c: {  	v42 =	vperm.xlane v8, v27  }
0x20d: {  	v9 =	vmax.f32 v9, v41  }
0x20e: {  	v11 =	vperm.xlane v9, v2;
	v8 =	vadd.f32 v8, v42;
	_ =	sdelay $0x1  }
0x20f: {  	v9 =	vmax.f32 v9, v11;
	v12 =	vperm.xlane v8, v2  }
0x210: {  	v4 =	vsub.f32 v22, v9  }
0x211: {  	v5 =	vsub.f32 v24, v9;
	v8 =	vadd.f32 v8, v12  }
0x212: {  	v6 =	vsub.f32 v26, v9;
	v4 =	vmul.f32 $1.442695020e+00, v4  }
0x213: {  	v7 =	vsub.f32 v29, v9;
	v5 =	vmul.f32 $1.442695020e+00, v5;
	(erf) = vrcp.f32 v8  }
0x214: {  	v43 =	vmul.f32 $1.442695020e+00, v6;
	(erf) = vpow2.f32 v4  }
0x215: {  	v44 =	vmul.f32 $1.442695020e+00, v7;
	(erf) = vpow2.f32 v5  }
0x216: {  	(erf) = vpow2.f32 v43  }
0x217: {  	v46 =	vsub.f32 v31, v9;
	(erf) = vpow2.f32 v44;
	_ =	sdelay $0x1  }
0x218: {  	v4 =	vmul.f32 $1.442695020e+00, v46;
	_ =	sdelay $0x1  }
0x219: {  	(erf) = vpow2.f32 v4  }
0x21a: {  	v43 =	vpop (erf)  }
0x21b: {  	v48 =	vld [tilespmem:$0x520];
	v47 =	vpop (erf)  }
0x21c: {  	[tilespmem:$0x1FC50] =	vst v49;
	v50 =	vld [tilespmem:$0x530];
	v49 =	vpop (erf)  }
0x21d: {  	[tilespmem:$0x1FC60] =	vst v51;
	v52 =	vld [tilespmem:$0x540];
	v51 =	vpop (erf)  }
0x21e: {  	[tilespmem:$0x1FC70] =	vst v53;
	v54 =	vld [tilespmem:$0x550];
	v53 =	vpop (erf)  }
0x21f: {  	[tilespmem:$0x1FC80] =	vst v55;
	v8 =	vadd.f32 v49, v47;
	v55 =	vadd.f32 v53, v51  }
0x220: {  	v56 =	vld [tilespmem:$0x560]  }
0x221: {  	v8 =	vadd.f32 v55, v8  }
0x222: {  	v57 =	vpop (erf)  }
0x223: {  	[tilespmem:$0x1FC90] =	vst v59;
	v58 =	vmax.f32 v48, v50;
	v59 =	vmax.f32 v52, v54;
	v8 =	vadd.f32 v8, v57  }
0x224: {  	v9 =	vmax.f32 v58, v59  }
0x225: {  	v9 =	vmax.f32 v9, v56;
	v61 =	vperm.xlane v8, v3  }
0x226: {  	v63 =	vperm.xlane v9, v3  }
0x227: {  	v8 =	vadd.f32 v8, v61  }
0x228: {  	v9 =	vmax.f32 v9, v63  }
0x229: {  	v12 =	vperm.xlane v9, v13;
	v11 =	vperm.xlane v8, v13  }
0x22a: {  	[tilespmem:$0x1FBF0] =	vst v15  }
0x22b: {  	[tilespmem:$0x1FCA0] =	vst v21;
	v9 =	vmax.f32 v9, v12;
	v8 =	vadd.f32 v8, v11  }
0x22c: {  	[tilespmem:$0x1FCB0] =	vst v23;
	v0 =	vperm.xlane v9, v27  }
0x22d: {  	[tilespmem:$0x1FCC0] =	vst v25;
	v1 =	vperm.xlane v8, v27  }
0x22e: {  	[tilespmem:$0x1FCD0] =	vst v28;
	v9 =	vmax.f32 v9, v0  }
0x22f: {  	[tilespmem:$0x1FCE0] =	vst v33;
	v11 =	vperm.xlane v9, v2;
	v8 =	vadd.f32 v8, v1  }
0x230: {  	[tilespmem:$0x1FCF0] =	vst v47  }
0x231: {  	[tilespmem:$0x1FD00] =	vst v49;
	v9 =	vmax.f32 v9, v11;
	v12 =	vperm.xlane v8, v2  }
0x232: {  	[tilespmem:$0x1FD10] =	vst v51;
	v4 =	vsub.f32 v48, v9  }
0x233: {  	[tilespmem:$0x1FD20] =	vst v53;
	v5 =	vsub.f32 v50, v9;
	v8 =	vadd.f32 v8, v12  }
0x234: {  	[tilespmem:$0x1FD30] =	vst v57;
	v6 =	vsub.f32 v52, v9;
	v4 =	vmul.f32 $1.442695020e+00, v4  }
0x235: {  	v7 =	vsub.f32 v54, v9;
	v5 =	vmul.f32 $1.442695020e+00, v5;
	(erf) = vrcp.f32 v8  }
0x236: {  	v16 =	vmul.f32 $1.442695020e+00, v6;
	(erf) = vpow2.f32 v4  }
0x237: {  	v17 =	vmul.f32 $1.442695020e+00, v7;
	(erf) = vpow2.f32 v5  }
0x238: {  	(erf) = vpow2.f32 v16  }
0x239: {  	v18 =	vsub.f32 v56, v9;
	(erf) = vpow2.f32 v17;
	_ =	sdelay $0x1  }
0x23a: {  	v4 =	vmul.f32 $1.442695020e+00, v18;
	_ =	sdelay $0x1  }
0x23b: {  	(erf) = vpow2.f32 v4  }
0x23c: {  	v50 =	vpop (erf)  }
0x23d: {  	v20 =	vld [tilespmem:$0x570];
	v19 =	vpop (erf)  }
0x23e: {  	v21 =	vld [tilespmem:$0x580];
	v8 =	vpop (erf)  }
0x23f: {  	v23 =	vld [tilespmem:$0x590];
	v22 =	vpop (erf)  }
0x240: {  	v25 =	vld [tilespmem:$0x5A0];
	v24 =	vpop (erf)  }
0x241: {  	[tilespmem:$0x1FD50] =	vst v8;
	v8 =	vadd.f32 v8, v19;
	v26 =	vadd.f32 v24, v22  }
0x242: {  	v28 =	vld [tilespmem:$0x5B0]  }
0x243: {  	v8 =	vadd.f32 v26, v8  }
0x244: {  	v29 =	vpop (erf)  }
0x245: {  	v30 =	vmax.f32 v20, v21;
	v31 =	vmax.f32 v23, v25;
	v8 =	vadd.f32 v8, v29  }
0x246: {  	v9 =	vmax.f32 v30, v31  }
0x247: {  	v9 =	vmax.f32 v9, v28;
	v33 =	vperm.xlane v8, v3  }
0x248: {  	v34 =	vperm.xlane v9, v3  }
0x249: {  	v8 =	vadd.f32 v8, v33  }
0x24a: {  	v9 =	vmax.f32 v9, v34  }
0x24b: {  	v12 =	vperm.xlane v9, v13;
	v11 =	vperm.xlane v8, v13;
	_ =	sdelay $0x1  }
0x24c: {  	v9 =	vmax.f32 v9, v12;
	v8 =	vadd.f32 v8, v11  }
0x24d: {  	v35 =	vperm.xlane v9, v27  }
0x24e: {  	v39 =	vperm.xlane v8, v27  }
0x24f: {  	v9 =	vmax.f32 v9, v35  }
0x250: {  	v11 =	vperm.xlane v9, v2;
	v8 =	vadd.f32 v8, v39;
	_ =	sdelay $0x1  }
0x251: {  	v9 =	vmax.f32 v9, v11;
	v12 =	vperm.xlane v8, v2  }
0x252: {  	v4 =	vsub.f32 v20, v9  }
0x253: {  	v5 =	vsub.f32 v21, v9;
	v8 =	vadd.f32 v8, v12  }
0x254: {  	v6 =	vsub.f32 v23, v9;
	v4 =	vmul.f32 $1.442695020e+00, v4  }
0x255: {  	v7 =	vsub.f32 v25, v9;
	v5 =	vmul.f32 $1.442695020e+00, v5;
	(erf) = vrcp.f32 v8  }
0x256: {  	v40 =	vmul.f32 $1.442695020e+00, v6;
	(erf) = vpow2.f32 v4  }
0x257: {  	v41 =	vmul.f32 $1.442695020e+00, v7;
	(erf) = vpow2.f32 v5  }
0x258: {  	(erf) = vpow2.f32 v40  }
0x259: {  	v42 =	vsub.f32 v28, v9;
	(erf) = vpow2.f32 v41;
	_ =	sdelay $0x1  }
0x25a: {  	v4 =	vmul.f32 $1.442695020e+00, v42;
	_ =	sdelay $0x1  }
0x25b: {  	(erf) = vpow2.f32 v4  }
0x25c: {  	v56 =	vpop (erf)  }
0x25d: {  	v46 =	vld [tilespmem:$0x5C0];
	v44 =	vpop (erf)  }
0x25e: {  	v48 =	vld [tilespmem:$0x5D0];
	v47 =	vpop (erf)  }
0x25f: {  	v51 =	vld [tilespmem:$0x5E0];
	v49 =	vpop (erf)  }
0x260: {  	v53 =	vld [tilespmem:$0x5F0];
	v52 =	vpop (erf)  }
0x261: {  	v8 =	vadd.f32 v47, v44;
	v54 =	vadd.f32 v52, v49  }
0x262: {  	v55 =	vld [tilespmem:$0x600]  }
0x263: {  	v8 =	vadd.f32 v54, v8  }
0x264: {  	v57 =	vpop (erf)  }
0x265: {  	v58 =	vmax.f32 v46, v48;
	v59 =	vmax.f32 v51, v53;
	v8 =	vadd.f32 v8, v57  }
0x266: {  	v9 =	vmax.f32 v58, v59  }
0x267: {  	v9 =	vmax.f32 v9, v55;
	v61 =	vperm.xlane v8, v3  }
0x268: {  	v63 =	vperm.xlane v9, v3  }
0x269: {  	v8 =	vadd.f32 v8, v61  }
0x26a: {  	v9 =	vmax.f32 v9, v63  }
0x26b: {  	v12 =	vperm.xlane v9, v13;
	v11 =	vperm.xlane v8, v13;
	_ =	sdelay $0x1  }
0x26c: {  	v9 =	vmax.f32 v9, v12;
	v8 =	vadd.f32 v8, v11  }
0x26d: {  	v0 =	vperm.xlane v9, v27  }
0x26e: {  	v1 =	vperm.xlane v8, v27  }
0x26f: {  	v9 =	vmax.f32 v9, v0  }
0x270: {  	v11 =	vperm.xlane v9, v2;
	v8 =	vadd.f32 v8, v1;
	_ =	sdelay $0x1  }
0x271: {  	v9 =	vmax.f32 v9, v11;
	v12 =	vperm.xlane v8, v2  }
0x272: {  	v4 =	vsub.f32 v46, v9  }
0x273: {  	v5 =	vsub.f32 v48, v9;
	v8 =	vadd.f32 v8, v12  }
0x274: {  	v6 =	vsub.f32 v51, v9;
	v4 =	vmul.f32 $1.442695020e+00, v4  }
0x275: {  	v7 =	vsub.f32 v53, v9;
	v5 =	vmul.f32 $1.442695020e+00, v5;
	(erf) = vrcp.f32 v8  }
0x276: {  	v12 =	vmul.f32 $1.442695020e+00, v6;
	(erf) = vpow2.f32 v4  }
0x277: {  	v14 =	vmul.f32 $1.442695020e+00, v7;
	(erf) = vpow2.f32 v5  }
0x278: {  	(erf) = vpow2.f32 v12  }
0x279: {  	v15 =	vsub.f32 v55, v9;
	(erf) = vpow2.f32 v14;
	_ =	sdelay $0x1  }
0x27a: {  	v4 =	vmul.f32 $1.442695020e+00, v15;
	_ =	sdelay $0x1  }
0x27b: {  	(erf) = vpow2.f32 v4  }
0x27c: {  	v26 =	vpop (erf)  }
0x27d: {  	v17 =	vld [tilespmem:$0x610];
	v16 =	vpop (erf)  }
0x27e: {  	[tilespmem:$0x1FD40] =	vst v19;
	v19 =	vld [tilespmem:$0x620];
	v18 =	vpop (erf)  }
0x27f: {  	v21 =	vld [tilespmem:$0x630];
	v20 =	vpop (erf)  }
0x280: {  	[tilespmem:$0x1FD60] =	vst v22;
	v23 =	vld [tilespmem:$0x640];
	v22 =	vpop (erf)  }
0x281: {  	[tilespmem:$0x1FD70] =	vst v24;
	v8 =	vadd.f32 v18, v16;
	v24 =	vadd.f32 v22, v20  }
0x282: {  	v25 =	vld [tilespmem:$0x650]  }
0x283: {  	v8 =	vadd.f32 v24, v8  }
0x284: {  	v28 =	vpop (erf)  }
0x285: {  	[tilespmem:$0x1FD80] =	vst v29;
	v29 =	vmax.f32 v17, v19;
	v30 =	vmax.f32 v21, v23;
	v8 =	vadd.f32 v8, v28  }
0x286: {  	v9 =	vmax.f32 v29, v30  }
0x287: {  	v9 =	vmax.f32 v9, v25;
	v31 =	vperm.xlane v8, v3  }
0x288: {  	v33 =	vperm.xlane v9, v3  }
0x289: {  	v8 =	vadd.f32 v8, v31  }
0x28a: {  	v9 =	vmax.f32 v9, v33  }
0x28b: {  	v12 =	vperm.xlane v9, v13;
	v11 =	vperm.xlane v8, v13;
	_ =	sdelay $0x1  }
0x28c: {  	v9 =	vmax.f32 v9, v12;
	v8 =	vadd.f32 v8, v11  }
0x28d: {  	v34 =	vperm.xlane v9, v27  }
0x28e: {  	v35 =	vperm.xlane v8, v27  }
0x28f: {  	v9 =	vmax.f32 v9, v34  }
0x290: {  	v11 =	vperm.xlane v9, v2;
	v8 =	vadd.f32 v8, v35;
	_ =	sdelay $0x1  }
0x291: {  	v9 =	vmax.f32 v9, v11;
	v39 =	vperm.xlane v8, v2  }
0x292: {  	v4 =	vsub.f32 v17, v9  }
0x293: {  	v5 =	vsub.f32 v19, v9;
	v8 =	vadd.f32 v8, v39  }
0x294: {  	v6 =	vsub.f32 v21, v9;
	v4 =	vmul.f32 $1.442695020e+00, v4  }
0x295: {  	v7 =	vsub.f32 v23, v9;
	v5 =	vmul.f32 $1.442695020e+00, v5;
	(erf) = vrcp.f32 v8  }
0x296: {  	v40 =	vmul.f32 $1.442695020e+00, v6;
	(erf) = vpow2.f32 v4  }
0x297: {  	v41 =	vmul.f32 $1.442695020e+00, v7;
	(erf) = vpow2.f32 v5  }
0x298: {  	(erf) = vpow2.f32 v40  }
0x299: {  	v42 =	vsub.f32 v25, v9;
	(erf) = vpow2.f32 v41;
	_ =	sdelay $0x1  }
0x29a: {  	v4 =	vmul.f32 $1.442695020e+00, v42;
	_ =	sdelay $0x1  }
0x29b: {  	(erf) = vpow2.f32 v4  }
0x29c: {  	v25 =	vpop (erf)  }
0x29d: {  	[tilespmem:$0x1FD90] =	vst v44;
	v46 =	vld [tilespmem:$0x660];
	v44 =	vpop (erf)  }
0x29e: {  	[tilespmem:$0x1FDA0] =	vst v47;
	v48 =	vld [tilespmem:$0x670];
	v47 =	vpop (erf)  }
0x29f: {  	[tilespmem:$0x1FDB0] =	vst v49;
	v51 =	vld [tilespmem:$0x680];
	v49 =	vpop (erf)  }
0x2a0: {  	[tilespmem:$0x1FDC0] =	vst v52;
	v53 =	vld [tilespmem:$0x690];
	v52 =	vpop (erf)  }
0x2a1: {  	v8 =	vadd.f32 v47, v44;
	v54 =	vadd.f32 v52, v49  }
0x2a2: {  	v55 =	vld [tilespmem:$0x6A0]  }
0x2a3: {  	v8 =	vadd.f32 v54, v8  }
0x2a4: {  	[tilespmem:$0x1FDD0] =	vst v57;
	v57 =	vpop (erf)  }
0x2a5: {  	v58 =	vmax.f32 v46, v48;
	v59 =	vmax.f32 v51, v53;
	v8 =	vadd.f32 v8, v57  }
0x2a6: {  	v9 =	vmax.f32 v58, v59  }
0x2a7: {  	v9 =	vmax.f32 v9, v55;
	v61 =	vperm.xlane v8, v3  }
0x2a8: {  	v63 =	vperm.xlane v9, v3  }
0x2a9: {  	v8 =	vadd.f32 v8, v61  }
0x2aa: {  	v9 =	vmax.f32 v9, v63  }
0x2ab: {  	v12 =	vperm.xlane v9, v13;
	v11 =	vperm.xlane v8, v13;
	_ =	sdelay $0x1  }
0x2ac: {  	v9 =	vmax.f32 v9, v12;
	v8 =	vadd.f32 v8, v11  }
0x2ad: {  	v0 =	vperm.xlane v9, v27  }
0x2ae: {  	v1 =	vperm.xlane v8, v27  }
0x2af: {  	v9 =	vmax.f32 v9, v0  }
0x2b0: {  	v11 =	vperm.xlane v9, v2;
	v8 =	vadd.f32 v8, v1;
	_ =	sdelay $0x1  }
0x2b1: {  	v9 =	vmax.f32 v9, v11;
	v15 =	vperm.xlane v8, v2  }
0x2b2: {  	v4 =	vsub.f32 v46, v9  }
0x2b3: {  	v5 =	vsub.f32 v48, v9;
	v8 =	vadd.f32 v8, v15  }
0x2b4: {  	v6 =	vsub.f32 v51, v9;
	v4 =	vmul.f32 $1.442695020e+00, v4  }
0x2b5: {  	v7 =	vsub.f32 v53, v9;
	v5 =	vmul.f32 $1.442695020e+00, v5;
	(erf) = vrcp.f32 v8  }
0x2b6: {  	[tilespmem:$0x1FDE0] =	vst v16;
	v16 =	vmul.f32 $1.442695020e+00, v6;
	(erf) = vpow2.f32 v4  }
0x2b7: {  	v17 =	vmul.f32 $1.442695020e+00, v7;
	(erf) = vpow2.f32 v5  }
0x2b8: {  	(erf) = vpow2.f32 v16  }
0x2b9: {  	[tilespmem:$0x1FDF0] =	vst v18;
	v18 =	vsub.f32 v55, v9;
	(erf) = vpow2.f32 v17;
	_ =	sdelay $0x1  }
0x2ba: {  	v4 =	vmul.f32 $1.442695020e+00, v18;
	_ =	sdelay $0x1  }
0x2bb: {  	(erf) = vpow2.f32 v4  }
0x2bc: {  	v24 =	vpop (erf)  }
0x2bd: {  	v30 =	vld [tilespmem:$0x6E0];
	v19 =	vpop (erf)  }
0x2be: {  	[tilespmem:$0x1FE00] =	vst v20;
	v20 =	vld [tilespmem:$0x6B0];
	v21 =	vpop (erf)  }
0x2bf: {  	[tilespmem:$0x1FE10] =	vst v22;
	v22 =	vld [tilespmem:$0x6C0];
	v23 =	vpop (erf)  }
0x2c0: {  	[tilespmem:$0x1FE20] =	vst v28;
	v28 =	vld [tilespmem:$0x6D0];
	v29 =	vpop (erf)  }
0x2c1: {  	v8 =	vadd.f32 v21, v19;
	v31 =	vadd.f32 v29, v23  }
0x2c2: {  	v33 =	vld [tilespmem:$0x6F0]  }
0x2c3: {  	v8 =	vadd.f32 v31, v8  }
0x2c4: {  	v34 =	vpop (erf)  }
0x2c5: {  	v35 =	vmax.f32 v20, v22;
	v39 =	vmax.f32 v28, v30;
	v8 =	vadd.f32 v8, v34  }
0x2c6: {  	v9 =	vmax.f32 v35, v39  }
0x2c7: {  	v9 =	vmax.f32 v9, v33;
	v40 =	vperm.xlane v8, v3  }
0x2c8: {  	v41 =	vperm.xlane v9, v3  }
0x2c9: {  	v8 =	vadd.f32 v8, v40  }
0x2ca: {  	v9 =	vmax.f32 v9, v41  }
0x2cb: {  	v12 =	vperm.xlane v9, v13;
	v11 =	vperm.xlane v8, v13;
	_ =	sdelay $0x1  }
0x2cc: {  	v9 =	vmax.f32 v9, v12;
	v8 =	vadd.f32 v8, v11  }
0x2cd: {  	v42 =	vperm.xlane v9, v27  }
0x2ce: {  	[tilespmem:$0x1FE30] =	vst v44;
	v44 =	vperm.xlane v8, v27  }
0x2cf: {  	v9 =	vmax.f32 v9, v42  }
0x2d0: {  	v11 =	vperm.xlane v9, v2;
	v8 =	vadd.f32 v8, v44;
	_ =	sdelay $0x1  }
0x2d1: {  	v9 =	vmax.f32 v9, v11;
	v46 =	vperm.xlane v8, v2  }
0x2d2: {  	v4 =	vsub.f32 v20, v9  }
0x2d3: {  	v5 =	vsub.f32 v22, v9;
	v8 =	vadd.f32 v8, v46  }
0x2d4: {  	v6 =	vsub.f32 v28, v9;
	v4 =	vmul.f32 $1.442695020e+00, v4  }
0x2d5: {  	v7 =	vsub.f32 v30, v9;
	v5 =	vmul.f32 $1.442695020e+00, v5;
	(erf) = vrcp.f32 v8  }
0x2d6: {  	[tilespmem:$0x1FE40] =	vst v47;
	v47 =	vmul.f32 $1.442695020e+00, v6;
	(erf) = vpow2.f32 v4  }
0x2d7: {  	v48 =	vmul.f32 $1.442695020e+00, v7;
	(erf) = vpow2.f32 v5  }
0x2d8: {  	(erf) = vpow2.f32 v47  }
0x2d9: {  	[tilespmem:$0x1FE50] =	vst v49;
	v49 =	vsub.f32 v33, v9;
	(erf) = vpow2.f32 v48;
	_ =	sdelay $0x1  }
0x2da: {  	v4 =	vmul.f32 $1.442695020e+00, v49;
	_ =	sdelay $0x1  }
0x2db: {  	(erf) = vpow2.f32 v4  }
0x2dc: {  	[tilespmem:$0x1FEA0] =	vst v23;
	v23 =	vpop (erf)  }
0x2dd: {  	v59 =	vld [tilespmem:$0x730];
	v51 =	vpop (erf)  }
0x2de: {  	[tilespmem:$0x1FE60] =	vst v52;
	v52 =	vld [tilespmem:$0x700];
	v53 =	vpop (erf)  }
0x2df: {  	v54 =	vld [tilespmem:$0x710];
	v55 =	vpop (erf)  }
0x2e0: {  	[tilespmem:$0x1FE70] =	vst v57;
	v57 =	vld [tilespmem:$0x720];
	v58 =	vpop (erf)  }
0x2e1: {  	v8 =	vadd.f32 v53, v51;
	v61 =	vadd.f32 v58, v55  }
0x2e2: {  	v63 =	vld [tilespmem:$0x740]  }
0x2e3: {  	v8 =	vadd.f32 v61, v8  }
0x2e4: {  	v12 =	vpop (erf)  }
0x2e5: {  	v14 =	vmax.f32 v52, v54;
	v15 =	vmax.f32 v57, v59;
	v8 =	vadd.f32 v8, v12  }
0x2e6: {  	v9 =	vmax.f32 v14, v15  }
0x2e7: {  	v9 =	vmax.f32 v9, v63;
	v16 =	vperm.xlane v8, v3  }
0x2e8: {  	v17 =	vperm.xlane v9, v3  }
0x2e9: {  	v8 =	vadd.f32 v8, v16  }
0x2ea: {  	v9 =	vmax.f32 v9, v17  }
0x2eb: {  	v14 =	vperm.xlane v9, v13;
	v11 =	vperm.xlane v8, v13;
	_ =	sdelay $0x1  }
0x2ec: {  	v9 =	vmax.f32 v9, v14;
	v8 =	vadd.f32 v8, v11  }
0x2ed: {  	v18 =	vperm.xlane v9, v27  }
0x2ee: {  	[tilespmem:$0x1FE80] =	vst v19;
	v19 =	vperm.xlane v8, v27  }
0x2ef: {  	v9 =	vmax.f32 v9, v18  }
0x2f0: {  	v11 =	vperm.xlane v9, v2;
	v8 =	vadd.f32 v8, v19;
	_ =	sdelay $0x1  }
0x2f1: {  	v9 =	vmax.f32 v9, v11;
	v20 =	vperm.xlane v8, v2  }
0x2f2: {  	v4 =	vsub.f32 v52, v9  }
0x2f3: {  	v5 =	vsub.f32 v54, v9;
	v8 =	vadd.f32 v8, v20  }
0x2f4: {  	v6 =	vsub.f32 v57, v9;
	v4 =	vmul.f32 $1.442695020e+00, v4  }
0x2f5: {  	v7 =	vsub.f32 v59, v9;
	v5 =	vmul.f32 $1.442695020e+00, v5;
	(erf) = vrcp.f32 v8  }
0x2f6: {  	[tilespmem:$0x1FE90] =	vst v21;
	v21 =	vmul.f32 $1.442695020e+00, v6;
	(erf) = vpow2.f32 v4  }
0x2f7: {  	v22 =	vmul.f32 $1.442695020e+00, v7;
	(erf) = vpow2.f32 v5  }
0x2f8: {  	(erf) = vpow2.f32 v21  }
0x2f9: {  	v28 =	vsub.f32 v63, v9;
	(erf) = vpow2.f32 v22;
	_ =	sdelay $0x1  }
0x2fa: {  	v4 =	vmul.f32 $1.442695020e+00, v28;
	_ =	sdelay $0x1  }
0x2fb: {  	(erf) = vpow2.f32 v4  }
0x2fc: {  	v28 =	vpop (erf)  }
0x2fd: {  	v35 =	vld [tilespmem:$0x770];
	[tilespmem:$0x1FEB0] =	vst v29;
	v29 =	vpop (erf)  }
0x2fe: {  	v40 =	vld [tilespmem:$0x780];
	v31 =	vpop (erf)  }
0x2ff: {  	[tilespmem:$0x1FEC0] =	vst v34;
	v30 =	vld [tilespmem:$0x750];
	v34 =	vpop (erf)  }
0x300: {  	v33 =	vld [tilespmem:$0x760];
	v39 =	vpop (erf)  }
0x301: {  	v8 =	vadd.f32 v31, v29;
	v41 =	vadd.f32 v39, v34  }
0x302: {  	v42 =	vld [tilespmem:$0x790]  }
0x303: {  	v8 =	vadd.f32 v41, v8  }
0x304: {  	v44 =	vpop (erf)  }
0x305: {  	v46 =	vmax.f32 v30, v33;
	v47 =	vmax.f32 v35, v40;
	v8 =	vadd.f32 v8, v44  }
0x306: {  	v9 =	vmax.f32 v46, v47  }
0x307: {  	v9 =	vmax.f32 v9, v42;
	v48 =	vperm.xlane v8, v3  }
0x308: {  	v49 =	vperm.xlane v9, v3  }
0x309: {  	v8 =	vadd.f32 v8, v48  }
0x30a: {  	v9 =	vmax.f32 v9, v49  }
0x30b: {  	v15 =	vperm.xlane v9, v13;
	v14 =	vperm.xlane v8, v13;
	_ =	sdelay $0x1  }
0x30c: {  	v9 =	vmax.f32 v9, v15;
	v8 =	vadd.f32 v8, v14  }
0x30d: {  	[tilespmem:$0x1FED0] =	vst v51;
	v51 =	vperm.xlane v9, v27  }
0x30e: {  	v52 =	vperm.xlane v8, v27  }
0x30f: {  	v9 =	vmax.f32 v9, v51  }
0x310: {  	v14 =	vperm.xlane v9, v2;
	v8 =	vadd.f32 v8, v52;
	_ =	sdelay $0x1  }
0x311: {  	[tilespmem:$0x1FEE0] =	vst v53;
	v9 =	vmax.f32 v9, v14;
	v53 =	vperm.xlane v8, v2  }
0x312: {  	v4 =	vsub.f32 v30, v9  }
0x313: {  	v5 =	vsub.f32 v33, v9;
	v8 =	vadd.f32 v8, v53  }
0x314: {  	v6 =	vsub.f32 v35, v9;
	v4 =	vmul.f32 $1.442695020e+00, v4  }
0x315: {  	v7 =	vsub.f32 v40, v9;
	v5 =	vmul.f32 $1.442695020e+00, v5;
	(erf) = vrcp.f32 v8  }
0x316: {  	v54 =	vmul.f32 $1.442695020e+00, v6;
	(erf) = vpow2.f32 v4  }
0x317: {  	[tilespmem:$0x1FEF0] =	vst v55;
	v55 =	vmul.f32 $1.442695020e+00, v7;
	(erf) = vpow2.f32 v5  }
0x318: {  	(erf) = vpow2.f32 v54  }
0x319: {  	v57 =	vsub.f32 v42, v9;
	(erf) = vpow2.f32 v55;
	_ =	sdelay $0x1  }
0x31a: {  	v4 =	vmul.f32 $1.442695020e+00, v57;
	_ =	sdelay $0x1  }
0x31b: {  	(erf) = vpow2.f32 v4  }
0x31c: {  	v22 =	vpop (erf)  }
0x31d: {  	[tilespmem:$0x1FF00] =	vst v58;
	v59 =	vld [tilespmem:$0x7A0];
	v58 =	vpop (erf)  }
0x31e: {  	v63 =	vld [tilespmem:$0x7B0];
	v61 =	vpop (erf)  }
0x31f: {  	v21 =	vld [tilespmem:$0x7C0];
	v20 =	vpop (erf)  }
0x320: {  	[tilespmem:$0x1FF20] =	vst v29;
	v30 =	vld [tilespmem:$0x7D0];
	v29 =	vpop (erf)  }
0x321: {  	[tilespmem:$0x1FF30] =	vst v31;
	v8 =	vadd.f32 v61, v58;
	v31 =	vadd.f32 v29, v20  }
0x322: {  	v33 =	vld [tilespmem:$0x7E0]  }
0x323: {  	v8 =	vadd.f32 v31, v8  }
0x324: {  	[tilespmem:$0x1FF40] =	vst v34;
	v34 =	vpop (erf)  }
0x325: {  	[tilespmem:$0x1FF50] =	vst v39;
	v35 =	vmax.f32 v59, v63;
	v39 =	vmax.f32 v21, v30;
	v8 =	vadd.f32 v8, v34  }
0x326: {  	v9 =	vmax.f32 v35, v39  }
0x327: {  	v9 =	vmax.f32 v9, v33;
	v40 =	vperm.xlane v8, v3  }
0x328: {  	v41 =	vperm.xlane v9, v3  }
0x329: {  	v8 =	vadd.f32 v8, v40  }
0x32a: {  	v9 =	vmax.f32 v9, v41  }
0x32b: {  	v16 =	vperm.xlane v9, v13;
	v15 =	vperm.xlane v8, v13;
	_ =	sdelay $0x1  }
0x32c: {  	v9 =	vmax.f32 v9, v16;
	v8 =	vadd.f32 v8, v15  }
0x32d: {  	v42 =	vperm.xlane v9, v27  }
0x32e: {  	[tilespmem:$0x1FF60] =	vst v44;
	v44 =	vperm.xlane v8, v27  }
0x32f: {  	v9 =	vmax.f32 v9, v42  }
0x330: {  	v15 =	vperm.xlane v9, v2;
	v8 =	vadd.f32 v8, v44;
	_ =	sdelay $0x1  }
0x331: {  	v9 =	vmax.f32 v9, v15;
	v46 =	vperm.xlane v8, v2  }
0x332: {  	v4 =	vsub.f32 v59, v9  }
0x333: {  	v5 =	vsub.f32 v63, v9;
	v8 =	vadd.f32 v8, v46  }
0x334: {  	v6 =	vsub.f32 v21, v9;
	v4 =	vmul.f32 $1.442695020e+00, v4  }
0x335: {  	v7 =	vsub.f32 v30, v9;
	v5 =	vmul.f32 $1.442695020e+00, v5;
	(erf) = vrcp.f32 v8  }
0x336: {  	v47 =	vmul.f32 $1.442695020e+00, v6;
	(erf) = vpow2.f32 v4  }
0x337: {  	v48 =	vmul.f32 $1.442695020e+00, v7;
	(erf) = vpow2.f32 v5  }
0x338: {  	(erf) = vpow2.f32 v47  }
0x339: {  	v49 =	vsub.f32 v33, v9;
	(erf) = vpow2.f32 v48;
	_ =	sdelay $0x1  }
0x33a: {  	v4 =	vmul.f32 $1.442695020e+00, v49;
	_ =	sdelay $0x1  }
0x33b: {  	(erf) = vpow2.f32 v4  }
0x33c: {  	v19 =	vpop (erf)  }
0x33d: {  	v0 =	vld [tilespmem:$0x820];
	v54 =	vpop (erf)  }
0x33e: {  	v51 =	vld [tilespmem:$0x7F0];
	v57 =	vpop (erf)  }
0x33f: {  	[tilespmem:$0x1FF80] =	vst v61;
	v61 =	vld [tilespmem:$0x800];
	v59 =	vpop (erf)  }
0x340: {  	[tilespmem:$0x1FF70] =	vst v58;
	v63 =	vld [tilespmem:$0x810];
	v58 =	vpop (erf)  }
0x341: {  	v1 =	vadd.f32 v57, v54;
	v18 =	vadd.f32 v58, v59  }
0x342: {  	[tilespmem:$0x1FF90] =	vst v20;
	v20 =	vld [tilespmem:$0x830]  }
0x343: {  	v8 =	vadd.f32 v18, v1  }
0x344: {  	v55 =	vpop (erf)  }
0x345: {  	[tilespmem:$0x1FFA0] =	vst v29;
	v21 =	vmax.f32 v51, v61;
	v29 =	vmax.f32 v63, v0;
	v8 =	vadd.f32 v8, v55  }
0x346: {  	v14 =	vmax.f32 v21, v29  }
0x347: {  	v14 =	vmax.f32 v14, v20;
	v30 =	vperm.xlane v8, v3  }
0x348: {  	v31 =	vperm.xlane v14, v3  }
0x349: {  	v8 =	vadd.f32 v8, v30  }
0x34a: {  	v14 =	vmax.f32 v14, v31  }
0x34b: {  	v17 =	vperm.xlane v14, v13;
	v16 =	vperm.xlane v8, v13;
	_ =	sdelay $0x1  }
0x34c: {  	v14 =	vmax.f32 v14, v17;
	v8 =	vadd.f32 v8, v16  }
0x34d: {  	v33 =	vperm.xlane v14, v27  }
0x34e: {  	[tilespmem:$0x1FFB0] =	vst v34;
	v34 =	vperm.xlane v8, v27  }
0x34f: {  	v14 =	vmax.f32 v14, v33  }
0x350: {  	v16 =	vperm.xlane v14, v2;
	v8 =	vadd.f32 v8, v34;
	_ =	sdelay $0x1  }
0x351: {  	v14 =	vmax.f32 v14, v16;
	v35 =	vperm.xlane v8, v2  }
0x352: {  	v4 =	vsub.f32 v51, v14  }
0x353: {  	v5 =	vsub.f32 v61, v14;
	v8 =	vadd.f32 v8, v35  }
0x354: {  	v6 =	vsub.f32 v63, v14;
	v4 =	vmul.f32 $1.442695020e+00, v4  }
0x355: {  	v7 =	vsub.f32 v0, v14;
	v5 =	vmul.f32 $1.442695020e+00, v5;
	(erf) = vrcp.f32 v8  }
0x356: {  	v39 =	vmul.f32 $1.442695020e+00, v6;
	(erf) = vpow2.f32 v4  }
0x357: {  	v40 =	vmul.f32 $1.442695020e+00, v7;
	(erf) = vpow2.f32 v5  }
0x358: {  	(erf) = vpow2.f32 v39  }
0x359: {  	v41 =	vsub.f32 v20, v14;
	(erf) = vpow2.f32 v40;
	_ =	sdelay $0x1  }
0x35a: {  	v4 =	vmul.f32 $1.442695020e+00, v41;
	_ =	sdelay $0x1  }
0x35b: {  	(erf) = vpow2.f32 v4  }
0x35c: {  	[tilespmem:$0x1FF10] =	vst v12;
	v12 =	vpop (erf)  }
0x35d: {  	v42 =	vld [tilespmem:$0x840];
	v51 =	vpop (erf)  }
0x35e: {  	v44 =	vld [tilespmem:$0x850];
	v49 =	vpop (erf)  }
0x35f: {  	v46 =	vld [tilespmem:$0x860];
	v52 =	vpop (erf)  }
0x360: {  	v47 =	vld [tilespmem:$0x870];
	v48 =	vadd.f32 v49, v51;
	v53 =	vpop (erf)  }
0x361: {  	v61 =	vadd.f32 v53, v52  }
0x362: {  	v63 =	vld [tilespmem:$0x880]  }
0x363: {  	v14 =	vadd.f32 v61, v48  }
0x364: {  	v48 =	vpop (erf)  }
0x365: {  	v1 =	vmax.f32 v46, v47;
	v0 =	vmax.f32 v42, v44;
	v14 =	vadd.f32 v14, v48  }
0x366: {  	v15 =	vmax.f32 v0, v1  }
0x367: {  	v15 =	vmax.f32 v15, v63;
	v8 =	vperm.xlane v14, v3  }
0x368: {  	v9 =	vperm.xlane v15, v3  }
0x369: {  	v14 =	vadd.f32 v14, v8  }
0x36a: {  	v15 =	vmax.f32 v15, v9  }
0x36b: {  	v18 =	vperm.xlane v15, v13;
	v17 =	vperm.xlane v14, v13;
	_ =	sdelay $0x1  }
0x36c: {  	v15 =	vmax.f32 v15, v18;
	v14 =	vadd.f32 v14, v17  }
0x36d: {  	v10 =	vperm.xlane v15, v27  }
0x36e: {  	v11 =	vperm.xlane v14, v27  }
0x36f: {  	v15 =	vmax.f32 v15, v10  }
0x370: {  	v17 =	vperm.xlane v15, v2;
	v14 =	vadd.f32 v14, v11;
	_ =	sdelay $0x1  }
0x371: {  	v15 =	vmax.f32 v15, v17;
	v20 =	vperm.xlane v14, v2  }
0x372: {  	v4 =	vsub.f32 v42, v15  }
0x373: {  	v5 =	vsub.f32 v44, v15;
	v14 =	vadd.f32 v14, v20  }
0x374: {  	v6 =	vsub.f32 v46, v15;
	v4 =	vmul.f32 $1.442695020e+00, v4  }
0x375: {  	v7 =	vsub.f32 v47, v15;
	v5 =	vmul.f32 $1.442695020e+00, v5;
	(erf) = vrcp.f32 v14  }
0x376: {  	v21 =	vmul.f32 $1.442695020e+00, v6;
	(erf) = vpow2.f32 v4  }
0x377: {  	v29 =	vmul.f32 $1.442695020e+00, v7;
	(erf) = vpow2.f32 v5  }
0x378: {  	(erf) = vpow2.f32 v21  }
0x379: {  	(erf) = vpow2.f32 v29  }
0x37a: {  	v30 =	vsub.f32 v63, v15;
	_ =	sdelay $0x1  }
0x37b: {  	v4 =	vmul.f32 $1.442695020e+00, v30;
	_ =	sdelay $0x1  }
0x37c: {  	(erf) = vpow2.f32 v4;
	v11 =	vpop (erf)  }
0x37d: {  	v42 =	vpop (erf)  }
0x37e: {  	v31 =	vld [tilespmem:$0x890];
	v47 =	vpop (erf)  }
0x37f: {  	v33 =	vld [tilespmem:$0x8A0];
	v44 =	vpop (erf)  }
0x380: {  	v34 =	vld [tilespmem:$0x8B0];
	v46 =	vpop (erf)  }
0x381: {  	v35 =	vld [tilespmem:$0x8C0];
	v41 =	vadd.f32 v46, v44  }
0x382: {  	v40 =	vadd.f32 v47, v42  }
0x383: {  	v61 =	vld [tilespmem:$0x8D0]  }
0x384: {  	v15 =	vadd.f32 v41, v40  }
0x385: {  	v41 =	vpop (erf)  }
0x386: {  	v0 =	vmax.f32 v34, v35;
	v63 =	vmax.f32 v31, v33;
	v15 =	vadd.f32 v15, v41  }
0x387: {  	v16 =	vmax.f32 v63, v0  }
0x388: {  	v16 =	vmax.f32 v16, v61;
	v1 =	vperm.xlane v15, v3  }
0x389: {  	v7 =	vperm.xlane v16, v3  }
0x38a: {  	v15 =	vadd.f32 v15, v1  }
0x38b: {  	v16 =	vmax.f32 v16, v7  }
0x38c: {  	v20 =	vperm.xlane v16, v13;
	v18 =	vperm.xlane v15, v13;
	_ =	sdelay $0x1  }
0x38d: {  	v16 =	vmax.f32 v16, v20;
	v15 =	vadd.f32 v15, v18  }
0x38e: {  	v8 =	vperm.xlane v16, v27  }
0x38f: {  	v9 =	vperm.xlane v15, v27  }
0x390: {  	v16 =	vmax.f32 v16, v8  }
0x391: {  	v18 =	vperm.xlane v16, v2;
	v15 =	vadd.f32 v15, v9;
	_ =	sdelay $0x1  }
0x392: {  	v16 =	vmax.f32 v16, v18;
	v10 =	vperm.xlane v15, v2  }
0x393: {  	v4 =	vsub.f32 v31, v16  }
0x394: {  	v5 =	vsub.f32 v33, v16;
	v15 =	vadd.f32 v15, v10  }
0x395: {  	v6 =	vsub.f32 v34, v16;
	v4 =	vmul.f32 $1.442695020e+00, v4  }
0x396: {  	v14 =	vsub.f32 v35, v16;
	v5 =	vmul.f32 $1.442695020e+00, v5;
	(erf) = vrcp.f32 v15  }
0x397: {  	v18 =	vmul.f32 $1.442695020e+00, v6;
	(erf) = vpow2.f32 v4  }
0x398: {  	v20 =	vmul.f32 $1.442695020e+00, v14;
	(erf) = vpow2.f32 v5  }
0x399: {  	(erf) = vpow2.f32 v18  }
0x39a: {  	(erf) = vpow2.f32 v20  }
0x39b: {  	v21 =	vsub.f32 v61, v16;
	_ =	sdelay $0x1  }
0x39c: {  	v4 =	vmul.f32 $1.442695020e+00, v21;
	_ =	sdelay $0x1  }
0x39d: {  	(erf) = vpow2.f32 v4;
	v10 =	vpop (erf)  }
0x39e: {  	v34 =	vpop (erf)  }
0x39f: {  	v30 =	vld [tilespmem:$0x910];
	v35 =	vpop (erf)  }
0x3a0: {  	v29 =	vld [tilespmem:$0x900];
	v39 =	vpop (erf)  }
0x3a1: {  	v5 =	vld [tilespmem:$0x8F0];
	v40 =	vpop (erf)  }
0x3a2: {  	v4 =	vld [tilespmem:$0x8E0];
	v33 =	vadd.f32 v40, v39  }
0x3a3: {  	v31 =	vadd.f32 v35, v34  }
0x3a4: {  	v61 =	vld [tilespmem:$0x920]  }
0x3a5: {  	v16 =	vadd.f32 v33, v31  }
0x3a6: {  	v33 =	vpop (erf)  }
0x3a7: {  	v0 =	vmax.f32 v29, v30;
	v63 =	vmax.f32 v4, v5;
	v16 =	vadd.f32 v16, v33  }
0x3a8: {  	v17 =	vmax.f32 v63, v0  }
0x3a9: {  	v17 =	vmax.f32 v17, v61;
	v1 =	vperm.xlane v16, v3  }
0x3aa: {  	v6 =	vperm.xlane v17, v3  }
0x3ab: {  	v16 =	vadd.f32 v16, v1  }
0x3ac: {  	v17 =	vmax.f32 v17, v6  }
0x3ad: {  	v21 =	vperm.xlane v17, v13;
	v20 =	vperm.xlane v16, v13;
	_ =	sdelay $0x1  }
0x3ae: {  	v17 =	vmax.f32 v17, v21;
	v16 =	vadd.f32 v16, v20  }
0x3af: {  	v7 =	vperm.xlane v17, v27  }
0x3b0: {  	v8 =	vperm.xlane v16, v27  }
0x3b1: {  	v17 =	vmax.f32 v17, v7  }
0x3b2: {  	v20 =	vperm.xlane v17, v2;
	v16 =	vadd.f32 v16, v8;
	_ =	sdelay $0x1  }
0x3b3: {  	v17 =	vmax.f32 v17, v20;
	v9 =	vperm.xlane v16, v2  }
0x3b4: {  	v4 =	vsub.f32 v4, v17  }
0x3b5: {  	v5 =	vsub.f32 v5, v17;
	v16 =	vadd.f32 v16, v9  }
0x3b6: {  	v14 =	vsub.f32 v29, v17;
	v4 =	vmul.f32 $1.442695020e+00, v4  }
0x3b7: {  	v15 =	vsub.f32 v30, v17;
	v5 =	vmul.f32 $1.442695020e+00, v5;
	(erf) = vrcp.f32 v16  }
0x3b8: {  	v29 =	vmul.f32 $1.442695020e+00, v14;
	(erf) = vpow2.f32 v4  }
0x3b9: {  	v30 =	vmul.f32 $1.442695020e+00, v15;
	(erf) = vpow2.f32 v5  }
0x3ba: {  	(erf) = vpow2.f32 v29  }
0x3bb: {  	v31 =	vsub.f32 v61, v17;
	(erf) = vpow2.f32 v30;
	_ =	sdelay $0x1  }
0x3bc: {  	v4 =	vmul.f32 $1.442695020e+00, v31;
	_ =	sdelay $0x1  }
0x3bd: {  	(erf) = vpow2.f32 v4  }
0x3be: {  	v9 =	vpop (erf)  }
0x3bf: {  	v14 =	vld [tilespmem:$0x940];
	v21 =	vpop (erf)  }
0x3c0: {  	v15 =	vld [tilespmem:$0x950];
	v29 =	vpop (erf)  }
0x3c1: {  	v16 =	vld [tilespmem:$0x960];
	v30 =	vpop (erf)  }
0x3c2: {  	v4 =	vld [tilespmem:$0x930];
	v31 =	vpop (erf)  }
0x3c3: {  	v61 =	vadd.f32 v29, v21;
	v63 =	vadd.f32 v31, v30  }
0x3c4: {  	v0 =	vld [tilespmem:$0x970]  }
0x3c5: {  	v17 =	vadd.f32 v63, v61  }
0x3c6: {  	v20 =	vpop (erf)  }
0x3c7: {  	v1 =	vmax.f32 v4, v14;
	v61 =	vmax.f32 v15, v16;
	v17 =	vadd.f32 v17, v20  }
0x3c8: {  	v18 =	vmax.f32 v1, v61  }
0x3c9: {  	v18 =	vmax.f32 v18, v0;
	v5 =	vperm.xlane v17, v3  }
0x3ca: {  	v63 =	vperm.xlane v18, v3  }
0x3cb: {  	v17 =	vadd.f32 v17, v5  }
0x3cc: {  	v18 =	vmax.f32 v18, v63  }
0x3cd: {  	v63 =	vperm.xlane v18, v13;
	v61 =	vperm.xlane v17, v13;
	_ =	sdelay $0x1  }
0x3ce: {  	v18 =	vmax.f32 v18, v63;
	v17 =	vadd.f32 v17, v61  }
0x3cf: {  	v6 =	vperm.xlane v18, v27  }
0x3d0: {  	v7 =	vperm.xlane v17, v27  }
0x3d1: {  	v18 =	vmax.f32 v18, v6  }
0x3d2: {  	v61 =	vperm.xlane v18, v2;
	v17 =	vadd.f32 v17, v7;
	_ =	sdelay $0x1  }
0x3d3: {  	v18 =	vmax.f32 v18, v61;
	v8 =	vperm.xlane v17, v2  }
0x3d4: {  	v4 =	vsub.f32 v4, v18  }
0x3d5: {  	v14 =	vsub.f32 v14, v18;
	v17 =	vadd.f32 v17, v8  }
0x3d6: {  	v15 =	vsub.f32 v15, v18;
	v4 =	vmul.f32 $1.442695020e+00, v4  }
0x3d7: {  	v16 =	vsub.f32 v16, v18;
	v14 =	vmul.f32 $1.442695020e+00, v14;
	(erf) = vrcp.f32 v17  }
0x3d8: {  	v61 =	vmul.f32 $1.442695020e+00, v15;
	(erf) = vpow2.f32 v4  }
0x3d9: {  	v63 =	vmul.f32 $1.442695020e+00, v16;
	(erf) = vpow2.f32 v14  }
0x3da: {  	(erf) = vpow2.f32 v61  }
0x3db: {  	(erf) = vpow2.f32 v63;
	_ =	sdelay $0x4  }
0x3dc: {  	v8 =	vpop (erf)  }
0x3dd: {  	v0 =	vsub.f32 v0, v18;
	v15 =	vpop (erf)  }
0x3de: {  	v16 =	vpop (erf)  }
0x3df: {  	v0 =	vmul.f32 $1.442695020e+00, v0;
	v17 =	vpop (erf)  }
0x3e0: {  	v18 =	vpop (erf)  }
0x3e1: {  	(erf) = vpow2.f32 v0;
	v0 =	vadd.f32 v16, v15;
	v1 =	vadd.f32 v18, v17;
	_ =	sdelay $0x1  }
0x3e2: {  	v63 =	vadd.f32 v1, v0;
	v0 =	vmul.f32 v45, v60;
	v60 =	vmul.f32 v45, v62;
	_ =	sdelay $0x1  }
0x3e3: {  	[tilespmem:$0xD00] =	vst v60;
	v60 =	vld [tilespmem:$0x1FB40];
	_ =	sdelay $0x4  }
0x3e4: {  	v5 =	vld [tilespmem:$0x9A0];
	v60 =	vmul.f32 v45, v60  }
0x3e5: {  	v62 =	vld [tilespmem:$0x1FB30]  }
0x3e6: {  	[tilespmem:$0xD20] =	vst v60;
	v60 =	vld [tilespmem:$0x1FB60]  }
0x3e7: {  	v6 =	vld [tilespmem:$0x9B0]  }
0x3e8: {  	v4 =	vld [tilespmem:$0x980]  }
0x3e9: {  	v61 =	vld [tilespmem:$0x990]  }
0x3ea: {  	[tilespmem:$0xCF0] =	vst v0;
	v0 =	vmul.f32 v45, v62;
	v62 =	vld [tilespmem:$0x1FB50]  }
0x3eb: {  	v60 =	vmul.f32 v37, v60;
	_ =	sdelay $0x1  }
0x3ec: {  	[tilespmem:$0xD40] =	vst v60;
	v60 =	vld [tilespmem:$0x1FB80]  }
0x3ed: {  	v14 =	vpop (erf);
	v1 =	vmax.f32 v5, v6  }
0x3ee: {  	v7 =	vld [tilespmem:$0x9C0];
	v63 =	vadd.f32 v63, v14;
	v45 =	vmul.f32 v45, v62;
	v62 =	vmax.f32 v4, v61  }
0x3ef: {  	v1 =	vmax.f32 v62, v1;
	v62 =	vld [tilespmem:$0x1FB70]  }
0x3f0: {  	[tilespmem:$0xD10] =	vst v0;
	v0 =	vperm.xlane v63, v3  }
0x3f1: {  	v60 =	vmul.f32 v37, v60  }
0x3f2: {  	v0 =	vadd.f32 v63, v0;
	v63 =	vld [tilespmem:$0x1FB90]  }
0x3f3: {  	v1 =	vmax.f32 v1, v7;
	[tilespmem:$0xD60] =	vst v60;
	v60 =	vld [tilespmem:$0x1FBA0]  }
0x3f4: {  	[tilespmem:$0xD30] =	vst v45;
	v45 =	vmul.f32 v37, v62;
	v62 =	vperm.xlane v1, v3;
	_ =	sdelay $0x1  }
0x3f5: {  	v1 =	vmax.f32 v1, v62;
	v62 =	vld [tilespmem:$0x1FBB0]  }
0x3f6: {  	[tilespmem:$0xD50] =	vst v45;
	v45 =	vmul.f32 v37, v63;
	v63 =	vperm.xlane v0, v13  }
0x3f7: {  	v37 =	vmul.f32 v37, v60;
	v60 =	vperm.xlane v1, v13  }
0x3f8: {  	v0 =	vadd.f32 v0, v63;
	v63 =	vld [tilespmem:$0x1FBC0]  }
0x3f9: {  	v1 =	vmax.f32 v1, v60;
	v60 =	vld [tilespmem:$0x1FBD0]  }
0x3fa: {  	[tilespmem:$0xD70] =	vst v45;
	v45 =	vmul.f32 v36, v62;
	v62 =	vld [tilespmem:$0x1FBE0];
	_ =	sdelay $0x2  }
0x3fb: {  	[tilespmem:$0xD80] =	vst v37;
	v37 =	vmul.f32 v36, v63;
	v63 =	vld [tilespmem:$0x1FBF0]  }
0x3fc: {  	[tilespmem:$0xD90] =	vst v45;
	v45 =	vmul.f32 v36, v60;
	v60 =	vperm.xlane v0, v27  }
0x3fd: {  	[tilespmem:$0xDA0] =	vst v37;
	v37 =	vmul.f32 v36, v62;
	v62 =	vperm.xlane v1, v27  }
0x3fe: {  	v0 =	vadd.f32 v0, v60;
	v60 =	vld [tilespmem:$0x1FC00]  }
0x3ff: {  	v1 =	vmax.f32 v1, v62;
	v62 =	vld [tilespmem:$0x1FC10]  }
0x400: {  	v36 =	vmul.f32 v36, v63;
	v63 =	vld [tilespmem:$0x1FC20];
	_ =	sdelay $0x2  }
0x401: {  	[tilespmem:$0xDC0] =	vst v37;
	v37 =	vmul.f32 v32, v60  }
0x402: {  	[tilespmem:$0xDB0] =	vst v45;
	v45 =	vmul.f32 v32, v62;
	v62 =	vld [tilespmem:$0x1FC30];
	v60 =	vperm.xlane v1, v2  }
0x403: {  	[tilespmem:$0xDE0] =	vst v37;
	v37 =	vmul.f32 v32, v63;
	v63 =	vld [tilespmem:$0x1FC40]  }
0x404: {  	v1 =	vmax.f32 v1, v60  }
0x405: {  	[tilespmem:$0xDD0] =	vst v36;
	v36 =	vperm.xlane v0, v2;
	v60 =	vsub.f32 v61, v1;
	v61 =	vld [tilespmem:$0x1FC60]  }
0x406: {  	[tilespmem:$0xDF0] =	vst v45;
	v45 =	vld [tilespmem:$0x1FC50]  }
0x407: {  	v0 =	vadd.f32 v0, v36;
	v36 =	vmul.f32 v32, v62  }
0x408: {  	v62 =	vld [tilespmem:$0x1FC70];
	v32 =	vmul.f32 v32, v63  }
0x409: {  	(erf) = vrcp.f32 v0;
	v4 =	vsub.f32 v4, v1;
	[tilespmem:$0xE10] =	vst v36  }
0x40a: {  	v36 =	vmul.f32 $1.442695020e+00, v60;
	v60 =	vld [tilespmem:$0x1FCD0];
	[tilespmem:$0xE20] =	vst v32;
	v32 =	vmul.f32 v38, v61  }
0x40b: {  	v0 =	vmul.f32 v38, v45;
	v4 =	vmul.f32 $1.442695020e+00, v4;
	v63 =	vld [tilespmem:$0x1FC80]  }
0x40c: {  	[tilespmem:$0xE40] =	vst v32;
	v32 =	vld [tilespmem:$0x1FC90]  }
0x40d: {  	[tilespmem:$0xE30] =	vst v0;
	v0 =	vmul.f32 v38, v62;
	(erf) = vpow2.f32 v4;
	v62 =	vld [tilespmem:$0x1FCF0]  }
0x40e: {  	v5 =	vsub.f32 v5, v1;
	(erf) = vpow2.f32 v36;
	v36 =	vld [tilespmem:$0x1FCA0]  }
0x40f: {  	v6 =	vsub.f32 v6, v1  }
0x410: {  	[tilespmem:$0xE00] =	vst v37;
	v37 =	vld [tilespmem:$0x1FCB0];
	v45 =	vsub.f32 v7, v1;
	v5 =	vmul.f32 $1.442695020e+00, v5;
	v1 =	vmul.f32 v43, v60  }
0x411: {  	[tilespmem:$0xE50] =	vst v0;
	v4 =	vmul.f32 v38, v63;
	v0 =	vmul.f32 v38, v32;
	v38 =	vld [tilespmem:$0x1FCC0]  }
0x412: {  	v6 =	vmul.f32 $1.442695020e+00, v6;
	v61 =	vld [tilespmem:$0x1FCE0];
	[tilespmem:$0xEB0] =	vst v1;
	v1 =	vmul.f32 v50, v62  }
0x413: {  	(erf) = vpow2.f32 v5;
	[tilespmem:$0xE60] =	vst v4;
	v4 =	vmul.f32 v43, v36;
	v36 =	vld [tilespmem:$0x1FD20]  }
0x414: {  	(erf) = vpow2.f32 v6;
	[tilespmem:$0xED0] =	vst v1;
	v32 =	vld [tilespmem:$0x1FD10]  }
0x415: {  	v63 =	vld [tilespmem:$0x1FD00];
	[tilespmem:$0xE70] =	vst v0;
	v0 =	vmul.f32 v43, v37  }
0x416: {  	[tilespmem:$0xE80] =	vst v4;
	v37 =	vld [tilespmem:$0x1FD30];
	v4 =	vmul.f32 v43, v38  }
0x417: {  	[tilespmem:$0xE90] =	vst v0;
	v0 =	vmul.f32 $1.442695020e+00, v45;
	v38 =	vld [tilespmem:$0x1FD40]  }
0x418: {  	v1 =	vmul.f32 v50, v36;
	[tilespmem:$0xEA0] =	vst v4;
	v4 =	vmul.f32 v43, v61;
	v43 =	vld [tilespmem:$0x1FD50]  }
0x419: {  	(erf) = vpow2.f32 v0;
	v0 =	vmul.f32 v50, v32;
	v32 =	vpop (erf)  }
0x41a: {  	[tilespmem:$0xF00] =	vst v1;
	v36 =	vpop (erf)  }
0x41b: {  	v45 =	vld [tilespmem:$0x1FD60];
	[tilespmem:$0xEF0] =	vst v0;
	v0 =	vmul.f32 v50, v37;
	v37 =	vpop (erf)  }
0x41c: {  	v62 =	vld [tilespmem:$0x1FD80];
	[tilespmem:$0xEC0] =	vst v4;
	v1 =	vmul.f32 v56, v38;
	v38 =	vpop (erf)  }
0x41d: {  	v4 =	vmul.f32 v50, v63;
	v50 =	vld [tilespmem:$0x1FD70];
	[tilespmem:$0xF10] =	vst v0;
	v0 =	vmul.f32 v56, v43;
	v43 =	vpop (erf)  }
0x41e: {  	v60 =	vadd.f32 v37, v36;
	v61 =	vadd.f32 v43, v38  }
0x41f: {  	v5 =	vld [tilespmem:$0x9E0];
	[tilespmem:$0xEE0] =	vst v4  }
0x420: {  	[tilespmem:$0xF20] =	vst v1;
	v1 =	vmul.f32 v56, v45;
	v63 =	vadd.f32 v61, v60;
	v60 =	vld [tilespmem:$0x1FD90]  }
0x421: {  	v4 =	vld [tilespmem:$0x9D0];
	[tilespmem:$0xF30] =	vst v0  }
0x422: {  	v0 =	vmul.f32 v56, v50;
	[tilespmem:$0xF40] =	vst v1;
	v1 =	vmul.f32 v56, v62;
	v62 =	vld [tilespmem:$0x1FDB0]  }
0x423: {  	v61 =	vld [tilespmem:$0x1FDA0];
	v45 =	vpop (erf)  }
0x424: {  	[tilespmem:$0xF50] =	vst v0;
	v0 =	vadd.f32 v63, v45;
	v63 =	vld [tilespmem:$0x1FDC0]  }
0x425: {  	v6 =	vmul.f32 v26, v60;
	v60 =	vld [tilespmem:$0x1FDD0]  }
0x426: {  	v50 =	vld [tilespmem:$0x9F0]  }
0x427: {  	v56 =	vld [tilespmem:$0xA00]  }
0x428: {  	[tilespmem:$0xF60] =	vst v1;
	v1 =	vmul.f32 v26, v61  }
0x429: {  	[tilespmem:$0xF70] =	vst v6;
	v6 =	vmul.f32 v26, v62  }
0x42a: {  	[tilespmem:$0xF80] =	vst v1;
	v1 =	vmul.f32 v26, v63;
	v26 =	vmul.f32 v26, v60  }
0x42b: {  	v7 =	vld [tilespmem:$0xA10]  }
0x42c: {  	v61 =	vmax.f32 v50, v56;
	v60 =	vmax.f32 v4, v5;
	[tilespmem:$0xFB0] =	vst v26;
	v26 =	vld [tilespmem:$0x1FDF0]  }
0x42d: {  	[tilespmem:$0xFA0] =	vst v1;
	v1 =	vmax.f32 v60, v61;
	v60 =	vld [tilespmem:$0x1FDE0]  }
0x42e: {  	v62 =	vld [tilespmem:$0x1FE10]  }
0x42f: {  	[tilespmem:$0xF90] =	vst v6;
	v6 =	vperm.xlane v0, v3  }
0x430: {  	v61 =	vld [tilespmem:$0x1FE00]  }
0x431: {  	v0 =	vadd.f32 v0, v6;
	v6 =	vmul.f32 v25, v26  }
0x432: {  	v60 =	vmul.f32 v25, v60  }
0x433: {  	v1 =	vmax.f32 v1, v7;
	[tilespmem:$0xFD0] =	vst v6;
	v6 =	vmul.f32 v25, v62;
	v62 =	vld [tilespmem:$0x1FE30]  }
0x434: {  	v63 =	vld [tilespmem:$0x1FE20];
	[tilespmem:$0xFC0] =	vst v60;
	v60 =	vperm.xlane v1, v3  }
0x435: {  	v26 =	vmul.f32 v25, v61;
	v61 =	vperm.xlane v0, v13  }
0x436: {  	v1 =	vmax.f32 v1, v60;
	v60 =	vld [tilespmem:$0x1FE40]  }
0x437: {  	v0 =	vadd.f32 v0, v61;
	v61 =	vld [tilespmem:$0x1FE50]  }
0x438: {  	[tilespmem:$0xFF0] =	vst v6;
	v6 =	vmul.f32 v24, v62;
	v62 =	vld [tilespmem:$0x1FE60]  }
0x439: {  	v25 =	vmul.f32 v25, v63;
	v63 =	vperm.xlane v1, v13;
	_ =	sdelay $0x1  }
0x43a: {  	[tilespmem:$0x1000] =	vst v25;
	v1 =	vmax.f32 v1, v63;
	v63 =	vld [tilespmem:$0x1FE70];
	v25 =	vmul.f32 v24, v60  }
0x43b: {  	[tilespmem:$0x1010] =	vst v6;
	v6 =	vmul.f32 v24, v61;
	v61 =	vld [tilespmem:$0x1FE80]  }
0x43c: {  	[tilespmem:$0x1020] =	vst v25;
	v25 =	vmul.f32 v24, v62;
	v62 =	vld [tilespmem:$0x1FE90]  }
0x43d: {  	[tilespmem:$0xFE0] =	vst v26;
	v26 =	vperm.xlane v0, v27;
	_ =	sdelay $0x1  }
0x43e: {  	v0 =	vadd.f32 v0, v26;
	v60 =	vperm.xlane v1, v27  }
0x43f: {  	[tilespmem:$0x1030] =	vst v6;
	v6 =	vmul.f32 v24, v63;
	v24 =	vmul.f32 v23, v61;
	v61 =	vld [tilespmem:$0x1FEA0]  }
0x440: {  	v1 =	vmax.f32 v1, v60;
	v63 =	vperm.xlane v0, v2;
	[tilespmem:$0x1040] =	vst v25;
	v25 =	vmul.f32 v23, v62;
	v62 =	vld [tilespmem:$0x1FEB0]  }
0x441: {  	v60 =	vperm.xlane v1, v2  }
0x442: {  	v0 =	vadd.f32 v0, v63;
	v63 =	vld [tilespmem:$0x1FEC0]  }
0x443: {  	v1 =	vmax.f32 v1, v60;
	v60 =	vld [tilespmem:$0x1FED0]  }
0x444: {  	[tilespmem:$0x1060] =	vst v24;
	v24 =	vmul.f32 v23, v61;
	v61 =	vld [tilespmem:$0x1FEE0]  }
0x445: {  	[tilespmem:$0x1050] =	vst v6;
	v6 =	vmul.f32 v23, v62;
	v62 =	vld [tilespmem:$0x1FEF0]  }
0x446: {  	[tilespmem:$0x1080] =	vst v24;
	v24 =	vld [tilespmem:$0x1FF10]  }
0x447: {  	v4 =	vsub.f32 v4, v1;
	v23 =	vmul.f32 v23, v63;
	v63 =	vld [tilespmem:$0x1FF00]  }
0x448: {  	v5 =	vsub.f32 v5, v1;
	(erf) = vrcp.f32 v0;
	v0 =	vmul.f32 v28, v60  }
0x449: {  	v40 =	vmul.f32 v9, v40;
	v4 =	vmul.f32 $1.442695020e+00, v4;
	[tilespmem:$0x1070] =	vst v25  }
0x44a: {  	v5 =	vmul.f32 $1.442695020e+00, v5;
	[tilespmem:$0x10B0] =	vst v0;
	v0 =	vmul.f32 v28, v62  }
0x44b: {  	(erf) = vpow2.f32 v4;
	[tilespmem:$0x1090] =	vst v6;
	v6 =	vmul.f32 v28, v61  }
0x44c: {  	v25 =	vsub.f32 v56, v1;
	v4 =	vmul.f32 v28, v63;
	[tilespmem:$0x10D0] =	vst v0;
	v0 =	vmul.f32 v28, v24;
	v28 =	vld [tilespmem:$0x1FF30]  }
0x44d: {  	(erf) = vpow2.f32 v5;
	[tilespmem:$0x10A0] =	vst v23;
	v23 =	vsub.f32 v50, v1  }
0x44e: {  	[tilespmem:$0x12C0] =	vst v40;
	v60 =	vld [tilespmem:$0x1FF50];
	v5 =	vmul.f32 $1.442695020e+00, v25;
	v25 =	vmul.f32 v12, v57  }
0x44f: {  	[tilespmem:$0x10C0] =	vst v6;
	v6 =	vmul.f32 $1.442695020e+00, v23  }
0x450: {  	[tilespmem:$0x11B0] =	vst v25;
	v25 =	vmul.f32 v10, v46  }
0x451: {  	v26 =	vld [tilespmem:$0x1FF20];
	v56 =	vsub.f32 v7, v1;
	(erf) = vpow2.f32 v6;
	[tilespmem:$0x10F0] =	vst v0;
	v0 =	vmul.f32 v22, v28  }
0x452: {  	v46 =	vmul.f32 v8, v30;
	[tilespmem:$0x1270] =	vst v25;
	v62 =	vld [tilespmem:$0x1FF70];
	(erf) = vpow2.f32 v5  }
0x453: {  	v50 =	vld [tilespmem:$0x1FF40];
	v1 =	vmul.f32 v22, v60;
	[tilespmem:$0x1110] =	vst v0;
	v0 =	vmul.f32 $1.442695020e+00, v56  }
0x454: {  	v7 =	vld [tilespmem:$0x1FF90];
	[tilespmem:$0x1300] =	vst v46  }
0x455: {  	v61 =	vld [tilespmem:$0x1FF60];
	v60 =	vmul.f32 v11, v52;
	[tilespmem:$0x1130] =	vst v1  }
0x456: {  	v23 =	vld [tilespmem:$0x1FFB0];
	[tilespmem:$0x10E0] =	vst v4;
	v4 =	vmul.f32 v22, v26;
	(erf) = vpow2.f32 v0  }
0x457: {  	[tilespmem:$0x1210] =	vst v60;
	v1 =	vmul.f32 v19, v62;
	v0 =	vpop (erf)  }
0x458: {  	v63 =	vld [tilespmem:$0x1FF80];
	[tilespmem:$0x1100] =	vst v4;
	v4 =	vmul.f32 v22, v50;
	v5 =	vpop (erf)  }
0x459: {  	[tilespmem:$0x1150] =	vst v1;
	v1 =	vmul.f32 v19, v7;
	v6 =	vpop (erf)  }
0x45a: {  	v52 =	vmul.f32 v32, v18;
	[tilespmem:$0x1120] =	vst v4;
	v4 =	vmul.f32 v22, v61;
	v22 =	vld [tilespmem:$0x1FFA0];
	v7 =	vpop (erf)  }
0x45b: {  	[tilespmem:$0x1170] =	vst v1;
	v1 =	vmul.f32 v19, v23;
	v23 =	vpop (erf)  }
0x45c: {  	[tilespmem:$0x1360] =	vst v52;
	v24 =	vmul.f32 v12, v54;
	v50 =	vadd.f32 v6, v5;
	v54 =	vadd.f32 v23, v7  }
0x45d: {  	[tilespmem:$0x1140] =	vst v4;
	v4 =	vmul.f32 v19, v63  }
0x45e: {  	[tilespmem:$0x11A0] =	vst v24;
	v57 =	vadd.f32 v54, v50  }
0x45f: {  	v26 =	vmul.f32 v12, v59;
	[tilespmem:$0x1160] =	vst v4;
	v4 =	vmul.f32 v19, v22;
	v19 =	vpop (erf)  }
0x460: {  	v59 =	vmul.f32 v11, v49;
	[tilespmem:$0x1190] =	vst v1;
	v1 =	vadd.f32 v57, v19  }
0x461: {  	v49 =	vmul.f32 v32, v15;
	[tilespmem:$0x11C0] =	vst v26  }
0x462: {  	[tilespmem:$0x1200] =	vst v59;
	v24 =	vmul.f32 v10, v44;
	v62 =	vperm.xlane v1, v3  }
0x463: {  	v26 =	vmul.f32 v10, v41;
	[tilespmem:$0x1330] =	vst v49  }
0x464: {  	v41 =	vmul.f32 v8, v21;
	v61 =	vmul.f32 v11, v53;
	[tilespmem:$0x1260] =	vst v24;
	v1 =	vadd.f32 v1, v62  }
0x465: {  	[tilespmem:$0x1280] =	vst v26;
	v53 =	vmul.f32 v32, v14;
	v28 =	vmul.f32 v12, v58  }
0x466: {  	[tilespmem:$0x12E0] =	vst v41;
	v56 =	vmul.f32 v12, v55;
	v12 =	vperm.xlane v1, v13  }
0x467: {  	v58 =	vmul.f32 v11, v51;
	[tilespmem:$0x1220] =	vst v61  }
0x468: {  	v11 =	vmul.f32 v11, v48;
	v48 =	vmul.f32 v8, v20;
	[tilespmem:$0x1370] =	vst v53;
	v1 =	vadd.f32 v1, v12  }
0x469: {  	[tilespmem:$0x11D0] =	vst v28;
	v28 =	vmul.f32 v9, v34;
	v34 =	vmul.f32 v9, v35  }
0x46a: {  	[tilespmem:$0x11F0] =	vst v58;
	v35 =	vmul.f32 v9, v39;
	v39 =	vperm.xlane v1, v27  }
0x46b: {  	v51 =	vmul.f32 v32, v17;
	[tilespmem:$0x1230] =	vst v11  }
0x46c: {  	v63 =	vmul.f32 v10, v42;
	[tilespmem:$0x1320] =	vst v48;
	v1 =	vadd.f32 v1, v39  }
0x46d: {  	v42 =	vmul.f32 v8, v29;
	[tilespmem:$0x1350] =	vst v51  }
0x46e: {  	[tilespmem:$0x1240] =	vst v63;
	v44 =	vperm.xlane v1, v2  }
0x46f: {  	[tilespmem:$0x12F0] =	vst v42  }
0x470: {  	[tilespmem:$0x11E0] =	vst v56;
	v1 =	vadd.f32 v1, v44  }
0x471: {  	[tilespmem:$0x1290] =	vst v28  }
0x472: {  	v9 =	vmul.f32 v9, v33;
	[tilespmem:$0x12A0] =	vst v34;
	(erf) = vrcp.f32 v1  }
0x473: {  	[tilespmem:$0x12B0] =	vst v35  }
0x474: {  	[tilespmem:$0x12D0] =	vst v9;
	v22 =	vmul.f32 v10, v47  }
0x475: {  	v47 =	vmul.f32 v8, v31;
	[tilespmem:$0x1180] =	vst v4  }
0x476: {  	[tilespmem:$0x1250] =	vst v22;
	v55 =	vmul.f32 v0, v37  }
0x477: {  	[tilespmem:$0x1310] =	vst v47;
	v56 =	vmul.f32 v0, v38  }
0x478: {  	[tilespmem:$0x1390] =	vst v55;
	v50 =	vmul.f32 v32, v16  }
0x479: {  	[tilespmem:$0x13A0] =	vst v56;
	v54 =	vmul.f32 v0, v36  }
0x47a: {  	[tilespmem:$0x1340] =	vst v50;
	v57 =	vmul.f32 v0, v43  }
0x47b: {  	[tilespmem:$0x1380] =	vst v54;
	v0 =	vmul.f32 v0, v45;
	v58 =	vpop (erf)  }
0x47c: {  	[tilespmem:$0x13B0] =	vst v57;
	v59 =	vmul.f32 v58, v5  }
0x47d: {  	[tilespmem:$0x13C0] =	vst v0;
	v60 =	vmul.f32 v58, v6  }
0x47e: {  	v61 =	vmul.f32 v58, v7;
	[tilespmem:$0x13D0] =	vst v59  }
0x47f: {  	v62 =	vmul.f32 v58, v23;
	[tilespmem:$0x13E0] =	vst v60  }
0x480: {  	v63 =	vmul.f32 v58, v19;
	[tilespmem:$0x13F0] =	vst v61  }
0x481: {  	p0 =	sne.s32 s6, $0x1;
	[tilespmem:$0x1400] =	vst v62  }
.Ltmp0:
0x482: {  	[tilespmem:$0x1410] =	vst v63;
	(pc) =	sbr.rel @p0 .LBB2_1-.Ltmp0, $4  }
0x483: {  	[hbm4b:s5+s2] =	stream.linear.scatter [tilespmem:s10], [sflag:$0x2], $0xA00, $0x38;
	[tilespmem:$0x1420] =	vst v63  }
0x484: {  	_ =	swait.ge [sflag:s7], $0xA00  }
0x485: {  	[sflag:s7] =	ssyncset.done $0x0  }
0x486: {  	s6 =	sadd.s32 $0xFFFFFFFF, s6;
	[sflag:s7] =	ssyncadd.s32 $0xFFFFF600  }
0x487: {  	_ =	sfence.sel $0x180000  }
0x488: {  	[bflag:$0x0] =	sbarrier.arrive $0xFFFF  }
0x489: {  	p0 =	sne.s32 s1, $0x0;
	_ =	strace $0x90000047  }
0x48a: {  	s0 =	sadd.s32 @!p0 $0x100000, s0;
	[bflag:$0x2] =	sbarrier.arrive $0xFFFF  }
0x48b: {  	[sflag:s0] =	ssyncadd.tile.s32 @!p0 $0x1;
	_ =	shalt  }
.Lfunc_end2:
_tile_overlayer_lowered:
.L_overlay_start_2:
0x48c: {  	(tag) =	ssettag $0x2  }
0x48d: {  	s0 =	rddreg [dreg:$0x0];
	s2 =	stileid.u32  }
0x48e: {  	s1 =	rddreg [dreg:$0x1];
	p0 =	sne.s32 s2, $0x0  }
0x48f: {  	s3 =	rddreg [dreg:$0x2];
	[bflag:$0x3] =	sbarrier.arrive $0xFFFF;
	s2 =	simm.s32 @!p0 $0x1C02  }
0x490: {  	[timem:s3], [sflag:s2] =	dma.local @!p0 [hbm:s0], s1  }
0x491: {  	s0 =	simm.s32 @!p0 $0x2  }
0x492: {  	_ =	swait.ge @!p0 [sflag:s0], s1  }
0x493: {  	s1 =	ssub.s32 @!p0 $0x0, s1;
	[sflag:s0] =	ssyncset.done @!p0 $0x0  }
0x494: {  	[sflag:s0] =	ssyncadd.s32 @!p0 s1  }
0x495: {  	[bflag:$0x3] =	sbarrier.arrive $0xFFFF  }
0x496: {  	_ =	shalt  }

</sc_bundles>
